<compile_context>
chip_gen: v7x
topology: tpu7x:2x2x1
jax: 0.10.2.dev20260603
libtpu: 0.0.44.dev20260713+nightly
codegen_flags: <defaults>
</compile_context>

<pallas_src>
import functools
import math

import jax
import jax.numpy as jnp
from jax import lax
from jax.experimental import pallas as pl
from jax.experimental.pallas import tpu as pltpu
from jax.experimental.pallas import tpu_sc as plsc

_D = 32
_L = 16
_NC = 2
_NS = 16
_NW = _NC * _NS

_BL = 128
_HC = 4
_NBUF = 3
_SEG = 8 * _BL


def _emb_kernel(n_batch, n_hist, voc):
    n_chunks = n_hist // _HC
    n_groups = (n_chunks + _NBUF - 1) // _NBUF
    scale = math.sqrt(float(_D))
    ndc = _D // 8
    mesh = plsc.VectorSubcoreMesh(core_axis_name="c", subcore_axis_name="s")

    @functools.partial(
        pl.kernel,
        mesh=mesh,
        out_type=jax.ShapeDtypeStruct((n_hist, n_batch * _D), jnp.float32),
        scratch_types=[
            pltpu.VMEM((_NBUF, _HC, _BL), jnp.int32),
            pltpu.VMEM((_NBUF, _HC * _BL, _D), jnp.float32),
            pltpu.VMEM((_NBUF, _HC, _D * _BL), jnp.float32),
            pltpu.SemaphoreType.DMA((_NBUF,)),
            pltpu.SemaphoreType.DMA((_NBUF,)),
        ],
        compiler_params=pltpu.CompilerParams(
            use_tc_tiling_on_sc=False, needs_layout_passes=False
        ),
    )
    def k(xt_hbm, tbl_hbm, out_hbm, idx_v, rows_v, obuf_v, gsem, osem):
        wid = lax.axis_index("s") * _NC + lax.axis_index("c")
        b0 = wid * _BL

        def gathers(b):
            return [
                pltpu.make_async_copy(
                    tbl_hbm.at[idx_v.at[b].at[j]],
                    rows_v.at[b].at[pl.ds(j * _BL, _BL)],
                    gsem.at[b],
                )
                for j in range(_HC)
            ]

        def out_copies(ci, b):
            return [
                pltpu.make_async_copy(
                    obuf_v.at[b].at[:, pl.ds(dc * _SEG, _SEG)],
                    out_hbm.at[
                        pl.ds(ci * _HC, _HC),
                        pl.ds(dc * (n_batch * 8) + wid * _SEG, _SEG),
                    ],
                    osem.at[b],
                )
                for dc in range(ndc)
            ]

        def issue(ci, b):
            pltpu.sync_copy(
                xt_hbm.at[pl.ds(ci * _HC, _HC), pl.ds(b0, _BL)], idx_v.at[b]
            )
            for c in gathers(b):
                c.start()

        for b in range(_NBUF - 1):
            issue(b, b)

        lane = lax.iota(jnp.int32, _L)
        ilo0 = lane * _BL
        ihi0 = lane * _BL + _L * _BL

        def step(ci, b):
            bp = (b + _NBUF - 1) % _NBUF

            @pl.when(ci >= 1)
            def _():
                for c in out_copies(ci - 1, bp):
                    c.wait()

            @pl.when(ci + _NBUF - 1 < n_chunks)
            def _():
                issue(ci + _NBUF - 1, bp)

            for c in gathers(b):
                c.wait()

            for j in range(_HC):
                dst = obuf_v.at[b].at[j]

                @plsc.parallel_loop(0, _BL, unroll=8)
                def _(br):
                    r = j * _BL + br
                    plsc.store_scatter(
                        dst, [ilo0 + br], rows_v[b, r, pl.ds(0, _L)] * scale
                    )
                    plsc.store_scatter(
                        dst, [ihi0 + br], rows_v[b, r, pl.ds(_L, _L)] * scale
                    )
            for c in out_copies(ci, b):
                c.start()

        def group(cj, _):
            for b in range(_NBUF):
                ci = cj * _NBUF + b

                @pl.when(ci < n_chunks)
                def _():
                    step(ci, b)

            return 0

        lax.fori_loop(0, n_groups, group, 0)
        for c in out_copies(n_chunks - 1, (n_chunks - 1) % _NBUF):
            c.wait()

    return k


def kernel(x, W):
    b, h = x.shape
    voc = W.shape[0]
    xt = x.T
    out2 = _emb_kernel(b, h, voc)(xt, W)
    out5 = out2.reshape(h, _D // 8, b // _BL, 8, _BL)
    return jnp.transpose(out5, (2, 4, 0, 1, 3)).reshape(b, h, _D)

# --- scband reference (transcript-rebuilt; emitter-appended) ---
"""Pipeline reference for scband-vocabulary-embedder-25048249270741 (READ-ONLY COPY).

The authoritative reference and input builder live on the scoring server;
editing this copy changes nothing except your own understanding.
"""

import jax, jax.numpy as jnp
import numpy as np

VOC_SIZE = 1000000
EMB_DIM = 32
BATCH = 4096
HIST = 200

def setup_inputs(seed: int = 0) -> dict:
    key = jax.random.key(seed)
    k_idx, k_w = jax.random.split(key)
    x = jax.random.randint(k_idx, (BATCH, HIST), 0, VOC_SIZE, dtype=jnp.int32)
    # nn.Embedding default init: N(0, 1)
    W = jax.random.normal(k_w, (VOC_SIZE, EMB_DIM), dtype=jnp.float32)
    return {"x": x, "W": W}

def reference(x, W):
    # VocabularyEmbedder.forward: embedding lookup then scale by sqrt(emb_dim)
    emb = jnp.take(W, x, axis=0)
    return emb * np.sqrt(EMB_DIM)

if __name__ == "__main__":
    import jax
    _d = setup_inputs()
    print(jax.jit(kernel)(*tuple(_d.values())))

</pallas_src>

<mosaic_0001>
#map = affine_map<(d0, d1) -> (0, 0)>
module attributes {stable_mosaic.version = 14 : i64} {
  func.func @k(%arg0: i32, %arg1: i32, %arg2: memref<200x4096xi32, #tpu.memory_space<hbm>>, %arg3: memref<1000000x32xf32, #tpu.memory_space<hbm>>, %arg4: memref<200x131072xf32, #tpu.memory_space<hbm>>, %arg5: memref<3x4x128xi32, #tpu.memory_space<vmem>>, %arg6: memref<3x512x32xf32, #tpu.memory_space<vmem>>, %arg7: memref<3x4x4096xf32, #tpu.memory_space<vmem>>, %arg8: memref<3x!tpu.dma_semaphore, #tpu.memory_space<semaphore_mem>>, %arg9: memref<3x!tpu.dma_semaphore, #tpu.memory_space<semaphore_mem>>) attributes {dimension_semantics = [#tpu.dimension_semantics<core_parallel>, #tpu.dimension_semantics<subcore_parallel>], iteration_bounds = array<i64: 2, 16>, scalar_prefetch = 0 : i64, scratch_operands = 5 : i64, tpu.core_type = #tpu.core_type<sc_vector_subcore>, window_params = [{transform_indices = #map}, {transform_indices = #map}, {transform_indices = #map}]} {
    %mul3A = arith.constant 2 : i32
    %mul3A_0 = arith.muli %arg1, %mul3A : i32
    %add3A = arith.addi %mul3A_0, %arg0 : i32
    %mul3A_1 = arith.constant 128 : i32
    %mul3A_2 = arith.muli %add3A, %mul3A_1 : i32
    %run_scoped3A = arith.constant 0 : i32
    "tpu.region"() ({
      %run_scoped3A_305 = tpu.sem_alloc : memref<!tpu.dma_semaphore, #tpu.memory_space<semaphore_mem>>
      %dma_start3A_306 = arith.constant 0 : i32
      %dma_start3A_307 = arith.constant 0 : i32
      %dma_start3A_308 = tpu.memref_slice %arg5[%run_scoped3A, %dma_start3A_306, %dma_start3A_307] : memref<3x4x128xi32, #tpu.memory_space<vmem>> -> memref<1x4x128xi32, #tpu.memory_space<vmem>>
      %dma_start3A_309 = tpu.memref_squeeze %dma_start3A_308 : memref<1x4x128xi32, #tpu.memory_space<vmem>> -> memref<4x128xi32, #tpu.memory_space<vmem>>
      %dma_start3A_310 = arith.constant 0 : i32
      %dma_start3A_311 = tpu.memref_slice %arg2[%dma_start3A_310, %mul3A_2] : memref<200x4096xi32, #tpu.memory_space<hbm>> -> memref<4x128xi32, #tpu.memory_space<hbm>>
      %dma_start3A_312 = arith.constant 0 : i32
      %dma_start3A_313 = arith.constant 0 : i32
      %dma_start3A_314 = tpu.memref_slice %arg5[%run_scoped3A, %dma_start3A_312, %dma_start3A_313] : memref<3x4x128xi32, #tpu.memory_space<vmem>> -> memref<1x4x128xi32, #tpu.memory_space<vmem>>
      %dma_start3A_315 = tpu.memref_squeeze %dma_start3A_314 : memref<1x4x128xi32, #tpu.memory_space<vmem>> -> memref<4x128xi32, #tpu.memory_space<vmem>>
      %dma_start3A_316 = arith.constant 0 : i32
      %dma_start3A_317 = tpu.memref_slice %arg2[%dma_start3A_316, %mul3A_2] : memref<200x4096xi32, #tpu.memory_space<hbm>> -> memref<4x128xi32, #tpu.memory_space<hbm>>
      tpu.enqueue_dma source(%dma_start3A_317 : memref<4x128xi32, #tpu.memory_space<hbm>>) target(%dma_start3A_315 : memref<4x128xi32, #tpu.memory_space<vmem>>) target_semaphore(%run_scoped3A_305 : memref<!tpu.dma_semaphore, #tpu.memory_space<semaphore_mem>>)
      %dma_wait3A_318 = arith.constant 0 : i32
      %dma_wait3A_319 = arith.constant 0 : i32
      %dma_wait3A_320 = tpu.memref_slice %arg5[%run_scoped3A, %dma_wait3A_318, %dma_wait3A_319] : memref<3x4x128xi32, #tpu.memory_space<vmem>> -> memref<1x4x128xi32, #tpu.memory_space<vmem>>
      %dma_wait3A_321 = tpu.memref_squeeze %dma_wait3A_320 : memref<1x4x128xi32, #tpu.memory_space<vmem>> -> memref<4x128xi32, #tpu.memory_space<vmem>>
      %dma_wait3A_322 = arith.constant 0 : i32
      %dma_wait3A_323 = tpu.memref_slice %arg2[%dma_wait3A_322, %mul3A_2] : memref<200x4096xi32, #tpu.memory_space<hbm>> -> memref<4x128xi32, #tpu.memory_space<hbm>>
      %dma_wait3A_324 = arith.constant 0 : i32
      %dma_wait3A_325 = arith.constant 0 : i32
      %dma_wait3A_326 = tpu.memref_slice %arg5[%run_scoped3A, %dma_wait3A_324, %dma_wait3A_325] : memref<3x4x128xi32, #tpu.memory_space<vmem>> -> memref<1x4x128xi32, #tpu.memory_space<vmem>>
      %dma_wait3A_327 = tpu.memref_squeeze %dma_wait3A_326 : memref<1x4x128xi32, #tpu.memory_space<vmem>> -> memref<4x128xi32, #tpu.memory_space<vmem>>
      %dma_wait3A_328 = arith.constant 0 : i32
      %dma_wait3A_329 = tpu.memref_slice %arg2[%dma_wait3A_328, %mul3A_2] : memref<200x4096xi32, #tpu.memory_space<hbm>> -> memref<4x128xi32, #tpu.memory_space<hbm>>
      tpu.wait_dma2 semaphore(%run_scoped3A_305 : memref<!tpu.dma_semaphore, #tpu.memory_space<semaphore_mem>>) src(%dma_wait3A_329 : memref<4x128xi32, #tpu.memory_space<hbm>>) dst(%dma_wait3A_327 : memref<4x128xi32, #tpu.memory_space<vmem>>)
      tpu.yield
    }) : () -> ()
    %dma_start3A = arith.constant 0 : i32
    %dma_start3A_3 = arith.constant 0 : i32
    %dma_start3A_4 = arith.constant 0 : i32
    %dma_start3A_5 = arith.constant 0 : i32
    %dma_start3A_6 = arith.constant 0 : i32
    %dma_start3A_7 = arith.constant 0 : i32
    %dma_start3A_8 = tpu.memref_slice %arg6[%dma_start3A_4, %dma_start3A_6, %dma_start3A_7] : memref<3x512x32xf32, #tpu.memory_space<vmem>> -> memref<1x512x32xf32, #tpu.memory_space<vmem>>
    %dma_start3A_9 = tpu.memref_squeeze %dma_start3A_8 : memref<1x512x32xf32, #tpu.memory_space<vmem>> -> memref<512x32xf32, #tpu.memory_space<vmem>>
    %dma_start3A_10 = arith.constant 0 : i32
    %dma_start3A_11 = arith.constant 0 : i32
    %dma_start3A_12 = tpu.memref_slice %dma_start3A_9[%dma_start3A_10, %dma_start3A_11] : memref<512x32xf32, #tpu.memory_space<vmem>> -> memref<128x32xf32, #tpu.memory_space<vmem>>
    %dma_start3A_13 = arith.constant 0 : i32
    %dma_start3A_14 = arith.constant 0 : i32
    %dma_start3A_15 = tpu.memref_slice %arg5[%dma_start3A, %dma_start3A_13, %dma_start3A_14] : memref<3x4x128xi32, #tpu.memory_space<vmem>> -> memref<1x4x128xi32, #tpu.memory_space<vmem>>
    %dma_start3A_16 = tpu.memref_squeeze %dma_start3A_15 : memref<1x4x128xi32, #tpu.memory_space<vmem>> -> memref<4x128xi32, #tpu.memory_space<vmem>>
    %dma_start3A_17 = arith.constant 0 : i32
    %dma_start3A_18 = tpu.memref_slice %dma_start3A_16[%dma_start3A_3, %dma_start3A_17] : memref<4x128xi32, #tpu.memory_space<vmem>> -> memref<1x128xi32, #tpu.memory_space<vmem>>
    %dma_start3A_19 = tpu.memref_squeeze %dma_start3A_18 : memref<1x128xi32, #tpu.memory_space<vmem>> -> memref<128xi32, #tpu.memory_space<vmem>>
    %dma_start3A_20 = arith.constant 0 : i32
    %dma_start3A_21 = arith.constant 0 : i32
    %dma_start3A_22 = tpu.memref_slice %arg3[%dma_start3A_20, %dma_start3A_21] : memref<1000000x32xf32, #tpu.memory_space<hbm>> -> memref<1000000x32xf32, #tpu.memory_space<hbm>>
    %dma_start3A_23 = tpu.memref_slice %arg8[%dma_start3A_5] : memref<3x!tpu.dma_semaphore, #tpu.memory_space<semaphore_mem>> -> memref<1x!tpu.dma_semaphore, #tpu.memory_space<semaphore_mem>>
    %dma_start3A_24 = tpu.memref_squeeze %dma_start3A_23 : memref<1x!tpu.dma_semaphore, #tpu.memory_space<semaphore_mem>> -> memref<!tpu.dma_semaphore, #tpu.memory_space<semaphore_mem>>
    tpu.enqueue_indirect_dma source(%dma_start3A_22 : memref<1000000x32xf32, #tpu.memory_space<hbm>>) target(%dma_start3A_12 : memref<128x32xf32, #tpu.memory_space<vmem>>) offsets(%dma_start3A_19 : memref<128xi32, #tpu.memory_space<vmem>>) semaphore(%dma_start3A_24 : memref<!tpu.dma_semaphore, #tpu.memory_space<semaphore_mem>>)
    %dma_start3A_25 = arith.constant 0 : i32
    %dma_start3A_26 = arith.constant 1 : i32
    %dma_start3A_27 = arith.constant 0 : i32
    %dma_start3A_28 = arith.constant 0 : i32
    %dma_start3A_29 = arith.constant 0 : i32
    %dma_start3A_30 = arith.constant 0 : i32
    %dma_start3A_31 = tpu.memref_slice %arg6[%dma_start3A_27, %dma_start3A_29, %dma_start3A_30] : memref<3x512x32xf32, #tpu.memory_space<vmem>> -> memref<1x512x32xf32, #tpu.memory_space<vmem>>
    %dma_start3A_32 = tpu.memref_squeeze %dma_start3A_31 : memref<1x512x32xf32, #tpu.memory_space<vmem>> -> memref<512x32xf32, #tpu.memory_space<vmem>>
    %dma_start3A_33 = arith.constant 128 : i32
    %dma_start3A_34 = arith.constant 0 : i32
    %dma_start3A_35 = tpu.memref_slice %dma_start3A_32[%dma_start3A_33, %dma_start3A_34] : memref<512x32xf32, #tpu.memory_space<vmem>> -> memref<128x32xf32, #tpu.memory_space<vmem>>
    %dma_start3A_36 = arith.constant 0 : i32
    %dma_start3A_37 = arith.constant 0 : i32
    %dma_start3A_38 = tpu.memref_slice %arg5[%dma_start3A_25, %dma_start3A_36, %dma_start3A_37] : memref<3x4x128xi32, #tpu.memory_space<vmem>> -> memref<1x4x128xi32, #tpu.memory_space<vmem>>
    %dma_start3A_39 = tpu.memref_squeeze %dma_start3A_38 : memref<1x4x128xi32, #tpu.memory_space<vmem>> -> memref<4x128xi32, #tpu.memory_space<vmem>>
    %dma_start3A_40 = arith.constant 0 : i32
    %dma_start3A_41 = tpu.memref_slice %dma_start3A_39[%dma_start3A_26, %dma_start3A_40] : memref<4x128xi32, #tpu.memory_space<vmem>> -> memref<1x128xi32, #tpu.memory_space<vmem>>
    %dma_start3A_42 = tpu.memref_squeeze %dma_start3A_41 : memref<1x128xi32, #tpu.memory_space<vmem>> -> memref<128xi32, #tpu.memory_space<vmem>>
    %dma_start3A_43 = arith.constant 0 : i32
    %dma_start3A_44 = arith.constant 0 : i32
    %dma_start3A_45 = tpu.memref_slice %arg3[%dma_start3A_43, %dma_start3A_44] : memref<1000000x32xf32, #tpu.memory_space<hbm>> -> memref<1000000x32xf32, #tpu.memory_space<hbm>>
    %dma_start3A_46 = tpu.memref_slice %arg8[%dma_start3A_28] : memref<3x!tpu.dma_semaphore, #tpu.memory_space<semaphore_mem>> -> memref<1x!tpu.dma_semaphore, #tpu.memory_space<semaphore_mem>>
    %dma_start3A_47 = tpu.memref_squeeze %dma_start3A_46 : memref<1x!tpu.dma_semaphore, #tpu.memory_space<semaphore_mem>> -> memref<!tpu.dma_semaphore, #tpu.memory_space<semaphore_mem>>
    tpu.enqueue_indirect_dma source(%dma_start3A_45 : memref<1000000x32xf32, #tpu.memory_space<hbm>>) target(%dma_start3A_35 : memref<128x32xf32, #tpu.memory_space<vmem>>) offsets(%dma_start3A_42 : memref<128xi32, #tpu.memory_space<vmem>>) semaphore(%dma_start3A_47 : memref<!tpu.dma_semaphore, #tpu.memory_space<semaphore_mem>>)
    %dma_start3A_48 = arith.constant 0 : i32
    %dma_start3A_49 = arith.constant 2 : i32
    %dma_start3A_50 = arith.constant 0 : i32
    %dma_start3A_51 = arith.constant 0 : i32
    %dma_start3A_52 = arith.constant 0 : i32
    %dma_start3A_53 = arith.constant 0 : i32
    %dma_start3A_54 = tpu.memref_slice %arg6[%dma_start3A_50, %dma_start3A_52, %dma_start3A_53] : memref<3x512x32xf32, #tpu.memory_space<vmem>> -> memref<1x512x32xf32, #tpu.memory_space<vmem>>
    %dma_start3A_55 = tpu.memref_squeeze %dma_start3A_54 : memref<1x512x32xf32, #tpu.memory_space<vmem>> -> memref<512x32xf32, #tpu.memory_space<vmem>>
    %dma_start3A_56 = arith.constant 256 : i32
    %dma_start3A_57 = arith.constant 0 : i32
    %dma_start3A_58 = tpu.memref_slice %dma_start3A_55[%dma_start3A_56, %dma_start3A_57] : memref<512x32xf32, #tpu.memory_space<vmem>> -> memref<128x32xf32, #tpu.memory_space<vmem>>
    %dma_start3A_59 = arith.constant 0 : i32
    %dma_start3A_60 = arith.constant 0 : i32
    %dma_start3A_61 = tpu.memref_slice %arg5[%dma_start3A_48, %dma_start3A_59, %dma_start3A_60] : memref<3x4x128xi32, #tpu.memory_space<vmem>> -> memref<1x4x128xi32, #tpu.memory_space<vmem>>
    %dma_start3A_62 = tpu.memref_squeeze %dma_start3A_61 : memref<1x4x128xi32, #tpu.memory_space<vmem>> -> memref<4x128xi32, #tpu.memory_space<vmem>>
    %dma_start3A_63 = arith.constant 0 : i32
    %dma_start3A_64 = tpu.memref_slice %dma_start3A_62[%dma_start3A_49, %dma_start3A_63] : memref<4x128xi32, #tpu.memory_space<vmem>> -> memref<1x128xi32, #tpu.memory_space<vmem>>
    %dma_start3A_65 = tpu.memref_squeeze %dma_start3A_64 : memref<1x128xi32, #tpu.memory_space<vmem>> -> memref<128xi32, #tpu.memory_space<vmem>>
    %dma_start3A_66 = arith.constant 0 : i32
    %dma_start3A_67 = arith.constant 0 : i32
    %dma_start3A_68 = tpu.memref_slice %arg3[%dma_start3A_66, %dma_start3A_67] : memref<1000000x32xf32, #tpu.memory_space<hbm>> -> memref<1000000x32xf32, #tpu.memory_space<hbm>>
    %dma_start3A_69 = tpu.memref_slice %arg8[%dma_start3A_51] : memref<3x!tpu.dma_semaphore, #tpu.memory_space<semaphore_mem>> -> memref<1x!tpu.dma_semaphore, #tpu.memory_space<semaphore_mem>>
    %dma_start3A_70 = tpu.memref_squeeze %dma_start3A_69 : memref<1x!tpu.dma_semaphore, #tpu.memory_space<semaphore_mem>> -> memref<!tpu.dma_semaphore, #tpu.memory_space<semaphore_mem>>
    tpu.enqueue_indirect_dma source(%dma_start3A_68 : memref<1000000x32xf32, #tpu.memory_space<hbm>>) target(%dma_start3A_58 : memref<128x32xf32, #tpu.memory_space<vmem>>) offsets(%dma_start3A_65 : memref<128xi32, #tpu.memory_space<vmem>>) semaphore(%dma_start3A_70 : memref<!tpu.dma_semaphore, #tpu.memory_space<semaphore_mem>>)
    %dma_start3A_71 = arith.constant 0 : i32
    %dma_start3A_72 = arith.constant 3 : i32
    %dma_start3A_73 = arith.constant 0 : i32
    %dma_start3A_74 = arith.constant 0 : i32
    %dma_start3A_75 = arith.constant 0 : i32
    %dma_start3A_76 = arith.constant 0 : i32
    %dma_start3A_77 = tpu.memref_slice %arg6[%dma_start3A_73, %dma_start3A_75, %dma_start3A_76] : memref<3x512x32xf32, #tpu.memory_space<vmem>> -> memref<1x512x32xf32, #tpu.memory_space<vmem>>
    %dma_start3A_78 = tpu.memref_squeeze %dma_start3A_77 : memref<1x512x32xf32, #tpu.memory_space<vmem>> -> memref<512x32xf32, #tpu.memory_space<vmem>>
    %dma_start3A_79 = arith.constant 384 : i32
    %dma_start3A_80 = arith.constant 0 : i32
    %dma_start3A_81 = tpu.memref_slice %dma_start3A_78[%dma_start3A_79, %dma_start3A_80] : memref<512x32xf32, #tpu.memory_space<vmem>> -> memref<128x32xf32, #tpu.memory_space<vmem>>
    %dma_start3A_82 = arith.constant 0 : i32
    %dma_start3A_83 = arith.constant 0 : i32
    %dma_start3A_84 = tpu.memref_slice %arg5[%dma_start3A_71, %dma_start3A_82, %dma_start3A_83] : memref<3x4x128xi32, #tpu.memory_space<vmem>> -> memref<1x4x128xi32, #tpu.memory_space<vmem>>
    %dma_start3A_85 = tpu.memref_squeeze %dma_start3A_84 : memref<1x4x128xi32, #tpu.memory_space<vmem>> -> memref<4x128xi32, #tpu.memory_space<vmem>>
    %dma_start3A_86 = arith.constant 0 : i32
    %dma_start3A_87 = tpu.memref_slice %dma_start3A_85[%dma_start3A_72, %dma_start3A_86] : memref<4x128xi32, #tpu.memory_space<vmem>> -> memref<1x128xi32, #tpu.memory_space<vmem>>
    %dma_start3A_88 = tpu.memref_squeeze %dma_start3A_87 : memref<1x128xi32, #tpu.memory_space<vmem>> -> memref<128xi32, #tpu.memory_space<vmem>>
    %dma_start3A_89 = arith.constant 0 : i32
    %dma_start3A_90 = arith.constant 0 : i32
    %dma_start3A_91 = tpu.memref_slice %arg3[%dma_start3A_89, %dma_start3A_90] : memref<1000000x32xf32, #tpu.memory_space<hbm>> -> memref<1000000x32xf32, #tpu.memory_space<hbm>>
    %dma_start3A_92 = tpu.memref_slice %arg8[%dma_start3A_74] : memref<3x!tpu.dma_semaphore, #tpu.memory_space<semaphore_mem>> -> memref<1x!tpu.dma_semaphore, #tpu.memory_space<semaphore_mem>>
    %dma_start3A_93 = tpu.memref_squeeze %dma_start3A_92 : memref<1x!tpu.dma_semaphore, #tpu.memory_space<semaphore_mem>> -> memref<!tpu.dma_semaphore, #tpu.memory_space<semaphore_mem>>
    tpu.enqueue_indirect_dma source(%dma_start3A_91 : memref<1000000x32xf32, #tpu.memory_space<hbm>>) target(%dma_start3A_81 : memref<128x32xf32, #tpu.memory_space<vmem>>) offsets(%dma_start3A_88 : memref<128xi32, #tpu.memory_space<vmem>>) semaphore(%dma_start3A_93 : memref<!tpu.dma_semaphore, #tpu.memory_space<semaphore_mem>>)
    %run_scoped3A_94 = arith.constant 1 : i32
    "tpu.region"() ({
      %run_scoped3A_305 = tpu.sem_alloc : memref<!tpu.dma_semaphore, #tpu.memory_space<semaphore_mem>>
      %dma_start3A_306 = arith.constant 0 : i32
      %dma_start3A_307 = arith.constant 0 : i32
      %dma_start3A_308 = tpu.memref_slice %arg5[%run_scoped3A_94, %dma_start3A_306, %dma_start3A_307] : memref<3x4x128xi32, #tpu.memory_space<vmem>> -> memref<1x4x128xi32, #tpu.memory_space<vmem>>
      %dma_start3A_309 = tpu.memref_squeeze %dma_start3A_308 : memref<1x4x128xi32, #tpu.memory_space<vmem>> -> memref<4x128xi32, #tpu.memory_space<vmem>>
      %dma_start3A_310 = arith.constant 4 : i32
      %dma_start3A_311 = tpu.memref_slice %arg2[%dma_start3A_310, %mul3A_2] : memref<200x4096xi32, #tpu.memory_space<hbm>> -> memref<4x128xi32, #tpu.memory_space<hbm>>
      %dma_start3A_312 = arith.constant 0 : i32
      %dma_start3A_313 = arith.constant 0 : i32
      %dma_start3A_314 = tpu.memref_slice %arg5[%run_scoped3A_94, %dma_start3A_312, %dma_start3A_313] : memref<3x4x128xi32, #tpu.memory_space<vmem>> -> memref<1x4x128xi32, #tpu.memory_space<vmem>>
      %dma_start3A_315 = tpu.memref_squeeze %dma_start3A_314 : memref<1x4x128xi32, #tpu.memory_space<vmem>> -> memref<4x128xi32, #tpu.memory_space<vmem>>
      %dma_start3A_316 = arith.constant 4 : i32
      %dma_start3A_317 = tpu.memref_slice %arg2[%dma_start3A_316, %mul3A_2] : memref<200x4096xi32, #tpu.memory_space<hbm>> -> memref<4x128xi32, #tpu.memory_space<hbm>>
      tpu.enqueue_dma source(%dma_start3A_317 : memref<4x128xi32, #tpu.memory_space<hbm>>) target(%dma_start3A_315 : memref<4x128xi32, #tpu.memory_space<vmem>>) target_semaphore(%run_scoped3A_305 : memref<!tpu.dma_semaphore, #tpu.memory_space<semaphore_mem>>)
      %dma_wait3A_318 = arith.constant 0 : i32
      %dma_wait3A_319 = arith.constant 0 : i32
      %dma_wait3A_320 = tpu.memref_slice %arg5[%run_scoped3A_94, %dma_wait3A_318, %dma_wait3A_319] : memref<3x4x128xi32, #tpu.memory_space<vmem>> -> memref<1x4x128xi32, #tpu.memory_space<vmem>>
      %dma_wait3A_321 = tpu.memref_squeeze %dma_wait3A_320 : memref<1x4x128xi32, #tpu.memory_space<vmem>> -> memref<4x128xi32, #tpu.memory_space<vmem>>
      %dma_wait3A_322 = arith.constant 4 : i32
      %dma_wait3A_323 = tpu.memref_slice %arg2[%dma_wait3A_322, %mul3A_2] : memref<200x4096xi32, #tpu.memory_space<hbm>> -> memref<4x128xi32, #tpu.memory_space<hbm>>
      %dma_wait3A_324 = arith.constant 0 : i32
      %dma_wait3A_325 = arith.constant 0 : i32
      %dma_wait3A_326 = tpu.memref_slice %arg5[%run_scoped3A_94, %dma_wait3A_324, %dma_wait3A_325] : memref<3x4x128xi32, #tpu.memory_space<vmem>> -> memref<1x4x128xi32, #tpu.memory_space<vmem>>
      %dma_wait3A_327 = tpu.memref_squeeze %dma_wait3A_326 : memref<1x4x128xi32, #tpu.memory_space<vmem>> -> memref<4x128xi32, #tpu.memory_space<vmem>>
      %dma_wait3A_328 = arith.constant 4 : i32
      %dma_wait3A_329 = tpu.memref_slice %arg2[%dma_wait3A_328, %mul3A_2] : memref<200x4096xi32, #tpu.memory_space<hbm>> -> memref<4x128xi32, #tpu.memory_space<hbm>>
      tpu.wait_dma2 semaphore(%run_scoped3A_305 : memref<!tpu.dma_semaphore, #tpu.memory_space<semaphore_mem>>) src(%dma_wait3A_329 : memref<4x128xi32, #tpu.memory_space<hbm>>) dst(%dma_wait3A_327 : memref<4x128xi32, #tpu.memory_space<vmem>>)
      tpu.yield
    }) : () -> ()
    %dma_start3A_95 = arith.constant 1 : i32
    %dma_start3A_96 = arith.constant 0 : i32
    %dma_start3A_97 = arith.constant 1 : i32
    %dma_start3A_98 = arith.constant 1 : i32
    %dma_start3A_99 = arith.constant 0 : i32
    %dma_start3A_100 = arith.constant 0 : i32
    %dma_start3A_101 = tpu.memref_slice %arg6[%dma_start3A_97, %dma_start3A_99, %dma_start3A_100] : memref<3x512x32xf32, #tpu.memory_space<vmem>> -> memref<1x512x32xf32, #tpu.memory_space<vmem>>
    %dma_start3A_102 = tpu.memref_squeeze %dma_start3A_101 : memref<1x512x32xf32, #tpu.memory_space<vmem>> -> memref<512x32xf32, #tpu.memory_space<vmem>>
    %dma_start3A_103 = arith.constant 0 : i32
    %dma_start3A_104 = arith.constant 0 : i32
    %dma_start3A_105 = tpu.memref_slice %dma_start3A_102[%dma_start3A_103, %dma_start3A_104] : memref<512x32xf32, #tpu.memory_space<vmem>> -> memref<128x32xf32, #tpu.memory_space<vmem>>
    %dma_start3A_106 = arith.constant 0 : i32
    %dma_start3A_107 = arith.constant 0 : i32
    %dma_start3A_108 = tpu.memref_slice %arg5[%dma_start3A_95, %dma_start3A_106, %dma_start3A_107] : memref<3x4x128xi32, #tpu.memory_space<vmem>> -> memref<1x4x128xi32, #tpu.memory_space<vmem>>
    %dma_start3A_109 = tpu.memref_squeeze %dma_start3A_108 : memref<1x4x128xi32, #tpu.memory_space<vmem>> -> memref<4x128xi32, #tpu.memory_space<vmem>>
    %dma_start3A_110 = arith.constant 0 : i32
    %dma_start3A_111 = tpu.memref_slice %dma_start3A_109[%dma_start3A_96, %dma_start3A_110] : memref<4x128xi32, #tpu.memory_space<vmem>> -> memref<1x128xi32, #tpu.memory_space<vmem>>
    %dma_start3A_112 = tpu.memref_squeeze %dma_start3A_111 : memref<1x128xi32, #tpu.memory_space<vmem>> -> memref<128xi32, #tpu.memory_space<vmem>>
    %dma_start3A_113 = arith.constant 0 : i32
    %dma_start3A_114 = arith.constant 0 : i32
    %dma_start3A_115 = tpu.memref_slice %arg3[%dma_start3A_113, %dma_start3A_114] : memref<1000000x32xf32, #tpu.memory_space<hbm>> -> memref<1000000x32xf32, #tpu.memory_space<hbm>>
    %dma_start3A_116 = tpu.memref_slice %arg8[%dma_start3A_98] : memref<3x!tpu.dma_semaphore, #tpu.memory_space<semaphore_mem>> -> memref<1x!tpu.dma_semaphore, #tpu.memory_space<semaphore_mem>>
    %dma_start3A_117 = tpu.memref_squeeze %dma_start3A_116 : memref<1x!tpu.dma_semaphore, #tpu.memory_space<semaphore_mem>> -> memref<!tpu.dma_semaphore, #tpu.memory_space<semaphore_mem>>
    tpu.enqueue_indirect_dma source(%dma_start3A_115 : memref<1000000x32xf32, #tpu.memory_space<hbm>>) target(%dma_start3A_105 : memref<128x32xf32, #tpu.memory_space<vmem>>) offsets(%dma_start3A_112 : memref<128xi32, #tpu.memory_space<vmem>>) semaphore(%dma_start3A_117 : memref<!tpu.dma_semaphore, #tpu.memory_space<semaphore_mem>>)
    %dma_start3A_118 = arith.constant 1 : i32
    %dma_start3A_119 = arith.constant 1 : i32
    %dma_start3A_120 = arith.constant 1 : i32
    %dma_start3A_121 = arith.constant 1 : i32
    %dma_start3A_122 = arith.constant 0 : i32
    %dma_start3A_123 = arith.constant 0 : i32
    %dma_start3A_124 = tpu.memref_slice %arg6[%dma_start3A_120, %dma_start3A_122, %dma_start3A_123] : memref<3x512x32xf32, #tpu.memory_space<vmem>> -> memref<1x512x32xf32, #tpu.memory_space<vmem>>
    %dma_start3A_125 = tpu.memref_squeeze %dma_start3A_124 : memref<1x512x32xf32, #tpu.memory_space<vmem>> -> memref<512x32xf32, #tpu.memory_space<vmem>>
    %dma_start3A_126 = arith.constant 128 : i32
    %dma_start3A_127 = arith.constant 0 : i32
    %dma_start3A_128 = tpu.memref_slice %dma_start3A_125[%dma_start3A_126, %dma_start3A_127] : memref<512x32xf32, #tpu.memory_space<vmem>> -> memref<128x32xf32, #tpu.memory_space<vmem>>
    %dma_start3A_129 = arith.constant 0 : i32
    %dma_start3A_130 = arith.constant 0 : i32
    %dma_start3A_131 = tpu.memref_slice %arg5[%dma_start3A_118, %dma_start3A_129, %dma_start3A_130] : memref<3x4x128xi32, #tpu.memory_space<vmem>> -> memref<1x4x128xi32, #tpu.memory_space<vmem>>
    %dma_start3A_132 = tpu.memref_squeeze %dma_start3A_131 : memref<1x4x128xi32, #tpu.memory_space<vmem>> -> memref<4x128xi32, #tpu.memory_space<vmem>>
    %dma_start3A_133 = arith.constant 0 : i32
    %dma_start3A_134 = tpu.memref_slice %dma_start3A_132[%dma_start3A_119, %dma_start3A_133] : memref<4x128xi32, #tpu.memory_space<vmem>> -> memref<1x128xi32, #tpu.memory_space<vmem>>
    %dma_start3A_135 = tpu.memref_squeeze %dma_start3A_134 : memref<1x128xi32, #tpu.memory_space<vmem>> -> memref<128xi32, #tpu.memory_space<vmem>>
    %dma_start3A_136 = arith.constant 0 : i32
    %dma_start3A_137 = arith.constant 0 : i32
    %dma_start3A_138 = tpu.memref_slice %arg3[%dma_start3A_136, %dma_start3A_137] : memref<1000000x32xf32, #tpu.memory_space<hbm>> -> memref<1000000x32xf32, #tpu.memory_space<hbm>>
    %dma_start3A_139 = tpu.memref_slice %arg8[%dma_start3A_121] : memref<3x!tpu.dma_semaphore, #tpu.memory_space<semaphore_mem>> -> memref<1x!tpu.dma_semaphore, #tpu.memory_space<semaphore_mem>>
    %dma_start3A_140 = tpu.memref_squeeze %dma_start3A_139 : memref<1x!tpu.dma_semaphore, #tpu.memory_space<semaphore_mem>> -> memref<!tpu.dma_semaphore, #tpu.memory_space<semaphore_mem>>
    tpu.enqueue_indirect_dma source(%dma_start3A_138 : memref<1000000x32xf32, #tpu.memory_space<hbm>>) target(%dma_start3A_128 : memref<128x32xf32, #tpu.memory_space<vmem>>) offsets(%dma_start3A_135 : memref<128xi32, #tpu.memory_space<vmem>>) semaphore(%dma_start3A_140 : memref<!tpu.dma_semaphore, #tpu.memory_space<semaphore_mem>>)
    %dma_start3A_141 = arith.constant 1 : i32
    %dma_start3A_142 = arith.constant 2 : i32
    %dma_start3A_143 = arith.constant 1 : i32
    %dma_start3A_144 = arith.constant 1 : i32
    %dma_start3A_145 = arith.constant 0 : i32
    %dma_start3A_146 = arith.constant 0 : i32
    %dma_start3A_147 = tpu.memref_slice %arg6[%dma_start3A_143, %dma_start3A_145, %dma_start3A_146] : memref<3x512x32xf32, #tpu.memory_space<vmem>> -> memref<1x512x32xf32, #tpu.memory_space<vmem>>
    %dma_start3A_148 = tpu.memref_squeeze %dma_start3A_147 : memref<1x512x32xf32, #tpu.memory_space<vmem>> -> memref<512x32xf32, #tpu.memory_space<vmem>>
    %dma_start3A_149 = arith.constant 256 : i32
    %dma_start3A_150 = arith.constant 0 : i32
    %dma_start3A_151 = tpu.memref_slice %dma_start3A_148[%dma_start3A_149, %dma_start3A_150] : memref<512x32xf32, #tpu.memory_space<vmem>> -> memref<128x32xf32, #tpu.memory_space<vmem>>
    %dma_start3A_152 = arith.constant 0 : i32
    %dma_start3A_153 = arith.constant 0 : i32
    %dma_start3A_154 = tpu.memref_slice %arg5[%dma_start3A_141, %dma_start3A_152, %dma_start3A_153] : memref<3x4x128xi32, #tpu.memory_space<vmem>> -> memref<1x4x128xi32, #tpu.memory_space<vmem>>
    %dma_start3A_155 = tpu.memref_squeeze %dma_start3A_154 : memref<1x4x128xi32, #tpu.memory_space<vmem>> -> memref<4x128xi32, #tpu.memory_space<vmem>>
    %dma_start3A_156 = arith.constant 0 : i32
    %dma_start3A_157 = tpu.memref_slice %dma_start3A_155[%dma_start3A_142, %dma_start3A_156] : memref<4x128xi32, #tpu.memory_space<vmem>> -> memref<1x128xi32, #tpu.memory_space<vmem>>
    %dma_start3A_158 = tpu.memref_squeeze %dma_start3A_157 : memref<1x128xi32, #tpu.memory_space<vmem>> -> memref<128xi32, #tpu.memory_space<vmem>>
    %dma_start3A_159 = arith.constant 0 : i32
    %dma_start3A_160 = arith.constant 0 : i32
    %dma_start3A_161 = tpu.memref_slice %arg3[%dma_start3A_159, %dma_start3A_160] : memref<1000000x32xf32, #tpu.memory_space<hbm>> -> memref<1000000x32xf32, #tpu.memory_space<hbm>>
    %dma_start3A_162 = tpu.memref_slice %arg8[%dma_start3A_144] : memref<3x!tpu.dma_semaphore, #tpu.memory_space<semaphore_mem>> -> memref<1x!tpu.dma_semaphore, #tpu.memory_space<semaphore_mem>>
    %dma_start3A_163 = tpu.memref_squeeze %dma_start3A_162 : memref<1x!tpu.dma_semaphore, #tpu.memory_space<semaphore_mem>> -> memref<!tpu.dma_semaphore, #tpu.memory_space<semaphore_mem>>
    tpu.enqueue_indirect_dma source(%dma_start3A_161 : memref<1000000x32xf32, #tpu.memory_space<hbm>>) target(%dma_start3A_151 : memref<128x32xf32, #tpu.memory_space<vmem>>) offsets(%dma_start3A_158 : memref<128xi32, #tpu.memory_space<vmem>>) semaphore(%dma_start3A_163 : memref<!tpu.dma_semaphore, #tpu.memory_space<semaphore_mem>>)
    %dma_start3A_164 = arith.constant 1 : i32
    %dma_start3A_165 = arith.constant 3 : i32
    %dma_start3A_166 = arith.constant 1 : i32
    %dma_start3A_167 = arith.constant 1 : i32
    %dma_start3A_168 = arith.constant 0 : i32
    %dma_start3A_169 = arith.constant 0 : i32
    %dma_start3A_170 = tpu.memref_slice %arg6[%dma_start3A_166, %dma_start3A_168, %dma_start3A_169] : memref<3x512x32xf32, #tpu.memory_space<vmem>> -> memref<1x512x32xf32, #tpu.memory_space<vmem>>
    %dma_start3A_171 = tpu.memref_squeeze %dma_start3A_170 : memref<1x512x32xf32, #tpu.memory_space<vmem>> -> memref<512x32xf32, #tpu.memory_space<vmem>>
    %dma_start3A_172 = arith.constant 384 : i32
    %dma_start3A_173 = arith.constant 0 : i32
    %dma_start3A_174 = tpu.memref_slice %dma_start3A_171[%dma_start3A_172, %dma_start3A_173] : memref<512x32xf32, #tpu.memory_space<vmem>> -> memref<128x32xf32, #tpu.memory_space<vmem>>
    %dma_start3A_175 = arith.constant 0 : i32
    %dma_start3A_176 = arith.constant 0 : i32
    %dma_start3A_177 = tpu.memref_slice %arg5[%dma_start3A_164, %dma_start3A_175, %dma_start3A_176] : memref<3x4x128xi32, #tpu.memory_space<vmem>> -> memref<1x4x128xi32, #tpu.memory_space<vmem>>
    %dma_start3A_178 = tpu.memref_squeeze %dma_start3A_177 : memref<1x4x128xi32, #tpu.memory_space<vmem>> -> memref<4x128xi32, #tpu.memory_space<vmem>>
    %dma_start3A_179 = arith.constant 0 : i32
    %dma_start3A_180 = tpu.memref_slice %dma_start3A_178[%dma_start3A_165, %dma_start3A_179] : memref<4x128xi32, #tpu.memory_space<vmem>> -> memref<1x128xi32, #tpu.memory_space<vmem>>
    %dma_start3A_181 = tpu.memref_squeeze %dma_start3A_180 : memref<1x128xi32, #tpu.memory_space<vmem>> -> memref<128xi32, #tpu.memory_space<vmem>>
    %dma_start3A_182 = arith.constant 0 : i32
    %dma_start3A_183 = arith.constant 0 : i32
    %dma_start3A_184 = tpu.memref_slice %arg3[%dma_start3A_182, %dma_start3A_183] : memref<1000000x32xf32, #tpu.memory_space<hbm>> -> memref<1000000x32xf32, #tpu.memory_space<hbm>>
    %dma_start3A_185 = tpu.memref_slice %arg8[%dma_start3A_167] : memref<3x!tpu.dma_semaphore, #tpu.memory_space<semaphore_mem>> -> memref<1x!tpu.dma_semaphore, #tpu.memory_space<semaphore_mem>>
    %dma_start3A_186 = tpu.memref_squeeze %dma_start3A_185 : memref<1x!tpu.dma_semaphore, #tpu.memory_space<semaphore_mem>> -> memref<!tpu.dma_semaphore, #tpu.memory_space<semaphore_mem>>
    tpu.enqueue_indirect_dma source(%dma_start3A_184 : memref<1000000x32xf32, #tpu.memory_space<hbm>>) target(%dma_start3A_174 : memref<128x32xf32, #tpu.memory_space<vmem>>) offsets(%dma_start3A_181 : memref<128xi32, #tpu.memory_space<vmem>>) semaphore(%dma_start3A_186 : memref<!tpu.dma_semaphore, #tpu.memory_space<semaphore_mem>>)
    %iota3A = tpu.iota {dimensions = array<i32: 0>} : vector<16xi32>
    %mul3A_187 = arith.constant 128 : i32
    %mul3A_188 = vector.broadcast %mul3A_187 : i32 to vector<16xi32>
    %mul3A_189 = arith.muli %iota3A, %mul3A_188 : vector<16xi32>
    %mul3A_190 = arith.constant 128 : i32
    %mul3A_191 = vector.broadcast %mul3A_190 : i32 to vector<16xi32>
    %mul3A_192 = arith.muli %iota3A, %mul3A_191 : vector<16xi32>
    %add3A_193 = arith.constant 2048 : i32
    %add3A_194 = vector.broadcast %add3A_193 : i32 to vector<16xi32>
    %add3A_195 = arith.addi %mul3A_192, %add3A_194 : vector<16xi32>
    %scan3A = arith.constant 0 : i32
    %scan3A_196 = arith.constant 0 : i32
    %scan3A_197 = arith.constant 17 : i32
    %scan3A_198 = arith.addi %scan3A_196, %scan3A_197 : i32
    %scan3A_199 = arith.constant 1 : i32
    %scan3A_200 = scf.for %scan3A_305 = %scan3A_196 to %scan3A_198 step %scan3A_199 iter_args(%scan3A_306 = %scan3A) -> (i32)  : i32 {
      %mul3A_307 = arith.constant 3 : i32
      %mul3A_308 = arith.muli %scan3A_305, %mul3A_307 : i32
      %add3A_309 = arith.constant 0 : i32
      %add3A_310 = arith.addi %mul3A_308, %add3A_309 : i32
      %lt3A = arith.constant 50 : i32
      %lt3A_311 = arith.cmpi slt, %add3A_310, %lt3A : i32
      %convert_element_type3A = arith.extui %lt3A_311 : i1 to i32
      %cond3A = arith.constant 0 : i32
      %cond3A_312 = arith.cmpi ne, %convert_element_type3A, %cond3A : i32
      scf.if %cond3A_312 {
        %ge3A = arith.constant 1 : i32
        %ge3A_332 = arith.cmpi sge, %add3A_310, %ge3A : i32
        %convert_element_type3A_333 = arith.extui %ge3A_332 : i1 to i32
        %cond3A_334 = arith.constant 0 : i32
        %cond3A_335 = arith.cmpi ne, %convert_element_type3A_333, %cond3A_334 : i32
        scf.if %cond3A_335 {
          %sub3A_559 = arith.constant 1 : i32
          %sub3A_560 = arith.subi %add3A_310, %sub3A_559 : i32
          %mul3A_561 = arith.constant 4 : i32
          %mul3A_562 = arith.muli %sub3A_560, %mul3A_561 : i32
          %mul3A_563 = arith.constant 1024 : i32
          %mul3A_564 = arith.muli %add3A, %mul3A_563 : i32
          %add3A_565 = arith.constant 0 : i32
          %add3A_566 = arith.addi %add3A_565, %mul3A_564 : i32
          %mul3A_567 = arith.constant 4 : i32
          %mul3A_568 = arith.muli %sub3A_560, %mul3A_567 : i32
          %mul3A_569 = arith.constant 1024 : i32
          %mul3A_570 = arith.muli %add3A, %mul3A_569 : i32
          %add3A_571 = arith.constant 32768 : i32
          %add3A_572 = arith.addi %add3A_571, %mul3A_570 : i32
          %mul3A_573 = arith.constant 4 : i32
          %mul3A_574 = arith.muli %sub3A_560, %mul3A_573 : i32
          %mul3A_575 = arith.constant 1024 : i32
          %mul3A_576 = arith.muli %add3A, %mul3A_575 : i32
          %add3A_577 = arith.constant 65536 : i32
          %add3A_578 = arith.addi %add3A_577, %mul3A_576 : i32
          %mul3A_579 = arith.constant 4 : i32
          %mul3A_580 = arith.muli %sub3A_560, %mul3A_579 : i32
          %mul3A_581 = arith.constant 1024 : i32
          %mul3A_582 = arith.muli %add3A, %mul3A_581 : i32
          %add3A_583 = arith.constant 98304 : i32
          %add3A_584 = arith.addi %add3A_583, %mul3A_582 : i32
          %dma_wait3A_585 = arith.constant 2 : i32
          %dma_wait3A_586 = arith.constant 2 : i32
          %dma_wait3A_587 = arith.constant 0 : i32
          %dma_wait3A_588 = arith.constant 0 : i32
          %dma_wait3A_589 = tpu.memref_slice %arg7[%dma_wait3A_585, %dma_wait3A_587, %dma_wait3A_588] : memref<3x4x4096xf32, #tpu.memory_space<vmem>> -> memref<1x4x4096xf32, #tpu.memory_space<vmem>>
          %dma_wait3A_590 = tpu.memref_squeeze %dma_wait3A_589 : memref<1x4x4096xf32, #tpu.memory_space<vmem>> -> memref<4x4096xf32, #tpu.memory_space<vmem>>
          %dma_wait3A_591 = arith.constant 0 : i32
          %dma_wait3A_592 = arith.constant 0 : i32
          %dma_wait3A_593 = tpu.memref_slice %dma_wait3A_590[%dma_wait3A_591, %dma_wait3A_592] : memref<4x4096xf32, #tpu.memory_space<vmem>> -> memref<4x1024xf32, #tpu.memory_space<vmem>>
          %dma_wait3A_594 = tpu.memref_slice %arg4[%mul3A_562, %add3A_566] : memref<200x131072xf32, #tpu.memory_space<hbm>> -> memref<4x1024xf32, #tpu.memory_space<hbm>>
          %dma_wait3A_595 = tpu.memref_slice %arg9[%dma_wait3A_586] : memref<3x!tpu.dma_semaphore, #tpu.memory_space<semaphore_mem>> -> memref<1x!tpu.dma_semaphore, #tpu.memory_space<semaphore_mem>>
          %dma_wait3A_596 = tpu.memref_squeeze %dma_wait3A_595 : memref<1x!tpu.dma_semaphore, #tpu.memory_space<semaphore_mem>> -> memref<!tpu.dma_semaphore, #tpu.memory_space<semaphore_mem>>
          %dma_wait3A_597 = tpu.memref_slice %arg4[%mul3A_562, %add3A_566] : memref<200x131072xf32, #tpu.memory_space<hbm>> -> memref<4x1024xf32, #tpu.memory_space<hbm>>
          %dma_wait3A_598 = arith.constant 0 : i32
          %dma_wait3A_599 = arith.constant 0 : i32
          %dma_wait3A_600 = tpu.memref_slice %arg7[%dma_wait3A_585, %dma_wait3A_598, %dma_wait3A_599] : memref<3x4x4096xf32, #tpu.memory_space<vmem>> -> memref<1x4x4096xf32, #tpu.memory_space<vmem>>
          %dma_wait3A_601 = tpu.memref_squeeze %dma_wait3A_600 : memref<1x4x4096xf32, #tpu.memory_space<vmem>> -> memref<4x4096xf32, #tpu.memory_space<vmem>>
          %dma_wait3A_602 = arith.constant 0 : i32
          %dma_wait3A_603 = arith.constant 0 : i32
          %dma_wait3A_604 = tpu.memref_slice %dma_wait3A_601[%dma_wait3A_602, %dma_wait3A_603] : memref<4x4096xf32, #tpu.memory_space<vmem>> -> memref<4x1024xf32, #tpu.memory_space<vmem>>
          tpu.wait_dma2 semaphore(%dma_wait3A_596 : memref<!tpu.dma_semaphore, #tpu.memory_space<semaphore_mem>>) src(%dma_wait3A_604 : memref<4x1024xf32, #tpu.memory_space<vmem>>) dst(%dma_wait3A_597 : memref<4x1024xf32, #tpu.memory_space<hbm>>)
          %dma_wait3A_605 = arith.constant 2 : i32
          %dma_wait3A_606 = arith.constant 2 : i32
          %dma_wait3A_607 = arith.constant 0 : i32
          %dma_wait3A_608 = arith.constant 0 : i32
          %dma_wait3A_609 = tpu.memref_slice %arg7[%dma_wait3A_605, %dma_wait3A_607, %dma_wait3A_608] : memref<3x4x4096xf32, #tpu.memory_space<vmem>> -> memref<1x4x4096xf32, #tpu.memory_space<vmem>>
          %dma_wait3A_610 = tpu.memref_squeeze %dma_wait3A_609 : memref<1x4x4096xf32, #tpu.memory_space<vmem>> -> memref<4x4096xf32, #tpu.memory_space<vmem>>
          %dma_wait3A_611 = arith.constant 0 : i32
          %dma_wait3A_612 = arith.constant 1024 : i32
          %dma_wait3A_613 = tpu.memref_slice %dma_wait3A_610[%dma_wait3A_611, %dma_wait3A_612] : memref<4x4096xf32, #tpu.memory_space<vmem>> -> memref<4x1024xf32, #tpu.memory_space<vmem>>
          %dma_wait3A_614 = tpu.memref_slice %arg4[%mul3A_568, %add3A_572] : memref<200x131072xf32, #tpu.memory_space<hbm>> -> memref<4x1024xf32, #tpu.memory_space<hbm>>
          %dma_wait3A_615 = tpu.memref_slice %arg9[%dma_wait3A_606] : memref<3x!tpu.dma_semaphore, #tpu.memory_space<semaphore_mem>> -> memref<1x!tpu.dma_semaphore, #tpu.memory_space<semaphore_mem>>
          %dma_wait3A_616 = tpu.memref_squeeze %dma_wait3A_615 : memref<1x!tpu.dma_semaphore, #tpu.memory_space<semaphore_mem>> -> memref<!tpu.dma_semaphore, #tpu.memory_space<semaphore_mem>>
          %dma_wait3A_617 = tpu.memref_slice %arg4[%mul3A_568, %add3A_572] : memref<200x131072xf32, #tpu.memory_space<hbm>> -> memref<4x1024xf32, #tpu.memory_space<hbm>>
          %dma_wait3A_618 = arith.constant 0 : i32
          %dma_wait3A_619 = arith.constant 0 : i32
          %dma_wait3A_620 = tpu.memref_slice %arg7[%dma_wait3A_605, %dma_wait3A_618, %dma_wait3A_619] : memref<3x4x4096xf32, #tpu.memory_space<vmem>> -> memref<1x4x4096xf32, #tpu.memory_space<vmem>>
          %dma_wait3A_621 = tpu.memref_squeeze %dma_wait3A_620 : memref<1x4x4096xf32, #tpu.memory_space<vmem>> -> memref<4x4096xf32, #tpu.memory_space<vmem>>
          %dma_wait3A_622 = arith.constant 0 : i32
          %dma_wait3A_623 = arith.constant 1024 : i32
          %dma_wait3A_624 = tpu.memref_slice %dma_wait3A_621[%dma_wait3A_622, %dma_wait3A_623] : memref<4x4096xf32, #tpu.memory_space<vmem>> -> memref<4x1024xf32, #tpu.memory_space<vmem>>
          tpu.wait_dma2 semaphore(%dma_wait3A_616 : memref<!tpu.dma_semaphore, #tpu.memory_space<semaphore_mem>>) src(%dma_wait3A_624 : memref<4x1024xf32, #tpu.memory_space<vmem>>) dst(%dma_wait3A_617 : memref<4x1024xf32, #tpu.memory_space<hbm>>)
          %dma_wait3A_625 = arith.constant 2 : i32
          %dma_wait3A_626 = arith.constant 2 : i32
          %dma_wait3A_627 = arith.constant 0 : i32
          %dma_wait3A_628 = arith.constant 0 : i32
          %dma_wait3A_629 = tpu.memref_slice %arg7[%dma_wait3A_625, %dma_wait3A_627, %dma_wait3A_628] : memref<3x4x4096xf32, #tpu.memory_space<vmem>> -> memref<1x4x4096xf32, #tpu.memory_space<vmem>>
          %dma_wait3A_630 = tpu.memref_squeeze %dma_wait3A_629 : memref<1x4x4096xf32, #tpu.memory_space<vmem>> -> memref<4x4096xf32, #tpu.memory_space<vmem>>
          %dma_wait3A_631 = arith.constant 0 : i32
          %dma_wait3A_632 = arith.constant 2048 : i32
          %dma_wait3A_633 = tpu.memref_slice %dma_wait3A_630[%dma_wait3A_631, %dma_wait3A_632] : memref<4x4096xf32, #tpu.memory_space<vmem>> -> memref<4x1024xf32, #tpu.memory_space<vmem>>
          %dma_wait3A_634 = tpu.memref_slice %arg4[%mul3A_574, %add3A_578] : memref<200x131072xf32, #tpu.memory_space<hbm>> -> memref<4x1024xf32, #tpu.memory_space<hbm>>
          %dma_wait3A_635 = tpu.memref_slice %arg9[%dma_wait3A_626] : memref<3x!tpu.dma_semaphore, #tpu.memory_space<semaphore_mem>> -> memref<1x!tpu.dma_semaphore, #tpu.memory_space<semaphore_mem>>
          %dma_wait3A_636 = tpu.memref_squeeze %dma_wait3A_635 : memref<1x!tpu.dma_semaphore, #tpu.memory_space<semaphore_mem>> -> memref<!tpu.dma_semaphore, #tpu.memory_space<semaphore_mem>>
          %dma_wait3A_637 = tpu.memref_slice %arg4[%mul3A_574, %add3A_578] : memref<200x131072xf32, #tpu.memory_space<hbm>> -> memref<4x1024xf32, #tpu.memory_space<hbm>>
          %dma_wait3A_638 = arith.constant 0 : i32
          %dma_wait3A_639 = arith.constant 0 : i32
          %dma_wait3A_640 = tpu.memref_slice %arg7[%dma_wait3A_625, %dma_wait3A_638, %dma_wait3A_639] : memref<3x4x4096xf32, #tpu.memory_space<vmem>> -> memref<1x4x4096xf32, #tpu.memory_space<vmem>>
          %dma_wait3A_641 = tpu.memref_squeeze %dma_wait3A_640 : memref<1x4x4096xf32, #tpu.memory_space<vmem>> -> memref<4x4096xf32, #tpu.memory_space<vmem>>
          %dma_wait3A_642 = arith.constant 0 : i32
          %dma_wait3A_643 = arith.constant 2048 : i32
          %dma_wait3A_644 = tpu.memref_slice %dma_wait3A_641[%dma_wait3A_642, %dma_wait3A_643] : memref<4x4096xf32, #tpu.memory_space<vmem>> -> memref<4x1024xf32, #tpu.memory_space<vmem>>
          tpu.wait_dma2 semaphore(%dma_wait3A_636 : memref<!tpu.dma_semaphore, #tpu.memory_space<semaphore_mem>>) src(%dma_wait3A_644 : memref<4x1024xf32, #tpu.memory_space<vmem>>) dst(%dma_wait3A_637 : memref<4x1024xf32, #tpu.memory_space<hbm>>)
          %dma_wait3A_645 = arith.constant 2 : i32
          %dma_wait3A_646 = arith.constant 2 : i32
          %dma_wait3A_647 = arith.constant 0 : i32
          %dma_wait3A_648 = arith.constant 0 : i32
          %dma_wait3A_649 = tpu.memref_slice %arg7[%dma_wait3A_645, %dma_wait3A_647, %dma_wait3A_648] : memref<3x4x4096xf32, #tpu.memory_space<vmem>> -> memref<1x4x4096xf32, #tpu.memory_space<vmem>>
          %dma_wait3A_650 = tpu.memref_squeeze %dma_wait3A_649 : memref<1x4x4096xf32, #tpu.memory_space<vmem>> -> memref<4x4096xf32, #tpu.memory_space<vmem>>
          %dma_wait3A_651 = arith.constant 0 : i32
          %dma_wait3A_652 = arith.constant 3072 : i32
          %dma_wait3A_653 = tpu.memref_slice %dma_wait3A_650[%dma_wait3A_651, %dma_wait3A_652] : memref<4x4096xf32, #tpu.memory_space<vmem>> -> memref<4x1024xf32, #tpu.memory_space<vmem>>
          %dma_wait3A_654 = tpu.memref_slice %arg4[%mul3A_580, %add3A_584] : memref<200x131072xf32, #tpu.memory_space<hbm>> -> memref<4x1024xf32, #tpu.memory_space<hbm>>
          %dma_wait3A_655 = tpu.memref_slice %arg9[%dma_wait3A_646] : memref<3x!tpu.dma_semaphore, #tpu.memory_space<semaphore_mem>> -> memref<1x!tpu.dma_semaphore, #tpu.memory_space<semaphore_mem>>
          %dma_wait3A_656 = tpu.memref_squeeze %dma_wait3A_655 : memref<1x!tpu.dma_semaphore, #tpu.memory_space<semaphore_mem>> -> memref<!tpu.dma_semaphore, #tpu.memory_space<semaphore_mem>>
          %dma_wait3A_657 = tpu.memref_slice %arg4[%mul3A_580, %add3A_584] : memref<200x131072xf32, #tpu.memory_space<hbm>> -> memref<4x1024xf32, #tpu.memory_space<hbm>>
          %dma_wait3A_658 = arith.constant 0 : i32
          %dma_wait3A_659 = arith.constant 0 : i32
          %dma_wait3A_660 = tpu.memref_slice %arg7[%dma_wait3A_645, %dma_wait3A_658, %dma_wait3A_659] : memref<3x4x4096xf32, #tpu.memory_space<vmem>> -> memref<1x4x4096xf32, #tpu.memory_space<vmem>>
          %dma_wait3A_661 = tpu.memref_squeeze %dma_wait3A_660 : memref<1x4x4096xf32, #tpu.memory_space<vmem>> -> memref<4x4096xf32, #tpu.memory_space<vmem>>
          %dma_wait3A_662 = arith.constant 0 : i32
          %dma_wait3A_663 = arith.constant 3072 : i32
          %dma_wait3A_664 = tpu.memref_slice %dma_wait3A_661[%dma_wait3A_662, %dma_wait3A_663] : memref<4x4096xf32, #tpu.memory_space<vmem>> -> memref<4x1024xf32, #tpu.memory_space<vmem>>
          tpu.wait_dma2 semaphore(%dma_wait3A_656 : memref<!tpu.dma_semaphore, #tpu.memory_space<semaphore_mem>>) src(%dma_wait3A_664 : memref<4x1024xf32, #tpu.memory_space<vmem>>) dst(%dma_wait3A_657 : memref<4x1024xf32, #tpu.memory_space<hbm>>)
        } else {
        }
        %add3A_336 = arith.constant 3 : i32
        %add3A_337 = arith.addi %add3A_310, %add3A_336 : i32
        %sub3A = arith.constant 1 : i32
        %sub3A_338 = arith.subi %add3A_337, %sub3A : i32
        %lt3A_339 = arith.constant 50 : i32
        %lt3A_340 = arith.cmpi slt, %sub3A_338, %lt3A_339 : i32
        %convert_element_type3A_341 = arith.extui %lt3A_340 : i1 to i32
        %cond3A_342 = arith.constant 0 : i32
        %cond3A_343 = arith.cmpi ne, %convert_element_type3A_341, %cond3A_342 : i32
        scf.if %cond3A_343 {
          %add3A_559 = arith.constant 3 : i32
          %add3A_560 = arith.addi %add3A_310, %add3A_559 : i32
          %sub3A_561 = arith.constant 1 : i32
          %sub3A_562 = arith.subi %add3A_560, %sub3A_561 : i32
          %mul3A_563 = arith.constant 4 : i32
          %mul3A_564 = arith.muli %sub3A_562, %mul3A_563 : i32
          %run_scoped3A_565 = arith.constant 2 : i32
          "tpu.region"() ({
            %run_scoped3A_658 = tpu.sem_alloc : memref<!tpu.dma_semaphore, #tpu.memory_space<semaphore_mem>>
            %dma_start3A_659 = arith.constant 0 : i32
            %dma_start3A_660 = arith.constant 0 : i32
            %dma_start3A_661 = tpu.memref_slice %arg5[%run_scoped3A_565, %dma_start3A_659, %dma_start3A_660] : memref<3x4x128xi32, #tpu.memory_space<vmem>> -> memref<1x4x128xi32, #tpu.memory_space<vmem>>
            %dma_start3A_662 = tpu.memref_squeeze %dma_start3A_661 : memref<1x4x128xi32, #tpu.memory_space<vmem>> -> memref<4x128xi32, #tpu.memory_space<vmem>>
            %dma_start3A_663 = tpu.memref_slice %arg2[%mul3A_564, %mul3A_2] : memref<200x4096xi32, #tpu.memory_space<hbm>> -> memref<4x128xi32, #tpu.memory_space<hbm>>
            %dma_start3A_664 = arith.constant 0 : i32
            %dma_start3A_665 = arith.constant 0 : i32
            %dma_start3A_666 = tpu.memref_slice %arg5[%run_scoped3A_565, %dma_start3A_664, %dma_start3A_665] : memref<3x4x128xi32, #tpu.memory_space<vmem>> -> memref<1x4x128xi32, #tpu.memory_space<vmem>>
            %dma_start3A_667 = tpu.memref_squeeze %dma_start3A_666 : memref<1x4x128xi32, #tpu.memory_space<vmem>> -> memref<4x128xi32, #tpu.memory_space<vmem>>
            %dma_start3A_668 = tpu.memref_slice %arg2[%mul3A_564, %mul3A_2] : memref<200x4096xi32, #tpu.memory_space<hbm>> -> memref<4x128xi32, #tpu.memory_space<hbm>>
            tpu.enqueue_dma source(%dma_start3A_668 : memref<4x128xi32, #tpu.memory_space<hbm>>) target(%dma_start3A_667 : memref<4x128xi32, #tpu.memory_space<vmem>>) target_semaphore(%run_scoped3A_658 : memref<!tpu.dma_semaphore, #tpu.memory_space<semaphore_mem>>)
            %dma_wait3A_669 = arith.constant 0 : i32
            %dma_wait3A_670 = arith.constant 0 : i32
            %dma_wait3A_671 = tpu.memref_slice %arg5[%run_scoped3A_565, %dma_wait3A_669, %dma_wait3A_670] : memref<3x4x128xi32, #tpu.memory_space<vmem>> -> memref<1x4x128xi32, #tpu.memory_space<vmem>>
            %dma_wait3A_672 = tpu.memref_squeeze %dma_wait3A_671 : memref<1x4x128xi32, #tpu.memory_space<vmem>> -> memref<4x128xi32, #tpu.memory_space<vmem>>
            %dma_wait3A_673 = tpu.memref_slice %arg2[%mul3A_564, %mul3A_2] : memref<200x4096xi32, #tpu.memory_space<hbm>> -> memref<4x128xi32, #tpu.memory_space<hbm>>
            %dma_wait3A_674 = arith.constant 0 : i32
            %dma_wait3A_675 = arith.constant 0 : i32
            %dma_wait3A_676 = tpu.memref_slice %arg5[%run_scoped3A_565, %dma_wait3A_674, %dma_wait3A_675] : memref<3x4x128xi32, #tpu.memory_space<vmem>> -> memref<1x4x128xi32, #tpu.memory_space<vmem>>
            %dma_wait3A_677 = tpu.memref_squeeze %dma_wait3A_676 : memref<1x4x128xi32, #tpu.memory_space<vmem>> -> memref<4x128xi32, #tpu.memory_space<vmem>>
            %dma_wait3A_678 = tpu.memref_slice %arg2[%mul3A_564, %mul3A_2] : memref<200x4096xi32, #tpu.memory_space<hbm>> -> memref<4x128xi32, #tpu.memory_space<hbm>>
            tpu.wait_dma2 semaphore(%run_scoped3A_658 : memref<!tpu.dma_semaphore, #tpu.memory_space<semaphore_mem>>) src(%dma_wait3A_678 : memref<4x128xi32, #tpu.memory_space<hbm>>) dst(%dma_wait3A_677 : memref<4x128xi32, #tpu.memory_space<vmem>>)
            tpu.yield
          }) : () -> ()
          %dma_start3A_566 = arith.constant 2 : i32
          %dma_start3A_567 = arith.constant 0 : i32
          %dma_start3A_568 = arith.constant 2 : i32
          %dma_start3A_569 = arith.constant 2 : i32
          %dma_start3A_570 = arith.constant 0 : i32
          %dma_start3A_571 = arith.constant 0 : i32
          %dma_start3A_572 = tpu.memref_slice %arg6[%dma_start3A_568, %dma_start3A_570, %dma_start3A_571] : memref<3x512x32xf32, #tpu.memory_space<vmem>> -> memref<1x512x32xf32, #tpu.memory_space<vmem>>
          %dma_start3A_573 = tpu.memref_squeeze %dma_start3A_572 : memref<1x512x32xf32, #tpu.memory_space<vmem>> -> memref<512x32xf32, #tpu.memory_space<vmem>>
          %dma_start3A_574 = arith.constant 0 : i32
          %dma_start3A_575 = arith.constant 0 : i32
          %dma_start3A_576 = tpu.memref_slice %dma_start3A_573[%dma_start3A_574, %dma_start3A_575] : memref<512x32xf32, #tpu.memory_space<vmem>> -> memref<128x32xf32, #tpu.memory_space<vmem>>
          %dma_start3A_577 = arith.constant 0 : i32
          %dma_start3A_578 = arith.constant 0 : i32
          %dma_start3A_579 = tpu.memref_slice %arg5[%dma_start3A_566, %dma_start3A_577, %dma_start3A_578] : memref<3x4x128xi32, #tpu.memory_space<vmem>> -> memref<1x4x128xi32, #tpu.memory_space<vmem>>
          %dma_start3A_580 = tpu.memref_squeeze %dma_start3A_579 : memref<1x4x128xi32, #tpu.memory_space<vmem>> -> memref<4x128xi32, #tpu.memory_space<vmem>>
          %dma_start3A_581 = arith.constant 0 : i32
          %dma_start3A_582 = tpu.memref_slice %dma_start3A_580[%dma_start3A_567, %dma_start3A_581] : memref<4x128xi32, #tpu.memory_space<vmem>> -> memref<1x128xi32, #tpu.memory_space<vmem>>
          %dma_start3A_583 = tpu.memref_squeeze %dma_start3A_582 : memref<1x128xi32, #tpu.memory_space<vmem>> -> memref<128xi32, #tpu.memory_space<vmem>>
          %dma_start3A_584 = arith.constant 0 : i32
          %dma_start3A_585 = arith.constant 0 : i32
          %dma_start3A_586 = tpu.memref_slice %arg3[%dma_start3A_584, %dma_start3A_585] : memref<1000000x32xf32, #tpu.memory_space<hbm>> -> memref<1000000x32xf32, #tpu.memory_space<hbm>>
          %dma_start3A_587 = tpu.memref_slice %arg8[%dma_start3A_569] : memref<3x!tpu.dma_semaphore, #tpu.memory_space<semaphore_mem>> -> memref<1x!tpu.dma_semaphore, #tpu.memory_space<semaphore_mem>>
          %dma_start3A_588 = tpu.memref_squeeze %dma_start3A_587 : memref<1x!tpu.dma_semaphore, #tpu.memory_space<semaphore_mem>> -> memref<!tpu.dma_semaphore, #tpu.memory_space<semaphore_mem>>
          tpu.enqueue_indirect_dma source(%dma_start3A_586 : memref<1000000x32xf32, #tpu.memory_space<hbm>>) target(%dma_start3A_576 : memref<128x32xf32, #tpu.memory_space<vmem>>) offsets(%dma_start3A_583 : memref<128xi32, #tpu.memory_space<vmem>>) semaphore(%dma_start3A_588 : memref<!tpu.dma_semaphore, #tpu.memory_space<semaphore_mem>>)
          %dma_start3A_589 = arith.constant 2 : i32
          %dma_start3A_590 = arith.constant 1 : i32
          %dma_start3A_591 = arith.constant 2 : i32
          %dma_start3A_592 = arith.constant 2 : i32
          %dma_start3A_593 = arith.constant 0 : i32
          %dma_start3A_594 = arith.constant 0 : i32
          %dma_start3A_595 = tpu.memref_slice %arg6[%dma_start3A_591, %dma_start3A_593, %dma_start3A_594] : memref<3x512x32xf32, #tpu.memory_space<vmem>> -> memref<1x512x32xf32, #tpu.memory_space<vmem>>
          %dma_start3A_596 = tpu.memref_squeeze %dma_start3A_595 : memref<1x512x32xf32, #tpu.memory_space<vmem>> -> memref<512x32xf32, #tpu.memory_space<vmem>>
          %dma_start3A_597 = arith.constant 128 : i32
          %dma_start3A_598 = arith.constant 0 : i32
          %dma_start3A_599 = tpu.memref_slice %dma_start3A_596[%dma_start3A_597, %dma_start3A_598] : memref<512x32xf32, #tpu.memory_space<vmem>> -> memref<128x32xf32, #tpu.memory_space<vmem>>
          %dma_start3A_600 = arith.constant 0 : i32
          %dma_start3A_601 = arith.constant 0 : i32
          %dma_start3A_602 = tpu.memref_slice %arg5[%dma_start3A_589, %dma_start3A_600, %dma_start3A_601] : memref<3x4x128xi32, #tpu.memory_space<vmem>> -> memref<1x4x128xi32, #tpu.memory_space<vmem>>
          %dma_start3A_603 = tpu.memref_squeeze %dma_start3A_602 : memref<1x4x128xi32, #tpu.memory_space<vmem>> -> memref<4x128xi32, #tpu.memory_space<vmem>>
          %dma_start3A_604 = arith.constant 0 : i32
          %dma_start3A_605 = tpu.memref_slice %dma_start3A_603[%dma_start3A_590, %dma_start3A_604] : memref<4x128xi32, #tpu.memory_space<vmem>> -> memref<1x128xi32, #tpu.memory_space<vmem>>
          %dma_start3A_606 = tpu.memref_squeeze %dma_start3A_605 : memref<1x128xi32, #tpu.memory_space<vmem>> -> memref<128xi32, #tpu.memory_space<vmem>>
          %dma_start3A_607 = arith.constant 0 : i32
          %dma_start3A_608 = arith.constant 0 : i32
          %dma_start3A_609 = tpu.memref_slice %arg3[%dma_start3A_607, %dma_start3A_608] : memref<1000000x32xf32, #tpu.memory_space<hbm>> -> memref<1000000x32xf32, #tpu.memory_space<hbm>>
          %dma_start3A_610 = tpu.memref_slice %arg8[%dma_start3A_592] : memref<3x!tpu.dma_semaphore, #tpu.memory_space<semaphore_mem>> -> memref<1x!tpu.dma_semaphore, #tpu.memory_space<semaphore_mem>>
          %dma_start3A_611 = tpu.memref_squeeze %dma_start3A_610 : memref<1x!tpu.dma_semaphore, #tpu.memory_space<semaphore_mem>> -> memref<!tpu.dma_semaphore, #tpu.memory_space<semaphore_mem>>
          tpu.enqueue_indirect_dma source(%dma_start3A_609 : memref<1000000x32xf32, #tpu.memory_space<hbm>>) target(%dma_start3A_599 : memref<128x32xf32, #tpu.memory_space<vmem>>) offsets(%dma_start3A_606 : memref<128xi32, #tpu.memory_space<vmem>>) semaphore(%dma_start3A_611 : memref<!tpu.dma_semaphore, #tpu.memory_space<semaphore_mem>>)
          %dma_start3A_612 = arith.constant 2 : i32
          %dma_start3A_613 = arith.constant 2 : i32
          %dma_start3A_614 = arith.constant 2 : i32
          %dma_start3A_615 = arith.constant 2 : i32
          %dma_start3A_616 = arith.constant 0 : i32
          %dma_start3A_617 = arith.constant 0 : i32
          %dma_start3A_618 = tpu.memref_slice %arg6[%dma_start3A_614, %dma_start3A_616, %dma_start3A_617] : memref<3x512x32xf32, #tpu.memory_space<vmem>> -> memref<1x512x32xf32, #tpu.memory_space<vmem>>
          %dma_start3A_619 = tpu.memref_squeeze %dma_start3A_618 : memref<1x512x32xf32, #tpu.memory_space<vmem>> -> memref<512x32xf32, #tpu.memory_space<vmem>>
          %dma_start3A_620 = arith.constant 256 : i32
          %dma_start3A_621 = arith.constant 0 : i32
          %dma_start3A_622 = tpu.memref_slice %dma_start3A_619[%dma_start3A_620, %dma_start3A_621] : memref<512x32xf32, #tpu.memory_space<vmem>> -> memref<128x32xf32, #tpu.memory_space<vmem>>
          %dma_start3A_623 = arith.constant 0 : i32
          %dma_start3A_624 = arith.constant 0 : i32
          %dma_start3A_625 = tpu.memref_slice %arg5[%dma_start3A_612, %dma_start3A_623, %dma_start3A_624] : memref<3x4x128xi32, #tpu.memory_space<vmem>> -> memref<1x4x128xi32, #tpu.memory_space<vmem>>
          %dma_start3A_626 = tpu.memref_squeeze %dma_start3A_625 : memref<1x4x128xi32, #tpu.memory_space<vmem>> -> memref<4x128xi32, #tpu.memory_space<vmem>>
          %dma_start3A_627 = arith.constant 0 : i32
          %dma_start3A_628 = tpu.memref_slice %dma_start3A_626[%dma_start3A_613, %dma_start3A_627] : memref<4x128xi32, #tpu.memory_space<vmem>> -> memref<1x128xi32, #tpu.memory_space<vmem>>
          %dma_start3A_629 = tpu.memref_squeeze %dma_start3A_628 : memref<1x128xi32, #tpu.memory_space<vmem>> -> memref<128xi32, #tpu.memory_space<vmem>>
          %dma_start3A_630 = arith.constant 0 : i32
          %dma_start3A_631 = arith.constant 0 : i32
          %dma_start3A_632 = tpu.memref_slice %arg3[%dma_start3A_630, %dma_start3A_631] : memref<1000000x32xf32, #tpu.memory_space<hbm>> -> memref<1000000x32xf32, #tpu.memory_space<hbm>>
          %dma_start3A_633 = tpu.memref_slice %arg8[%dma_start3A_615] : memref<3x!tpu.dma_semaphore, #tpu.memory_space<semaphore_mem>> -> memref<1x!tpu.dma_semaphore, #tpu.memory_space<semaphore_mem>>
          %dma_start3A_634 = tpu.memref_squeeze %dma_start3A_633 : memref<1x!tpu.dma_semaphore, #tpu.memory_space<semaphore_mem>> -> memref<!tpu.dma_semaphore, #tpu.memory_space<semaphore_mem>>
          tpu.enqueue_indirect_dma source(%dma_start3A_632 : memref<1000000x32xf32, #tpu.memory_space<hbm>>) target(%dma_start3A_622 : memref<128x32xf32, #tpu.memory_space<vmem>>) offsets(%dma_start3A_629 : memref<128xi32, #tpu.memory_space<vmem>>) semaphore(%dma_start3A_634 : memref<!tpu.dma_semaphore, #tpu.memory_space<semaphore_mem>>)
          %dma_start3A_635 = arith.constant 2 : i32
          %dma_start3A_636 = arith.constant 3 : i32
          %dma_start3A_637 = arith.constant 2 : i32
          %dma_start3A_638 = arith.constant 2 : i32
          %dma_start3A_639 = arith.constant 0 : i32
          %dma_start3A_640 = arith.constant 0 : i32
          %dma_start3A_641 = tpu.memref_slice %arg6[%dma_start3A_637, %dma_start3A_639, %dma_start3A_640] : memref<3x512x32xf32, #tpu.memory_space<vmem>> -> memref<1x512x32xf32, #tpu.memory_space<vmem>>
          %dma_start3A_642 = tpu.memref_squeeze %dma_start3A_641 : memref<1x512x32xf32, #tpu.memory_space<vmem>> -> memref<512x32xf32, #tpu.memory_space<vmem>>
          %dma_start3A_643 = arith.constant 384 : i32
          %dma_start3A_644 = arith.constant 0 : i32
          %dma_start3A_645 = tpu.memref_slice %dma_start3A_642[%dma_start3A_643, %dma_start3A_644] : memref<512x32xf32, #tpu.memory_space<vmem>> -> memref<128x32xf32, #tpu.memory_space<vmem>>
          %dma_start3A_646 = arith.constant 0 : i32
          %dma_start3A_647 = arith.constant 0 : i32
          %dma_start3A_648 = tpu.memref_slice %arg5[%dma_start3A_635, %dma_start3A_646, %dma_start3A_647] : memref<3x4x128xi32, #tpu.memory_space<vmem>> -> memref<1x4x128xi32, #tpu.memory_space<vmem>>
          %dma_start3A_649 = tpu.memref_squeeze %dma_start3A_648 : memref<1x4x128xi32, #tpu.memory_space<vmem>> -> memref<4x128xi32, #tpu.memory_space<vmem>>
          %dma_start3A_650 = arith.constant 0 : i32
          %dma_start3A_651 = tpu.memref_slice %dma_start3A_649[%dma_start3A_636, %dma_start3A_650] : memref<4x128xi32, #tpu.memory_space<vmem>> -> memref<1x128xi32, #tpu.memory_space<vmem>>
          %dma_start3A_652 = tpu.memref_squeeze %dma_start3A_651 : memref<1x128xi32, #tpu.memory_space<vmem>> -> memref<128xi32, #tpu.memory_space<vmem>>
          %dma_start3A_653 = arith.constant 0 : i32
          %dma_start3A_654 = arith.constant 0 : i32
          %dma_start3A_655 = tpu.memref_slice %arg3[%dma_start3A_653, %dma_start3A_654] : memref<1000000x32xf32, #tpu.memory_space<hbm>> -> memref<1000000x32xf32, #tpu.memory_space<hbm>>
          %dma_start3A_656 = tpu.memref_slice %arg8[%dma_start3A_638] : memref<3x!tpu.dma_semaphore, #tpu.memory_space<semaphore_mem>> -> memref<1x!tpu.dma_semaphore, #tpu.memory_space<semaphore_mem>>
          %dma_start3A_657 = tpu.memref_squeeze %dma_start3A_656 : memref<1x!tpu.dma_semaphore, #tpu.memory_space<semaphore_mem>> -> memref<!tpu.dma_semaphore, #tpu.memory_space<semaphore_mem>>
          tpu.enqueue_indirect_dma source(%dma_start3A_655 : memref<1000000x32xf32, #tpu.memory_space<hbm>>) target(%dma_start3A_645 : memref<128x32xf32, #tpu.memory_space<vmem>>) offsets(%dma_start3A_652 : memref<128xi32, #tpu.memory_space<vmem>>) semaphore(%dma_start3A_657 : memref<!tpu.dma_semaphore, #tpu.memory_space<semaphore_mem>>)
        } else {
        }
        %dma_wait3A_344 = arith.constant 0 : i32
        %dma_wait3A_345 = arith.constant 0 : i32
        %dma_wait3A_346 = arith.constant 0 : i32
        %dma_wait3A_347 = arith.constant 0 : i32
        %dma_wait3A_348 = arith.constant 0 : i32
        %dma_wait3A_349 = arith.constant 0 : i32
        %dma_wait3A_350 = tpu.memref_slice %arg6[%dma_wait3A_346, %dma_wait3A_348, %dma_wait3A_349] : memref<3x512x32xf32, #tpu.memory_space<vmem>> -> memref<1x512x32xf32, #tpu.memory_space<vmem>>
        %dma_wait3A_351 = tpu.memref_squeeze %dma_wait3A_350 : memref<1x512x32xf32, #tpu.memory_space<vmem>> -> memref<512x32xf32, #tpu.memory_space<vmem>>
        %dma_wait3A_352 = arith.constant 0 : i32
        %dma_wait3A_353 = arith.constant 0 : i32
        %dma_wait3A_354 = tpu.memref_slice %dma_wait3A_351[%dma_wait3A_352, %dma_wait3A_353] : memref<512x32xf32, #tpu.memory_space<vmem>> -> memref<128x32xf32, #tpu.memory_space<vmem>>
        %dma_wait3A_355 = arith.constant 0 : i32
        %dma_wait3A_356 = arith.constant 0 : i32
        %dma_wait3A_357 = tpu.memref_slice %arg5[%dma_wait3A_344, %dma_wait3A_355, %dma_wait3A_356] : memref<3x4x128xi32, #tpu.memory_space<vmem>> -> memref<1x4x128xi32, #tpu.memory_space<vmem>>
        %dma_wait3A_358 = tpu.memref_squeeze %dma_wait3A_357 : memref<1x4x128xi32, #tpu.memory_space<vmem>> -> memref<4x128xi32, #tpu.memory_space<vmem>>
        %dma_wait3A_359 = arith.constant 0 : i32
        %dma_wait3A_360 = tpu.memref_slice %dma_wait3A_358[%dma_wait3A_345, %dma_wait3A_359] : memref<4x128xi32, #tpu.memory_space<vmem>> -> memref<1x128xi32, #tpu.memory_space<vmem>>
        %dma_wait3A_361 = tpu.memref_squeeze %dma_wait3A_360 : memref<1x128xi32, #tpu.memory_space<vmem>> -> memref<128xi32, #tpu.memory_space<vmem>>
        %dma_wait3A_362 = arith.constant 0 : i32
        %dma_wait3A_363 = arith.constant 0 : i32
        %dma_wait3A_364 = tpu.memref_slice %arg3[%dma_wait3A_362, %dma_wait3A_363] : memref<1000000x32xf32, #tpu.memory_space<hbm>> -> memref<1000000x32xf32, #tpu.memory_space<hbm>>
        %dma_wait3A_365 = tpu.memref_slice %arg8[%dma_wait3A_347] : memref<3x!tpu.dma_semaphore, #tpu.memory_space<semaphore_mem>> -> memref<1x!tpu.dma_semaphore, #tpu.memory_space<semaphore_mem>>
        %dma_wait3A_366 = tpu.memref_squeeze %dma_wait3A_365 : memref<1x!tpu.dma_semaphore, #tpu.memory_space<semaphore_mem>> -> memref<!tpu.dma_semaphore, #tpu.memory_space<semaphore_mem>>
        tpu.wait_indirect_dma semaphore(%dma_wait3A_366 : memref<!tpu.dma_semaphore, #tpu.memory_space<semaphore_mem>>) src(%dma_wait3A_364 : memref<1000000x32xf32, #tpu.memory_space<hbm>>) dst(%dma_wait3A_354 : memref<128x32xf32, #tpu.memory_space<vmem>>)
        %dma_wait3A_367 = arith.constant 0 : i32
        %dma_wait3A_368 = arith.constant 1 : i32
        %dma_wait3A_369 = arith.constant 0 : i32
        %dma_wait3A_370 = arith.constant 0 : i32
        %dma_wait3A_371 = arith.constant 0 : i32
        %dma_wait3A_372 = arith.constant 0 : i32
        %dma_wait3A_373 = tpu.memref_slice %arg6[%dma_wait3A_369, %dma_wait3A_371, %dma_wait3A_372] : memref<3x512x32xf32, #tpu.memory_space<vmem>> -> memref<1x512x32xf32, #tpu.memory_space<vmem>>
        %dma_wait3A_374 = tpu.memref_squeeze %dma_wait3A_373 : memref<1x512x32xf32, #tpu.memory_space<vmem>> -> memref<512x32xf32, #tpu.memory_space<vmem>>
        %dma_wait3A_375 = arith.constant 128 : i32
        %dma_wait3A_376 = arith.constant 0 : i32
        %dma_wait3A_377 = tpu.memref_slice %dma_wait3A_374[%dma_wait3A_375, %dma_wait3A_376] : memref<512x32xf32, #tpu.memory_space<vmem>> -> memref<128x32xf32, #tpu.memory_space<vmem>>
        %dma_wait3A_378 = arith.constant 0 : i32
        %dma_wait3A_379 = arith.constant 0 : i32
        %dma_wait3A_380 = tpu.memref_slice %arg5[%dma_wait3A_367, %dma_wait3A_378, %dma_wait3A_379] : memref<3x4x128xi32, #tpu.memory_space<vmem>> -> memref<1x4x128xi32, #tpu.memory_space<vmem>>
        %dma_wait3A_381 = tpu.memref_squeeze %dma_wait3A_380 : memref<1x4x128xi32, #tpu.memory_space<vmem>> -> memref<4x128xi32, #tpu.memory_space<vmem>>
        %dma_wait3A_382 = arith.constant 0 : i32
        %dma_wait3A_383 = tpu.memref_slice %dma_wait3A_381[%dma_wait3A_368, %dma_wait3A_382] : memref<4x128xi32, #tpu.memory_space<vmem>> -> memref<1x128xi32, #tpu.memory_space<vmem>>
        %dma_wait3A_384 = tpu.memref_squeeze %dma_wait3A_383 : memref<1x128xi32, #tpu.memory_space<vmem>> -> memref<128xi32, #tpu.memory_space<vmem>>
        %dma_wait3A_385 = arith.constant 0 : i32
        %dma_wait3A_386 = arith.constant 0 : i32
        %dma_wait3A_387 = tpu.memref_slice %arg3[%dma_wait3A_385, %dma_wait3A_386] : memref<1000000x32xf32, #tpu.memory_space<hbm>> -> memref<1000000x32xf32, #tpu.memory_space<hbm>>
        %dma_wait3A_388 = tpu.memref_slice %arg8[%dma_wait3A_370] : memref<3x!tpu.dma_semaphore, #tpu.memory_space<semaphore_mem>> -> memref<1x!tpu.dma_semaphore, #tpu.memory_space<semaphore_mem>>
        %dma_wait3A_389 = tpu.memref_squeeze %dma_wait3A_388 : memref<1x!tpu.dma_semaphore, #tpu.memory_space<semaphore_mem>> -> memref<!tpu.dma_semaphore, #tpu.memory_space<semaphore_mem>>
        tpu.wait_indirect_dma semaphore(%dma_wait3A_389 : memref<!tpu.dma_semaphore, #tpu.memory_space<semaphore_mem>>) src(%dma_wait3A_387 : memref<1000000x32xf32, #tpu.memory_space<hbm>>) dst(%dma_wait3A_377 : memref<128x32xf32, #tpu.memory_space<vmem>>)
        %dma_wait3A_390 = arith.constant 0 : i32
        %dma_wait3A_391 = arith.constant 2 : i32
        %dma_wait3A_392 = arith.constant 0 : i32
        %dma_wait3A_393 = arith.constant 0 : i32
        %dma_wait3A_394 = arith.constant 0 : i32
        %dma_wait3A_395 = arith.constant 0 : i32
        %dma_wait3A_396 = tpu.memref_slice %arg6[%dma_wait3A_392, %dma_wait3A_394, %dma_wait3A_395] : memref<3x512x32xf32, #tpu.memory_space<vmem>> -> memref<1x512x32xf32, #tpu.memory_space<vmem>>
        %dma_wait3A_397 = tpu.memref_squeeze %dma_wait3A_396 : memref<1x512x32xf32, #tpu.memory_space<vmem>> -> memref<512x32xf32, #tpu.memory_space<vmem>>
        %dma_wait3A_398 = arith.constant 256 : i32
        %dma_wait3A_399 = arith.constant 0 : i32
        %dma_wait3A_400 = tpu.memref_slice %dma_wait3A_397[%dma_wait3A_398, %dma_wait3A_399] : memref<512x32xf32, #tpu.memory_space<vmem>> -> memref<128x32xf32, #tpu.memory_space<vmem>>
        %dma_wait3A_401 = arith.constant 0 : i32
        %dma_wait3A_402 = arith.constant 0 : i32
        %dma_wait3A_403 = tpu.memref_slice %arg5[%dma_wait3A_390, %dma_wait3A_401, %dma_wait3A_402] : memref<3x4x128xi32, #tpu.memory_space<vmem>> -> memref<1x4x128xi32, #tpu.memory_space<vmem>>
        %dma_wait3A_404 = tpu.memref_squeeze %dma_wait3A_403 : memref<1x4x128xi32, #tpu.memory_space<vmem>> -> memref<4x128xi32, #tpu.memory_space<vmem>>
        %dma_wait3A_405 = arith.constant 0 : i32
        %dma_wait3A_406 = tpu.memref_slice %dma_wait3A_404[%dma_wait3A_391, %dma_wait3A_405] : memref<4x128xi32, #tpu.memory_space<vmem>> -> memref<1x128xi32, #tpu.memory_space<vmem>>
        %dma_wait3A_407 = tpu.memref_squeeze %dma_wait3A_406 : memref<1x128xi32, #tpu.memory_space<vmem>> -> memref<128xi32, #tpu.memory_space<vmem>>
        %dma_wait3A_408 = arith.constant 0 : i32
        %dma_wait3A_409 = arith.constant 0 : i32
        %dma_wait3A_410 = tpu.memref_slice %arg3[%dma_wait3A_408, %dma_wait3A_409] : memref<1000000x32xf32, #tpu.memory_space<hbm>> -> memref<1000000x32xf32, #tpu.memory_space<hbm>>
        %dma_wait3A_411 = tpu.memref_slice %arg8[%dma_wait3A_393] : memref<3x!tpu.dma_semaphore, #tpu.memory_space<semaphore_mem>> -> memref<1x!tpu.dma_semaphore, #tpu.memory_space<semaphore_mem>>
        %dma_wait3A_412 = tpu.memref_squeeze %dma_wait3A_411 : memref<1x!tpu.dma_semaphore, #tpu.memory_space<semaphore_mem>> -> memref<!tpu.dma_semaphore, #tpu.memory_space<semaphore_mem>>
        tpu.wait_indirect_dma semaphore(%dma_wait3A_412 : memref<!tpu.dma_semaphore, #tpu.memory_space<semaphore_mem>>) src(%dma_wait3A_410 : memref<1000000x32xf32, #tpu.memory_space<hbm>>) dst(%dma_wait3A_400 : memref<128x32xf32, #tpu.memory_space<vmem>>)
        %dma_wait3A_413 = arith.constant 0 : i32
        %dma_wait3A_414 = arith.constant 3 : i32
        %dma_wait3A_415 = arith.constant 0 : i32
        %dma_wait3A_416 = arith.constant 0 : i32
        %dma_wait3A_417 = arith.constant 0 : i32
        %dma_wait3A_418 = arith.constant 0 : i32
        %dma_wait3A_419 = tpu.memref_slice %arg6[%dma_wait3A_415, %dma_wait3A_417, %dma_wait3A_418] : memref<3x512x32xf32, #tpu.memory_space<vmem>> -> memref<1x512x32xf32, #tpu.memory_space<vmem>>
        %dma_wait3A_420 = tpu.memref_squeeze %dma_wait3A_419 : memref<1x512x32xf32, #tpu.memory_space<vmem>> -> memref<512x32xf32, #tpu.memory_space<vmem>>
        %dma_wait3A_421 = arith.constant 384 : i32
        %dma_wait3A_422 = arith.constant 0 : i32
        %dma_wait3A_423 = tpu.memref_slice %dma_wait3A_420[%dma_wait3A_421, %dma_wait3A_422] : memref<512x32xf32, #tpu.memory_space<vmem>> -> memref<128x32xf32, #tpu.memory_space<vmem>>
        %dma_wait3A_424 = arith.constant 0 : i32
        %dma_wait3A_425 = arith.constant 0 : i32
        %dma_wait3A_426 = tpu.memref_slice %arg5[%dma_wait3A_413, %dma_wait3A_424, %dma_wait3A_425] : memref<3x4x128xi32, #tpu.memory_space<vmem>> -> memref<1x4x128xi32, #tpu.memory_space<vmem>>
        %dma_wait3A_427 = tpu.memref_squeeze %dma_wait3A_426 : memref<1x4x128xi32, #tpu.memory_space<vmem>> -> memref<4x128xi32, #tpu.memory_space<vmem>>
        %dma_wait3A_428 = arith.constant 0 : i32
        %dma_wait3A_429 = tpu.memref_slice %dma_wait3A_427[%dma_wait3A_414, %dma_wait3A_428] : memref<4x128xi32, #tpu.memory_space<vmem>> -> memref<1x128xi32, #tpu.memory_space<vmem>>
        %dma_wait3A_430 = tpu.memref_squeeze %dma_wait3A_429 : memref<1x128xi32, #tpu.memory_space<vmem>> -> memref<128xi32, #tpu.memory_space<vmem>>
        %dma_wait3A_431 = arith.constant 0 : i32
        %dma_wait3A_432 = arith.constant 0 : i32
        %dma_wait3A_433 = tpu.memref_slice %arg3[%dma_wait3A_431, %dma_wait3A_432] : memref<1000000x32xf32, #tpu.memory_space<hbm>> -> memref<1000000x32xf32, #tpu.memory_space<hbm>>
        %dma_wait3A_434 = tpu.memref_slice %arg8[%dma_wait3A_416] : memref<3x!tpu.dma_semaphore, #tpu.memory_space<semaphore_mem>> -> memref<1x!tpu.dma_semaphore, #tpu.memory_space<semaphore_mem>>
        %dma_wait3A_435 = tpu.memref_squeeze %dma_wait3A_434 : memref<1x!tpu.dma_semaphore, #tpu.memory_space<semaphore_mem>> -> memref<!tpu.dma_semaphore, #tpu.memory_space<semaphore_mem>>
        tpu.wait_indirect_dma semaphore(%dma_wait3A_435 : memref<!tpu.dma_semaphore, #tpu.memory_space<semaphore_mem>>) src(%dma_wait3A_433 : memref<1000000x32xf32, #tpu.memory_space<hbm>>) dst(%dma_wait3A_423 : memref<128x32xf32, #tpu.memory_space<vmem>>)
        %parallel_loop3A = arith.constant 0 : i32
        %parallel_loop3A_436 = arith.constant 128 : i32
        %parallel_loop3A_437 = arith.constant 1 : i32
        %parallel_loop3A_438 = arith.constant 0 : i32
        %parallel_loop3A_439 = arith.constant 0 : i32
        scf.for %parallel_loop3A_559 = %parallel_loop3A to %parallel_loop3A_436 step %parallel_loop3A_437  : i32 {
          %parallel_loop3A_560 = arith.constant 0 : i32
          %parallel_loop3A_561 = arith.addi %parallel_loop3A_560, %parallel_loop3A_559 : i32
          %parallel_loop3A_562 = vector.broadcast %parallel_loop3A_559 : i32 to vector<16xi32>
          %parallel_loop3A_563 = arith.addi %mul3A_189, %parallel_loop3A_562 : vector<16xi32>
          %parallel_loop3A_564 = arith.constant 0 : i32
          %parallel_loop3A_565 = arith.index_cast %parallel_loop3A_564 : i32 to index
          %parallel_loop3A_566 = arith.index_cast %parallel_loop3A_561 : i32 to index
          %parallel_loop3A_567 = arith.constant 0 : index
          %parallel_loop3A_568 = tpu.vector_load %arg6[%parallel_loop3A_565, %parallel_loop3A_566, %parallel_loop3A_567] {strides = array<i32>} : memref<3x512x32xf32, #tpu.memory_space<vmem>>, vector<16xf32>,
          %parallel_loop3A_569 = arith.constant 5.65685415 : f32
          %parallel_loop3A_570 = vector.broadcast %parallel_loop3A_569 : f32 to vector<16xf32>
          %parallel_loop3A_571 = arith.mulf %parallel_loop3A_568, %parallel_loop3A_570 : vector<16xf32>
          %parallel_loop3A_572 = arith.constant 0 : i32
          %parallel_loop3A_573 = arith.constant 0 : i32
          %parallel_loop3A_574 = tpu.memref_slice %arg7[%parallel_loop3A_438, %parallel_loop3A_572, %parallel_loop3A_573] : memref<3x4x4096xf32, #tpu.memory_space<vmem>> -> memref<1x4x4096xf32, #tpu.memory_space<vmem>>
          %parallel_loop3A_575 = tpu.memref_squeeze %parallel_loop3A_574 : memref<1x4x4096xf32, #tpu.memory_space<vmem>> -> memref<4x4096xf32, #tpu.memory_space<vmem>>
          %parallel_loop3A_576 = arith.constant 0 : i32
          %parallel_loop3A_577 = tpu.memref_slice %parallel_loop3A_575[%parallel_loop3A_439, %parallel_loop3A_576] : memref<4x4096xf32, #tpu.memory_space<vmem>> -> memref<1x4096xf32, #tpu.memory_space<vmem>>
          %parallel_loop3A_578 = tpu.memref_squeeze %parallel_loop3A_577 : memref<1x4096xf32, #tpu.memory_space<vmem>> -> memref<4096xf32, #tpu.memory_space<vmem>>
          tpu.vector_store_idx %parallel_loop3A_578[%parallel_loop3A_563], %parallel_loop3A_571 : memref<4096xf32, #tpu.memory_space<vmem>>[vector<16xi32>], vector<16xf32>,
          %parallel_loop3A_579 = vector.broadcast %parallel_loop3A_559 : i32 to vector<16xi32>
          %parallel_loop3A_580 = arith.addi %add3A_195, %parallel_loop3A_579 : vector<16xi32>
          %parallel_loop3A_581 = arith.constant 0 : i32
          %parallel_loop3A_582 = arith.index_cast %parallel_loop3A_581 : i32 to index
          %parallel_loop3A_583 = arith.index_cast %parallel_loop3A_561 : i32 to index
          %parallel_loop3A_584 = arith.constant 16 : index
          %parallel_loop3A_585 = tpu.vector_load %arg6[%parallel_loop3A_582, %parallel_loop3A_583, %parallel_loop3A_584] {strides = array<i32>} : memref<3x512x32xf32, #tpu.memory_space<vmem>>, vector<16xf32>,
          %parallel_loop3A_586 = arith.constant 5.65685415 : f32
          %parallel_loop3A_587 = vector.broadcast %parallel_loop3A_586 : f32 to vector<16xf32>
          %parallel_loop3A_588 = arith.mulf %parallel_loop3A_585, %parallel_loop3A_587 : vector<16xf32>
          %parallel_loop3A_589 = arith.constant 0 : i32
          %parallel_loop3A_590 = arith.constant 0 : i32
          %parallel_loop3A_591 = tpu.memref_slice %arg7[%parallel_loop3A_438, %parallel_loop3A_589, %parallel_loop3A_590] : memref<3x4x4096xf32, #tpu.memory_space<vmem>> -> memref<1x4x4096xf32, #tpu.memory_space<vmem>>
          %parallel_loop3A_592 = tpu.memref_squeeze %parallel_loop3A_591 : memref<1x4x4096xf32, #tpu.memory_space<vmem>> -> memref<4x4096xf32, #tpu.memory_space<vmem>>
          %parallel_loop3A_593 = arith.constant 0 : i32
          %parallel_loop3A_594 = tpu.memref_slice %parallel_loop3A_592[%parallel_loop3A_439, %parallel_loop3A_593] : memref<4x4096xf32, #tpu.memory_space<vmem>> -> memref<1x4096xf32, #tpu.memory_space<vmem>>
          %parallel_loop3A_595 = tpu.memref_squeeze %parallel_loop3A_594 : memref<1x4096xf32, #tpu.memory_space<vmem>> -> memref<4096xf32, #tpu.memory_space<vmem>>
          tpu.vector_store_idx %parallel_loop3A_595[%parallel_loop3A_580], %parallel_loop3A_588 : memref<4096xf32, #tpu.memory_space<vmem>>[vector<16xi32>], vector<16xf32>,
        } {sc.loop_unroll_factor = 8 : i64, sc.parallel_access}
        %parallel_loop3A_440 = arith.constant 0 : i32
        %parallel_loop3A_441 = arith.constant 128 : i32
        %parallel_loop3A_442 = arith.constant 1 : i32
        %parallel_loop3A_443 = arith.constant 0 : i32
        %parallel_loop3A_444 = arith.constant 1 : i32
        scf.for %parallel_loop3A_559 = %parallel_loop3A_440 to %parallel_loop3A_441 step %parallel_loop3A_442  : i32 {
          %parallel_loop3A_560 = arith.constant 128 : i32
          %parallel_loop3A_561 = arith.addi %parallel_loop3A_560, %parallel_loop3A_559 : i32
          %parallel_loop3A_562 = vector.broadcast %parallel_loop3A_559 : i32 to vector<16xi32>
          %parallel_loop3A_563 = arith.addi %mul3A_189, %parallel_loop3A_562 : vector<16xi32>
          %parallel_loop3A_564 = arith.constant 0 : i32
          %parallel_loop3A_565 = arith.index_cast %parallel_loop3A_564 : i32 to index
          %parallel_loop3A_566 = arith.index_cast %parallel_loop3A_561 : i32 to index
          %parallel_loop3A_567 = arith.constant 0 : index
          %parallel_loop3A_568 = tpu.vector_load %arg6[%parallel_loop3A_565, %parallel_loop3A_566, %parallel_loop3A_567] {strides = array<i32>} : memref<3x512x32xf32, #tpu.memory_space<vmem>>, vector<16xf32>,
          %parallel_loop3A_569 = arith.constant 5.65685415 : f32
          %parallel_loop3A_570 = vector.broadcast %parallel_loop3A_569 : f32 to vector<16xf32>
          %parallel_loop3A_571 = arith.mulf %parallel_loop3A_568, %parallel_loop3A_570 : vector<16xf32>
          %parallel_loop3A_572 = arith.constant 0 : i32
          %parallel_loop3A_573 = arith.constant 0 : i32
          %parallel_loop3A_574 = tpu.memref_slice %arg7[%parallel_loop3A_443, %parallel_loop3A_572, %parallel_loop3A_573] : memref<3x4x4096xf32, #tpu.memory_space<vmem>> -> memref<1x4x4096xf32, #tpu.memory_space<vmem>>
          %parallel_loop3A_575 = tpu.memref_squeeze %parallel_loop3A_574 : memref<1x4x4096xf32, #tpu.memory_space<vmem>> -> memref<4x4096xf32, #tpu.memory_space<vmem>>
          %parallel_loop3A_576 = arith.constant 0 : i32
          %parallel_loop3A_577 = tpu.memref_slice %parallel_loop3A_575[%parallel_loop3A_444, %parallel_loop3A_576] : memref<4x4096xf32, #tpu.memory_space<vmem>> -> memref<1x4096xf32, #tpu.memory_space<vmem>>
          %parallel_loop3A_578 = tpu.memref_squeeze %parallel_loop3A_577 : memref<1x4096xf32, #tpu.memory_space<vmem>> -> memref<4096xf32, #tpu.memory_space<vmem>>
          tpu.vector_store_idx %parallel_loop3A_578[%parallel_loop3A_563], %parallel_loop3A_571 : memref<4096xf32, #tpu.memory_space<vmem>>[vector<16xi32>], vector<16xf32>,
          %parallel_loop3A_579 = vector.broadcast %parallel_loop3A_559 : i32 to vector<16xi32>
          %parallel_loop3A_580 = arith.addi %add3A_195, %parallel_loop3A_579 : vector<16xi32>
          %parallel_loop3A_581 = arith.constant 0 : i32
          %parallel_loop3A_582 = arith.index_cast %parallel_loop3A_581 : i32 to index
          %parallel_loop3A_583 = arith.index_cast %parallel_loop3A_561 : i32 to index
          %parallel_loop3A_584 = arith.constant 16 : index
          %parallel_loop3A_585 = tpu.vector_load %arg6[%parallel_loop3A_582, %parallel_loop3A_583, %parallel_loop3A_584] {strides = array<i32>} : memref<3x512x32xf32, #tpu.memory_space<vmem>>, vector<16xf32>,
          %parallel_loop3A_586 = arith.constant 5.65685415 : f32
          %parallel_loop3A_587 = vector.broadcast %parallel_loop3A_586 : f32 to vector<16xf32>
          %parallel_loop3A_588 = arith.mulf %parallel_loop3A_585, %parallel_loop3A_587 : vector<16xf32>
          %parallel_loop3A_589 = arith.constant 0 : i32
          %parallel_loop3A_590 = arith.constant 0 : i32
          %parallel_loop3A_591 = tpu.memref_slice %arg7[%parallel_loop3A_443, %parallel_loop3A_589, %parallel_loop3A_590] : memref<3x4x4096xf32, #tpu.memory_space<vmem>> -> memref<1x4x4096xf32, #tpu.memory_space<vmem>>
          %parallel_loop3A_592 = tpu.memref_squeeze %parallel_loop3A_591 : memref<1x4x4096xf32, #tpu.memory_space<vmem>> -> memref<4x4096xf32, #tpu.memory_space<vmem>>
          %parallel_loop3A_593 = arith.constant 0 : i32
          %parallel_loop3A_594 = tpu.memref_slice %parallel_loop3A_592[%parallel_loop3A_444, %parallel_loop3A_593] : memref<4x4096xf32, #tpu.memory_space<vmem>> -> memref<1x4096xf32, #tpu.memory_space<vmem>>
          %parallel_loop3A_595 = tpu.memref_squeeze %parallel_loop3A_594 : memref<1x4096xf32, #tpu.memory_space<vmem>> -> memref<4096xf32, #tpu.memory_space<vmem>>
          tpu.vector_store_idx %parallel_loop3A_595[%parallel_loop3A_580], %parallel_loop3A_588 : memref<4096xf32, #tpu.memory_space<vmem>>[vector<16xi32>], vector<16xf32>,
        } {sc.loop_unroll_factor = 8 : i64, sc.parallel_access}
        %parallel_loop3A_445 = arith.constant 0 : i32
        %parallel_loop3A_446 = arith.constant 128 : i32
        %parallel_loop3A_447 = arith.constant 1 : i32
        %parallel_loop3A_448 = arith.constant 0 : i32
        %parallel_loop3A_449 = arith.constant 2 : i32
        scf.for %parallel_loop3A_559 = %parallel_loop3A_445 to %parallel_loop3A_446 step %parallel_loop3A_447  : i32 {
          %parallel_loop3A_560 = arith.constant 256 : i32
          %parallel_loop3A_561 = arith.addi %parallel_loop3A_560, %parallel_loop3A_559 : i32
          %parallel_loop3A_562 = vector.broadcast %parallel_loop3A_559 : i32 to vector<16xi32>
          %parallel_loop3A_563 = arith.addi %mul3A_189, %parallel_loop3A_562 : vector<16xi32>
          %parallel_loop3A_564 = arith.constant 0 : i32
          %parallel_loop3A_565 = arith.index_cast %parallel_loop3A_564 : i32 to index
          %parallel_loop3A_566 = arith.index_cast %parallel_loop3A_561 : i32 to index
          %parallel_loop3A_567 = arith.constant 0 : index
          %parallel_loop3A_568 = tpu.vector_load %arg6[%parallel_loop3A_565, %parallel_loop3A_566, %parallel_loop3A_567] {strides = array<i32>} : memref<3x512x32xf32, #tpu.memory_space<vmem>>, vector<16xf32>,
          %parallel_loop3A_569 = arith.constant 5.65685415 : f32
          %parallel_loop3A_570 = vector.broadcast %parallel_loop3A_569 : f32 to vector<16xf32>
          %parallel_loop3A_571 = arith.mulf %parallel_loop3A_568, %parallel_loop3A_570 : vector<16xf32>
          %parallel_loop3A_572 = arith.constant 0 : i32
          %parallel_loop3A_573 = arith.constant 0 : i32
          %parallel_loop3A_574 = tpu.memref_slice %arg7[%parallel_loop3A_448, %parallel_loop3A_572, %parallel_loop3A_573] : memref<3x4x4096xf32, #tpu.memory_space<vmem>> -> memref<1x4x4096xf32, #tpu.memory_space<vmem>>
          %parallel_loop3A_575 = tpu.memref_squeeze %parallel_loop3A_574 : memref<1x4x4096xf32, #tpu.memory_space<vmem>> -> memref<4x4096xf32, #tpu.memory_space<vmem>>
          %parallel_loop3A_576 = arith.constant 0 : i32
          %parallel_loop3A_577 = tpu.memref_slice %parallel_loop3A_575[%parallel_loop3A_449, %parallel_loop3A_576] : memref<4x4096xf32, #tpu.memory_space<vmem>> -> memref<1x4096xf32, #tpu.memory_space<vmem>>
          %parallel_loop3A_578 = tpu.memref_squeeze %parallel_loop3A_577 : memref<1x4096xf32, #tpu.memory_space<vmem>> -> memref<4096xf32, #tpu.memory_space<vmem>>
          tpu.vector_store_idx %parallel_loop3A_578[%parallel_loop3A_563], %parallel_loop3A_571 : memref<4096xf32, #tpu.memory_space<vmem>>[vector<16xi32>], vector<16xf32>,
          %parallel_loop3A_579 = vector.broadcast %parallel_loop3A_559 : i32 to vector<16xi32>
          %parallel_loop3A_580 = arith.addi %add3A_195, %parallel_loop3A_579 : vector<16xi32>
          %parallel_loop3A_581 = arith.constant 0 : i32
          %parallel_loop3A_582 = arith.index_cast %parallel_loop3A_581 : i32 to index
          %parallel_loop3A_583 = arith.index_cast %parallel_loop3A_561 : i32 to index
          %parallel_loop3A_584 = arith.constant 16 : index
          %parallel_loop3A_585 = tpu.vector_load %arg6[%parallel_loop3A_582, %parallel_loop3A_583, %parallel_loop3A_584] {strides = array<i32>} : memref<3x512x32xf32, #tpu.memory_space<vmem>>, vector<16xf32>,
          %parallel_loop3A_586 = arith.constant 5.65685415 : f32
          %parallel_loop3A_587 = vector.broadcast %parallel_loop3A_586 : f32 to vector<16xf32>
          %parallel_loop3A_588 = arith.mulf %parallel_loop3A_585, %parallel_loop3A_587 : vector<16xf32>
          %parallel_loop3A_589 = arith.constant 0 : i32
          %parallel_loop3A_590 = arith.constant 0 : i32
          %parallel_loop3A_591 = tpu.memref_slice %arg7[%parallel_loop3A_448, %parallel_loop3A_589, %parallel_loop3A_590] : memref<3x4x4096xf32, #tpu.memory_space<vmem>> -> memref<1x4x4096xf32, #tpu.memory_space<vmem>>
          %parallel_loop3A_592 = tpu.memref_squeeze %parallel_loop3A_591 : memref<1x4x4096xf32, #tpu.memory_space<vmem>> -> memref<4x4096xf32, #tpu.memory_space<vmem>>
          %parallel_loop3A_593 = arith.constant 0 : i32
          %parallel_loop3A_594 = tpu.memref_slice %parallel_loop3A_592[%parallel_loop3A_449, %parallel_loop3A_593] : memref<4x4096xf32, #tpu.memory_space<vmem>> -> memref<1x4096xf32, #tpu.memory_space<vmem>>
          %parallel_loop3A_595 = tpu.memref_squeeze %parallel_loop3A_594 : memref<1x4096xf32, #tpu.memory_space<vmem>> -> memref<4096xf32, #tpu.memory_space<vmem>>
          tpu.vector_store_idx %parallel_loop3A_595[%parallel_loop3A_580], %parallel_loop3A_588 : memref<4096xf32, #tpu.memory_space<vmem>>[vector<16xi32>], vector<16xf32>,
        } {sc.loop_unroll_factor = 8 : i64, sc.parallel_access}
        %parallel_loop3A_450 = arith.constant 0 : i32
        %parallel_loop3A_451 = arith.constant 128 : i32
        %parallel_loop3A_452 = arith.constant 1 : i32
        %parallel_loop3A_453 = arith.constant 0 : i32
        %parallel_loop3A_454 = arith.constant 3 : i32
        scf.for %parallel_loop3A_559 = %parallel_loop3A_450 to %parallel_loop3A_451 step %parallel_loop3A_452  : i32 {
          %parallel_loop3A_560 = arith.constant 384 : i32
          %parallel_loop3A_561 = arith.addi %parallel_loop3A_560, %parallel_loop3A_559 : i32
          %parallel_loop3A_562 = vector.broadcast %parallel_loop3A_559 : i32 to vector<16xi32>
          %parallel_loop3A_563 = arith.addi %mul3A_189, %parallel_loop3A_562 : vector<16xi32>
          %parallel_loop3A_564 = arith.constant 0 : i32
          %parallel_loop3A_565 = arith.index_cast %parallel_loop3A_564 : i32 to index
          %parallel_loop3A_566 = arith.index_cast %parallel_loop3A_561 : i32 to index
          %parallel_loop3A_567 = arith.constant 0 : index
          %parallel_loop3A_568 = tpu.vector_load %arg6[%parallel_loop3A_565, %parallel_loop3A_566, %parallel_loop3A_567] {strides = array<i32>} : memref<3x512x32xf32, #tpu.memory_space<vmem>>, vector<16xf32>,
          %parallel_loop3A_569 = arith.constant 5.65685415 : f32
          %parallel_loop3A_570 = vector.broadcast %parallel_loop3A_569 : f32 to vector<16xf32>
          %parallel_loop3A_571 = arith.mulf %parallel_loop3A_568, %parallel_loop3A_570 : vector<16xf32>
          %parallel_loop3A_572 = arith.constant 0 : i32
          %parallel_loop3A_573 = arith.constant 0 : i32
          %parallel_loop3A_574 = tpu.memref_slice %arg7[%parallel_loop3A_453, %parallel_loop3A_572, %parallel_loop3A_573] : memref<3x4x4096xf32, #tpu.memory_space<vmem>> -> memref<1x4x4096xf32, #tpu.memory_space<vmem>>
          %parallel_loop3A_575 = tpu.memref_squeeze %parallel_loop3A_574 : memref<1x4x4096xf32, #tpu.memory_space<vmem>> -> memref<4x4096xf32, #tpu.memory_space<vmem>>
          %parallel_loop3A_576 = arith.constant 0 : i32
          %parallel_loop3A_577 = tpu.memref_slice %parallel_loop3A_575[%parallel_loop3A_454, %parallel_loop3A_576] : memref<4x4096xf32, #tpu.memory_space<vmem>> -> memref<1x4096xf32, #tpu.memory_space<vmem>>
          %parallel_loop3A_578 = tpu.memref_squeeze %parallel_loop3A_577 : memref<1x4096xf32, #tpu.memory_space<vmem>> -> memref<4096xf32, #tpu.memory_space<vmem>>
          tpu.vector_store_idx %parallel_loop3A_578[%parallel_loop3A_563], %parallel_loop3A_571 : memref<4096xf32, #tpu.memory_space<vmem>>[vector<16xi32>], vector<16xf32>,
          %parallel_loop3A_579 = vector.broadcast %parallel_loop3A_559 : i32 to vector<16xi32>
          %parallel_loop3A_580 = arith.addi %add3A_195, %parallel_loop3A_579 : vector<16xi32>
          %parallel_loop3A_581 = arith.constant 0 : i32
          %parallel_loop3A_582 = arith.index_cast %parallel_loop3A_581 : i32 to index
          %parallel_loop3A_583 = arith.index_cast %parallel_loop3A_561 : i32 to index
          %parallel_loop3A_584 = arith.constant 16 : index
          %parallel_loop3A_585 = tpu.vector_load %arg6[%parallel_loop3A_582, %parallel_loop3A_583, %parallel_loop3A_584] {strides = array<i32>} : memref<3x512x32xf32, #tpu.memory_space<vmem>>, vector<16xf32>,
          %parallel_loop3A_586 = arith.constant 5.65685415 : f32
          %parallel_loop3A_587 = vector.broadcast %parallel_loop3A_586 : f32 to vector<16xf32>
          %parallel_loop3A_588 = arith.mulf %parallel_loop3A_585, %parallel_loop3A_587 : vector<16xf32>
          %parallel_loop3A_589 = arith.constant 0 : i32
          %parallel_loop3A_590 = arith.constant 0 : i32
          %parallel_loop3A_591 = tpu.memref_slice %arg7[%parallel_loop3A_453, %parallel_loop3A_589, %parallel_loop3A_590] : memref<3x4x4096xf32, #tpu.memory_space<vmem>> -> memref<1x4x4096xf32, #tpu.memory_space<vmem>>
          %parallel_loop3A_592 = tpu.memref_squeeze %parallel_loop3A_591 : memref<1x4x4096xf32, #tpu.memory_space<vmem>> -> memref<4x4096xf32, #tpu.memory_space<vmem>>
          %parallel_loop3A_593 = arith.constant 0 : i32
          %parallel_loop3A_594 = tpu.memref_slice %parallel_loop3A_592[%parallel_loop3A_454, %parallel_loop3A_593] : memref<4x4096xf32, #tpu.memory_space<vmem>> -> memref<1x4096xf32, #tpu.memory_space<vmem>>
          %parallel_loop3A_595 = tpu.memref_squeeze %parallel_loop3A_594 : memref<1x4096xf32, #tpu.memory_space<vmem>> -> memref<4096xf32, #tpu.memory_space<vmem>>
          tpu.vector_store_idx %parallel_loop3A_595[%parallel_loop3A_580], %parallel_loop3A_588 : memref<4096xf32, #tpu.memory_space<vmem>>[vector<16xi32>], vector<16xf32>,
        } {sc.loop_unroll_factor = 8 : i64, sc.parallel_access}
        %mul3A_455 = arith.constant 4 : i32
        %mul3A_456 = arith.muli %add3A_310, %mul3A_455 : i32
        %mul3A_457 = arith.constant 1024 : i32
        %mul3A_458 = arith.muli %add3A, %mul3A_457 : i32
        %add3A_459 = arith.constant 0 : i32
        %add3A_460 = arith.addi %add3A_459, %mul3A_458 : i32
        %mul3A_461 = arith.constant 4 : i32
        %mul3A_462 = arith.muli %add3A_310, %mul3A_461 : i32
        %mul3A_463 = arith.constant 1024 : i32
        %mul3A_464 = arith.muli %add3A, %mul3A_463 : i32
        %add3A_465 = arith.constant 32768 : i32
        %add3A_466 = arith.addi %add3A_465, %mul3A_464 : i32
        %mul3A_467 = arith.constant 4 : i32
        %mul3A_468 = arith.muli %add3A_310, %mul3A_467 : i32
        %mul3A_469 = arith.constant 1024 : i32
        %mul3A_470 = arith.muli %add3A, %mul3A_469 : i32
        %add3A_471 = arith.constant 65536 : i32
        %add3A_472 = arith.addi %add3A_471, %mul3A_470 : i32
        %mul3A_473 = arith.constant 4 : i32
        %mul3A_474 = arith.muli %add3A_310, %mul3A_473 : i32
        %mul3A_475 = arith.constant 1024 : i32
        %mul3A_476 = arith.muli %add3A, %mul3A_475 : i32
        %add3A_477 = arith.constant 98304 : i32
        %add3A_478 = arith.addi %add3A_477, %mul3A_476 : i32
        %dma_start3A_479 = arith.constant 0 : i32
        %dma_start3A_480 = arith.constant 0 : i32
        %dma_start3A_481 = arith.constant 0 : i32
        %dma_start3A_482 = arith.constant 0 : i32
        %dma_start3A_483 = tpu.memref_slice %arg7[%dma_start3A_479, %dma_start3A_481, %dma_start3A_482] : memref<3x4x4096xf32, #tpu.memory_space<vmem>> -> memref<1x4x4096xf32, #tpu.memory_space<vmem>>
        %dma_start3A_484 = tpu.memref_squeeze %dma_start3A_483 : memref<1x4x4096xf32, #tpu.memory_space<vmem>> -> memref<4x4096xf32, #tpu.memory_space<vmem>>
        %dma_start3A_485 = arith.constant 0 : i32
        %dma_start3A_486 = arith.constant 0 : i32
        %dma_start3A_487 = tpu.memref_slice %dma_start3A_484[%dma_start3A_485, %dma_start3A_486] : memref<4x4096xf32, #tpu.memory_space<vmem>> -> memref<4x1024xf32, #tpu.memory_space<vmem>>
        %dma_start3A_488 = tpu.memref_slice %arg4[%mul3A_456, %add3A_460] : memref<200x131072xf32, #tpu.memory_space<hbm>> -> memref<4x1024xf32, #tpu.memory_space<hbm>>
        %dma_start3A_489 = tpu.memref_slice %arg9[%dma_start3A_480] : memref<3x!tpu.dma_semaphore, #tpu.memory_space<semaphore_mem>> -> memref<1x!tpu.dma_semaphore, #tpu.memory_space<semaphore_mem>>
        %dma_start3A_490 = tpu.memref_squeeze %dma_start3A_489 : memref<1x!tpu.dma_semaphore, #tpu.memory_space<semaphore_mem>> -> memref<!tpu.dma_semaphore, #tpu.memory_space<semaphore_mem>>
        %dma_start3A_491 = tpu.memref_slice %arg4[%mul3A_456, %add3A_460] : memref<200x131072xf32, #tpu.memory_space<hbm>> -> memref<4x1024xf32, #tpu.memory_space<hbm>>
        %dma_start3A_492 = arith.constant 0 : i32
        %dma_start3A_493 = arith.constant 0 : i32
        %dma_start3A_494 = tpu.memref_slice %arg7[%dma_start3A_479, %dma_start3A_492, %dma_start3A_493] : memref<3x4x4096xf32, #tpu.memory_space<vmem>> -> memref<1x4x4096xf32, #tpu.memory_space<vmem>>
        %dma_start3A_495 = tpu.memref_squeeze %dma_start3A_494 : memref<1x4x4096xf32, #tpu.memory_space<vmem>> -> memref<4x4096xf32, #tpu.memory_space<vmem>>
        %dma_start3A_496 = arith.constant 0 : i32
        %dma_start3A_497 = arith.constant 0 : i32
        %dma_start3A_498 = tpu.memref_slice %dma_start3A_495[%dma_start3A_496, %dma_start3A_497] : memref<4x4096xf32, #tpu.memory_space<vmem>> -> memref<4x1024xf32, #tpu.memory_space<vmem>>
        tpu.enqueue_dma source(%dma_start3A_498 : memref<4x1024xf32, #tpu.memory_space<vmem>>) target(%dma_start3A_491 : memref<4x1024xf32, #tpu.memory_space<hbm>>) target_semaphore(%dma_start3A_490 : memref<!tpu.dma_semaphore, #tpu.memory_space<semaphore_mem>>)
        %dma_start3A_499 = arith.constant 0 : i32
        %dma_start3A_500 = arith.constant 0 : i32
        %dma_start3A_501 = arith.constant 0 : i32
        %dma_start3A_502 = arith.constant 0 : i32
        %dma_start3A_503 = tpu.memref_slice %arg7[%dma_start3A_499, %dma_start3A_501, %dma_start3A_502] : memref<3x4x4096xf32, #tpu.memory_space<vmem>> -> memref<1x4x4096xf32, #tpu.memory_space<vmem>>
        %dma_start3A_504 = tpu.memref_squeeze %dma_start3A_503 : memref<1x4x4096xf32, #tpu.memory_space<vmem>> -> memref<4x4096xf32, #tpu.memory_space<vmem>>
        %dma_start3A_505 = arith.constant 0 : i32
        %dma_start3A_506 = arith.constant 1024 : i32
        %dma_start3A_507 = tpu.memref_slice %dma_start3A_504[%dma_start3A_505, %dma_start3A_506] : memref<4x4096xf32, #tpu.memory_space<vmem>> -> memref<4x1024xf32, #tpu.memory_space<vmem>>
        %dma_start3A_508 = tpu.memref_slice %arg4[%mul3A_462, %add3A_466] : memref<200x131072xf32, #tpu.memory_space<hbm>> -> memref<4x1024xf32, #tpu.memory_space<hbm>>
        %dma_start3A_509 = tpu.memref_slice %arg9[%dma_start3A_500] : memref<3x!tpu.dma_semaphore, #tpu.memory_space<semaphore_mem>> -> memref<1x!tpu.dma_semaphore, #tpu.memory_space<semaphore_mem>>
        %dma_start3A_510 = tpu.memref_squeeze %dma_start3A_509 : memref<1x!tpu.dma_semaphore, #tpu.memory_space<semaphore_mem>> -> memref<!tpu.dma_semaphore, #tpu.memory_space<semaphore_mem>>
        %dma_start3A_511 = tpu.memref_slice %arg4[%mul3A_462, %add3A_466] : memref<200x131072xf32, #tpu.memory_space<hbm>> -> memref<4x1024xf32, #tpu.memory_space<hbm>>
        %dma_start3A_512 = arith.constant 0 : i32
        %dma_start3A_513 = arith.constant 0 : i32
        %dma_start3A_514 = tpu.memref_slice %arg7[%dma_start3A_499, %dma_start3A_512, %dma_start3A_513] : memref<3x4x4096xf32, #tpu.memory_space<vmem>> -> memref<1x4x4096xf32, #tpu.memory_space<vmem>>
        %dma_start3A_515 = tpu.memref_squeeze %dma_start3A_514 : memref<1x4x4096xf32, #tpu.memory_space<vmem>> -> memref<4x4096xf32, #tpu.memory_space<vmem>>
        %dma_start3A_516 = arith.constant 0 : i32
        %dma_start3A_517 = arith.constant 1024 : i32
        %dma_start3A_518 = tpu.memref_slice %dma_start3A_515[%dma_start3A_516, %dma_start3A_517] : memref<4x4096xf32, #tpu.memory_space<vmem>> -> memref<4x1024xf32, #tpu.memory_space<vmem>>
        tpu.enqueue_dma source(%dma_start3A_518 : memref<4x1024xf32, #tpu.memory_space<vmem>>) target(%dma_start3A_511 : memref<4x1024xf32, #tpu.memory_space<hbm>>) target_semaphore(%dma_start3A_510 : memref<!tpu.dma_semaphore, #tpu.memory_space<semaphore_mem>>)
        %dma_start3A_519 = arith.constant 0 : i32
        %dma_start3A_520 = arith.constant 0 : i32
        %dma_start3A_521 = arith.constant 0 : i32
        %dma_start3A_522 = arith.constant 0 : i32
        %dma_start3A_523 = tpu.memref_slice %arg7[%dma_start3A_519, %dma_start3A_521, %dma_start3A_522] : memref<3x4x4096xf32, #tpu.memory_space<vmem>> -> memref<1x4x4096xf32, #tpu.memory_space<vmem>>
        %dma_start3A_524 = tpu.memref_squeeze %dma_start3A_523 : memref<1x4x4096xf32, #tpu.memory_space<vmem>> -> memref<4x4096xf32, #tpu.memory_space<vmem>>
        %dma_start3A_525 = arith.constant 0 : i32
        %dma_start3A_526 = arith.constant 2048 : i32
        %dma_start3A_527 = tpu.memref_slice %dma_start3A_524[%dma_start3A_525, %dma_start3A_526] : memref<4x4096xf32, #tpu.memory_space<vmem>> -> memref<4x1024xf32, #tpu.memory_space<vmem>>
        %dma_start3A_528 = tpu.memref_slice %arg4[%mul3A_468, %add3A_472] : memref<200x131072xf32, #tpu.memory_space<hbm>> -> memref<4x1024xf32, #tpu.memory_space<hbm>>
        %dma_start3A_529 = tpu.memref_slice %arg9[%dma_start3A_520] : memref<3x!tpu.dma_semaphore, #tpu.memory_space<semaphore_mem>> -> memref<1x!tpu.dma_semaphore, #tpu.memory_space<semaphore_mem>>
        %dma_start3A_530 = tpu.memref_squeeze %dma_start3A_529 : memref<1x!tpu.dma_semaphore, #tpu.memory_space<semaphore_mem>> -> memref<!tpu.dma_semaphore, #tpu.memory_space<semaphore_mem>>
        %dma_start3A_531 = tpu.memref_slice %arg4[%mul3A_468, %add3A_472] : memref<200x131072xf32, #tpu.memory_space<hbm>> -> memref<4x1024xf32, #tpu.memory_space<hbm>>
        %dma_start3A_532 = arith.constant 0 : i32
        %dma_start3A_533 = arith.constant 0 : i32
        %dma_start3A_534 = tpu.memref_slice %arg7[%dma_start3A_519, %dma_start3A_532, %dma_start3A_533] : memref<3x4x4096xf32, #tpu.memory_space<vmem>> -> memref<1x4x4096xf32, #tpu.memory_space<vmem>>
        %dma_start3A_535 = tpu.memref_squeeze %dma_start3A_534 : memref<1x4x4096xf32, #tpu.memory_space<vmem>> -> memref<4x4096xf32, #tpu.memory_space<vmem>>
        %dma_start3A_536 = arith.constant 0 : i32
        %dma_start3A_537 = arith.constant 2048 : i32
        %dma_start3A_538 = tpu.memref_slice %dma_start3A_535[%dma_start3A_536, %dma_start3A_537] : memref<4x4096xf32, #tpu.memory_space<vmem>> -> memref<4x1024xf32, #tpu.memory_space<vmem>>
        tpu.enqueue_dma source(%dma_start3A_538 : memref<4x1024xf32, #tpu.memory_space<vmem>>) target(%dma_start3A_531 : memref<4x1024xf32, #tpu.memory_space<hbm>>) target_semaphore(%dma_start3A_530 : memref<!tpu.dma_semaphore, #tpu.memory_space<semaphore_mem>>)
        %dma_start3A_539 = arith.constant 0 : i32
        %dma_start3A_540 = arith.constant 0 : i32
        %dma_start3A_541 = arith.constant 0 : i32
        %dma_start3A_542 = arith.constant 0 : i32
        %dma_start3A_543 = tpu.memref_slice %arg7[%dma_start3A_539, %dma_start3A_541, %dma_start3A_542] : memref<3x4x4096xf32, #tpu.memory_space<vmem>> -> memref<1x4x4096xf32, #tpu.memory_space<vmem>>
        %dma_start3A_544 = tpu.memref_squeeze %dma_start3A_543 : memref<1x4x4096xf32, #tpu.memory_space<vmem>> -> memref<4x4096xf32, #tpu.memory_space<vmem>>
        %dma_start3A_545 = arith.constant 0 : i32
        %dma_start3A_546 = arith.constant 3072 : i32
        %dma_start3A_547 = tpu.memref_slice %dma_start3A_544[%dma_start3A_545, %dma_start3A_546] : memref<4x4096xf32, #tpu.memory_space<vmem>> -> memref<4x1024xf32, #tpu.memory_space<vmem>>
        %dma_start3A_548 = tpu.memref_slice %arg4[%mul3A_474, %add3A_478] : memref<200x131072xf32, #tpu.memory_space<hbm>> -> memref<4x1024xf32, #tpu.memory_space<hbm>>
        %dma_start3A_549 = tpu.memref_slice %arg9[%dma_start3A_540] : memref<3x!tpu.dma_semaphore, #tpu.memory_space<semaphore_mem>> -> memref<1x!tpu.dma_semaphore, #tpu.memory_space<semaphore_mem>>
        %dma_start3A_550 = tpu.memref_squeeze %dma_start3A_549 : memref<1x!tpu.dma_semaphore, #tpu.memory_space<semaphore_mem>> -> memref<!tpu.dma_semaphore, #tpu.memory_space<semaphore_mem>>
        %dma_start3A_551 = tpu.memref_slice %arg4[%mul3A_474, %add3A_478] : memref<200x131072xf32, #tpu.memory_space<hbm>> -> memref<4x1024xf32, #tpu.memory_space<hbm>>
        %dma_start3A_552 = arith.constant 0 : i32
        %dma_start3A_553 = arith.constant 0 : i32
        %dma_start3A_554 = tpu.memref_slice %arg7[%dma_start3A_539, %dma_start3A_552, %dma_start3A_553] : memref<3x4x4096xf32, #tpu.memory_space<vmem>> -> memref<1x4x4096xf32, #tpu.memory_space<vmem>>
        %dma_start3A_555 = tpu.memref_squeeze %dma_start3A_554 : memref<1x4x4096xf32, #tpu.memory_space<vmem>> -> memref<4x4096xf32, #tpu.memory_space<vmem>>
        %dma_start3A_556 = arith.constant 0 : i32
        %dma_start3A_557 = arith.constant 3072 : i32
        %dma_start3A_558 = tpu.memref_slice %dma_start3A_555[%dma_start3A_556, %dma_start3A_557] : memref<4x4096xf32, #tpu.memory_space<vmem>> -> memref<4x1024xf32, #tpu.memory_space<vmem>>
        tpu.enqueue_dma source(%dma_start3A_558 : memref<4x1024xf32, #tpu.memory_space<vmem>>) target(%dma_start3A_551 : memref<4x1024xf32, #tpu.memory_space<hbm>>) target_semaphore(%dma_start3A_550 : memref<!tpu.dma_semaphore, #tpu.memory_space<semaphore_mem>>)
      } else {
      }
      %mul3A_313 = arith.constant 3 : i32
      %mul3A_314 = arith.muli %scan3A_305, %mul3A_313 : i32
      %add3A_315 = arith.constant 1 : i32
      %add3A_316 = arith.addi %mul3A_314, %add3A_315 : i32
      %lt3A_317 = arith.constant 50 : i32
      %lt3A_318 = arith.cmpi slt, %add3A_316, %lt3A_317 : i32
      %convert_element_type3A_319 = arith.extui %lt3A_318 : i1 to i32
      %cond3A_320 = arith.constant 0 : i32
      %cond3A_321 = arith.cmpi ne, %convert_element_type3A_319, %cond3A_320 : i32
      scf.if %cond3A_321 {
        %ge3A = arith.constant 1 : i32
        %ge3A_332 = arith.cmpi sge, %add3A_316, %ge3A : i32
        %convert_element_type3A_333 = arith.extui %ge3A_332 : i1 to i32
        %cond3A_334 = arith.constant 0 : i32
        %cond3A_335 = arith.cmpi ne, %convert_element_type3A_333, %cond3A_334 : i32
        scf.if %cond3A_335 {
          %sub3A_559 = arith.constant 1 : i32
          %sub3A_560 = arith.subi %add3A_316, %sub3A_559 : i32
          %mul3A_561 = arith.constant 4 : i32
          %mul3A_562 = arith.muli %sub3A_560, %mul3A_561 : i32
          %mul3A_563 = arith.constant 1024 : i32
          %mul3A_564 = arith.muli %add3A, %mul3A_563 : i32
          %add3A_565 = arith.constant 0 : i32
          %add3A_566 = arith.addi %add3A_565, %mul3A_564 : i32
          %mul3A_567 = arith.constant 4 : i32
          %mul3A_568 = arith.muli %sub3A_560, %mul3A_567 : i32
          %mul3A_569 = arith.constant 1024 : i32
          %mul3A_570 = arith.muli %add3A, %mul3A_569 : i32
          %add3A_571 = arith.constant 32768 : i32
          %add3A_572 = arith.addi %add3A_571, %mul3A_570 : i32
          %mul3A_573 = arith.constant 4 : i32
          %mul3A_574 = arith.muli %sub3A_560, %mul3A_573 : i32
          %mul3A_575 = arith.constant 1024 : i32
          %mul3A_576 = arith.muli %add3A, %mul3A_575 : i32
          %add3A_577 = arith.constant 65536 : i32
          %add3A_578 = arith.addi %add3A_577, %mul3A_576 : i32
          %mul3A_579 = arith.constant 4 : i32
          %mul3A_580 = arith.muli %sub3A_560, %mul3A_579 : i32
          %mul3A_581 = arith.constant 1024 : i32
          %mul3A_582 = arith.muli %add3A, %mul3A_581 : i32
          %add3A_583 = arith.constant 98304 : i32
          %add3A_584 = arith.addi %add3A_583, %mul3A_582 : i32
          %dma_wait3A_585 = arith.constant 0 : i32
          %dma_wait3A_586 = arith.constant 0 : i32
          %dma_wait3A_587 = arith.constant 0 : i32
          %dma_wait3A_588 = arith.constant 0 : i32
          %dma_wait3A_589 = tpu.memref_slice %arg7[%dma_wait3A_585, %dma_wait3A_587, %dma_wait3A_588] : memref<3x4x4096xf32, #tpu.memory_space<vmem>> -> memref<1x4x4096xf32, #tpu.memory_space<vmem>>
          %dma_wait3A_590 = tpu.memref_squeeze %dma_wait3A_589 : memref<1x4x4096xf32, #tpu.memory_space<vmem>> -> memref<4x4096xf32, #tpu.memory_space<vmem>>
          %dma_wait3A_591 = arith.constant 0 : i32
          %dma_wait3A_592 = arith.constant 0 : i32
          %dma_wait3A_593 = tpu.memref_slice %dma_wait3A_590[%dma_wait3A_591, %dma_wait3A_592] : memref<4x4096xf32, #tpu.memory_space<vmem>> -> memref<4x1024xf32, #tpu.memory_space<vmem>>
          %dma_wait3A_594 = tpu.memref_slice %arg4[%mul3A_562, %add3A_566] : memref<200x131072xf32, #tpu.memory_space<hbm>> -> memref<4x1024xf32, #tpu.memory_space<hbm>>
          %dma_wait3A_595 = tpu.memref_slice %arg9[%dma_wait3A_586] : memref<3x!tpu.dma_semaphore, #tpu.memory_space<semaphore_mem>> -> memref<1x!tpu.dma_semaphore, #tpu.memory_space<semaphore_mem>>
          %dma_wait3A_596 = tpu.memref_squeeze %dma_wait3A_595 : memref<1x!tpu.dma_semaphore, #tpu.memory_space<semaphore_mem>> -> memref<!tpu.dma_semaphore, #tpu.memory_space<semaphore_mem>>
          %dma_wait3A_597 = tpu.memref_slice %arg4[%mul3A_562, %add3A_566] : memref<200x131072xf32, #tpu.memory_space<hbm>> -> memref<4x1024xf32, #tpu.memory_space<hbm>>
          %dma_wait3A_598 = arith.constant 0 : i32
          %dma_wait3A_599 = arith.constant 0 : i32
          %dma_wait3A_600 = tpu.memref_slice %arg7[%dma_wait3A_585, %dma_wait3A_598, %dma_wait3A_599] : memref<3x4x4096xf32, #tpu.memory_space<vmem>> -> memref<1x4x4096xf32, #tpu.memory_space<vmem>>
          %dma_wait3A_601 = tpu.memref_squeeze %dma_wait3A_600 : memref<1x4x4096xf32, #tpu.memory_space<vmem>> -> memref<4x4096xf32, #tpu.memory_space<vmem>>
          %dma_wait3A_602 = arith.constant 0 : i32
          %dma_wait3A_603 = arith.constant 0 : i32
          %dma_wait3A_604 = tpu.memref_slice %dma_wait3A_601[%dma_wait3A_602, %dma_wait3A_603] : memref<4x4096xf32, #tpu.memory_space<vmem>> -> memref<4x1024xf32, #tpu.memory_space<vmem>>
          tpu.wait_dma2 semaphore(%dma_wait3A_596 : memref<!tpu.dma_semaphore, #tpu.memory_space<semaphore_mem>>) src(%dma_wait3A_604 : memref<4x1024xf32, #tpu.memory_space<vmem>>) dst(%dma_wait3A_597 : memref<4x1024xf32, #tpu.memory_space<hbm>>)
          %dma_wait3A_605 = arith.constant 0 : i32
          %dma_wait3A_606 = arith.constant 0 : i32
          %dma_wait3A_607 = arith.constant 0 : i32
          %dma_wait3A_608 = arith.constant 0 : i32
          %dma_wait3A_609 = tpu.memref_slice %arg7[%dma_wait3A_605, %dma_wait3A_607, %dma_wait3A_608] : memref<3x4x4096xf32, #tpu.memory_space<vmem>> -> memref<1x4x4096xf32, #tpu.memory_space<vmem>>
          %dma_wait3A_610 = tpu.memref_squeeze %dma_wait3A_609 : memref<1x4x4096xf32, #tpu.memory_space<vmem>> -> memref<4x4096xf32, #tpu.memory_space<vmem>>
          %dma_wait3A_611 = arith.constant 0 : i32
          %dma_wait3A_612 = arith.constant 1024 : i32
          %dma_wait3A_613 = tpu.memref_slice %dma_wait3A_610[%dma_wait3A_611, %dma_wait3A_612] : memref<4x4096xf32, #tpu.memory_space<vmem>> -> memref<4x1024xf32, #tpu.memory_space<vmem>>
          %dma_wait3A_614 = tpu.memref_slice %arg4[%mul3A_568, %add3A_572] : memref<200x131072xf32, #tpu.memory_space<hbm>> -> memref<4x1024xf32, #tpu.memory_space<hbm>>
          %dma_wait3A_615 = tpu.memref_slice %arg9[%dma_wait3A_606] : memref<3x!tpu.dma_semaphore, #tpu.memory_space<semaphore_mem>> -> memref<1x!tpu.dma_semaphore, #tpu.memory_space<semaphore_mem>>
          %dma_wait3A_616 = tpu.memref_squeeze %dma_wait3A_615 : memref<1x!tpu.dma_semaphore, #tpu.memory_space<semaphore_mem>> -> memref<!tpu.dma_semaphore, #tpu.memory_space<semaphore_mem>>
          %dma_wait3A_617 = tpu.memref_slice %arg4[%mul3A_568, %add3A_572] : memref<200x131072xf32, #tpu.memory_space<hbm>> -> memref<4x1024xf32, #tpu.memory_space<hbm>>
          %dma_wait3A_618 = arith.constant 0 : i32
          %dma_wait3A_619 = arith.constant 0 : i32
          %dma_wait3A_620 = tpu.memref_slice %arg7[%dma_wait3A_605, %dma_wait3A_618, %dma_wait3A_619] : memref<3x4x4096xf32, #tpu.memory_space<vmem>> -> memref<1x4x4096xf32, #tpu.memory_space<vmem>>
          %dma_wait3A_621 = tpu.memref_squeeze %dma_wait3A_620 : memref<1x4x4096xf32, #tpu.memory_space<vmem>> -> memref<4x4096xf32, #tpu.memory_space<vmem>>
          %dma_wait3A_622 = arith.constant 0 : i32
          %dma_wait3A_623 = arith.constant 1024 : i32
          %dma_wait3A_624 = tpu.memref_slice %dma_wait3A_621[%dma_wait3A_622, %dma_wait3A_623] : memref<4x4096xf32, #tpu.memory_space<vmem>> -> memref<4x1024xf32, #tpu.memory_space<vmem>>
          tpu.wait_dma2 semaphore(%dma_wait3A_616 : memref<!tpu.dma_semaphore, #tpu.memory_space<semaphore_mem>>) src(%dma_wait3A_624 : memref<4x1024xf32, #tpu.memory_space<vmem>>) dst(%dma_wait3A_617 : memref<4x1024xf32, #tpu.memory_space<hbm>>)
          %dma_wait3A_625 = arith.constant 0 : i32
          %dma_wait3A_626 = arith.constant 0 : i32
          %dma_wait3A_627 = arith.constant 0 : i32
          %dma_wait3A_628 = arith.constant 0 : i32
          %dma_wait3A_629 = tpu.memref_slice %arg7[%dma_wait3A_625, %dma_wait3A_627, %dma_wait3A_628] : memref<3x4x4096xf32, #tpu.memory_space<vmem>> -> memref<1x4x4096xf32, #tpu.memory_space<vmem>>
          %dma_wait3A_630 = tpu.memref_squeeze %dma_wait3A_629 : memref<1x4x4096xf32, #tpu.memory_space<vmem>> -> memref<4x4096xf32, #tpu.memory_space<vmem>>
          %dma_wait3A_631 = arith.constant 0 : i32
          %dma_wait3A_632 = arith.constant 2048 : i32
          %dma_wait3A_633 = tpu.memref_slice %dma_wait3A_630[%dma_wait3A_631, %dma_wait3A_632] : memref<4x4096xf32, #tpu.memory_space<vmem>> -> memref<4x1024xf32, #tpu.memory_space<vmem>>
          %dma_wait3A_634 = tpu.memref_slice %arg4[%mul3A_574, %add3A_578] : memref<200x131072xf32, #tpu.memory_space<hbm>> -> memref<4x1024xf32, #tpu.memory_space<hbm>>
          %dma_wait3A_635 = tpu.memref_slice %arg9[%dma_wait3A_626] : memref<3x!tpu.dma_semaphore, #tpu.memory_space<semaphore_mem>> -> memref<1x!tpu.dma_semaphore, #tpu.memory_space<semaphore_mem>>
          %dma_wait3A_636 = tpu.memref_squeeze %dma_wait3A_635 : memref<1x!tpu.dma_semaphore, #tpu.memory_space<semaphore_mem>> -> memref<!tpu.dma_semaphore, #tpu.memory_space<semaphore_mem>>
          %dma_wait3A_637 = tpu.memref_slice %arg4[%mul3A_574, %add3A_578] : memref<200x131072xf32, #tpu.memory_space<hbm>> -> memref<4x1024xf32, #tpu.memory_space<hbm>>
          %dma_wait3A_638 = arith.constant 0 : i32
          %dma_wait3A_639 = arith.constant 0 : i32
          %dma_wait3A_640 = tpu.memref_slice %arg7[%dma_wait3A_625, %dma_wait3A_638, %dma_wait3A_639] : memref<3x4x4096xf32, #tpu.memory_space<vmem>> -> memref<1x4x4096xf32, #tpu.memory_space<vmem>>
          %dma_wait3A_641 = tpu.memref_squeeze %dma_wait3A_640 : memref<1x4x4096xf32, #tpu.memory_space<vmem>> -> memref<4x4096xf32, #tpu.memory_space<vmem>>
          %dma_wait3A_642 = arith.constant 0 : i32
          %dma_wait3A_643 = arith.constant 2048 : i32
          %dma_wait3A_644 = tpu.memref_slice %dma_wait3A_641[%dma_wait3A_642, %dma_wait3A_643] : memref<4x4096xf32, #tpu.memory_space<vmem>> -> memref<4x1024xf32, #tpu.memory_space<vmem>>
          tpu.wait_dma2 semaphore(%dma_wait3A_636 : memref<!tpu.dma_semaphore, #tpu.memory_space<semaphore_mem>>) src(%dma_wait3A_644 : memref<4x1024xf32, #tpu.memory_space<vmem>>) dst(%dma_wait3A_637 : memref<4x1024xf32, #tpu.memory_space<hbm>>)
          %dma_wait3A_645 = arith.constant 0 : i32
          %dma_wait3A_646 = arith.constant 0 : i32
          %dma_wait3A_647 = arith.constant 0 : i32
          %dma_wait3A_648 = arith.constant 0 : i32
          %dma_wait3A_649 = tpu.memref_slice %arg7[%dma_wait3A_645, %dma_wait3A_647, %dma_wait3A_648] : memref<3x4x4096xf32, #tpu.memory_space<vmem>> -> memref<1x4x4096xf32, #tpu.memory_space<vmem>>
          %dma_wait3A_650 = tpu.memref_squeeze %dma_wait3A_649 : memref<1x4x4096xf32, #tpu.memory_space<vmem>> -> memref<4x4096xf32, #tpu.memory_space<vmem>>
          %dma_wait3A_651 = arith.constant 0 : i32
          %dma_wait3A_652 = arith.constant 3072 : i32
          %dma_wait3A_653 = tpu.memref_slice %dma_wait3A_650[%dma_wait3A_651, %dma_wait3A_652] : memref<4x4096xf32, #tpu.memory_space<vmem>> -> memref<4x1024xf32, #tpu.memory_space<vmem>>
          %dma_wait3A_654 = tpu.memref_slice %arg4[%mul3A_580, %add3A_584] : memref<200x131072xf32, #tpu.memory_space<hbm>> -> memref<4x1024xf32, #tpu.memory_space<hbm>>
          %dma_wait3A_655 = tpu.memref_slice %arg9[%dma_wait3A_646] : memref<3x!tpu.dma_semaphore, #tpu.memory_space<semaphore_mem>> -> memref<1x!tpu.dma_semaphore, #tpu.memory_space<semaphore_mem>>
          %dma_wait3A_656 = tpu.memref_squeeze %dma_wait3A_655 : memref<1x!tpu.dma_semaphore, #tpu.memory_space<semaphore_mem>> -> memref<!tpu.dma_semaphore, #tpu.memory_space<semaphore_mem>>
          %dma_wait3A_657 = tpu.memref_slice %arg4[%mul3A_580, %add3A_584] : memref<200x131072xf32, #tpu.memory_space<hbm>> -> memref<4x1024xf32, #tpu.memory_space<hbm>>
          %dma_wait3A_658 = arith.constant 0 : i32
          %dma_wait3A_659 = arith.constant 0 : i32
          %dma_wait3A_660 = tpu.memref_slice %arg7[%dma_wait3A_645, %dma_wait3A_658, %dma_wait3A_659] : memref<3x4x4096xf32, #tpu.memory_space<vmem>> -> memref<1x4x4096xf32, #tpu.memory_space<vmem>>
          %dma_wait3A_661 = tpu.memref_squeeze %dma_wait3A_660 : memref<1x4x4096xf32, #tpu.memory_space<vmem>> -> memref<4x4096xf32, #tpu.memory_space<vmem>>
          %dma_wait3A_662 = arith.constant 0 : i32
          %dma_wait3A_663 = arith.constant 3072 : i32
          %dma_wait3A_664 = tpu.memref_slice %dma_wait3A_661[%dma_wait3A_662, %dma_wait3A_663] : memref<4x4096xf32, #tpu.memory_space<vmem>> -> memref<4x1024xf32, #tpu.memory_space<vmem>>
          tpu.wait_dma2 semaphore(%dma_wait3A_656 : memref<!tpu.dma_semaphore, #tpu.memory_space<semaphore_mem>>) src(%dma_wait3A_664 : memref<4x1024xf32, #tpu.memory_space<vmem>>) dst(%dma_wait3A_657 : memref<4x1024xf32, #tpu.memory_space<hbm>>)
        } else {
        }
        %add3A_336 = arith.constant 3 : i32
        %add3A_337 = arith.addi %add3A_316, %add3A_336 : i32
        %sub3A = arith.constant 1 : i32
        %sub3A_338 = arith.subi %add3A_337, %sub3A : i32
        %lt3A_339 = arith.constant 50 : i32
        %lt3A_340 = arith.cmpi slt, %sub3A_338, %lt3A_339 : i32
        %convert_element_type3A_341 = arith.extui %lt3A_340 : i1 to i32
        %cond3A_342 = arith.constant 0 : i32
        %cond3A_343 = arith.cmpi ne, %convert_element_type3A_341, %cond3A_342 : i32
        scf.if %cond3A_343 {
          %add3A_559 = arith.constant 3 : i32
          %add3A_560 = arith.addi %add3A_316, %add3A_559 : i32
          %sub3A_561 = arith.constant 1 : i32
          %sub3A_562 = arith.subi %add3A_560, %sub3A_561 : i32
          %mul3A_563 = arith.constant 4 : i32
          %mul3A_564 = arith.muli %sub3A_562, %mul3A_563 : i32
          %run_scoped3A_565 = arith.constant 0 : i32
          "tpu.region"() ({
            %run_scoped3A_658 = tpu.sem_alloc : memref<!tpu.dma_semaphore, #tpu.memory_space<semaphore_mem>>
            %dma_start3A_659 = arith.constant 0 : i32
            %dma_start3A_660 = arith.constant 0 : i32
            %dma_start3A_661 = tpu.memref_slice %arg5[%run_scoped3A_565, %dma_start3A_659, %dma_start3A_660] : memref<3x4x128xi32, #tpu.memory_space<vmem>> -> memref<1x4x128xi32, #tpu.memory_space<vmem>>
            %dma_start3A_662 = tpu.memref_squeeze %dma_start3A_661 : memref<1x4x128xi32, #tpu.memory_space<vmem>> -> memref<4x128xi32, #tpu.memory_space<vmem>>
            %dma_start3A_663 = tpu.memref_slice %arg2[%mul3A_564, %mul3A_2] : memref<200x4096xi32, #tpu.memory_space<hbm>> -> memref<4x128xi32, #tpu.memory_space<hbm>>
            %dma_start3A_664 = arith.constant 0 : i32
            %dma_start3A_665 = arith.constant 0 : i32
            %dma_start3A_666 = tpu.memref_slice %arg5[%run_scoped3A_565, %dma_start3A_664, %dma_start3A_665] : memref<3x4x128xi32, #tpu.memory_space<vmem>> -> memref<1x4x128xi32, #tpu.memory_space<vmem>>
            %dma_start3A_667 = tpu.memref_squeeze %dma_start3A_666 : memref<1x4x128xi32, #tpu.memory_space<vmem>> -> memref<4x128xi32, #tpu.memory_space<vmem>>
            %dma_start3A_668 = tpu.memref_slice %arg2[%mul3A_564, %mul3A_2] : memref<200x4096xi32, #tpu.memory_space<hbm>> -> memref<4x128xi32, #tpu.memory_space<hbm>>
            tpu.enqueue_dma source(%dma_start3A_668 : memref<4x128xi32, #tpu.memory_space<hbm>>) target(%dma_start3A_667 : memref<4x128xi32, #tpu.memory_space<vmem>>) target_semaphore(%run_scoped3A_658 : memref<!tpu.dma_semaphore, #tpu.memory_space<semaphore_mem>>)
            %dma_wait3A_669 = arith.constant 0 : i32
            %dma_wait3A_670 = arith.constant 0 : i32
            %dma_wait3A_671 = tpu.memref_slice %arg5[%run_scoped3A_565, %dma_wait3A_669, %dma_wait3A_670] : memref<3x4x128xi32, #tpu.memory_space<vmem>> -> memref<1x4x128xi32, #tpu.memory_space<vmem>>
            %dma_wait3A_672 = tpu.memref_squeeze %dma_wait3A_671 : memref<1x4x128xi32, #tpu.memory_space<vmem>> -> memref<4x128xi32, #tpu.memory_space<vmem>>
            %dma_wait3A_673 = tpu.memref_slice %arg2[%mul3A_564, %mul3A_2] : memref<200x4096xi32, #tpu.memory_space<hbm>> -> memref<4x128xi32, #tpu.memory_space<hbm>>
            %dma_wait3A_674 = arith.constant 0 : i32
            %dma_wait3A_675 = arith.constant 0 : i32
            %dma_wait3A_676 = tpu.memref_slice %arg5[%run_scoped3A_565, %dma_wait3A_674, %dma_wait3A_675] : memref<3x4x128xi32, #tpu.memory_space<vmem>> -> memref<1x4x128xi32, #tpu.memory_space<vmem>>
            %dma_wait3A_677 = tpu.memref_squeeze %dma_wait3A_676 : memref<1x4x128xi32, #tpu.memory_space<vmem>> -> memref<4x128xi32, #tpu.memory_space<vmem>>
            %dma_wait3A_678 = tpu.memref_slice %arg2[%mul3A_564, %mul3A_2] : memref<200x4096xi32, #tpu.memory_space<hbm>> -> memref<4x128xi32, #tpu.memory_space<hbm>>
            tpu.wait_dma2 semaphore(%run_scoped3A_658 : memref<!tpu.dma_semaphore, #tpu.memory_space<semaphore_mem>>) src(%dma_wait3A_678 : memref<4x128xi32, #tpu.memory_space<hbm>>) dst(%dma_wait3A_677 : memref<4x128xi32, #tpu.memory_space<vmem>>)
            tpu.yield
          }) : () -> ()
          %dma_start3A_566 = arith.constant 0 : i32
          %dma_start3A_567 = arith.constant 0 : i32
          %dma_start3A_568 = arith.constant 0 : i32
          %dma_start3A_569 = arith.constant 0 : i32
          %dma_start3A_570 = arith.constant 0 : i32
          %dma_start3A_571 = arith.constant 0 : i32
          %dma_start3A_572 = tpu.memref_slice %arg6[%dma_start3A_568, %dma_start3A_570, %dma_start3A_571] : memref<3x512x32xf32, #tpu.memory_space<vmem>> -> memref<1x512x32xf32, #tpu.memory_space<vmem>>
          %dma_start3A_573 = tpu.memref_squeeze %dma_start3A_572 : memref<1x512x32xf32, #tpu.memory_space<vmem>> -> memref<512x32xf32, #tpu.memory_space<vmem>>
          %dma_start3A_574 = arith.constant 0 : i32
          %dma_start3A_575 = arith.constant 0 : i32
          %dma_start3A_576 = tpu.memref_slice %dma_start3A_573[%dma_start3A_574, %dma_start3A_575] : memref<512x32xf32, #tpu.memory_space<vmem>> -> memref<128x32xf32, #tpu.memory_space<vmem>>
          %dma_start3A_577 = arith.constant 0 : i32
          %dma_start3A_578 = arith.constant 0 : i32
          %dma_start3A_579 = tpu.memref_slice %arg5[%dma_start3A_566, %dma_start3A_577, %dma_start3A_578] : memref<3x4x128xi32, #tpu.memory_space<vmem>> -> memref<1x4x128xi32, #tpu.memory_space<vmem>>
          %dma_start3A_580 = tpu.memref_squeeze %dma_start3A_579 : memref<1x4x128xi32, #tpu.memory_space<vmem>> -> memref<4x128xi32, #tpu.memory_space<vmem>>
          %dma_start3A_581 = arith.constant 0 : i32
          %dma_start3A_582 = tpu.memref_slice %dma_start3A_580[%dma_start3A_567, %dma_start3A_581] : memref<4x128xi32, #tpu.memory_space<vmem>> -> memref<1x128xi32, #tpu.memory_space<vmem>>
          %dma_start3A_583 = tpu.memref_squeeze %dma_start3A_582 : memref<1x128xi32, #tpu.memory_space<vmem>> -> memref<128xi32, #tpu.memory_space<vmem>>
          %dma_start3A_584 = arith.constant 0 : i32
          %dma_start3A_585 = arith.constant 0 : i32
          %dma_start3A_586 = tpu.memref_slice %arg3[%dma_start3A_584, %dma_start3A_585] : memref<1000000x32xf32, #tpu.memory_space<hbm>> -> memref<1000000x32xf32, #tpu.memory_space<hbm>>
          %dma_start3A_587 = tpu.memref_slice %arg8[%dma_start3A_569] : memref<3x!tpu.dma_semaphore, #tpu.memory_space<semaphore_mem>> -> memref<1x!tpu.dma_semaphore, #tpu.memory_space<semaphore_mem>>
          %dma_start3A_588 = tpu.memref_squeeze %dma_start3A_587 : memref<1x!tpu.dma_semaphore, #tpu.memory_space<semaphore_mem>> -> memref<!tpu.dma_semaphore, #tpu.memory_space<semaphore_mem>>
          tpu.enqueue_indirect_dma source(%dma_start3A_586 : memref<1000000x32xf32, #tpu.memory_space<hbm>>) target(%dma_start3A_576 : memref<128x32xf32, #tpu.memory_space<vmem>>) offsets(%dma_start3A_583 : memref<128xi32, #tpu.memory_space<vmem>>) semaphore(%dma_start3A_588 : memref<!tpu.dma_semaphore, #tpu.memory_space<semaphore_mem>>)
          %dma_start3A_589 = arith.constant 0 : i32
          %dma_start3A_590 = arith.constant 1 : i32
          %dma_start3A_591 = arith.constant 0 : i32
          %dma_start3A_592 = arith.constant 0 : i32
          %dma_start3A_593 = arith.constant 0 : i32
          %dma_start3A_594 = arith.constant 0 : i32
          %dma_start3A_595 = tpu.memref_slice %arg6[%dma_start3A_591, %dma_start3A_593, %dma_start3A_594] : memref<3x512x32xf32, #tpu.memory_space<vmem>> -> memref<1x512x32xf32, #tpu.memory_space<vmem>>
          %dma_start3A_596 = tpu.memref_squeeze %dma_start3A_595 : memref<1x512x32xf32, #tpu.memory_space<vmem>> -> memref<512x32xf32, #tpu.memory_space<vmem>>
          %dma_start3A_597 = arith.constant 128 : i32
          %dma_start3A_598 = arith.constant 0 : i32
          %dma_start3A_599 = tpu.memref_slice %dma_start3A_596[%dma_start3A_597, %dma_start3A_598] : memref<512x32xf32, #tpu.memory_space<vmem>> -> memref<128x32xf32, #tpu.memory_space<vmem>>
          %dma_start3A_600 = arith.constant 0 : i32
          %dma_start3A_601 = arith.constant 0 : i32
          %dma_start3A_602 = tpu.memref_slice %arg5[%dma_start3A_589, %dma_start3A_600, %dma_start3A_601] : memref<3x4x128xi32, #tpu.memory_space<vmem>> -> memref<1x4x128xi32, #tpu.memory_space<vmem>>
          %dma_start3A_603 = tpu.memref_squeeze %dma_start3A_602 : memref<1x4x128xi32, #tpu.memory_space<vmem>> -> memref<4x128xi32, #tpu.memory_space<vmem>>
          %dma_start3A_604 = arith.constant 0 : i32
          %dma_start3A_605 = tpu.memref_slice %dma_start3A_603[%dma_start3A_590, %dma_start3A_604] : memref<4x128xi32, #tpu.memory_space<vmem>> -> memref<1x128xi32, #tpu.memory_space<vmem>>
          %dma_start3A_606 = tpu.memref_squeeze %dma_start3A_605 : memref<1x128xi32, #tpu.memory_space<vmem>> -> memref<128xi32, #tpu.memory_space<vmem>>
          %dma_start3A_607 = arith.constant 0 : i32
          %dma_start3A_608 = arith.constant 0 : i32
          %dma_start3A_609 = tpu.memref_slice %arg3[%dma_start3A_607, %dma_start3A_608] : memref<1000000x32xf32, #tpu.memory_space<hbm>> -> memref<1000000x32xf32, #tpu.memory_space<hbm>>
          %dma_start3A_610 = tpu.memref_slice %arg8[%dma_start3A_592] : memref<3x!tpu.dma_semaphore, #tpu.memory_space<semaphore_mem>> -> memref<1x!tpu.dma_semaphore, #tpu.memory_space<semaphore_mem>>
          %dma_start3A_611 = tpu.memref_squeeze %dma_start3A_610 : memref<1x!tpu.dma_semaphore, #tpu.memory_space<semaphore_mem>> -> memref<!tpu.dma_semaphore, #tpu.memory_space<semaphore_mem>>
          tpu.enqueue_indirect_dma source(%dma_start3A_609 : memref<1000000x32xf32, #tpu.memory_space<hbm>>) target(%dma_start3A_599 : memref<128x32xf32, #tpu.memory_space<vmem>>) offsets(%dma_start3A_606 : memref<128xi32, #tpu.memory_space<vmem>>) semaphore(%dma_start3A_611 : memref<!tpu.dma_semaphore, #tpu.memory_space<semaphore_mem>>)
          %dma_start3A_612 = arith.constant 0 : i32
          %dma_start3A_613 = arith.constant 2 : i32
          %dma_start3A_614 = arith.constant 0 : i32
          %dma_start3A_615 = arith.constant 0 : i32
          %dma_start3A_616 = arith.constant 0 : i32
          %dma_start3A_617 = arith.constant 0 : i32
          %dma_start3A_618 = tpu.memref_slice %arg6[%dma_start3A_614, %dma_start3A_616, %dma_start3A_617] : memref<3x512x32xf32, #tpu.memory_space<vmem>> -> memref<1x512x32xf32, #tpu.memory_space<vmem>>
          %dma_start3A_619 = tpu.memref_squeeze %dma_start3A_618 : memref<1x512x32xf32, #tpu.memory_space<vmem>> -> memref<512x32xf32, #tpu.memory_space<vmem>>
          %dma_start3A_620 = arith.constant 256 : i32
          %dma_start3A_621 = arith.constant 0 : i32
          %dma_start3A_622 = tpu.memref_slice %dma_start3A_619[%dma_start3A_620, %dma_start3A_621] : memref<512x32xf32, #tpu.memory_space<vmem>> -> memref<128x32xf32, #tpu.memory_space<vmem>>
          %dma_start3A_623 = arith.constant 0 : i32
          %dma_start3A_624 = arith.constant 0 : i32
          %dma_start3A_625 = tpu.memref_slice %arg5[%dma_start3A_612, %dma_start3A_623, %dma_start3A_624] : memref<3x4x128xi32, #tpu.memory_space<vmem>> -> memref<1x4x128xi32, #tpu.memory_space<vmem>>
          %dma_start3A_626 = tpu.memref_squeeze %dma_start3A_625 : memref<1x4x128xi32, #tpu.memory_space<vmem>> -> memref<4x128xi32, #tpu.memory_space<vmem>>
          %dma_start3A_627 = arith.constant 0 : i32
          %dma_start3A_628 = tpu.memref_slice %dma_start3A_626[%dma_start3A_613, %dma_start3A_627] : memref<4x128xi32, #tpu.memory_space<vmem>> -> memref<1x128xi32, #tpu.memory_space<vmem>>
          %dma_start3A_629 = tpu.memref_squeeze %dma_start3A_628 : memref<1x128xi32, #tpu.memory_space<vmem>> -> memref<128xi32, #tpu.memory_space<vmem>>
          %dma_start3A_630 = arith.constant 0 : i32
          %dma_start3A_631 = arith.constant 0 : i32
          %dma_start3A_632 = tpu.memref_slice %arg3[%dma_start3A_630, %dma_start3A_631] : memref<1000000x32xf32, #tpu.memory_space<hbm>> -> memref<1000000x32xf32, #tpu.memory_space<hbm>>
          %dma_start3A_633 = tpu.memref_slice %arg8[%dma_start3A_615] : memref<3x!tpu.dma_semaphore, #tpu.memory_space<semaphore_mem>> -> memref<1x!tpu.dma_semaphore, #tpu.memory_space<semaphore_mem>>
          %dma_start3A_634 = tpu.memref_squeeze %dma_start3A_633 : memref<1x!tpu.dma_semaphore, #tpu.memory_space<semaphore_mem>> -> memref<!tpu.dma_semaphore, #tpu.memory_space<semaphore_mem>>
          tpu.enqueue_indirect_dma source(%dma_start3A_632 : memref<1000000x32xf32, #tpu.memory_space<hbm>>) target(%dma_start3A_622 : memref<128x32xf32, #tpu.memory_space<vmem>>) offsets(%dma_start3A_629 : memref<128xi32, #tpu.memory_space<vmem>>) semaphore(%dma_start3A_634 : memref<!tpu.dma_semaphore, #tpu.memory_space<semaphore_mem>>)
          %dma_start3A_635 = arith.constant 0 : i32
          %dma_start3A_636 = arith.constant 3 : i32
          %dma_start3A_637 = arith.constant 0 : i32
          %dma_start3A_638 = arith.constant 0 : i32
          %dma_start3A_639 = arith.constant 0 : i32
          %dma_start3A_640 = arith.constant 0 : i32
          %dma_start3A_641 = tpu.memref_slice %arg6[%dma_start3A_637, %dma_start3A_639, %dma_start3A_640] : memref<3x512x32xf32, #tpu.memory_space<vmem>> -> memref<1x512x32xf32, #tpu.memory_space<vmem>>
          %dma_start3A_642 = tpu.memref_squeeze %dma_start3A_641 : memref<1x512x32xf32, #tpu.memory_space<vmem>> -> memref<512x32xf32, #tpu.memory_space<vmem>>
          %dma_start3A_643 = arith.constant 384 : i32
          %dma_start3A_644 = arith.constant 0 : i32
          %dma_start3A_645 = tpu.memref_slice %dma_start3A_642[%dma_start3A_643, %dma_start3A_644] : memref<512x32xf32, #tpu.memory_space<vmem>> -> memref<128x32xf32, #tpu.memory_space<vmem>>
          %dma_start3A_646 = arith.constant 0 : i32
          %dma_start3A_647 = arith.constant 0 : i32
          %dma_start3A_648 = tpu.memref_slice %arg5[%dma_start3A_635, %dma_start3A_646, %dma_start3A_647] : memref<3x4x128xi32, #tpu.memory_space<vmem>> -> memref<1x4x128xi32, #tpu.memory_space<vmem>>
          %dma_start3A_649 = tpu.memref_squeeze %dma_start3A_648 : memref<1x4x128xi32, #tpu.memory_space<vmem>> -> memref<4x128xi32, #tpu.memory_space<vmem>>
          %dma_start3A_650 = arith.constant 0 : i32
          %dma_start3A_651 = tpu.memref_slice %dma_start3A_649[%dma_start3A_636, %dma_start3A_650] : memref<4x128xi32, #tpu.memory_space<vmem>> -> memref<1x128xi32, #tpu.memory_space<vmem>>
          %dma_start3A_652 = tpu.memref_squeeze %dma_start3A_651 : memref<1x128xi32, #tpu.memory_space<vmem>> -> memref<128xi32, #tpu.memory_space<vmem>>
          %dma_start3A_653 = arith.constant 0 : i32
          %dma_start3A_654 = arith.constant 0 : i32
          %dma_start3A_655 = tpu.memref_slice %arg3[%dma_start3A_653, %dma_start3A_654] : memref<1000000x32xf32, #tpu.memory_space<hbm>> -> memref<1000000x32xf32, #tpu.memory_space<hbm>>
          %dma_start3A_656 = tpu.memref_slice %arg8[%dma_start3A_638] : memref<3x!tpu.dma_semaphore, #tpu.memory_space<semaphore_mem>> -> memref<1x!tpu.dma_semaphore, #tpu.memory_space<semaphore_mem>>
          %dma_start3A_657 = tpu.memref_squeeze %dma_start3A_656 : memref<1x!tpu.dma_semaphore, #tpu.memory_space<semaphore_mem>> -> memref<!tpu.dma_semaphore, #tpu.memory_space<semaphore_mem>>
          tpu.enqueue_indirect_dma source(%dma_start3A_655 : memref<1000000x32xf32, #tpu.memory_space<hbm>>) target(%dma_start3A_645 : memref<128x32xf32, #tpu.memory_space<vmem>>) offsets(%dma_start3A_652 : memref<128xi32, #tpu.memory_space<vmem>>) semaphore(%dma_start3A_657 : memref<!tpu.dma_semaphore, #tpu.memory_space<semaphore_mem>>)
        } else {
        }
        %dma_wait3A_344 = arith.constant 1 : i32
        %dma_wait3A_345 = arith.constant 0 : i32
        %dma_wait3A_346 = arith.constant 1 : i32
        %dma_wait3A_347 = arith.constant 1 : i32
        %dma_wait3A_348 = arith.constant 0 : i32
        %dma_wait3A_349 = arith.constant 0 : i32
        %dma_wait3A_350 = tpu.memref_slice %arg6[%dma_wait3A_346, %dma_wait3A_348, %dma_wait3A_349] : memref<3x512x32xf32, #tpu.memory_space<vmem>> -> memref<1x512x32xf32, #tpu.memory_space<vmem>>
        %dma_wait3A_351 = tpu.memref_squeeze %dma_wait3A_350 : memref<1x512x32xf32, #tpu.memory_space<vmem>> -> memref<512x32xf32, #tpu.memory_space<vmem>>
        %dma_wait3A_352 = arith.constant 0 : i32
        %dma_wait3A_353 = arith.constant 0 : i32
        %dma_wait3A_354 = tpu.memref_slice %dma_wait3A_351[%dma_wait3A_352, %dma_wait3A_353] : memref<512x32xf32, #tpu.memory_space<vmem>> -> memref<128x32xf32, #tpu.memory_space<vmem>>
        %dma_wait3A_355 = arith.constant 0 : i32
        %dma_wait3A_356 = arith.constant 0 : i32
        %dma_wait3A_357 = tpu.memref_slice %arg5[%dma_wait3A_344, %dma_wait3A_355, %dma_wait3A_356] : memref<3x4x128xi32, #tpu.memory_space<vmem>> -> memref<1x4x128xi32, #tpu.memory_space<vmem>>
        %dma_wait3A_358 = tpu.memref_squeeze %dma_wait3A_357 : memref<1x4x128xi32, #tpu.memory_space<vmem>> -> memref<4x128xi32, #tpu.memory_space<vmem>>
        %dma_wait3A_359 = arith.constant 0 : i32
        %dma_wait3A_360 = tpu.memref_slice %dma_wait3A_358[%dma_wait3A_345, %dma_wait3A_359] : memref<4x128xi32, #tpu.memory_space<vmem>> -> memref<1x128xi32, #tpu.memory_space<vmem>>
        %dma_wait3A_361 = tpu.memref_squeeze %dma_wait3A_360 : memref<1x128xi32, #tpu.memory_space<vmem>> -> memref<128xi32, #tpu.memory_space<vmem>>
        %dma_wait3A_362 = arith.constant 0 : i32
        %dma_wait3A_363 = arith.constant 0 : i32
        %dma_wait3A_364 = tpu.memref_slice %arg3[%dma_wait3A_362, %dma_wait3A_363] : memref<1000000x32xf32, #tpu.memory_space<hbm>> -> memref<1000000x32xf32, #tpu.memory_space<hbm>>
        %dma_wait3A_365 = tpu.memref_slice %arg8[%dma_wait3A_347] : memref<3x!tpu.dma_semaphore, #tpu.memory_space<semaphore_mem>> -> memref<1x!tpu.dma_semaphore, #tpu.memory_space<semaphore_mem>>
        %dma_wait3A_366 = tpu.memref_squeeze %dma_wait3A_365 : memref<1x!tpu.dma_semaphore, #tpu.memory_space<semaphore_mem>> -> memref<!tpu.dma_semaphore, #tpu.memory_space<semaphore_mem>>
        tpu.wait_indirect_dma semaphore(%dma_wait3A_366 : memref<!tpu.dma_semaphore, #tpu.memory_space<semaphore_mem>>) src(%dma_wait3A_364 : memref<1000000x32xf32, #tpu.memory_space<hbm>>) dst(%dma_wait3A_354 : memref<128x32xf32, #tpu.memory_space<vmem>>)
        %dma_wait3A_367 = arith.constant 1 : i32
        %dma_wait3A_368 = arith.constant 1 : i32
        %dma_wait3A_369 = arith.constant 1 : i32
        %dma_wait3A_370 = arith.constant 1 : i32
        %dma_wait3A_371 = arith.constant 0 : i32
        %dma_wait3A_372 = arith.constant 0 : i32
        %dma_wait3A_373 = tpu.memref_slice %arg6[%dma_wait3A_369, %dma_wait3A_371, %dma_wait3A_372] : memref<3x512x32xf32, #tpu.memory_space<vmem>> -> memref<1x512x32xf32, #tpu.memory_space<vmem>>
        %dma_wait3A_374 = tpu.memref_squeeze %dma_wait3A_373 : memref<1x512x32xf32, #tpu.memory_space<vmem>> -> memref<512x32xf32, #tpu.memory_space<vmem>>
        %dma_wait3A_375 = arith.constant 128 : i32
        %dma_wait3A_376 = arith.constant 0 : i32
        %dma_wait3A_377 = tpu.memref_slice %dma_wait3A_374[%dma_wait3A_375, %dma_wait3A_376] : memref<512x32xf32, #tpu.memory_space<vmem>> -> memref<128x32xf32, #tpu.memory_space<vmem>>
        %dma_wait3A_378 = arith.constant 0 : i32
        %dma_wait3A_379 = arith.constant 0 : i32
        %dma_wait3A_380 = tpu.memref_slice %arg5[%dma_wait3A_367, %dma_wait3A_378, %dma_wait3A_379] : memref<3x4x128xi32, #tpu.memory_space<vmem>> -> memref<1x4x128xi32, #tpu.memory_space<vmem>>
        %dma_wait3A_381 = tpu.memref_squeeze %dma_wait3A_380 : memref<1x4x128xi32, #tpu.memory_space<vmem>> -> memref<4x128xi32, #tpu.memory_space<vmem>>
        %dma_wait3A_382 = arith.constant 0 : i32
        %dma_wait3A_383 = tpu.memref_slice %dma_wait3A_381[%dma_wait3A_368, %dma_wait3A_382] : memref<4x128xi32, #tpu.memory_space<vmem>> -> memref<1x128xi32, #tpu.memory_space<vmem>>
        %dma_wait3A_384 = tpu.memref_squeeze %dma_wait3A_383 : memref<1x128xi32, #tpu.memory_space<vmem>> -> memref<128xi32, #tpu.memory_space<vmem>>
        %dma_wait3A_385 = arith.constant 0 : i32
        %dma_wait3A_386 = arith.constant 0 : i32
        %dma_wait3A_387 = tpu.memref_slice %arg3[%dma_wait3A_385, %dma_wait3A_386] : memref<1000000x32xf32, #tpu.memory_space<hbm>> -> memref<1000000x32xf32, #tpu.memory_space<hbm>>
        %dma_wait3A_388 = tpu.memref_slice %arg8[%dma_wait3A_370] : memref<3x!tpu.dma_semaphore, #tpu.memory_space<semaphore_mem>> -> memref<1x!tpu.dma_semaphore, #tpu.memory_space<semaphore_mem>>
        %dma_wait3A_389 = tpu.memref_squeeze %dma_wait3A_388 : memref<1x!tpu.dma_semaphore, #tpu.memory_space<semaphore_mem>> -> memref<!tpu.dma_semaphore, #tpu.memory_space<semaphore_mem>>
        tpu.wait_indirect_dma semaphore(%dma_wait3A_389 : memref<!tpu.dma_semaphore, #tpu.memory_space<semaphore_mem>>) src(%dma_wait3A_387 : memref<1000000x32xf32, #tpu.memory_space<hbm>>) dst(%dma_wait3A_377 : memref<128x32xf32, #tpu.memory_space<vmem>>)
        %dma_wait3A_390 = arith.constant 1 : i32
        %dma_wait3A_391 = arith.constant 2 : i32
        %dma_wait3A_392 = arith.constant 1 : i32
        %dma_wait3A_393 = arith.constant 1 : i32
        %dma_wait3A_394 = arith.constant 0 : i32
        %dma_wait3A_395 = arith.constant 0 : i32
        %dma_wait3A_396 = tpu.memref_slice %arg6[%dma_wait3A_392, %dma_wait3A_394, %dma_wait3A_395] : memref<3x512x32xf32, #tpu.memory_space<vmem>> -> memref<1x512x32xf32, #tpu.memory_space<vmem>>
        %dma_wait3A_397 = tpu.memref_squeeze %dma_wait3A_396 : memref<1x512x32xf32, #tpu.memory_space<vmem>> -> memref<512x32xf32, #tpu.memory_space<vmem>>
        %dma_wait3A_398 = arith.constant 256 : i32
        %dma_wait3A_399 = arith.constant 0 : i32
        %dma_wait3A_400 = tpu.memref_slice %dma_wait3A_397[%dma_wait3A_398, %dma_wait3A_399] : memref<512x32xf32, #tpu.memory_space<vmem>> -> memref<128x32xf32, #tpu.memory_space<vmem>>
        %dma_wait3A_401 = arith.constant 0 : i32
        %dma_wait3A_402 = arith.constant 0 : i32
        %dma_wait3A_403 = tpu.memref_slice %arg5[%dma_wait3A_390, %dma_wait3A_401, %dma_wait3A_402] : memref<3x4x128xi32, #tpu.memory_space<vmem>> -> memref<1x4x128xi32, #tpu.memory_space<vmem>>
        %dma_wait3A_404 = tpu.memref_squeeze %dma_wait3A_403 : memref<1x4x128xi32, #tpu.memory_space<vmem>> -> memref<4x128xi32, #tpu.memory_space<vmem>>
        %dma_wait3A_405 = arith.constant 0 : i32
        %dma_wait3A_406 = tpu.memref_slice %dma_wait3A_404[%dma_wait3A_391, %dma_wait3A_405] : memref<4x128xi32, #tpu.memory_space<vmem>> -> memref<1x128xi32, #tpu.memory_space<vmem>>
        %dma_wait3A_407 = tpu.memref_squeeze %dma_wait3A_406 : memref<1x128xi32, #tpu.memory_space<vmem>> -> memref<128xi32, #tpu.memory_space<vmem>>
        %dma_wait3A_408 = arith.constant 0 : i32
        %dma_wait3A_409 = arith.constant 0 : i32
        %dma_wait3A_410 = tpu.memref_slice %arg3[%dma_wait3A_408, %dma_wait3A_409] : memref<1000000x32xf32, #tpu.memory_space<hbm>> -> memref<1000000x32xf32, #tpu.memory_space<hbm>>
        %dma_wait3A_411 = tpu.memref_slice %arg8[%dma_wait3A_393] : memref<3x!tpu.dma_semaphore, #tpu.memory_space<semaphore_mem>> -> memref<1x!tpu.dma_semaphore, #tpu.memory_space<semaphore_mem>>
        %dma_wait3A_412 = tpu.memref_squeeze %dma_wait3A_411 : memref<1x!tpu.dma_semaphore, #tpu.memory_space<semaphore_mem>> -> memref<!tpu.dma_semaphore, #tpu.memory_space<semaphore_mem>>
        tpu.wait_indirect_dma semaphore(%dma_wait3A_412 : memref<!tpu.dma_semaphore, #tpu.memory_space<semaphore_mem>>) src(%dma_wait3A_410 : memref<1000000x32xf32, #tpu.memory_space<hbm>>) dst(%dma_wait3A_400 : memref<128x32xf32, #tpu.memory_space<vmem>>)
        %dma_wait3A_413 = arith.constant 1 : i32
        %dma_wait3A_414 = arith.constant 3 : i32
        %dma_wait3A_415 = arith.constant 1 : i32
        %dma_wait3A_416 = arith.constant 1 : i32
        %dma_wait3A_417 = arith.constant 0 : i32
        %dma_wait3A_418 = arith.constant 0 : i32
        %dma_wait3A_419 = tpu.memref_slice %arg6[%dma_wait3A_415, %dma_wait3A_417, %dma_wait3A_418] : memref<3x512x32xf32, #tpu.memory_space<vmem>> -> memref<1x512x32xf32, #tpu.memory_space<vmem>>
        %dma_wait3A_420 = tpu.memref_squeeze %dma_wait3A_419 : memref<1x512x32xf32, #tpu.memory_space<vmem>> -> memref<512x32xf32, #tpu.memory_space<vmem>>
        %dma_wait3A_421 = arith.constant 384 : i32
        %dma_wait3A_422 = arith.constant 0 : i32
        %dma_wait3A_423 = tpu.memref_slice %dma_wait3A_420[%dma_wait3A_421, %dma_wait3A_422] : memref<512x32xf32, #tpu.memory_space<vmem>> -> memref<128x32xf32, #tpu.memory_space<vmem>>
        %dma_wait3A_424 = arith.constant 0 : i32
        %dma_wait3A_425 = arith.constant 0 : i32
        %dma_wait3A_426 = tpu.memref_slice %arg5[%dma_wait3A_413, %dma_wait3A_424, %dma_wait3A_425] : memref<3x4x128xi32, #tpu.memory_space<vmem>> -> memref<1x4x128xi32, #tpu.memory_space<vmem>>
        %dma_wait3A_427 = tpu.memref_squeeze %dma_wait3A_426 : memref<1x4x128xi32, #tpu.memory_space<vmem>> -> memref<4x128xi32, #tpu.memory_space<vmem>>
        %dma_wait3A_428 = arith.constant 0 : i32
        %dma_wait3A_429 = tpu.memref_slice %dma_wait3A_427[%dma_wait3A_414, %dma_wait3A_428] : memref<4x128xi32, #tpu.memory_space<vmem>> -> memref<1x128xi32, #tpu.memory_space<vmem>>
        %dma_wait3A_430 = tpu.memref_squeeze %dma_wait3A_429 : memref<1x128xi32, #tpu.memory_space<vmem>> -> memref<128xi32, #tpu.memory_space<vmem>>
        %dma_wait3A_431 = arith.constant 0 : i32
        %dma_wait3A_432 = arith.constant 0 : i32
        %dma_wait3A_433 = tpu.memref_slice %arg3[%dma_wait3A_431, %dma_wait3A_432] : memref<1000000x32xf32, #tpu.memory_space<hbm>> -> memref<1000000x32xf32, #tpu.memory_space<hbm>>
        %dma_wait3A_434 = tpu.memref_slice %arg8[%dma_wait3A_416] : memref<3x!tpu.dma_semaphore, #tpu.memory_space<semaphore_mem>> -> memref<1x!tpu.dma_semaphore, #tpu.memory_space<semaphore_mem>>
        %dma_wait3A_435 = tpu.memref_squeeze %dma_wait3A_434 : memref<1x!tpu.dma_semaphore, #tpu.memory_space<semaphore_mem>> -> memref<!tpu.dma_semaphore, #tpu.memory_space<semaphore_mem>>
        tpu.wait_indirect_dma semaphore(%dma_wait3A_435 : memref<!tpu.dma_semaphore, #tpu.memory_space<semaphore_mem>>) src(%dma_wait3A_433 : memref<1000000x32xf32, #tpu.memory_space<hbm>>) dst(%dma_wait3A_423 : memref<128x32xf32, #tpu.memory_space<vmem>>)
        %parallel_loop3A = arith.constant 0 : i32
        %parallel_loop3A_436 = arith.constant 128 : i32
        %parallel_loop3A_437 = arith.constant 1 : i32
        %parallel_loop3A_438 = arith.constant 1 : i32
        %parallel_loop3A_439 = arith.constant 0 : i32
        scf.for %parallel_loop3A_559 = %parallel_loop3A to %parallel_loop3A_436 step %parallel_loop3A_437  : i32 {
          %parallel_loop3A_560 = arith.constant 0 : i32
          %parallel_loop3A_561 = arith.addi %parallel_loop3A_560, %parallel_loop3A_559 : i32
          %parallel_loop3A_562 = vector.broadcast %parallel_loop3A_559 : i32 to vector<16xi32>
          %parallel_loop3A_563 = arith.addi %mul3A_189, %parallel_loop3A_562 : vector<16xi32>
          %parallel_loop3A_564 = arith.constant 1 : i32
          %parallel_loop3A_565 = arith.index_cast %parallel_loop3A_564 : i32 to index
          %parallel_loop3A_566 = arith.index_cast %parallel_loop3A_561 : i32 to index
          %parallel_loop3A_567 = arith.constant 0 : index
          %parallel_loop3A_568 = tpu.vector_load %arg6[%parallel_loop3A_565, %parallel_loop3A_566, %parallel_loop3A_567] {strides = array<i32>} : memref<3x512x32xf32, #tpu.memory_space<vmem>>, vector<16xf32>,
          %parallel_loop3A_569 = arith.constant 5.65685415 : f32
          %parallel_loop3A_570 = vector.broadcast %parallel_loop3A_569 : f32 to vector<16xf32>
          %parallel_loop3A_571 = arith.mulf %parallel_loop3A_568, %parallel_loop3A_570 : vector<16xf32>
          %parallel_loop3A_572 = arith.constant 0 : i32
          %parallel_loop3A_573 = arith.constant 0 : i32
          %parallel_loop3A_574 = tpu.memref_slice %arg7[%parallel_loop3A_438, %parallel_loop3A_572, %parallel_loop3A_573] : memref<3x4x4096xf32, #tpu.memory_space<vmem>> -> memref<1x4x4096xf32, #tpu.memory_space<vmem>>
          %parallel_loop3A_575 = tpu.memref_squeeze %parallel_loop3A_574 : memref<1x4x4096xf32, #tpu.memory_space<vmem>> -> memref<4x4096xf32, #tpu.memory_space<vmem>>
          %parallel_loop3A_576 = arith.constant 0 : i32
          %parallel_loop3A_577 = tpu.memref_slice %parallel_loop3A_575[%parallel_loop3A_439, %parallel_loop3A_576] : memref<4x4096xf32, #tpu.memory_space<vmem>> -> memref<1x4096xf32, #tpu.memory_space<vmem>>
          %parallel_loop3A_578 = tpu.memref_squeeze %parallel_loop3A_577 : memref<1x4096xf32, #tpu.memory_space<vmem>> -> memref<4096xf32, #tpu.memory_space<vmem>>
          tpu.vector_store_idx %parallel_loop3A_578[%parallel_loop3A_563], %parallel_loop3A_571 : memref<4096xf32, #tpu.memory_space<vmem>>[vector<16xi32>], vector<16xf32>,
          %parallel_loop3A_579 = vector.broadcast %parallel_loop3A_559 : i32 to vector<16xi32>
          %parallel_loop3A_580 = arith.addi %add3A_195, %parallel_loop3A_579 : vector<16xi32>
          %parallel_loop3A_581 = arith.constant 1 : i32
          %parallel_loop3A_582 = arith.index_cast %parallel_loop3A_581 : i32 to index
          %parallel_loop3A_583 = arith.index_cast %parallel_loop3A_561 : i32 to index
          %parallel_loop3A_584 = arith.constant 16 : index
          %parallel_loop3A_585 = tpu.vector_load %arg6[%parallel_loop3A_582, %parallel_loop3A_583, %parallel_loop3A_584] {strides = array<i32>} : memref<3x512x32xf32, #tpu.memory_space<vmem>>, vector<16xf32>,
          %parallel_loop3A_586 = arith.constant 5.65685415 : f32
          %parallel_loop3A_587 = vector.broadcast %parallel_loop3A_586 : f32 to vector<16xf32>
          %parallel_loop3A_588 = arith.mulf %parallel_loop3A_585, %parallel_loop3A_587 : vector<16xf32>
          %parallel_loop3A_589 = arith.constant 0 : i32
          %parallel_loop3A_590 = arith.constant 0 : i32
          %parallel_loop3A_591 = tpu.memref_slice %arg7[%parallel_loop3A_438, %parallel_loop3A_589, %parallel_loop3A_590] : memref<3x4x4096xf32, #tpu.memory_space<vmem>> -> memref<1x4x4096xf32, #tpu.memory_space<vmem>>
          %parallel_loop3A_592 = tpu.memref_squeeze %parallel_loop3A_591 : memref<1x4x4096xf32, #tpu.memory_space<vmem>> -> memref<4x4096xf32, #tpu.memory_space<vmem>>
          %parallel_loop3A_593 = arith.constant 0 : i32
          %parallel_loop3A_594 = tpu.memref_slice %parallel_loop3A_592[%parallel_loop3A_439, %parallel_loop3A_593] : memref<4x4096xf32, #tpu.memory_space<vmem>> -> memref<1x4096xf32, #tpu.memory_space<vmem>>
          %parallel_loop3A_595 = tpu.memref_squeeze %parallel_loop3A_594 : memref<1x4096xf32, #tpu.memory_space<vmem>> -> memref<4096xf32, #tpu.memory_space<vmem>>
          tpu.vector_store_idx %parallel_loop3A_595[%parallel_loop3A_580], %parallel_loop3A_588 : memref<4096xf32, #tpu.memory_space<vmem>>[vector<16xi32>], vector<16xf32>,
        } {sc.loop_unroll_factor = 8 : i64, sc.parallel_access}
        %parallel_loop3A_440 = arith.constant 0 : i32
        %parallel_loop3A_441 = arith.constant 128 : i32
        %parallel_loop3A_442 = arith.constant 1 : i32
        %parallel_loop3A_443 = arith.constant 1 : i32
        %parallel_loop3A_444 = arith.constant 1 : i32
        scf.for %parallel_loop3A_559 = %parallel_loop3A_440 to %parallel_loop3A_441 step %parallel_loop3A_442  : i32 {
          %parallel_loop3A_560 = arith.constant 128 : i32
          %parallel_loop3A_561 = arith.addi %parallel_loop3A_560, %parallel_loop3A_559 : i32
          %parallel_loop3A_562 = vector.broadcast %parallel_loop3A_559 : i32 to vector<16xi32>
          %parallel_loop3A_563 = arith.addi %mul3A_189, %parallel_loop3A_562 : vector<16xi32>
          %parallel_loop3A_564 = arith.constant 1 : i32
          %parallel_loop3A_565 = arith.index_cast %parallel_loop3A_564 : i32 to index
          %parallel_loop3A_566 = arith.index_cast %parallel_loop3A_561 : i32 to index
          %parallel_loop3A_567 = arith.constant 0 : index
          %parallel_loop3A_568 = tpu.vector_load %arg6[%parallel_loop3A_565, %parallel_loop3A_566, %parallel_loop3A_567] {strides = array<i32>} : memref<3x512x32xf32, #tpu.memory_space<vmem>>, vector<16xf32>,
          %parallel_loop3A_569 = arith.constant 5.65685415 : f32
          %parallel_loop3A_570 = vector.broadcast %parallel_loop3A_569 : f32 to vector<16xf32>
          %parallel_loop3A_571 = arith.mulf %parallel_loop3A_568, %parallel_loop3A_570 : vector<16xf32>
          %parallel_loop3A_572 = arith.constant 0 : i32
          %parallel_loop3A_573 = arith.constant 0 : i32
          %parallel_loop3A_574 = tpu.memref_slice %arg7[%parallel_loop3A_443, %parallel_loop3A_572, %parallel_loop3A_573] : memref<3x4x4096xf32, #tpu.memory_space<vmem>> -> memref<1x4x4096xf32, #tpu.memory_space<vmem>>
          %parallel_loop3A_575 = tpu.memref_squeeze %parallel_loop3A_574 : memref<1x4x4096xf32, #tpu.memory_space<vmem>> -> memref<4x4096xf32, #tpu.memory_space<vmem>>
          %parallel_loop3A_576 = arith.constant 0 : i32
          %parallel_loop3A_577 = tpu.memref_slice %parallel_loop3A_575[%parallel_loop3A_444, %parallel_loop3A_576] : memref<4x4096xf32, #tpu.memory_space<vmem>> -> memref<1x4096xf32, #tpu.memory_space<vmem>>
          %parallel_loop3A_578 = tpu.memref_squeeze %parallel_loop3A_577 : memref<1x4096xf32, #tpu.memory_space<vmem>> -> memref<4096xf32, #tpu.memory_space<vmem>>
          tpu.vector_store_idx %parallel_loop3A_578[%parallel_loop3A_563], %parallel_loop3A_571 : memref<4096xf32, #tpu.memory_space<vmem>>[vector<16xi32>], vector<16xf32>,
          %parallel_loop3A_579 = vector.broadcast %parallel_loop3A_559 : i32 to vector<16xi32>
          %parallel_loop3A_580 = arith.addi %add3A_195, %parallel_loop3A_579 : vector<16xi32>
          %parallel_loop3A_581 = arith.constant 1 : i32
          %parallel_loop3A_582 = arith.index_cast %parallel_loop3A_581 : i32 to index
          %parallel_loop3A_583 = arith.index_cast %parallel_loop3A_561 : i32 to index
          %parallel_loop3A_584 = arith.constant 16 : index
          %parallel_loop3A_585 = tpu.vector_load %arg6[%parallel_loop3A_582, %parallel_loop3A_583, %parallel_loop3A_584] {strides = array<i32>} : memref<3x512x32xf32, #tpu.memory_space<vmem>>, vector<16xf32>,
          %parallel_loop3A_586 = arith.constant 5.65685415 : f32
          %parallel_loop3A_587 = vector.broadcast %parallel_loop3A_586 : f32 to vector<16xf32>
          %parallel_loop3A_588 = arith.mulf %parallel_loop3A_585, %parallel_loop3A_587 : vector<16xf32>
          %parallel_loop3A_589 = arith.constant 0 : i32
          %parallel_loop3A_590 = arith.constant 0 : i32
          %parallel_loop3A_591 = tpu.memref_slice %arg7[%parallel_loop3A_443, %parallel_loop3A_589, %parallel_loop3A_590] : memref<3x4x4096xf32, #tpu.memory_space<vmem>> -> memref<1x4x4096xf32, #tpu.memory_space<vmem>>
          %parallel_loop3A_592 = tpu.memref_squeeze %parallel_loop3A_591 : memref<1x4x4096xf32, #tpu.memory_space<vmem>> -> memref<4x4096xf32, #tpu.memory_space<vmem>>
          %parallel_loop3A_593 = arith.constant 0 : i32
          %parallel_loop3A_594 = tpu.memref_slice %parallel_loop3A_592[%parallel_loop3A_444, %parallel_loop3A_593] : memref<4x4096xf32, #tpu.memory_space<vmem>> -> memref<1x4096xf32, #tpu.memory_space<vmem>>
          %parallel_loop3A_595 = tpu.memref_squeeze %parallel_loop3A_594 : memref<1x4096xf32, #tpu.memory_space<vmem>> -> memref<4096xf32, #tpu.memory_space<vmem>>
          tpu.vector_store_idx %parallel_loop3A_595[%parallel_loop3A_580], %parallel_loop3A_588 : memref<4096xf32, #tpu.memory_space<vmem>>[vector<16xi32>], vector<16xf32>,
        } {sc.loop_unroll_factor = 8 : i64, sc.parallel_access}
        %parallel_loop3A_445 = arith.constant 0 : i32
        %parallel_loop3A_446 = arith.constant 128 : i32
        %parallel_loop3A_447 = arith.constant 1 : i32
        %parallel_loop3A_448 = arith.constant 1 : i32
        %parallel_loop3A_449 = arith.constant 2 : i32
        scf.for %parallel_loop3A_559 = %parallel_loop3A_445 to %parallel_loop3A_446 step %parallel_loop3A_447  : i32 {
          %parallel_loop3A_560 = arith.constant 256 : i32
          %parallel_loop3A_561 = arith.addi %parallel_loop3A_560, %parallel_loop3A_559 : i32
          %parallel_loop3A_562 = vector.broadcast %parallel_loop3A_559 : i32 to vector<16xi32>
          %parallel_loop3A_563 = arith.addi %mul3A_189, %parallel_loop3A_562 : vector<16xi32>
          %parallel_loop3A_564 = arith.constant 1 : i32
          %parallel_loop3A_565 = arith.index_cast %parallel_loop3A_564 : i32 to index
          %parallel_loop3A_566 = arith.index_cast %parallel_loop3A_561 : i32 to index
          %parallel_loop3A_567 = arith.constant 0 : index
          %parallel_loop3A_568 = tpu.vector_load %arg6[%parallel_loop3A_565, %parallel_loop3A_566, %parallel_loop3A_567] {strides = array<i32>} : memref<3x512x32xf32, #tpu.memory_space<vmem>>, vector<16xf32>,
          %parallel_loop3A_569 = arith.constant 5.65685415 : f32
          %parallel_loop3A_570 = vector.broadcast %parallel_loop3A_569 : f32 to vector<16xf32>
          %parallel_loop3A_571 = arith.mulf %parallel_loop3A_568, %parallel_loop3A_570 : vector<16xf32>
          %parallel_loop3A_572 = arith.constant 0 : i32
          %parallel_loop3A_573 = arith.constant 0 : i32
          %parallel_loop3A_574 = tpu.memref_slice %arg7[%parallel_loop3A_448, %parallel_loop3A_572, %parallel_loop3A_573] : memref<3x4x4096xf32, #tpu.memory_space<vmem>> -> memref<1x4x4096xf32, #tpu.memory_space<vmem>>
          %parallel_loop3A_575 = tpu.memref_squeeze %parallel_loop3A_574 : memref<1x4x4096xf32, #tpu.memory_space<vmem>> -> memref<4x4096xf32, #tpu.memory_space<vmem>>
          %parallel_loop3A_576 = arith.constant 0 : i32
          %parallel_loop3A_577 = tpu.memref_slice %parallel_loop3A_575[%parallel_loop3A_449, %parallel_loop3A_576] : memref<4x4096xf32, #tpu.memory_space<vmem>> -> memref<1x4096xf32, #tpu.memory_space<vmem>>
          %parallel_loop3A_578 = tpu.memref_squeeze %parallel_loop3A_577 : memref<1x4096xf32, #tpu.memory_space<vmem>> -> memref<4096xf32, #tpu.memory_space<vmem>>
          tpu.vector_store_idx %parallel_loop3A_578[%parallel_loop3A_563], %parallel_loop3A_571 : memref<4096xf32, #tpu.memory_space<vmem>>[vector<16xi32>], vector<16xf32>,
          %parallel_loop3A_579 = vector.broadcast %parallel_loop3A_559 : i32 to vector<16xi32>
          %parallel_loop3A_580 = arith.addi %add3A_195, %parallel_loop3A_579 : vector<16xi32>
          %parallel_loop3A_581 = arith.constant 1 : i32
          %parallel_loop3A_582 = arith.index_cast %parallel_loop3A_581 : i32 to index
          %parallel_loop3A_583 = arith.index_cast %parallel_loop3A_561 : i32 to index
          %parallel_loop3A_584 = arith.constant 16 : index
          %parallel_loop3A_585 = tpu.vector_load %arg6[%parallel_loop3A_582, %parallel_loop3A_583, %parallel_loop3A_584] {strides = array<i32>} : memref<3x512x32xf32, #tpu.memory_space<vmem>>, vector<16xf32>,
          %parallel_loop3A_586 = arith.constant 5.65685415 : f32
          %parallel_loop3A_587 = vector.broadcast %parallel_loop3A_586 : f32 to vector<16xf32>
          %parallel_loop3A_588 = arith.mulf %parallel_loop3A_585, %parallel_loop3A_587 : vector<16xf32>
          %parallel_loop3A_589 = arith.constant 0 : i32
          %parallel_loop3A_590 = arith.constant 0 : i32
          %parallel_loop3A_591 = tpu.memref_slice %arg7[%parallel_loop3A_448, %parallel_loop3A_589, %parallel_loop3A_590] : memref<3x4x4096xf32, #tpu.memory_space<vmem>> -> memref<1x4x4096xf32, #tpu.memory_space<vmem>>
          %parallel_loop3A_592 = tpu.memref_squeeze %parallel_loop3A_591 : memref<1x4x4096xf32, #tpu.memory_space<vmem>> -> memref<4x4096xf32, #tpu.memory_space<vmem>>
          %parallel_loop3A_593 = arith.constant 0 : i32
          %parallel_loop3A_594 = tpu.memref_slice %parallel_loop3A_592[%parallel_loop3A_449, %parallel_loop3A_593] : memref<4x4096xf32, #tpu.memory_space<vmem>> -> memref<1x4096xf32, #tpu.memory_space<vmem>>
          %parallel_loop3A_595 = tpu.memref_squeeze %parallel_loop3A_594 : memref<1x4096xf32, #tpu.memory_space<vmem>> -> memref<4096xf32, #tpu.memory_space<vmem>>
          tpu.vector_store_idx %parallel_loop3A_595[%parallel_loop3A_580], %parallel_loop3A_588 : memref<4096xf32, #tpu.memory_space<vmem>>[vector<16xi32>], vector<16xf32>,
        } {sc.loop_unroll_factor = 8 : i64, sc.parallel_access}
        %parallel_loop3A_450 = arith.constant 0 : i32
        %parallel_loop3A_451 = arith.constant 128 : i32
        %parallel_loop3A_452 = arith.constant 1 : i32
        %parallel_loop3A_453 = arith.constant 1 : i32
        %parallel_loop3A_454 = arith.constant 3 : i32
        scf.for %parallel_loop3A_559 = %parallel_loop3A_450 to %parallel_loop3A_451 step %parallel_loop3A_452  : i32 {
          %parallel_loop3A_560 = arith.constant 384 : i32
          %parallel_loop3A_561 = arith.addi %parallel_loop3A_560, %parallel_loop3A_559 : i32
          %parallel_loop3A_562 = vector.broadcast %parallel_loop3A_559 : i32 to vector<16xi32>
          %parallel_loop3A_563 = arith.addi %mul3A_189, %parallel_loop3A_562 : vector<16xi32>
          %parallel_loop3A_564 = arith.constant 1 : i32
          %parallel_loop3A_565 = arith.index_cast %parallel_loop3A_564 : i32 to index
          %parallel_loop3A_566 = arith.index_cast %parallel_loop3A_561 : i32 to index
          %parallel_loop3A_567 = arith.constant 0 : index
          %parallel_loop3A_568 = tpu.vector_load %arg6[%parallel_loop3A_565, %parallel_loop3A_566, %parallel_loop3A_567] {strides = array<i32>} : memref<3x512x32xf32, #tpu.memory_space<vmem>>, vector<16xf32>,
          %parallel_loop3A_569 = arith.constant 5.65685415 : f32
          %parallel_loop3A_570 = vector.broadcast %parallel_loop3A_569 : f32 to vector<16xf32>
          %parallel_loop3A_571 = arith.mulf %parallel_loop3A_568, %parallel_loop3A_570 : vector<16xf32>
          %parallel_loop3A_572 = arith.constant 0 : i32
          %parallel_loop3A_573 = arith.constant 0 : i32
          %parallel_loop3A_574 = tpu.memref_slice %arg7[%parallel_loop3A_453, %parallel_loop3A_572, %parallel_loop3A_573] : memref<3x4x4096xf32, #tpu.memory_space<vmem>> -> memref<1x4x4096xf32, #tpu.memory_space<vmem>>
          %parallel_loop3A_575 = tpu.memref_squeeze %parallel_loop3A_574 : memref<1x4x4096xf32, #tpu.memory_space<vmem>> -> memref<4x4096xf32, #tpu.memory_space<vmem>>
          %parallel_loop3A_576 = arith.constant 0 : i32
          %parallel_loop3A_577 = tpu.memref_slice %parallel_loop3A_575[%parallel_loop3A_454, %parallel_loop3A_576] : memref<4x4096xf32, #tpu.memory_space<vmem>> -> memref<1x4096xf32, #tpu.memory_space<vmem>>
          %parallel_loop3A_578 = tpu.memref_squeeze %parallel_loop3A_577 : memref<1x4096xf32, #tpu.memory_space<vmem>> -> memref<4096xf32, #tpu.memory_space<vmem>>
          tpu.vector_store_idx %parallel_loop3A_578[%parallel_loop3A_563], %parallel_loop3A_571 : memref<4096xf32, #tpu.memory_space<vmem>>[vector<16xi32>], vector<16xf32>,
          %parallel_loop3A_579 = vector.broadcast %parallel_loop3A_559 : i32 to vector<16xi32>
          %parallel_loop3A_580 = arith.addi %add3A_195, %parallel_loop3A_579 : vector<16xi32>
          %parallel_loop3A_581 = arith.constant 1 : i32
          %parallel_loop3A_582 = arith.index_cast %parallel_loop3A_581 : i32 to index
          %parallel_loop3A_583 = arith.index_cast %parallel_loop3A_561 : i32 to index
          %parallel_loop3A_584 = arith.constant 16 : index
          %parallel_loop3A_585 = tpu.vector_load %arg6[%parallel_loop3A_582, %parallel_loop3A_583, %parallel_loop3A_584] {strides = array<i32>} : memref<3x512x32xf32, #tpu.memory_space<vmem>>, vector<16xf32>,
          %parallel_loop3A_586 = arith.constant 5.65685415 : f32
          %parallel_loop3A_587 = vector.broadcast %parallel_loop3A_586 : f32 to vector<16xf32>
          %parallel_loop3A_588 = arith.mulf %parallel_loop3A_585, %parallel_loop3A_587 : vector<16xf32>
          %parallel_loop3A_589 = arith.constant 0 : i32
          %parallel_loop3A_590 = arith.constant 0 : i32
          %parallel_loop3A_591 = tpu.memref_slice %arg7[%parallel_loop3A_453, %parallel_loop3A_589, %parallel_loop3A_590] : memref<3x4x4096xf32, #tpu.memory_space<vmem>> -> memref<1x4x4096xf32, #tpu.memory_space<vmem>>
          %parallel_loop3A_592 = tpu.memref_squeeze %parallel_loop3A_591 : memref<1x4x4096xf32, #tpu.memory_space<vmem>> -> memref<4x4096xf32, #tpu.memory_space<vmem>>
          %parallel_loop3A_593 = arith.constant 0 : i32
          %parallel_loop3A_594 = tpu.memref_slice %parallel_loop3A_592[%parallel_loop3A_454, %parallel_loop3A_593] : memref<4x4096xf32, #tpu.memory_space<vmem>> -> memref<1x4096xf32, #tpu.memory_space<vmem>>
          %parallel_loop3A_595 = tpu.memref_squeeze %parallel_loop3A_594 : memref<1x4096xf32, #tpu.memory_space<vmem>> -> memref<4096xf32, #tpu.memory_space<vmem>>
          tpu.vector_store_idx %parallel_loop3A_595[%parallel_loop3A_580], %parallel_loop3A_588 : memref<4096xf32, #tpu.memory_space<vmem>>[vector<16xi32>], vector<16xf32>,
        } {sc.loop_unroll_factor = 8 : i64, sc.parallel_access}
        %mul3A_455 = arith.constant 4 : i32
        %mul3A_456 = arith.muli %add3A_316, %mul3A_455 : i32
        %mul3A_457 = arith.constant 1024 : i32
        %mul3A_458 = arith.muli %add3A, %mul3A_457 : i32
        %add3A_459 = arith.constant 0 : i32
        %add3A_460 = arith.addi %add3A_459, %mul3A_458 : i32
        %mul3A_461 = arith.constant 4 : i32
        %mul3A_462 = arith.muli %add3A_316, %mul3A_461 : i32
        %mul3A_463 = arith.constant 1024 : i32
        %mul3A_464 = arith.muli %add3A, %mul3A_463 : i32
        %add3A_465 = arith.constant 32768 : i32
        %add3A_466 = arith.addi %add3A_465, %mul3A_464 : i32
        %mul3A_467 = arith.constant 4 : i32
        %mul3A_468 = arith.muli %add3A_316, %mul3A_467 : i32
        %mul3A_469 = arith.constant 1024 : i32
        %mul3A_470 = arith.muli %add3A, %mul3A_469 : i32
        %add3A_471 = arith.constant 65536 : i32
        %add3A_472 = arith.addi %add3A_471, %mul3A_470 : i32
        %mul3A_473 = arith.constant 4 : i32
        %mul3A_474 = arith.muli %add3A_316, %mul3A_473 : i32
        %mul3A_475 = arith.constant 1024 : i32
        %mul3A_476 = arith.muli %add3A, %mul3A_475 : i32
        %add3A_477 = arith.constant 98304 : i32
        %add3A_478 = arith.addi %add3A_477, %mul3A_476 : i32
        %dma_start3A_479 = arith.constant 1 : i32
        %dma_start3A_480 = arith.constant 1 : i32
        %dma_start3A_481 = arith.constant 0 : i32
        %dma_start3A_482 = arith.constant 0 : i32
        %dma_start3A_483 = tpu.memref_slice %arg7[%dma_start3A_479, %dma_start3A_481, %dma_start3A_482] : memref<3x4x4096xf32, #tpu.memory_space<vmem>> -> memref<1x4x4096xf32, #tpu.memory_space<vmem>>
        %dma_start3A_484 = tpu.memref_squeeze %dma_start3A_483 : memref<1x4x4096xf32, #tpu.memory_space<vmem>> -> memref<4x4096xf32, #tpu.memory_space<vmem>>
        %dma_start3A_485 = arith.constant 0 : i32
        %dma_start3A_486 = arith.constant 0 : i32
        %dma_start3A_487 = tpu.memref_slice %dma_start3A_484[%dma_start3A_485, %dma_start3A_486] : memref<4x4096xf32, #tpu.memory_space<vmem>> -> memref<4x1024xf32, #tpu.memory_space<vmem>>
        %dma_start3A_488 = tpu.memref_slice %arg4[%mul3A_456, %add3A_460] : memref<200x131072xf32, #tpu.memory_space<hbm>> -> memref<4x1024xf32, #tpu.memory_space<hbm>>
        %dma_start3A_489 = tpu.memref_slice %arg9[%dma_start3A_480] : memref<3x!tpu.dma_semaphore, #tpu.memory_space<semaphore_mem>> -> memref<1x!tpu.dma_semaphore, #tpu.memory_space<semaphore_mem>>
        %dma_start3A_490 = tpu.memref_squeeze %dma_start3A_489 : memref<1x!tpu.dma_semaphore, #tpu.memory_space<semaphore_mem>> -> memref<!tpu.dma_semaphore, #tpu.memory_space<semaphore_mem>>
        %dma_start3A_491 = tpu.memref_slice %arg4[%mul3A_456, %add3A_460] : memref<200x131072xf32, #tpu.memory_space<hbm>> -> memref<4x1024xf32, #tpu.memory_space<hbm>>
        %dma_start3A_492 = arith.constant 0 : i32
        %dma_start3A_493 = arith.constant 0 : i32
        %dma_start3A_494 = tpu.memref_slice %arg7[%dma_start3A_479, %dma_start3A_492, %dma_start3A_493] : memref<3x4x4096xf32, #tpu.memory_space<vmem>> -> memref<1x4x4096xf32, #tpu.memory_space<vmem>>
        %dma_start3A_495 = tpu.memref_squeeze %dma_start3A_494 : memref<1x4x4096xf32, #tpu.memory_space<vmem>> -> memref<4x4096xf32, #tpu.memory_space<vmem>>
        %dma_start3A_496 = arith.constant 0 : i32
        %dma_start3A_497 = arith.constant 0 : i32
        %dma_start3A_498 = tpu.memref_slice %dma_start3A_495[%dma_start3A_496, %dma_start3A_497] : memref<4x4096xf32, #tpu.memory_space<vmem>> -> memref<4x1024xf32, #tpu.memory_space<vmem>>
        tpu.enqueue_dma source(%dma_start3A_498 : memref<4x1024xf32, #tpu.memory_space<vmem>>) target(%dma_start3A_491 : memref<4x1024xf32, #tpu.memory_space<hbm>>) target_semaphore(%dma_start3A_490 : memref<!tpu.dma_semaphore, #tpu.memory_space<semaphore_mem>>)
        %dma_start3A_499 = arith.constant 1 : i32
        %dma_start3A_500 = arith.constant 1 : i32
        %dma_start3A_501 = arith.constant 0 : i32
        %dma_start3A_502 = arith.constant 0 : i32
        %dma_start3A_503 = tpu.memref_slice %arg7[%dma_start3A_499, %dma_start3A_501, %dma_start3A_502] : memref<3x4x4096xf32, #tpu.memory_space<vmem>> -> memref<1x4x4096xf32, #tpu.memory_space<vmem>>
        %dma_start3A_504 = tpu.memref_squeeze %dma_start3A_503 : memref<1x4x4096xf32, #tpu.memory_space<vmem>> -> memref<4x4096xf32, #tpu.memory_space<vmem>>
        %dma_start3A_505 = arith.constant 0 : i32
        %dma_start3A_506 = arith.constant 1024 : i32
        %dma_start3A_507 = tpu.memref_slice %dma_start3A_504[%dma_start3A_505, %dma_start3A_506] : memref<4x4096xf32, #tpu.memory_space<vmem>> -> memref<4x1024xf32, #tpu.memory_space<vmem>>
        %dma_start3A_508 = tpu.memref_slice %arg4[%mul3A_462, %add3A_466] : memref<200x131072xf32, #tpu.memory_space<hbm>> -> memref<4x1024xf32, #tpu.memory_space<hbm>>
        %dma_start3A_509 = tpu.memref_slice %arg9[%dma_start3A_500] : memref<3x!tpu.dma_semaphore, #tpu.memory_space<semaphore_mem>> -> memref<1x!tpu.dma_semaphore, #tpu.memory_space<semaphore_mem>>
        %dma_start3A_510 = tpu.memref_squeeze %dma_start3A_509 : memref<1x!tpu.dma_semaphore, #tpu.memory_space<semaphore_mem>> -> memref<!tpu.dma_semaphore, #tpu.memory_space<semaphore_mem>>
        %dma_start3A_511 = tpu.memref_slice %arg4[%mul3A_462, %add3A_466] : memref<200x131072xf32, #tpu.memory_space<hbm>> -> memref<4x1024xf32, #tpu.memory_space<hbm>>
        %dma_start3A_512 = arith.constant 0 : i32
        %dma_start3A_513 = arith.constant 0 : i32
        %dma_start3A_514 = tpu.memref_slice %arg7[%dma_start3A_499, %dma_start3A_512, %dma_start3A_513] : memref<3x4x4096xf32, #tpu.memory_space<vmem>> -> memref<1x4x4096xf32, #tpu.memory_space<vmem>>
        %dma_start3A_515 = tpu.memref_squeeze %dma_start3A_514 : memref<1x4x4096xf32, #tpu.memory_space<vmem>> -> memref<4x4096xf32, #tpu.memory_space<vmem>>
        %dma_start3A_516 = arith.constant 0 : i32
        %dma_start3A_517 = arith.constant 1024 : i32
        %dma_start3A_518 = tpu.memref_slice %dma_start3A_515[%dma_start3A_516, %dma_start3A_517] : memref<4x4096xf32, #tpu.memory_space<vmem>> -> memref<4x1024xf32, #tpu.memory_space<vmem>>
        tpu.enqueue_dma source(%dma_start3A_518 : memref<4x1024xf32, #tpu.memory_space<vmem>>) target(%dma_start3A_511 : memref<4x1024xf32, #tpu.memory_space<hbm>>) target_semaphore(%dma_start3A_510 : memref<!tpu.dma_semaphore, #tpu.memory_space<semaphore_mem>>)
        %dma_start3A_519 = arith.constant 1 : i32
        %dma_start3A_520 = arith.constant 1 : i32
        %dma_start3A_521 = arith.constant 0 : i32
        %dma_start3A_522 = arith.constant 0 : i32
        %dma_start3A_523 = tpu.memref_slice %arg7[%dma_start3A_519, %dma_start3A_521, %dma_start3A_522] : memref<3x4x4096xf32, #tpu.memory_space<vmem>> -> memref<1x4x4096xf32, #tpu.memory_space<vmem>>
        %dma_start3A_524 = tpu.memref_squeeze %dma_start3A_523 : memref<1x4x4096xf32, #tpu.memory_space<vmem>> -> memref<4x4096xf32, #tpu.memory_space<vmem>>
        %dma_start3A_525 = arith.constant 0 : i32
        %dma_start3A_526 = arith.constant 2048 : i32
        %dma_start3A_527 = tpu.memref_slice %dma_start3A_524[%dma_start3A_525, %dma_start3A_526] : memref<4x4096xf32, #tpu.memory_space<vmem>> -> memref<4x1024xf32, #tpu.memory_space<vmem>>
        %dma_start3A_528 = tpu.memref_slice %arg4[%mul3A_468, %add3A_472] : memref<200x131072xf32, #tpu.memory_space<hbm>> -> memref<4x1024xf32, #tpu.memory_space<hbm>>
        %dma_start3A_529 = tpu.memref_slice %arg9[%dma_start3A_520] : memref<3x!tpu.dma_semaphore, #tpu.memory_space<semaphore_mem>> -> memref<1x!tpu.dma_semaphore, #tpu.memory_space<semaphore_mem>>
        %dma_start3A_530 = tpu.memref_squeeze %dma_start3A_529 : memref<1x!tpu.dma_semaphore, #tpu.memory_space<semaphore_mem>> -> memref<!tpu.dma_semaphore, #tpu.memory_space<semaphore_mem>>
        %dma_start3A_531 = tpu.memref_slice %arg4[%mul3A_468, %add3A_472] : memref<200x131072xf32, #tpu.memory_space<hbm>> -> memref<4x1024xf32, #tpu.memory_space<hbm>>
        %dma_start3A_532 = arith.constant 0 : i32
        %dma_start3A_533 = arith.constant 0 : i32
        %dma_start3A_534 = tpu.memref_slice %arg7[%dma_start3A_519, %dma_start3A_532, %dma_start3A_533] : memref<3x4x4096xf32, #tpu.memory_space<vmem>> -> memref<1x4x4096xf32, #tpu.memory_space<vmem>>
        %dma_start3A_535 = tpu.memref_squeeze %dma_start3A_534 : memref<1x4x4096xf32, #tpu.memory_space<vmem>> -> memref<4x4096xf32, #tpu.memory_space<vmem>>
        %dma_start3A_536 = arith.constant 0 : i32
        %dma_start3A_537 = arith.constant 2048 : i32
        %dma_start3A_538 = tpu.memref_slice %dma_start3A_535[%dma_start3A_536, %dma_start3A_537] : memref<4x4096xf32, #tpu.memory_space<vmem>> -> memref<4x1024xf32, #tpu.memory_space<vmem>>
        tpu.enqueue_dma source(%dma_start3A_538 : memref<4x1024xf32, #tpu.memory_space<vmem>>) target(%dma_start3A_531 : memref<4x1024xf32, #tpu.memory_space<hbm>>) target_semaphore(%dma_start3A_530 : memref<!tpu.dma_semaphore, #tpu.memory_space<semaphore_mem>>)
        %dma_start3A_539 = arith.constant 1 : i32
        %dma_start3A_540 = arith.constant 1 : i32
        %dma_start3A_541 = arith.constant 0 : i32
        %dma_start3A_542 = arith.constant 0 : i32
        %dma_start3A_543 = tpu.memref_slice %arg7[%dma_start3A_539, %dma_start3A_541, %dma_start3A_542] : memref<3x4x4096xf32, #tpu.memory_space<vmem>> -> memref<1x4x4096xf32, #tpu.memory_space<vmem>>
        %dma_start3A_544 = tpu.memref_squeeze %dma_start3A_543 : memref<1x4x4096xf32, #tpu.memory_space<vmem>> -> memref<4x4096xf32, #tpu.memory_space<vmem>>
        %dma_start3A_545 = arith.constant 0 : i32
        %dma_start3A_546 = arith.constant 3072 : i32
        %dma_start3A_547 = tpu.memref_slice %dma_start3A_544[%dma_start3A_545, %dma_start3A_546] : memref<4x4096xf32, #tpu.memory_space<vmem>> -> memref<4x1024xf32, #tpu.memory_space<vmem>>
        %dma_start3A_548 = tpu.memref_slice %arg4[%mul3A_474, %add3A_478] : memref<200x131072xf32, #tpu.memory_space<hbm>> -> memref<4x1024xf32, #tpu.memory_space<hbm>>
        %dma_start3A_549 = tpu.memref_slice %arg9[%dma_start3A_540] : memref<3x!tpu.dma_semaphore, #tpu.memory_space<semaphore_mem>> -> memref<1x!tpu.dma_semaphore, #tpu.memory_space<semaphore_mem>>
        %dma_start3A_550 = tpu.memref_squeeze %dma_start3A_549 : memref<1x!tpu.dma_semaphore, #tpu.memory_space<semaphore_mem>> -> memref<!tpu.dma_semaphore, #tpu.memory_space<semaphore_mem>>
        %dma_start3A_551 = tpu.memref_slice %arg4[%mul3A_474, %add3A_478] : memref<200x131072xf32, #tpu.memory_space<hbm>> -> memref<4x1024xf32, #tpu.memory_space<hbm>>
        %dma_start3A_552 = arith.constant 0 : i32
        %dma_start3A_553 = arith.constant 0 : i32
        %dma_start3A_554 = tpu.memref_slice %arg7[%dma_start3A_539, %dma_start3A_552, %dma_start3A_553] : memref<3x4x4096xf32, #tpu.memory_space<vmem>> -> memref<1x4x4096xf32, #tpu.memory_space<vmem>>
        %dma_start3A_555 = tpu.memref_squeeze %dma_start3A_554 : memref<1x4x4096xf32, #tpu.memory_space<vmem>> -> memref<4x4096xf32, #tpu.memory_space<vmem>>
        %dma_start3A_556 = arith.constant 0 : i32
        %dma_start3A_557 = arith.constant 3072 : i32
        %dma_start3A_558 = tpu.memref_slice %dma_start3A_555[%dma_start3A_556, %dma_start3A_557] : memref<4x4096xf32, #tpu.memory_space<vmem>> -> memref<4x1024xf32, #tpu.memory_space<vmem>>
        tpu.enqueue_dma source(%dma_start3A_558 : memref<4x1024xf32, #tpu.memory_space<vmem>>) target(%dma_start3A_551 : memref<4x1024xf32, #tpu.memory_space<hbm>>) target_semaphore(%dma_start3A_550 : memref<!tpu.dma_semaphore, #tpu.memory_space<semaphore_mem>>)
      } else {
      }
      %mul3A_322 = arith.constant 3 : i32
      %mul3A_323 = arith.muli %scan3A_305, %mul3A_322 : i32
      %add3A_324 = arith.constant 2 : i32
      %add3A_325 = arith.addi %mul3A_323, %add3A_324 : i32
      %lt3A_326 = arith.constant 50 : i32
      %lt3A_327 = arith.cmpi slt, %add3A_325, %lt3A_326 : i32
      %convert_element_type3A_328 = arith.extui %lt3A_327 : i1 to i32
      %cond3A_329 = arith.constant 0 : i32
      %cond3A_330 = arith.cmpi ne, %convert_element_type3A_328, %cond3A_329 : i32
      scf.if %cond3A_330 {
        %ge3A = arith.constant 1 : i32
        %ge3A_332 = arith.cmpi sge, %add3A_325, %ge3A : i32
        %convert_element_type3A_333 = arith.extui %ge3A_332 : i1 to i32
        %cond3A_334 = arith.constant 0 : i32
        %cond3A_335 = arith.cmpi ne, %convert_element_type3A_333, %cond3A_334 : i32
        scf.if %cond3A_335 {
          %sub3A_559 = arith.constant 1 : i32
          %sub3A_560 = arith.subi %add3A_325, %sub3A_559 : i32
          %mul3A_561 = arith.constant 4 : i32
          %mul3A_562 = arith.muli %sub3A_560, %mul3A_561 : i32
          %mul3A_563 = arith.constant 1024 : i32
          %mul3A_564 = arith.muli %add3A, %mul3A_563 : i32
          %add3A_565 = arith.constant 0 : i32
          %add3A_566 = arith.addi %add3A_565, %mul3A_564 : i32
          %mul3A_567 = arith.constant 4 : i32
          %mul3A_568 = arith.muli %sub3A_560, %mul3A_567 : i32
          %mul3A_569 = arith.constant 1024 : i32
          %mul3A_570 = arith.muli %add3A, %mul3A_569 : i32
          %add3A_571 = arith.constant 32768 : i32
          %add3A_572 = arith.addi %add3A_571, %mul3A_570 : i32
          %mul3A_573 = arith.constant 4 : i32
          %mul3A_574 = arith.muli %sub3A_560, %mul3A_573 : i32
          %mul3A_575 = arith.constant 1024 : i32
          %mul3A_576 = arith.muli %add3A, %mul3A_575 : i32
          %add3A_577 = arith.constant 65536 : i32
          %add3A_578 = arith.addi %add3A_577, %mul3A_576 : i32
          %mul3A_579 = arith.constant 4 : i32
          %mul3A_580 = arith.muli %sub3A_560, %mul3A_579 : i32
          %mul3A_581 = arith.constant 1024 : i32
          %mul3A_582 = arith.muli %add3A, %mul3A_581 : i32
          %add3A_583 = arith.constant 98304 : i32
          %add3A_584 = arith.addi %add3A_583, %mul3A_582 : i32
          %dma_wait3A_585 = arith.constant 1 : i32
          %dma_wait3A_586 = arith.constant 1 : i32
          %dma_wait3A_587 = arith.constant 0 : i32
          %dma_wait3A_588 = arith.constant 0 : i32
          %dma_wait3A_589 = tpu.memref_slice %arg7[%dma_wait3A_585, %dma_wait3A_587, %dma_wait3A_588] : memref<3x4x4096xf32, #tpu.memory_space<vmem>> -> memref<1x4x4096xf32, #tpu.memory_space<vmem>>
          %dma_wait3A_590 = tpu.memref_squeeze %dma_wait3A_589 : memref<1x4x4096xf32, #tpu.memory_space<vmem>> -> memref<4x4096xf32, #tpu.memory_space<vmem>>
          %dma_wait3A_591 = arith.constant 0 : i32
          %dma_wait3A_592 = arith.constant 0 : i32
          %dma_wait3A_593 = tpu.memref_slice %dma_wait3A_590[%dma_wait3A_591, %dma_wait3A_592] : memref<4x4096xf32, #tpu.memory_space<vmem>> -> memref<4x1024xf32, #tpu.memory_space<vmem>>
          %dma_wait3A_594 = tpu.memref_slice %arg4[%mul3A_562, %add3A_566] : memref<200x131072xf32, #tpu.memory_space<hbm>> -> memref<4x1024xf32, #tpu.memory_space<hbm>>
          %dma_wait3A_595 = tpu.memref_slice %arg9[%dma_wait3A_586] : memref<3x!tpu.dma_semaphore, #tpu.memory_space<semaphore_mem>> -> memref<1x!tpu.dma_semaphore, #tpu.memory_space<semaphore_mem>>
          %dma_wait3A_596 = tpu.memref_squeeze %dma_wait3A_595 : memref<1x!tpu.dma_semaphore, #tpu.memory_space<semaphore_mem>> -> memref<!tpu.dma_semaphore, #tpu.memory_space<semaphore_mem>>
          %dma_wait3A_597 = tpu.memref_slice %arg4[%mul3A_562, %add3A_566] : memref<200x131072xf32, #tpu.memory_space<hbm>> -> memref<4x1024xf32, #tpu.memory_space<hbm>>
          %dma_wait3A_598 = arith.constant 0 : i32
          %dma_wait3A_599 = arith.constant 0 : i32
          %dma_wait3A_600 = tpu.memref_slice %arg7[%dma_wait3A_585, %dma_wait3A_598, %dma_wait3A_599] : memref<3x4x4096xf32, #tpu.memory_space<vmem>> -> memref<1x4x4096xf32, #tpu.memory_space<vmem>>
          %dma_wait3A_601 = tpu.memref_squeeze %dma_wait3A_600 : memref<1x4x4096xf32, #tpu.memory_space<vmem>> -> memref<4x4096xf32, #tpu.memory_space<vmem>>
          %dma_wait3A_602 = arith.constant 0 : i32
          %dma_wait3A_603 = arith.constant 0 : i32
          %dma_wait3A_604 = tpu.memref_slice %dma_wait3A_601[%dma_wait3A_602, %dma_wait3A_603] : memref<4x4096xf32, #tpu.memory_space<vmem>> -> memref<4x1024xf32, #tpu.memory_space<vmem>>
          tpu.wait_dma2 semaphore(%dma_wait3A_596 : memref<!tpu.dma_semaphore, #tpu.memory_space<semaphore_mem>>) src(%dma_wait3A_604 : memref<4x1024xf32, #tpu.memory_space<vmem>>) dst(%dma_wait3A_597 : memref<4x1024xf32, #tpu.memory_space<hbm>>)
          %dma_wait3A_605 = arith.constant 1 : i32
          %dma_wait3A_606 = arith.constant 1 : i32
          %dma_wait3A_607 = arith.constant 0 : i32
          %dma_wait3A_608 = arith.constant 0 : i32
          %dma_wait3A_609 = tpu.memref_slice %arg7[%dma_wait3A_605, %dma_wait3A_607, %dma_wait3A_608] : memref<3x4x4096xf32, #tpu.memory_space<vmem>> -> memref<1x4x4096xf32, #tpu.memory_space<vmem>>
          %dma_wait3A_610 = tpu.memref_squeeze %dma_wait3A_609 : memref<1x4x4096xf32, #tpu.memory_space<vmem>> -> memref<4x4096xf32, #tpu.memory_space<vmem>>
          %dma_wait3A_611 = arith.constant 0 : i32
          %dma_wait3A_612 = arith.constant 1024 : i32
          %dma_wait3A_613 = tpu.memref_slice %dma_wait3A_610[%dma_wait3A_611, %dma_wait3A_612] : memref<4x4096xf32, #tpu.memory_space<vmem>> -> memref<4x1024xf32, #tpu.memory_space<vmem>>
          %dma_wait3A_614 = tpu.memref_slice %arg4[%mul3A_568, %add3A_572] : memref<200x131072xf32, #tpu.memory_space<hbm>> -> memref<4x1024xf32, #tpu.memory_space<hbm>>
          %dma_wait3A_615 = tpu.memref_slice %arg9[%dma_wait3A_606] : memref<3x!tpu.dma_semaphore, #tpu.memory_space<semaphore_mem>> -> memref<1x!tpu.dma_semaphore, #tpu.memory_space<semaphore_mem>>
          %dma_wait3A_616 = tpu.memref_squeeze %dma_wait3A_615 : memref<1x!tpu.dma_semaphore, #tpu.memory_space<semaphore_mem>> -> memref<!tpu.dma_semaphore, #tpu.memory_space<semaphore_mem>>
          %dma_wait3A_617 = tpu.memref_slice %arg4[%mul3A_568, %add3A_572] : memref<200x131072xf32, #tpu.memory_space<hbm>> -> memref<4x1024xf32, #tpu.memory_space<hbm>>
          %dma_wait3A_618 = arith.constant 0 : i32
          %dma_wait3A_619 = arith.constant 0 : i32
          %dma_wait3A_620 = tpu.memref_slice %arg7[%dma_wait3A_605, %dma_wait3A_618, %dma_wait3A_619] : memref<3x4x4096xf32, #tpu.memory_space<vmem>> -> memref<1x4x4096xf32, #tpu.memory_space<vmem>>
          %dma_wait3A_621 = tpu.memref_squeeze %dma_wait3A_620 : memref<1x4x4096xf32, #tpu.memory_space<vmem>> -> memref<4x4096xf32, #tpu.memory_space<vmem>>
          %dma_wait3A_622 = arith.constant 0 : i32
          %dma_wait3A_623 = arith.constant 1024 : i32
          %dma_wait3A_624 = tpu.memref_slice %dma_wait3A_621[%dma_wait3A_622, %dma_wait3A_623] : memref<4x4096xf32, #tpu.memory_space<vmem>> -> memref<4x1024xf32, #tpu.memory_space<vmem>>
          tpu.wait_dma2 semaphore(%dma_wait3A_616 : memref<!tpu.dma_semaphore, #tpu.memory_space<semaphore_mem>>) src(%dma_wait3A_624 : memref<4x1024xf32, #tpu.memory_space<vmem>>) dst(%dma_wait3A_617 : memref<4x1024xf32, #tpu.memory_space<hbm>>)
          %dma_wait3A_625 = arith.constant 1 : i32
          %dma_wait3A_626 = arith.constant 1 : i32
          %dma_wait3A_627 = arith.constant 0 : i32
          %dma_wait3A_628 = arith.constant 0 : i32
          %dma_wait3A_629 = tpu.memref_slice %arg7[%dma_wait3A_625, %dma_wait3A_627, %dma_wait3A_628] : memref<3x4x4096xf32, #tpu.memory_space<vmem>> -> memref<1x4x4096xf32, #tpu.memory_space<vmem>>
          %dma_wait3A_630 = tpu.memref_squeeze %dma_wait3A_629 : memref<1x4x4096xf32, #tpu.memory_space<vmem>> -> memref<4x4096xf32, #tpu.memory_space<vmem>>
          %dma_wait3A_631 = arith.constant 0 : i32
          %dma_wait3A_632 = arith.constant 2048 : i32
          %dma_wait3A_633 = tpu.memref_slice %dma_wait3A_630[%dma_wait3A_631, %dma_wait3A_632] : memref<4x4096xf32, #tpu.memory_space<vmem>> -> memref<4x1024xf32, #tpu.memory_space<vmem>>
          %dma_wait3A_634 = tpu.memref_slice %arg4[%mul3A_574, %add3A_578] : memref<200x131072xf32, #tpu.memory_space<hbm>> -> memref<4x1024xf32, #tpu.memory_space<hbm>>
          %dma_wait3A_635 = tpu.memref_slice %arg9[%dma_wait3A_626] : memref<3x!tpu.dma_semaphore, #tpu.memory_space<semaphore_mem>> -> memref<1x!tpu.dma_semaphore, #tpu.memory_space<semaphore_mem>>
          %dma_wait3A_636 = tpu.memref_squeeze %dma_wait3A_635 : memref<1x!tpu.dma_semaphore, #tpu.memory_space<semaphore_mem>> -> memref<!tpu.dma_semaphore, #tpu.memory_space<semaphore_mem>>
          %dma_wait3A_637 = tpu.memref_slice %arg4[%mul3A_574, %add3A_578] : memref<200x131072xf32, #tpu.memory_space<hbm>> -> memref<4x1024xf32, #tpu.memory_space<hbm>>
          %dma_wait3A_638 = arith.constant 0 : i32
          %dma_wait3A_639 = arith.constant 0 : i32
          %dma_wait3A_640 = tpu.memref_slice %arg7[%dma_wait3A_625, %dma_wait3A_638, %dma_wait3A_639] : memref<3x4x4096xf32, #tpu.memory_space<vmem>> -> memref<1x4x4096xf32, #tpu.memory_space<vmem>>
          %dma_wait3A_641 = tpu.memref_squeeze %dma_wait3A_640 : memref<1x4x4096xf32, #tpu.memory_space<vmem>> -> memref<4x4096xf32, #tpu.memory_space<vmem>>
          %dma_wait3A_642 = arith.constant 0 : i32
          %dma_wait3A_643 = arith.constant 2048 : i32
          %dma_wait3A_644 = tpu.memref_slice %dma_wait3A_641[%dma_wait3A_642, %dma_wait3A_643] : memref<4x4096xf32, #tpu.memory_space<vmem>> -> memref<4x1024xf32, #tpu.memory_space<vmem>>
          tpu.wait_dma2 semaphore(%dma_wait3A_636 : memref<!tpu.dma_semaphore, #tpu.memory_space<semaphore_mem>>) src(%dma_wait3A_644 : memref<4x1024xf32, #tpu.memory_space<vmem>>) dst(%dma_wait3A_637 : memref<4x1024xf32, #tpu.memory_space<hbm>>)
          %dma_wait3A_645 = arith.constant 1 : i32
          %dma_wait3A_646 = arith.constant 1 : i32
          %dma_wait3A_647 = arith.constant 0 : i32
          %dma_wait3A_648 = arith.constant 0 : i32
          %dma_wait3A_649 = tpu.memref_slice %arg7[%dma_wait3A_645, %dma_wait3A_647, %dma_wait3A_648] : memref<3x4x4096xf32, #tpu.memory_space<vmem>> -> memref<1x4x4096xf32, #tpu.memory_space<vmem>>
          %dma_wait3A_650 = tpu.memref_squeeze %dma_wait3A_649 : memref<1x4x4096xf32, #tpu.memory_space<vmem>> -> memref<4x4096xf32, #tpu.memory_space<vmem>>
          %dma_wait3A_651 = arith.constant 0 : i32
          %dma_wait3A_652 = arith.constant 3072 : i32
          %dma_wait3A_653 = tpu.memref_slice %dma_wait3A_650[%dma_wait3A_651, %dma_wait3A_652] : memref<4x4096xf32, #tpu.memory_space<vmem>> -> memref<4x1024xf32, #tpu.memory_space<vmem>>
          %dma_wait3A_654 = tpu.memref_slice %arg4[%mul3A_580, %add3A_584] : memref<200x131072xf32, #tpu.memory_space<hbm>> -> memref<4x1024xf32, #tpu.memory_space<hbm>>
          %dma_wait3A_655 = tpu.memref_slice %arg9[%dma_wait3A_646] : memref<3x!tpu.dma_semaphore, #tpu.memory_space<semaphore_mem>> -> memref<1x!tpu.dma_semaphore, #tpu.memory_space<semaphore_mem>>
          %dma_wait3A_656 = tpu.memref_squeeze %dma_wait3A_655 : memref<1x!tpu.dma_semaphore, #tpu.memory_space<semaphore_mem>> -> memref<!tpu.dma_semaphore, #tpu.memory_space<semaphore_mem>>
          %dma_wait3A_657 = tpu.memref_slice %arg4[%mul3A_580, %add3A_584] : memref<200x131072xf32, #tpu.memory_space<hbm>> -> memref<4x1024xf32, #tpu.memory_space<hbm>>
          %dma_wait3A_658 = arith.constant 0 : i32
          %dma_wait3A_659 = arith.constant 0 : i32
          %dma_wait3A_660 = tpu.memref_slice %arg7[%dma_wait3A_645, %dma_wait3A_658, %dma_wait3A_659] : memref<3x4x4096xf32, #tpu.memory_space<vmem>> -> memref<1x4x4096xf32, #tpu.memory_space<vmem>>
          %dma_wait3A_661 = tpu.memref_squeeze %dma_wait3A_660 : memref<1x4x4096xf32, #tpu.memory_space<vmem>> -> memref<4x4096xf32, #tpu.memory_space<vmem>>
          %dma_wait3A_662 = arith.constant 0 : i32
          %dma_wait3A_663 = arith.constant 3072 : i32
          %dma_wait3A_664 = tpu.memref_slice %dma_wait3A_661[%dma_wait3A_662, %dma_wait3A_663] : memref<4x4096xf32, #tpu.memory_space<vmem>> -> memref<4x1024xf32, #tpu.memory_space<vmem>>
          tpu.wait_dma2 semaphore(%dma_wait3A_656 : memref<!tpu.dma_semaphore, #tpu.memory_space<semaphore_mem>>) src(%dma_wait3A_664 : memref<4x1024xf32, #tpu.memory_space<vmem>>) dst(%dma_wait3A_657 : memref<4x1024xf32, #tpu.memory_space<hbm>>)
        } else {
        }
        %add3A_336 = arith.constant 3 : i32
        %add3A_337 = arith.addi %add3A_325, %add3A_336 : i32
        %sub3A = arith.constant 1 : i32
        %sub3A_338 = arith.subi %add3A_337, %sub3A : i32
        %lt3A_339 = arith.constant 50 : i32
        %lt3A_340 = arith.cmpi slt, %sub3A_338, %lt3A_339 : i32
        %convert_element_type3A_341 = arith.extui %lt3A_340 : i1 to i32
        %cond3A_342 = arith.constant 0 : i32
        %cond3A_343 = arith.cmpi ne, %convert_element_type3A_341, %cond3A_342 : i32
        scf.if %cond3A_343 {
          %add3A_559 = arith.constant 3 : i32
          %add3A_560 = arith.addi %add3A_325, %add3A_559 : i32
          %sub3A_561 = arith.constant 1 : i32
          %sub3A_562 = arith.subi %add3A_560, %sub3A_561 : i32
          %mul3A_563 = arith.constant 4 : i32
          %mul3A_564 = arith.muli %sub3A_562, %mul3A_563 : i32
          %run_scoped3A_565 = arith.constant 1 : i32
          "tpu.region"() ({
            %run_scoped3A_658 = tpu.sem_alloc : memref<!tpu.dma_semaphore, #tpu.memory_space<semaphore_mem>>
            %dma_start3A_659 = arith.constant 0 : i32
            %dma_start3A_660 = arith.constant 0 : i32
            %dma_start3A_661 = tpu.memref_slice %arg5[%run_scoped3A_565, %dma_start3A_659, %dma_start3A_660] : memref<3x4x128xi32, #tpu.memory_space<vmem>> -> memref<1x4x128xi32, #tpu.memory_space<vmem>>
            %dma_start3A_662 = tpu.memref_squeeze %dma_start3A_661 : memref<1x4x128xi32, #tpu.memory_space<vmem>> -> memref<4x128xi32, #tpu.memory_space<vmem>>
            %dma_start3A_663 = tpu.memref_slice %arg2[%mul3A_564, %mul3A_2] : memref<200x4096xi32, #tpu.memory_space<hbm>> -> memref<4x128xi32, #tpu.memory_space<hbm>>
            %dma_start3A_664 = arith.constant 0 : i32
            %dma_start3A_665 = arith.constant 0 : i32
            %dma_start3A_666 = tpu.memref_slice %arg5[%run_scoped3A_565, %dma_start3A_664, %dma_start3A_665] : memref<3x4x128xi32, #tpu.memory_space<vmem>> -> memref<1x4x128xi32, #tpu.memory_space<vmem>>
            %dma_start3A_667 = tpu.memref_squeeze %dma_start3A_666 : memref<1x4x128xi32, #tpu.memory_space<vmem>> -> memref<4x128xi32, #tpu.memory_space<vmem>>
            %dma_start3A_668 = tpu.memref_slice %arg2[%mul3A_564, %mul3A_2] : memref<200x4096xi32, #tpu.memory_space<hbm>> -> memref<4x128xi32, #tpu.memory_space<hbm>>
            tpu.enqueue_dma source(%dma_start3A_668 : memref<4x128xi32, #tpu.memory_space<hbm>>) target(%dma_start3A_667 : memref<4x128xi32, #tpu.memory_space<vmem>>) target_semaphore(%run_scoped3A_658 : memref<!tpu.dma_semaphore, #tpu.memory_space<semaphore_mem>>)
            %dma_wait3A_669 = arith.constant 0 : i32
            %dma_wait3A_670 = arith.constant 0 : i32
            %dma_wait3A_671 = tpu.memref_slice %arg5[%run_scoped3A_565, %dma_wait3A_669, %dma_wait3A_670] : memref<3x4x128xi32, #tpu.memory_space<vmem>> -> memref<1x4x128xi32, #tpu.memory_space<vmem>>
            %dma_wait3A_672 = tpu.memref_squeeze %dma_wait3A_671 : memref<1x4x128xi32, #tpu.memory_space<vmem>> -> memref<4x128xi32, #tpu.memory_space<vmem>>
            %dma_wait3A_673 = tpu.memref_slice %arg2[%mul3A_564, %mul3A_2] : memref<200x4096xi32, #tpu.memory_space<hbm>> -> memref<4x128xi32, #tpu.memory_space<hbm>>
            %dma_wait3A_674 = arith.constant 0 : i32
            %dma_wait3A_675 = arith.constant 0 : i32
            %dma_wait3A_676 = tpu.memref_slice %arg5[%run_scoped3A_565, %dma_wait3A_674, %dma_wait3A_675] : memref<3x4x128xi32, #tpu.memory_space<vmem>> -> memref<1x4x128xi32, #tpu.memory_space<vmem>>
            %dma_wait3A_677 = tpu.memref_squeeze %dma_wait3A_676 : memref<1x4x128xi32, #tpu.memory_space<vmem>> -> memref<4x128xi32, #tpu.memory_space<vmem>>
            %dma_wait3A_678 = tpu.memref_slice %arg2[%mul3A_564, %mul3A_2] : memref<200x4096xi32, #tpu.memory_space<hbm>> -> memref<4x128xi32, #tpu.memory_space<hbm>>
            tpu.wait_dma2 semaphore(%run_scoped3A_658 : memref<!tpu.dma_semaphore, #tpu.memory_space<semaphore_mem>>) src(%dma_wait3A_678 : memref<4x128xi32, #tpu.memory_space<hbm>>) dst(%dma_wait3A_677 : memref<4x128xi32, #tpu.memory_space<vmem>>)
            tpu.yield
          }) : () -> ()
          %dma_start3A_566 = arith.constant 1 : i32
          %dma_start3A_567 = arith.constant 0 : i32
          %dma_start3A_568 = arith.constant 1 : i32
          %dma_start3A_569 = arith.constant 1 : i32
          %dma_start3A_570 = arith.constant 0 : i32
          %dma_start3A_571 = arith.constant 0 : i32
          %dma_start3A_572 = tpu.memref_slice %arg6[%dma_start3A_568, %dma_start3A_570, %dma_start3A_571] : memref<3x512x32xf32, #tpu.memory_space<vmem>> -> memref<1x512x32xf32, #tpu.memory_space<vmem>>
          %dma_start3A_573 = tpu.memref_squeeze %dma_start3A_572 : memref<1x512x32xf32, #tpu.memory_space<vmem>> -> memref<512x32xf32, #tpu.memory_space<vmem>>
          %dma_start3A_574 = arith.constant 0 : i32
          %dma_start3A_575 = arith.constant 0 : i32
          %dma_start3A_576 = tpu.memref_slice %dma_start3A_573[%dma_start3A_574, %dma_start3A_575] : memref<512x32xf32, #tpu.memory_space<vmem>> -> memref<128x32xf32, #tpu.memory_space<vmem>>
          %dma_start3A_577 = arith.constant 0 : i32
          %dma_start3A_578 = arith.constant 0 : i32
          %dma_start3A_579 = tpu.memref_slice %arg5[%dma_start3A_566, %dma_start3A_577, %dma_start3A_578] : memref<3x4x128xi32, #tpu.memory_space<vmem>> -> memref<1x4x128xi32, #tpu.memory_space<vmem>>
          %dma_start3A_580 = tpu.memref_squeeze %dma_start3A_579 : memref<1x4x128xi32, #tpu.memory_space<vmem>> -> memref<4x128xi32, #tpu.memory_space<vmem>>
          %dma_start3A_581 = arith.constant 0 : i32
          %dma_start3A_582 = tpu.memref_slice %dma_start3A_580[%dma_start3A_567, %dma_start3A_581] : memref<4x128xi32, #tpu.memory_space<vmem>> -> memref<1x128xi32, #tpu.memory_space<vmem>>
          %dma_start3A_583 = tpu.memref_squeeze %dma_start3A_582 : memref<1x128xi32, #tpu.memory_space<vmem>> -> memref<128xi32, #tpu.memory_space<vmem>>
          %dma_start3A_584 = arith.constant 0 : i32
          %dma_start3A_585 = arith.constant 0 : i32
          %dma_start3A_586 = tpu.memref_slice %arg3[%dma_start3A_584, %dma_start3A_585] : memref<1000000x32xf32, #tpu.memory_space<hbm>> -> memref<1000000x32xf32, #tpu.memory_space<hbm>>
          %dma_start3A_587 = tpu.memref_slice %arg8[%dma_start3A_569] : memref<3x!tpu.dma_semaphore, #tpu.memory_space<semaphore_mem>> -> memref<1x!tpu.dma_semaphore, #tpu.memory_space<semaphore_mem>>
          %dma_start3A_588 = tpu.memref_squeeze %dma_start3A_587 : memref<1x!tpu.dma_semaphore, #tpu.memory_space<semaphore_mem>> -> memref<!tpu.dma_semaphore, #tpu.memory_space<semaphore_mem>>
          tpu.enqueue_indirect_dma source(%dma_start3A_586 : memref<1000000x32xf32, #tpu.memory_space<hbm>>) target(%dma_start3A_576 : memref<128x32xf32, #tpu.memory_space<vmem>>) offsets(%dma_start3A_583 : memref<128xi32, #tpu.memory_space<vmem>>) semaphore(%dma_start3A_588 : memref<!tpu.dma_semaphore, #tpu.memory_space<semaphore_mem>>)
          %dma_start3A_589 = arith.constant 1 : i32
          %dma_start3A_590 = arith.constant 1 : i32
          %dma_start3A_591 = arith.constant 1 : i32
          %dma_start3A_592 = arith.constant 1 : i32
          %dma_start3A_593 = arith.constant 0 : i32
          %dma_start3A_594 = arith.constant 0 : i32
          %dma_start3A_595 = tpu.memref_slice %arg6[%dma_start3A_591, %dma_start3A_593, %dma_start3A_594] : memref<3x512x32xf32, #tpu.memory_space<vmem>> -> memref<1x512x32xf32, #tpu.memory_space<vmem>>
          %dma_start3A_596 = tpu.memref_squeeze %dma_start3A_595 : memref<1x512x32xf32, #tpu.memory_space<vmem>> -> memref<512x32xf32, #tpu.memory_space<vmem>>
          %dma_start3A_597 = arith.constant 128 : i32
          %dma_start3A_598 = arith.constant 0 : i32
          %dma_start3A_599 = tpu.memref_slice %dma_start3A_596[%dma_start3A_597, %dma_start3A_598] : memref<512x32xf32, #tpu.memory_space<vmem>> -> memref<128x32xf32, #tpu.memory_space<vmem>>
          %dma_start3A_600 = arith.constant 0 : i32
          %dma_start3A_601 = arith.constant 0 : i32
          %dma_start3A_602 = tpu.memref_slice %arg5[%dma_start3A_589, %dma_start3A_600, %dma_start3A_601] : memref<3x4x128xi32, #tpu.memory_space<vmem>> -> memref<1x4x128xi32, #tpu.memory_space<vmem>>
          %dma_start3A_603 = tpu.memref_squeeze %dma_start3A_602 : memref<1x4x128xi32, #tpu.memory_space<vmem>> -> memref<4x128xi32, #tpu.memory_space<vmem>>
          %dma_start3A_604 = arith.constant 0 : i32
          %dma_start3A_605 = tpu.memref_slice %dma_start3A_603[%dma_start3A_590, %dma_start3A_604] : memref<4x128xi32, #tpu.memory_space<vmem>> -> memref<1x128xi32, #tpu.memory_space<vmem>>
          %dma_start3A_606 = tpu.memref_squeeze %dma_start3A_605 : memref<1x128xi32, #tpu.memory_space<vmem>> -> memref<128xi32, #tpu.memory_space<vmem>>
          %dma_start3A_607 = arith.constant 0 : i32
          %dma_start3A_608 = arith.constant 0 : i32
          %dma_start3A_609 = tpu.memref_slice %arg3[%dma_start3A_607, %dma_start3A_608] : memref<1000000x32xf32, #tpu.memory_space<hbm>> -> memref<1000000x32xf32, #tpu.memory_space<hbm>>
          %dma_start3A_610 = tpu.memref_slice %arg8[%dma_start3A_592] : memref<3x!tpu.dma_semaphore, #tpu.memory_space<semaphore_mem>> -> memref<1x!tpu.dma_semaphore, #tpu.memory_space<semaphore_mem>>
          %dma_start3A_611 = tpu.memref_squeeze %dma_start3A_610 : memref<1x!tpu.dma_semaphore, #tpu.memory_space<semaphore_mem>> -> memref<!tpu.dma_semaphore, #tpu.memory_space<semaphore_mem>>
          tpu.enqueue_indirect_dma source(%dma_start3A_609 : memref<1000000x32xf32, #tpu.memory_space<hbm>>) target(%dma_start3A_599 : memref<128x32xf32, #tpu.memory_space<vmem>>) offsets(%dma_start3A_606 : memref<128xi32, #tpu.memory_space<vmem>>) semaphore(%dma_start3A_611 : memref<!tpu.dma_semaphore, #tpu.memory_space<semaphore_mem>>)
          %dma_start3A_612 = arith.constant 1 : i32
          %dma_start3A_613 = arith.constant 2 : i32
          %dma_start3A_614 = arith.constant 1 : i32
          %dma_start3A_615 = arith.constant 1 : i32
          %dma_start3A_616 = arith.constant 0 : i32
          %dma_start3A_617 = arith.constant 0 : i32
          %dma_start3A_618 = tpu.memref_slice %arg6[%dma_start3A_614, %dma_start3A_616, %dma_start3A_617] : memref<3x512x32xf32, #tpu.memory_space<vmem>> -> memref<1x512x32xf32, #tpu.memory_space<vmem>>
          %dma_start3A_619 = tpu.memref_squeeze %dma_start3A_618 : memref<1x512x32xf32, #tpu.memory_space<vmem>> -> memref<512x32xf32, #tpu.memory_space<vmem>>
          %dma_start3A_620 = arith.constant 256 : i32
          %dma_start3A_621 = arith.constant 0 : i32
          %dma_start3A_622 = tpu.memref_slice %dma_start3A_619[%dma_start3A_620, %dma_start3A_621] : memref<512x32xf32, #tpu.memory_space<vmem>> -> memref<128x32xf32, #tpu.memory_space<vmem>>
          %dma_start3A_623 = arith.constant 0 : i32
          %dma_start3A_624 = arith.constant 0 : i32
          %dma_start3A_625 = tpu.memref_slice %arg5[%dma_start3A_612, %dma_start3A_623, %dma_start3A_624] : memref<3x4x128xi32, #tpu.memory_space<vmem>> -> memref<1x4x128xi32, #tpu.memory_space<vmem>>
          %dma_start3A_626 = tpu.memref_squeeze %dma_start3A_625 : memref<1x4x128xi32, #tpu.memory_space<vmem>> -> memref<4x128xi32, #tpu.memory_space<vmem>>
          %dma_start3A_627 = arith.constant 0 : i32
          %dma_start3A_628 = tpu.memref_slice %dma_start3A_626[%dma_start3A_613, %dma_start3A_627] : memref<4x128xi32, #tpu.memory_space<vmem>> -> memref<1x128xi32, #tpu.memory_space<vmem>>
          %dma_start3A_629 = tpu.memref_squeeze %dma_start3A_628 : memref<1x128xi32, #tpu.memory_space<vmem>> -> memref<128xi32, #tpu.memory_space<vmem>>
          %dma_start3A_630 = arith.constant 0 : i32
          %dma_start3A_631 = arith.constant 0 : i32
          %dma_start3A_632 = tpu.memref_slice %arg3[%dma_start3A_630, %dma_start3A_631] : memref<1000000x32xf32, #tpu.memory_space<hbm>> -> memref<1000000x32xf32, #tpu.memory_space<hbm>>
          %dma_start3A_633 = tpu.memref_slice %arg8[%dma_start3A_615] : memref<3x!tpu.dma_semaphore, #tpu.memory_space<semaphore_mem>> -> memref<1x!tpu.dma_semaphore, #tpu.memory_space<semaphore_mem>>
          %dma_start3A_634 = tpu.memref_squeeze %dma_start3A_633 : memref<1x!tpu.dma_semaphore, #tpu.memory_space<semaphore_mem>> -> memref<!tpu.dma_semaphore, #tpu.memory_space<semaphore_mem>>
          tpu.enqueue_indirect_dma source(%dma_start3A_632 : memref<1000000x32xf32, #tpu.memory_space<hbm>>) target(%dma_start3A_622 : memref<128x32xf32, #tpu.memory_space<vmem>>) offsets(%dma_start3A_629 : memref<128xi32, #tpu.memory_space<vmem>>) semaphore(%dma_start3A_634 : memref<!tpu.dma_semaphore, #tpu.memory_space<semaphore_mem>>)
          %dma_start3A_635 = arith.constant 1 : i32
          %dma_start3A_636 = arith.constant 3 : i32
          %dma_start3A_637 = arith.constant 1 : i32
          %dma_start3A_638 = arith.constant 1 : i32
          %dma_start3A_639 = arith.constant 0 : i32
          %dma_start3A_640 = arith.constant 0 : i32
          %dma_start3A_641 = tpu.memref_slice %arg6[%dma_start3A_637, %dma_start3A_639, %dma_start3A_640] : memref<3x512x32xf32, #tpu.memory_space<vmem>> -> memref<1x512x32xf32, #tpu.memory_space<vmem>>
          %dma_start3A_642 = tpu.memref_squeeze %dma_start3A_641 : memref<1x512x32xf32, #tpu.memory_space<vmem>> -> memref<512x32xf32, #tpu.memory_space<vmem>>
          %dma_start3A_643 = arith.constant 384 : i32
          %dma_start3A_644 = arith.constant 0 : i32
          %dma_start3A_645 = tpu.memref_slice %dma_start3A_642[%dma_start3A_643, %dma_start3A_644] : memref<512x32xf32, #tpu.memory_space<vmem>> -> memref<128x32xf32, #tpu.memory_space<vmem>>
          %dma_start3A_646 = arith.constant 0 : i32
          %dma_start3A_647 = arith.constant 0 : i32
          %dma_start3A_648 = tpu.memref_slice %arg5[%dma_start3A_635, %dma_start3A_646, %dma_start3A_647] : memref<3x4x128xi32, #tpu.memory_space<vmem>> -> memref<1x4x128xi32, #tpu.memory_space<vmem>>
          %dma_start3A_649 = tpu.memref_squeeze %dma_start3A_648 : memref<1x4x128xi32, #tpu.memory_space<vmem>> -> memref<4x128xi32, #tpu.memory_space<vmem>>
          %dma_start3A_650 = arith.constant 0 : i32
          %dma_start3A_651 = tpu.memref_slice %dma_start3A_649[%dma_start3A_636, %dma_start3A_650] : memref<4x128xi32, #tpu.memory_space<vmem>> -> memref<1x128xi32, #tpu.memory_space<vmem>>
          %dma_start3A_652 = tpu.memref_squeeze %dma_start3A_651 : memref<1x128xi32, #tpu.memory_space<vmem>> -> memref<128xi32, #tpu.memory_space<vmem>>
          %dma_start3A_653 = arith.constant 0 : i32
          %dma_start3A_654 = arith.constant 0 : i32
          %dma_start3A_655 = tpu.memref_slice %arg3[%dma_start3A_653, %dma_start3A_654] : memref<1000000x32xf32, #tpu.memory_space<hbm>> -> memref<1000000x32xf32, #tpu.memory_space<hbm>>
          %dma_start3A_656 = tpu.memref_slice %arg8[%dma_start3A_638] : memref<3x!tpu.dma_semaphore, #tpu.memory_space<semaphore_mem>> -> memref<1x!tpu.dma_semaphore, #tpu.memory_space<semaphore_mem>>
          %dma_start3A_657 = tpu.memref_squeeze %dma_start3A_656 : memref<1x!tpu.dma_semaphore, #tpu.memory_space<semaphore_mem>> -> memref<!tpu.dma_semaphore, #tpu.memory_space<semaphore_mem>>
          tpu.enqueue_indirect_dma source(%dma_start3A_655 : memref<1000000x32xf32, #tpu.memory_space<hbm>>) target(%dma_start3A_645 : memref<128x32xf32, #tpu.memory_space<vmem>>) offsets(%dma_start3A_652 : memref<128xi32, #tpu.memory_space<vmem>>) semaphore(%dma_start3A_657 : memref<!tpu.dma_semaphore, #tpu.memory_space<semaphore_mem>>)
        } else {
        }
        %dma_wait3A_344 = arith.constant 2 : i32
        %dma_wait3A_345 = arith.constant 0 : i32
        %dma_wait3A_346 = arith.constant 2 : i32
        %dma_wait3A_347 = arith.constant 2 : i32
        %dma_wait3A_348 = arith.constant 0 : i32
        %dma_wait3A_349 = arith.constant 0 : i32
        %dma_wait3A_350 = tpu.memref_slice %arg6[%dma_wait3A_346, %dma_wait3A_348, %dma_wait3A_349] : memref<3x512x32xf32, #tpu.memory_space<vmem>> -> memref<1x512x32xf32, #tpu.memory_space<vmem>>
        %dma_wait3A_351 = tpu.memref_squeeze %dma_wait3A_350 : memref<1x512x32xf32, #tpu.memory_space<vmem>> -> memref<512x32xf32, #tpu.memory_space<vmem>>
        %dma_wait3A_352 = arith.constant 0 : i32
        %dma_wait3A_353 = arith.constant 0 : i32
        %dma_wait3A_354 = tpu.memref_slice %dma_wait3A_351[%dma_wait3A_352, %dma_wait3A_353] : memref<512x32xf32, #tpu.memory_space<vmem>> -> memref<128x32xf32, #tpu.memory_space<vmem>>
        %dma_wait3A_355 = arith.constant 0 : i32
        %dma_wait3A_356 = arith.constant 0 : i32
        %dma_wait3A_357 = tpu.memref_slice %arg5[%dma_wait3A_344, %dma_wait3A_355, %dma_wait3A_356] : memref<3x4x128xi32, #tpu.memory_space<vmem>> -> memref<1x4x128xi32, #tpu.memory_space<vmem>>
        %dma_wait3A_358 = tpu.memref_squeeze %dma_wait3A_357 : memref<1x4x128xi32, #tpu.memory_space<vmem>> -> memref<4x128xi32, #tpu.memory_space<vmem>>
        %dma_wait3A_359 = arith.constant 0 : i32
        %dma_wait3A_360 = tpu.memref_slice %dma_wait3A_358[%dma_wait3A_345, %dma_wait3A_359] : memref<4x128xi32, #tpu.memory_space<vmem>> -> memref<1x128xi32, #tpu.memory_space<vmem>>
        %dma_wait3A_361 = tpu.memref_squeeze %dma_wait3A_360 : memref<1x128xi32, #tpu.memory_space<vmem>> -> memref<128xi32, #tpu.memory_space<vmem>>
        %dma_wait3A_362 = arith.constant 0 : i32
        %dma_wait3A_363 = arith.constant 0 : i32
        %dma_wait3A_364 = tpu.memref_slice %arg3[%dma_wait3A_362, %dma_wait3A_363] : memref<1000000x32xf32, #tpu.memory_space<hbm>> -> memref<1000000x32xf32, #tpu.memory_space<hbm>>
        %dma_wait3A_365 = tpu.memref_slice %arg8[%dma_wait3A_347] : memref<3x!tpu.dma_semaphore, #tpu.memory_space<semaphore_mem>> -> memref<1x!tpu.dma_semaphore, #tpu.memory_space<semaphore_mem>>
        %dma_wait3A_366 = tpu.memref_squeeze %dma_wait3A_365 : memref<1x!tpu.dma_semaphore, #tpu.memory_space<semaphore_mem>> -> memref<!tpu.dma_semaphore, #tpu.memory_space<semaphore_mem>>
        tpu.wait_indirect_dma semaphore(%dma_wait3A_366 : memref<!tpu.dma_semaphore, #tpu.memory_space<semaphore_mem>>) src(%dma_wait3A_364 : memref<1000000x32xf32, #tpu.memory_space<hbm>>) dst(%dma_wait3A_354 : memref<128x32xf32, #tpu.memory_space<vmem>>)
        %dma_wait3A_367 = arith.constant 2 : i32
        %dma_wait3A_368 = arith.constant 1 : i32
        %dma_wait3A_369 = arith.constant 2 : i32
        %dma_wait3A_370 = arith.constant 2 : i32
        %dma_wait3A_371 = arith.constant 0 : i32
        %dma_wait3A_372 = arith.constant 0 : i32
        %dma_wait3A_373 = tpu.memref_slice %arg6[%dma_wait3A_369, %dma_wait3A_371, %dma_wait3A_372] : memref<3x512x32xf32, #tpu.memory_space<vmem>> -> memref<1x512x32xf32, #tpu.memory_space<vmem>>
        %dma_wait3A_374 = tpu.memref_squeeze %dma_wait3A_373 : memref<1x512x32xf32, #tpu.memory_space<vmem>> -> memref<512x32xf32, #tpu.memory_space<vmem>>
        %dma_wait3A_375 = arith.constant 128 : i32
        %dma_wait3A_376 = arith.constant 0 : i32
        %dma_wait3A_377 = tpu.memref_slice %dma_wait3A_374[%dma_wait3A_375, %dma_wait3A_376] : memref<512x32xf32, #tpu.memory_space<vmem>> -> memref<128x32xf32, #tpu.memory_space<vmem>>
        %dma_wait3A_378 = arith.constant 0 : i32
        %dma_wait3A_379 = arith.constant 0 : i32
        %dma_wait3A_380 = tpu.memref_slice %arg5[%dma_wait3A_367, %dma_wait3A_378, %dma_wait3A_379] : memref<3x4x128xi32, #tpu.memory_space<vmem>> -> memref<1x4x128xi32, #tpu.memory_space<vmem>>
        %dma_wait3A_381 = tpu.memref_squeeze %dma_wait3A_380 : memref<1x4x128xi32, #tpu.memory_space<vmem>> -> memref<4x128xi32, #tpu.memory_space<vmem>>
        %dma_wait3A_382 = arith.constant 0 : i32
        %dma_wait3A_383 = tpu.memref_slice %dma_wait3A_381[%dma_wait3A_368, %dma_wait3A_382] : memref<4x128xi32, #tpu.memory_space<vmem>> -> memref<1x128xi32, #tpu.memory_space<vmem>>
        %dma_wait3A_384 = tpu.memref_squeeze %dma_wait3A_383 : memref<1x128xi32, #tpu.memory_space<vmem>> -> memref<128xi32, #tpu.memory_space<vmem>>
        %dma_wait3A_385 = arith.constant 0 : i32
        %dma_wait3A_386 = arith.constant 0 : i32
        %dma_wait3A_387 = tpu.memref_slice %arg3[%dma_wait3A_385, %dma_wait3A_386] : memref<1000000x32xf32, #tpu.memory_space<hbm>> -> memref<1000000x32xf32, #tpu.memory_space<hbm>>
        %dma_wait3A_388 = tpu.memref_slice %arg8[%dma_wait3A_370] : memref<3x!tpu.dma_semaphore, #tpu.memory_space<semaphore_mem>> -> memref<1x!tpu.dma_semaphore, #tpu.memory_space<semaphore_mem>>
        %dma_wait3A_389 = tpu.memref_squeeze %dma_wait3A_388 : memref<1x!tpu.dma_semaphore, #tpu.memory_space<semaphore_mem>> -> memref<!tpu.dma_semaphore, #tpu.memory_space<semaphore_mem>>
        tpu.wait_indirect_dma semaphore(%dma_wait3A_389 : memref<!tpu.dma_semaphore, #tpu.memory_space<semaphore_mem>>) src(%dma_wait3A_387 : memref<1000000x32xf32, #tpu.memory_space<hbm>>) dst(%dma_wait3A_377 : memref<128x32xf32, #tpu.memory_space<vmem>>)
        %dma_wait3A_390 = arith.constant 2 : i32
        %dma_wait3A_391 = arith.constant 2 : i32
        %dma_wait3A_392 = arith.constant 2 : i32
        %dma_wait3A_393 = arith.constant 2 : i32
        %dma_wait3A_394 = arith.constant 0 : i32
        %dma_wait3A_395 = arith.constant 0 : i32
        %dma_wait3A_396 = tpu.memref_slice %arg6[%dma_wait3A_392, %dma_wait3A_394, %dma_wait3A_395] : memref<3x512x32xf32, #tpu.memory_space<vmem>> -> memref<1x512x32xf32, #tpu.memory_space<vmem>>
        %dma_wait3A_397 = tpu.memref_squeeze %dma_wait3A_396 : memref<1x512x32xf32, #tpu.memory_space<vmem>> -> memref<512x32xf32, #tpu.memory_space<vmem>>
        %dma_wait3A_398 = arith.constant 256 : i32
        %dma_wait3A_399 = arith.constant 0 : i32
        %dma_wait3A_400 = tpu.memref_slice %dma_wait3A_397[%dma_wait3A_398, %dma_wait3A_399] : memref<512x32xf32, #tpu.memory_space<vmem>> -> memref<128x32xf32, #tpu.memory_space<vmem>>
        %dma_wait3A_401 = arith.constant 0 : i32
        %dma_wait3A_402 = arith.constant 0 : i32
        %dma_wait3A_403 = tpu.memref_slice %arg5[%dma_wait3A_390, %dma_wait3A_401, %dma_wait3A_402] : memref<3x4x128xi32, #tpu.memory_space<vmem>> -> memref<1x4x128xi32, #tpu.memory_space<vmem>>
        %dma_wait3A_404 = tpu.memref_squeeze %dma_wait3A_403 : memref<1x4x128xi32, #tpu.memory_space<vmem>> -> memref<4x128xi32, #tpu.memory_space<vmem>>
        %dma_wait3A_405 = arith.constant 0 : i32
        %dma_wait3A_406 = tpu.memref_slice %dma_wait3A_404[%dma_wait3A_391, %dma_wait3A_405] : memref<4x128xi32, #tpu.memory_space<vmem>> -> memref<1x128xi32, #tpu.memory_space<vmem>>
        %dma_wait3A_407 = tpu.memref_squeeze %dma_wait3A_406 : memref<1x128xi32, #tpu.memory_space<vmem>> -> memref<128xi32, #tpu.memory_space<vmem>>
        %dma_wait3A_408 = arith.constant 0 : i32
        %dma_wait3A_409 = arith.constant 0 : i32
        %dma_wait3A_410 = tpu.memref_slice %arg3[%dma_wait3A_408, %dma_wait3A_409] : memref<1000000x32xf32, #tpu.memory_space<hbm>> -> memref<1000000x32xf32, #tpu.memory_space<hbm>>
        %dma_wait3A_411 = tpu.memref_slice %arg8[%dma_wait3A_393] : memref<3x!tpu.dma_semaphore, #tpu.memory_space<semaphore_mem>> -> memref<1x!tpu.dma_semaphore, #tpu.memory_space<semaphore_mem>>
        %dma_wait3A_412 = tpu.memref_squeeze %dma_wait3A_411 : memref<1x!tpu.dma_semaphore, #tpu.memory_space<semaphore_mem>> -> memref<!tpu.dma_semaphore, #tpu.memory_space<semaphore_mem>>
        tpu.wait_indirect_dma semaphore(%dma_wait3A_412 : memref<!tpu.dma_semaphore, #tpu.memory_space<semaphore_mem>>) src(%dma_wait3A_410 : memref<1000000x32xf32, #tpu.memory_space<hbm>>) dst(%dma_wait3A_400 : memref<128x32xf32, #tpu.memory_space<vmem>>)
        %dma_wait3A_413 = arith.constant 2 : i32
        %dma_wait3A_414 = arith.constant 3 : i32
        %dma_wait3A_415 = arith.constant 2 : i32
        %dma_wait3A_416 = arith.constant 2 : i32
        %dma_wait3A_417 = arith.constant 0 : i32
        %dma_wait3A_418 = arith.constant 0 : i32
        %dma_wait3A_419 = tpu.memref_slice %arg6[%dma_wait3A_415, %dma_wait3A_417, %dma_wait3A_418] : memref<3x512x32xf32, #tpu.memory_space<vmem>> -> memref<1x512x32xf32, #tpu.memory_space<vmem>>
        %dma_wait3A_420 = tpu.memref_squeeze %dma_wait3A_419 : memref<1x512x32xf32, #tpu.memory_space<vmem>> -> memref<512x32xf32, #tpu.memory_space<vmem>>
        %dma_wait3A_421 = arith.constant 384 : i32
        %dma_wait3A_422 = arith.constant 0 : i32
        %dma_wait3A_423 = tpu.memref_slice %dma_wait3A_420[%dma_wait3A_421, %dma_wait3A_422] : memref<512x32xf32, #tpu.memory_space<vmem>> -> memref<128x32xf32, #tpu.memory_space<vmem>>
        %dma_wait3A_424 = arith.constant 0 : i32
        %dma_wait3A_425 = arith.constant 0 : i32
        %dma_wait3A_426 = tpu.memref_slice %arg5[%dma_wait3A_413, %dma_wait3A_424, %dma_wait3A_425] : memref<3x4x128xi32, #tpu.memory_space<vmem>> -> memref<1x4x128xi32, #tpu.memory_space<vmem>>
        %dma_wait3A_427 = tpu.memref_squeeze %dma_wait3A_426 : memref<1x4x128xi32, #tpu.memory_space<vmem>> -> memref<4x128xi32, #tpu.memory_space<vmem>>
        %dma_wait3A_428 = arith.constant 0 : i32
        %dma_wait3A_429 = tpu.memref_slice %dma_wait3A_427[%dma_wait3A_414, %dma_wait3A_428] : memref<4x128xi32, #tpu.memory_space<vmem>> -> memref<1x128xi32, #tpu.memory_space<vmem>>
        %dma_wait3A_430 = tpu.memref_squeeze %dma_wait3A_429 : memref<1x128xi32, #tpu.memory_space<vmem>> -> memref<128xi32, #tpu.memory_space<vmem>>
        %dma_wait3A_431 = arith.constant 0 : i32
        %dma_wait3A_432 = arith.constant 0 : i32
        %dma_wait3A_433 = tpu.memref_slice %arg3[%dma_wait3A_431, %dma_wait3A_432] : memref<1000000x32xf32, #tpu.memory_space<hbm>> -> memref<1000000x32xf32, #tpu.memory_space<hbm>>
        %dma_wait3A_434 = tpu.memref_slice %arg8[%dma_wait3A_416] : memref<3x!tpu.dma_semaphore, #tpu.memory_space<semaphore_mem>> -> memref<1x!tpu.dma_semaphore, #tpu.memory_space<semaphore_mem>>
        %dma_wait3A_435 = tpu.memref_squeeze %dma_wait3A_434 : memref<1x!tpu.dma_semaphore, #tpu.memory_space<semaphore_mem>> -> memref<!tpu.dma_semaphore, #tpu.memory_space<semaphore_mem>>
        tpu.wait_indirect_dma semaphore(%dma_wait3A_435 : memref<!tpu.dma_semaphore, #tpu.memory_space<semaphore_mem>>) src(%dma_wait3A_433 : memref<1000000x32xf32, #tpu.memory_space<hbm>>) dst(%dma_wait3A_423 : memref<128x32xf32, #tpu.memory_space<vmem>>)
        %parallel_loop3A = arith.constant 0 : i32
        %parallel_loop3A_436 = arith.constant 128 : i32
        %parallel_loop3A_437 = arith.constant 1 : i32
        %parallel_loop3A_438 = arith.constant 2 : i32
        %parallel_loop3A_439 = arith.constant 0 : i32
        scf.for %parallel_loop3A_559 = %parallel_loop3A to %parallel_loop3A_436 step %parallel_loop3A_437  : i32 {
          %parallel_loop3A_560 = arith.constant 0 : i32
          %parallel_loop3A_561 = arith.addi %parallel_loop3A_560, %parallel_loop3A_559 : i32
          %parallel_loop3A_562 = vector.broadcast %parallel_loop3A_559 : i32 to vector<16xi32>
          %parallel_loop3A_563 = arith.addi %mul3A_189, %parallel_loop3A_562 : vector<16xi32>
          %parallel_loop3A_564 = arith.constant 2 : i32
          %parallel_loop3A_565 = arith.index_cast %parallel_loop3A_564 : i32 to index
          %parallel_loop3A_566 = arith.index_cast %parallel_loop3A_561 : i32 to index
          %parallel_loop3A_567 = arith.constant 0 : index
          %parallel_loop3A_568 = tpu.vector_load %arg6[%parallel_loop3A_565, %parallel_loop3A_566, %parallel_loop3A_567] {strides = array<i32>} : memref<3x512x32xf32, #tpu.memory_space<vmem>>, vector<16xf32>,
          %parallel_loop3A_569 = arith.constant 5.65685415 : f32
          %parallel_loop3A_570 = vector.broadcast %parallel_loop3A_569 : f32 to vector<16xf32>
          %parallel_loop3A_571 = arith.mulf %parallel_loop3A_568, %parallel_loop3A_570 : vector<16xf32>
          %parallel_loop3A_572 = arith.constant 0 : i32
          %parallel_loop3A_573 = arith.constant 0 : i32
          %parallel_loop3A_574 = tpu.memref_slice %arg7[%parallel_loop3A_438, %parallel_loop3A_572, %parallel_loop3A_573] : memref<3x4x4096xf32, #tpu.memory_space<vmem>> -> memref<1x4x4096xf32, #tpu.memory_space<vmem>>
          %parallel_loop3A_575 = tpu.memref_squeeze %parallel_loop3A_574 : memref<1x4x4096xf32, #tpu.memory_space<vmem>> -> memref<4x4096xf32, #tpu.memory_space<vmem>>
          %parallel_loop3A_576 = arith.constant 0 : i32
          %parallel_loop3A_577 = tpu.memref_slice %parallel_loop3A_575[%parallel_loop3A_439, %parallel_loop3A_576] : memref<4x4096xf32, #tpu.memory_space<vmem>> -> memref<1x4096xf32, #tpu.memory_space<vmem>>
          %parallel_loop3A_578 = tpu.memref_squeeze %parallel_loop3A_577 : memref<1x4096xf32, #tpu.memory_space<vmem>> -> memref<4096xf32, #tpu.memory_space<vmem>>
          tpu.vector_store_idx %parallel_loop3A_578[%parallel_loop3A_563], %parallel_loop3A_571 : memref<4096xf32, #tpu.memory_space<vmem>>[vector<16xi32>], vector<16xf32>,
          %parallel_loop3A_579 = vector.broadcast %parallel_loop3A_559 : i32 to vector<16xi32>
          %parallel_loop3A_580 = arith.addi %add3A_195, %parallel_loop3A_579 : vector<16xi32>
          %parallel_loop3A_581 = arith.constant 2 : i32
          %parallel_loop3A_582 = arith.index_cast %parallel_loop3A_581 : i32 to index
          %parallel_loop3A_583 = arith.index_cast %parallel_loop3A_561 : i32 to index
          %parallel_loop3A_584 = arith.constant 16 : index
          %parallel_loop3A_585 = tpu.vector_load %arg6[%parallel_loop3A_582, %parallel_loop3A_583, %parallel_loop3A_584] {strides = array<i32>} : memref<3x512x32xf32, #tpu.memory_space<vmem>>, vector<16xf32>,
          %parallel_loop3A_586 = arith.constant 5.65685415 : f32
          %parallel_loop3A_587 = vector.broadcast %parallel_loop3A_586 : f32 to vector<16xf32>
          %parallel_loop3A_588 = arith.mulf %parallel_loop3A_585, %parallel_loop3A_587 : vector<16xf32>
          %parallel_loop3A_589 = arith.constant 0 : i32
          %parallel_loop3A_590 = arith.constant 0 : i32
          %parallel_loop3A_591 = tpu.memref_slice %arg7[%parallel_loop3A_438, %parallel_loop3A_589, %parallel_loop3A_590] : memref<3x4x4096xf32, #tpu.memory_space<vmem>> -> memref<1x4x4096xf32, #tpu.memory_space<vmem>>
          %parallel_loop3A_592 = tpu.memref_squeeze %parallel_loop3A_591 : memref<1x4x4096xf32, #tpu.memory_space<vmem>> -> memref<4x4096xf32, #tpu.memory_space<vmem>>
          %parallel_loop3A_593 = arith.constant 0 : i32
          %parallel_loop3A_594 = tpu.memref_slice %parallel_loop3A_592[%parallel_loop3A_439, %parallel_loop3A_593] : memref<4x4096xf32, #tpu.memory_space<vmem>> -> memref<1x4096xf32, #tpu.memory_space<vmem>>
          %parallel_loop3A_595 = tpu.memref_squeeze %parallel_loop3A_594 : memref<1x4096xf32, #tpu.memory_space<vmem>> -> memref<4096xf32, #tpu.memory_space<vmem>>
          tpu.vector_store_idx %parallel_loop3A_595[%parallel_loop3A_580], %parallel_loop3A_588 : memref<4096xf32, #tpu.memory_space<vmem>>[vector<16xi32>], vector<16xf32>,
        } {sc.loop_unroll_factor = 8 : i64, sc.parallel_access}
        %parallel_loop3A_440 = arith.constant 0 : i32
        %parallel_loop3A_441 = arith.constant 128 : i32
        %parallel_loop3A_442 = arith.constant 1 : i32
        %parallel_loop3A_443 = arith.constant 2 : i32
        %parallel_loop3A_444 = arith.constant 1 : i32
        scf.for %parallel_loop3A_559 = %parallel_loop3A_440 to %parallel_loop3A_441 step %parallel_loop3A_442  : i32 {
          %parallel_loop3A_560 = arith.constant 128 : i32
          %parallel_loop3A_561 = arith.addi %parallel_loop3A_560, %parallel_loop3A_559 : i32
          %parallel_loop3A_562 = vector.broadcast %parallel_loop3A_559 : i32 to vector<16xi32>
          %parallel_loop3A_563 = arith.addi %mul3A_189, %parallel_loop3A_562 : vector<16xi32>
          %parallel_loop3A_564 = arith.constant 2 : i32
          %parallel_loop3A_565 = arith.index_cast %parallel_loop3A_564 : i32 to index
          %parallel_loop3A_566 = arith.index_cast %parallel_loop3A_561 : i32 to index
          %parallel_loop3A_567 = arith.constant 0 : index
          %parallel_loop3A_568 = tpu.vector_load %arg6[%parallel_loop3A_565, %parallel_loop3A_566, %parallel_loop3A_567] {strides = array<i32>} : memref<3x512x32xf32, #tpu.memory_space<vmem>>, vector<16xf32>,
          %parallel_loop3A_569 = arith.constant 5.65685415 : f32
          %parallel_loop3A_570 = vector.broadcast %parallel_loop3A_569 : f32 to vector<16xf32>
          %parallel_loop3A_571 = arith.mulf %parallel_loop3A_568, %parallel_loop3A_570 : vector<16xf32>
          %parallel_loop3A_572 = arith.constant 0 : i32
          %parallel_loop3A_573 = arith.constant 0 : i32
          %parallel_loop3A_574 = tpu.memref_slice %arg7[%parallel_loop3A_443, %parallel_loop3A_572, %parallel_loop3A_573] : memref<3x4x4096xf32, #tpu.memory_space<vmem>> -> memref<1x4x4096xf32, #tpu.memory_space<vmem>>
          %parallel_loop3A_575 = tpu.memref_squeeze %parallel_loop3A_574 : memref<1x4x4096xf32, #tpu.memory_space<vmem>> -> memref<4x4096xf32, #tpu.memory_space<vmem>>
          %parallel_loop3A_576 = arith.constant 0 : i32
          %parallel_loop3A_577 = tpu.memref_slice %parallel_loop3A_575[%parallel_loop3A_444, %parallel_loop3A_576] : memref<4x4096xf32, #tpu.memory_space<vmem>> -> memref<1x4096xf32, #tpu.memory_space<vmem>>
          %parallel_loop3A_578 = tpu.memref_squeeze %parallel_loop3A_577 : memref<1x4096xf32, #tpu.memory_space<vmem>> -> memref<4096xf32, #tpu.memory_space<vmem>>
          tpu.vector_store_idx %parallel_loop3A_578[%parallel_loop3A_563], %parallel_loop3A_571 : memref<4096xf32, #tpu.memory_space<vmem>>[vector<16xi32>], vector<16xf32>,
          %parallel_loop3A_579 = vector.broadcast %parallel_loop3A_559 : i32 to vector<16xi32>
          %parallel_loop3A_580 = arith.addi %add3A_195, %parallel_loop3A_579 : vector<16xi32>
          %parallel_loop3A_581 = arith.constant 2 : i32
          %parallel_loop3A_582 = arith.index_cast %parallel_loop3A_581 : i32 to index
          %parallel_loop3A_583 = arith.index_cast %parallel_loop3A_561 : i32 to index
          %parallel_loop3A_584 = arith.constant 16 : index
          %parallel_loop3A_585 = tpu.vector_load %arg6[%parallel_loop3A_582, %parallel_loop3A_583, %parallel_loop3A_584] {strides = array<i32>} : memref<3x512x32xf32, #tpu.memory_space<vmem>>, vector<16xf32>,
          %parallel_loop3A_586 = arith.constant 5.65685415 : f32
          %parallel_loop3A_587 = vector.broadcast %parallel_loop3A_586 : f32 to vector<16xf32>
          %parallel_loop3A_588 = arith.mulf %parallel_loop3A_585, %parallel_loop3A_587 : vector<16xf32>
          %parallel_loop3A_589 = arith.constant 0 : i32
          %parallel_loop3A_590 = arith.constant 0 : i32
          %parallel_loop3A_591 = tpu.memref_slice %arg7[%parallel_loop3A_443, %parallel_loop3A_589, %parallel_loop3A_590] : memref<3x4x4096xf32, #tpu.memory_space<vmem>> -> memref<1x4x4096xf32, #tpu.memory_space<vmem>>
          %parallel_loop3A_592 = tpu.memref_squeeze %parallel_loop3A_591 : memref<1x4x4096xf32, #tpu.memory_space<vmem>> -> memref<4x4096xf32, #tpu.memory_space<vmem>>
          %parallel_loop3A_593 = arith.constant 0 : i32
          %parallel_loop3A_594 = tpu.memref_slice %parallel_loop3A_592[%parallel_loop3A_444, %parallel_loop3A_593] : memref<4x4096xf32, #tpu.memory_space<vmem>> -> memref<1x4096xf32, #tpu.memory_space<vmem>>
          %parallel_loop3A_595 = tpu.memref_squeeze %parallel_loop3A_594 : memref<1x4096xf32, #tpu.memory_space<vmem>> -> memref<4096xf32, #tpu.memory_space<vmem>>
          tpu.vector_store_idx %parallel_loop3A_595[%parallel_loop3A_580], %parallel_loop3A_588 : memref<4096xf32, #tpu.memory_space<vmem>>[vector<16xi32>], vector<16xf32>,
        } {sc.loop_unroll_factor = 8 : i64, sc.parallel_access}
        %parallel_loop3A_445 = arith.constant 0 : i32
        %parallel_loop3A_446 = arith.constant 128 : i32
        %parallel_loop3A_447 = arith.constant 1 : i32
        %parallel_loop3A_448 = arith.constant 2 : i32
        %parallel_loop3A_449 = arith.constant 2 : i32
        scf.for %parallel_loop3A_559 = %parallel_loop3A_445 to %parallel_loop3A_446 step %parallel_loop3A_447  : i32 {
          %parallel_loop3A_560 = arith.constant 256 : i32
          %parallel_loop3A_561 = arith.addi %parallel_loop3A_560, %parallel_loop3A_559 : i32
          %parallel_loop3A_562 = vector.broadcast %parallel_loop3A_559 : i32 to vector<16xi32>
          %parallel_loop3A_563 = arith.addi %mul3A_189, %parallel_loop3A_562 : vector<16xi32>
          %parallel_loop3A_564 = arith.constant 2 : i32
          %parallel_loop3A_565 = arith.index_cast %parallel_loop3A_564 : i32 to index
          %parallel_loop3A_566 = arith.index_cast %parallel_loop3A_561 : i32 to index
          %parallel_loop3A_567 = arith.constant 0 : index
          %parallel_loop3A_568 = tpu.vector_load %arg6[%parallel_loop3A_565, %parallel_loop3A_566, %parallel_loop3A_567] {strides = array<i32>} : memref<3x512x32xf32, #tpu.memory_space<vmem>>, vector<16xf32>,
          %parallel_loop3A_569 = arith.constant 5.65685415 : f32
          %parallel_loop3A_570 = vector.broadcast %parallel_loop3A_569 : f32 to vector<16xf32>
          %parallel_loop3A_571 = arith.mulf %parallel_loop3A_568, %parallel_loop3A_570 : vector<16xf32>
          %parallel_loop3A_572 = arith.constant 0 : i32
          %parallel_loop3A_573 = arith.constant 0 : i32
          %parallel_loop3A_574 = tpu.memref_slice %arg7[%parallel_loop3A_448, %parallel_loop3A_572, %parallel_loop3A_573] : memref<3x4x4096xf32, #tpu.memory_space<vmem>> -> memref<1x4x4096xf32, #tpu.memory_space<vmem>>
          %parallel_loop3A_575 = tpu.memref_squeeze %parallel_loop3A_574 : memref<1x4x4096xf32, #tpu.memory_space<vmem>> -> memref<4x4096xf32, #tpu.memory_space<vmem>>
          %parallel_loop3A_576 = arith.constant 0 : i32
          %parallel_loop3A_577 = tpu.memref_slice %parallel_loop3A_575[%parallel_loop3A_449, %parallel_loop3A_576] : memref<4x4096xf32, #tpu.memory_space<vmem>> -> memref<1x4096xf32, #tpu.memory_space<vmem>>
          %parallel_loop3A_578 = tpu.memref_squeeze %parallel_loop3A_577 : memref<1x4096xf32, #tpu.memory_space<vmem>> -> memref<4096xf32, #tpu.memory_space<vmem>>
          tpu.vector_store_idx %parallel_loop3A_578[%parallel_loop3A_563], %parallel_loop3A_571 : memref<4096xf32, #tpu.memory_space<vmem>>[vector<16xi32>], vector<16xf32>,
          %parallel_loop3A_579 = vector.broadcast %parallel_loop3A_559 : i32 to vector<16xi32>
          %parallel_loop3A_580 = arith.addi %add3A_195, %parallel_loop3A_579 : vector<16xi32>
          %parallel_loop3A_581 = arith.constant 2 : i32
          %parallel_loop3A_582 = arith.index_cast %parallel_loop3A_581 : i32 to index
          %parallel_loop3A_583 = arith.index_cast %parallel_loop3A_561 : i32 to index
          %parallel_loop3A_584 = arith.constant 16 : index
          %parallel_loop3A_585 = tpu.vector_load %arg6[%parallel_loop3A_582, %parallel_loop3A_583, %parallel_loop3A_584] {strides = array<i32>} : memref<3x512x32xf32, #tpu.memory_space<vmem>>, vector<16xf32>,
          %parallel_loop3A_586 = arith.constant 5.65685415 : f32
          %parallel_loop3A_587 = vector.broadcast %parallel_loop3A_586 : f32 to vector<16xf32>
          %parallel_loop3A_588 = arith.mulf %parallel_loop3A_585, %parallel_loop3A_587 : vector<16xf32>
          %parallel_loop3A_589 = arith.constant 0 : i32
          %parallel_loop3A_590 = arith.constant 0 : i32
          %parallel_loop3A_591 = tpu.memref_slice %arg7[%parallel_loop3A_448, %parallel_loop3A_589, %parallel_loop3A_590] : memref<3x4x4096xf32, #tpu.memory_space<vmem>> -> memref<1x4x4096xf32, #tpu.memory_space<vmem>>
          %parallel_loop3A_592 = tpu.memref_squeeze %parallel_loop3A_591 : memref<1x4x4096xf32, #tpu.memory_space<vmem>> -> memref<4x4096xf32, #tpu.memory_space<vmem>>
          %parallel_loop3A_593 = arith.constant 0 : i32
          %parallel_loop3A_594 = tpu.memref_slice %parallel_loop3A_592[%parallel_loop3A_449, %parallel_loop3A_593] : memref<4x4096xf32, #tpu.memory_space<vmem>> -> memref<1x4096xf32, #tpu.memory_space<vmem>>
          %parallel_loop3A_595 = tpu.memref_squeeze %parallel_loop3A_594 : memref<1x4096xf32, #tpu.memory_space<vmem>> -> memref<4096xf32, #tpu.memory_space<vmem>>
          tpu.vector_store_idx %parallel_loop3A_595[%parallel_loop3A_580], %parallel_loop3A_588 : memref<4096xf32, #tpu.memory_space<vmem>>[vector<16xi32>], vector<16xf32>,
        } {sc.loop_unroll_factor = 8 : i64, sc.parallel_access}
        %parallel_loop3A_450 = arith.constant 0 : i32
        %parallel_loop3A_451 = arith.constant 128 : i32
        %parallel_loop3A_452 = arith.constant 1 : i32
        %parallel_loop3A_453 = arith.constant 2 : i32
        %parallel_loop3A_454 = arith.constant 3 : i32
        scf.for %parallel_loop3A_559 = %parallel_loop3A_450 to %parallel_loop3A_451 step %parallel_loop3A_452  : i32 {
          %parallel_loop3A_560 = arith.constant 384 : i32
          %parallel_loop3A_561 = arith.addi %parallel_loop3A_560, %parallel_loop3A_559 : i32
          %parallel_loop3A_562 = vector.broadcast %parallel_loop3A_559 : i32 to vector<16xi32>
          %parallel_loop3A_563 = arith.addi %mul3A_189, %parallel_loop3A_562 : vector<16xi32>
          %parallel_loop3A_564 = arith.constant 2 : i32
          %parallel_loop3A_565 = arith.index_cast %parallel_loop3A_564 : i32 to index
          %parallel_loop3A_566 = arith.index_cast %parallel_loop3A_561 : i32 to index
          %parallel_loop3A_567 = arith.constant 0 : index
          %parallel_loop3A_568 = tpu.vector_load %arg6[%parallel_loop3A_565, %parallel_loop3A_566, %parallel_loop3A_567] {strides = array<i32>} : memref<3x512x32xf32, #tpu.memory_space<vmem>>, vector<16xf32>,
          %parallel_loop3A_569 = arith.constant 5.65685415 : f32
          %parallel_loop3A_570 = vector.broadcast %parallel_loop3A_569 : f32 to vector<16xf32>
          %parallel_loop3A_571 = arith.mulf %parallel_loop3A_568, %parallel_loop3A_570 : vector<16xf32>
          %parallel_loop3A_572 = arith.constant 0 : i32
          %parallel_loop3A_573 = arith.constant 0 : i32
          %parallel_loop3A_574 = tpu.memref_slice %arg7[%parallel_loop3A_453, %parallel_loop3A_572, %parallel_loop3A_573] : memref<3x4x4096xf32, #tpu.memory_space<vmem>> -> memref<1x4x4096xf32, #tpu.memory_space<vmem>>
          %parallel_loop3A_575 = tpu.memref_squeeze %parallel_loop3A_574 : memref<1x4x4096xf32, #tpu.memory_space<vmem>> -> memref<4x4096xf32, #tpu.memory_space<vmem>>
          %parallel_loop3A_576 = arith.constant 0 : i32
          %parallel_loop3A_577 = tpu.memref_slice %parallel_loop3A_575[%parallel_loop3A_454, %parallel_loop3A_576] : memref<4x4096xf32, #tpu.memory_space<vmem>> -> memref<1x4096xf32, #tpu.memory_space<vmem>>
          %parallel_loop3A_578 = tpu.memref_squeeze %parallel_loop3A_577 : memref<1x4096xf32, #tpu.memory_space<vmem>> -> memref<4096xf32, #tpu.memory_space<vmem>>
          tpu.vector_store_idx %parallel_loop3A_578[%parallel_loop3A_563], %parallel_loop3A_571 : memref<4096xf32, #tpu.memory_space<vmem>>[vector<16xi32>], vector<16xf32>,
          %parallel_loop3A_579 = vector.broadcast %parallel_loop3A_559 : i32 to vector<16xi32>
          %parallel_loop3A_580 = arith.addi %add3A_195, %parallel_loop3A_579 : vector<16xi32>
          %parallel_loop3A_581 = arith.constant 2 : i32
          %parallel_loop3A_582 = arith.index_cast %parallel_loop3A_581 : i32 to index
          %parallel_loop3A_583 = arith.index_cast %parallel_loop3A_561 : i32 to index
          %parallel_loop3A_584 = arith.constant 16 : index
          %parallel_loop3A_585 = tpu.vector_load %arg6[%parallel_loop3A_582, %parallel_loop3A_583, %parallel_loop3A_584] {strides = array<i32>} : memref<3x512x32xf32, #tpu.memory_space<vmem>>, vector<16xf32>,
          %parallel_loop3A_586 = arith.constant 5.65685415 : f32
          %parallel_loop3A_587 = vector.broadcast %parallel_loop3A_586 : f32 to vector<16xf32>
          %parallel_loop3A_588 = arith.mulf %parallel_loop3A_585, %parallel_loop3A_587 : vector<16xf32>
          %parallel_loop3A_589 = arith.constant 0 : i32
          %parallel_loop3A_590 = arith.constant 0 : i32
          %parallel_loop3A_591 = tpu.memref_slice %arg7[%parallel_loop3A_453, %parallel_loop3A_589, %parallel_loop3A_590] : memref<3x4x4096xf32, #tpu.memory_space<vmem>> -> memref<1x4x4096xf32, #tpu.memory_space<vmem>>
          %parallel_loop3A_592 = tpu.memref_squeeze %parallel_loop3A_591 : memref<1x4x4096xf32, #tpu.memory_space<vmem>> -> memref<4x4096xf32, #tpu.memory_space<vmem>>
          %parallel_loop3A_593 = arith.constant 0 : i32
          %parallel_loop3A_594 = tpu.memref_slice %parallel_loop3A_592[%parallel_loop3A_454, %parallel_loop3A_593] : memref<4x4096xf32, #tpu.memory_space<vmem>> -> memref<1x4096xf32, #tpu.memory_space<vmem>>
          %parallel_loop3A_595 = tpu.memref_squeeze %parallel_loop3A_594 : memref<1x4096xf32, #tpu.memory_space<vmem>> -> memref<4096xf32, #tpu.memory_space<vmem>>
          tpu.vector_store_idx %parallel_loop3A_595[%parallel_loop3A_580], %parallel_loop3A_588 : memref<4096xf32, #tpu.memory_space<vmem>>[vector<16xi32>], vector<16xf32>,
        } {sc.loop_unroll_factor = 8 : i64, sc.parallel_access}
        %mul3A_455 = arith.constant 4 : i32
        %mul3A_456 = arith.muli %add3A_325, %mul3A_455 : i32
        %mul3A_457 = arith.constant 1024 : i32
        %mul3A_458 = arith.muli %add3A, %mul3A_457 : i32
        %add3A_459 = arith.constant 0 : i32
        %add3A_460 = arith.addi %add3A_459, %mul3A_458 : i32
        %mul3A_461 = arith.constant 4 : i32
        %mul3A_462 = arith.muli %add3A_325, %mul3A_461 : i32
        %mul3A_463 = arith.constant 1024 : i32
        %mul3A_464 = arith.muli %add3A, %mul3A_463 : i32
        %add3A_465 = arith.constant 32768 : i32
        %add3A_466 = arith.addi %add3A_465, %mul3A_464 : i32
        %mul3A_467 = arith.constant 4 : i32
        %mul3A_468 = arith.muli %add3A_325, %mul3A_467 : i32
        %mul3A_469 = arith.constant 1024 : i32
        %mul3A_470 = arith.muli %add3A, %mul3A_469 : i32
        %add3A_471 = arith.constant 65536 : i32
        %add3A_472 = arith.addi %add3A_471, %mul3A_470 : i32
        %mul3A_473 = arith.constant 4 : i32
        %mul3A_474 = arith.muli %add3A_325, %mul3A_473 : i32
        %mul3A_475 = arith.constant 1024 : i32
        %mul3A_476 = arith.muli %add3A, %mul3A_475 : i32
        %add3A_477 = arith.constant 98304 : i32
        %add3A_478 = arith.addi %add3A_477, %mul3A_476 : i32
        %dma_start3A_479 = arith.constant 2 : i32
        %dma_start3A_480 = arith.constant 2 : i32
        %dma_start3A_481 = arith.constant 0 : i32
        %dma_start3A_482 = arith.constant 0 : i32
        %dma_start3A_483 = tpu.memref_slice %arg7[%dma_start3A_479, %dma_start3A_481, %dma_start3A_482] : memref<3x4x4096xf32, #tpu.memory_space<vmem>> -> memref<1x4x4096xf32, #tpu.memory_space<vmem>>
        %dma_start3A_484 = tpu.memref_squeeze %dma_start3A_483 : memref<1x4x4096xf32, #tpu.memory_space<vmem>> -> memref<4x4096xf32, #tpu.memory_space<vmem>>
        %dma_start3A_485 = arith.constant 0 : i32
        %dma_start3A_486 = arith.constant 0 : i32
        %dma_start3A_487 = tpu.memref_slice %dma_start3A_484[%dma_start3A_485, %dma_start3A_486] : memref<4x4096xf32, #tpu.memory_space<vmem>> -> memref<4x1024xf32, #tpu.memory_space<vmem>>
        %dma_start3A_488 = tpu.memref_slice %arg4[%mul3A_456, %add3A_460] : memref<200x131072xf32, #tpu.memory_space<hbm>> -> memref<4x1024xf32, #tpu.memory_space<hbm>>
        %dma_start3A_489 = tpu.memref_slice %arg9[%dma_start3A_480] : memref<3x!tpu.dma_semaphore, #tpu.memory_space<semaphore_mem>> -> memref<1x!tpu.dma_semaphore, #tpu.memory_space<semaphore_mem>>
        %dma_start3A_490 = tpu.memref_squeeze %dma_start3A_489 : memref<1x!tpu.dma_semaphore, #tpu.memory_space<semaphore_mem>> -> memref<!tpu.dma_semaphore, #tpu.memory_space<semaphore_mem>>
        %dma_start3A_491 = tpu.memref_slice %arg4[%mul3A_456, %add3A_460] : memref<200x131072xf32, #tpu.memory_space<hbm>> -> memref<4x1024xf32, #tpu.memory_space<hbm>>
        %dma_start3A_492 = arith.constant 0 : i32
        %dma_start3A_493 = arith.constant 0 : i32
        %dma_start3A_494 = tpu.memref_slice %arg7[%dma_start3A_479, %dma_start3A_492, %dma_start3A_493] : memref<3x4x4096xf32, #tpu.memory_space<vmem>> -> memref<1x4x4096xf32, #tpu.memory_space<vmem>>
        %dma_start3A_495 = tpu.memref_squeeze %dma_start3A_494 : memref<1x4x4096xf32, #tpu.memory_space<vmem>> -> memref<4x4096xf32, #tpu.memory_space<vmem>>
        %dma_start3A_496 = arith.constant 0 : i32
        %dma_start3A_497 = arith.constant 0 : i32
        %dma_start3A_498 = tpu.memref_slice %dma_start3A_495[%dma_start3A_496, %dma_start3A_497] : memref<4x4096xf32, #tpu.memory_space<vmem>> -> memref<4x1024xf32, #tpu.memory_space<vmem>>
        tpu.enqueue_dma source(%dma_start3A_498 : memref<4x1024xf32, #tpu.memory_space<vmem>>) target(%dma_start3A_491 : memref<4x1024xf32, #tpu.memory_space<hbm>>) target_semaphore(%dma_start3A_490 : memref<!tpu.dma_semaphore, #tpu.memory_space<semaphore_mem>>)
        %dma_start3A_499 = arith.constant 2 : i32
        %dma_start3A_500 = arith.constant 2 : i32
        %dma_start3A_501 = arith.constant 0 : i32
        %dma_start3A_502 = arith.constant 0 : i32
        %dma_start3A_503 = tpu.memref_slice %arg7[%dma_start3A_499, %dma_start3A_501, %dma_start3A_502] : memref<3x4x4096xf32, #tpu.memory_space<vmem>> -> memref<1x4x4096xf32, #tpu.memory_space<vmem>>
        %dma_start3A_504 = tpu.memref_squeeze %dma_start3A_503 : memref<1x4x4096xf32, #tpu.memory_space<vmem>> -> memref<4x4096xf32, #tpu.memory_space<vmem>>
        %dma_start3A_505 = arith.constant 0 : i32
        %dma_start3A_506 = arith.constant 1024 : i32
        %dma_start3A_507 = tpu.memref_slice %dma_start3A_504[%dma_start3A_505, %dma_start3A_506] : memref<4x4096xf32, #tpu.memory_space<vmem>> -> memref<4x1024xf32, #tpu.memory_space<vmem>>
        %dma_start3A_508 = tpu.memref_slice %arg4[%mul3A_462, %add3A_466] : memref<200x131072xf32, #tpu.memory_space<hbm>> -> memref<4x1024xf32, #tpu.memory_space<hbm>>
        %dma_start3A_509 = tpu.memref_slice %arg9[%dma_start3A_500] : memref<3x!tpu.dma_semaphore, #tpu.memory_space<semaphore_mem>> -> memref<1x!tpu.dma_semaphore, #tpu.memory_space<semaphore_mem>>
        %dma_start3A_510 = tpu.memref_squeeze %dma_start3A_509 : memref<1x!tpu.dma_semaphore, #tpu.memory_space<semaphore_mem>> -> memref<!tpu.dma_semaphore, #tpu.memory_space<semaphore_mem>>
        %dma_start3A_511 = tpu.memref_slice %arg4[%mul3A_462, %add3A_466] : memref<200x131072xf32, #tpu.memory_space<hbm>> -> memref<4x1024xf32, #tpu.memory_space<hbm>>
        %dma_start3A_512 = arith.constant 0 : i32
        %dma_start3A_513 = arith.constant 0 : i32
        %dma_start3A_514 = tpu.memref_slice %arg7[%dma_start3A_499, %dma_start3A_512, %dma_start3A_513] : memref<3x4x4096xf32, #tpu.memory_space<vmem>> -> memref<1x4x4096xf32, #tpu.memory_space<vmem>>
        %dma_start3A_515 = tpu.memref_squeeze %dma_start3A_514 : memref<1x4x4096xf32, #tpu.memory_space<vmem>> -> memref<4x4096xf32, #tpu.memory_space<vmem>>
        %dma_start3A_516 = arith.constant 0 : i32
        %dma_start3A_517 = arith.constant 1024 : i32
        %dma_start3A_518 = tpu.memref_slice %dma_start3A_515[%dma_start3A_516, %dma_start3A_517] : memref<4x4096xf32, #tpu.memory_space<vmem>> -> memref<4x1024xf32, #tpu.memory_space<vmem>>
        tpu.enqueue_dma source(%dma_start3A_518 : memref<4x1024xf32, #tpu.memory_space<vmem>>) target(%dma_start3A_511 : memref<4x1024xf32, #tpu.memory_space<hbm>>) target_semaphore(%dma_start3A_510 : memref<!tpu.dma_semaphore, #tpu.memory_space<semaphore_mem>>)
        %dma_start3A_519 = arith.constant 2 : i32
        %dma_start3A_520 = arith.constant 2 : i32
        %dma_start3A_521 = arith.constant 0 : i32
        %dma_start3A_522 = arith.constant 0 : i32
        %dma_start3A_523 = tpu.memref_slice %arg7[%dma_start3A_519, %dma_start3A_521, %dma_start3A_522] : memref<3x4x4096xf32, #tpu.memory_space<vmem>> -> memref<1x4x4096xf32, #tpu.memory_space<vmem>>
        %dma_start3A_524 = tpu.memref_squeeze %dma_start3A_523 : memref<1x4x4096xf32, #tpu.memory_space<vmem>> -> memref<4x4096xf32, #tpu.memory_space<vmem>>
        %dma_start3A_525 = arith.constant 0 : i32
        %dma_start3A_526 = arith.constant 2048 : i32
        %dma_start3A_527 = tpu.memref_slice %dma_start3A_524[%dma_start3A_525, %dma_start3A_526] : memref<4x4096xf32, #tpu.memory_space<vmem>> -> memref<4x1024xf32, #tpu.memory_space<vmem>>
        %dma_start3A_528 = tpu.memref_slice %arg4[%mul3A_468, %add3A_472] : memref<200x131072xf32, #tpu.memory_space<hbm>> -> memref<4x1024xf32, #tpu.memory_space<hbm>>
        %dma_start3A_529 = tpu.memref_slice %arg9[%dma_start3A_520] : memref<3x!tpu.dma_semaphore, #tpu.memory_space<semaphore_mem>> -> memref<1x!tpu.dma_semaphore, #tpu.memory_space<semaphore_mem>>
        %dma_start3A_530 = tpu.memref_squeeze %dma_start3A_529 : memref<1x!tpu.dma_semaphore, #tpu.memory_space<semaphore_mem>> -> memref<!tpu.dma_semaphore, #tpu.memory_space<semaphore_mem>>
        %dma_start3A_531 = tpu.memref_slice %arg4[%mul3A_468, %add3A_472] : memref<200x131072xf32, #tpu.memory_space<hbm>> -> memref<4x1024xf32, #tpu.memory_space<hbm>>
        %dma_start3A_532 = arith.constant 0 : i32
        %dma_start3A_533 = arith.constant 0 : i32
        %dma_start3A_534 = tpu.memref_slice %arg7[%dma_start3A_519, %dma_start3A_532, %dma_start3A_533] : memref<3x4x4096xf32, #tpu.memory_space<vmem>> -> memref<1x4x4096xf32, #tpu.memory_space<vmem>>
        %dma_start3A_535 = tpu.memref_squeeze %dma_start3A_534 : memref<1x4x4096xf32, #tpu.memory_space<vmem>> -> memref<4x4096xf32, #tpu.memory_space<vmem>>
        %dma_start3A_536 = arith.constant 0 : i32
        %dma_start3A_537 = arith.constant 2048 : i32
        %dma_start3A_538 = tpu.memref_slice %dma_start3A_535[%dma_start3A_536, %dma_start3A_537] : memref<4x4096xf32, #tpu.memory_space<vmem>> -> memref<4x1024xf32, #tpu.memory_space<vmem>>
        tpu.enqueue_dma source(%dma_start3A_538 : memref<4x1024xf32, #tpu.memory_space<vmem>>) target(%dma_start3A_531 : memref<4x1024xf32, #tpu.memory_space<hbm>>) target_semaphore(%dma_start3A_530 : memref<!tpu.dma_semaphore, #tpu.memory_space<semaphore_mem>>)
        %dma_start3A_539 = arith.constant 2 : i32
        %dma_start3A_540 = arith.constant 2 : i32
        %dma_start3A_541 = arith.constant 0 : i32
        %dma_start3A_542 = arith.constant 0 : i32
        %dma_start3A_543 = tpu.memref_slice %arg7[%dma_start3A_539, %dma_start3A_541, %dma_start3A_542] : memref<3x4x4096xf32, #tpu.memory_space<vmem>> -> memref<1x4x4096xf32, #tpu.memory_space<vmem>>
        %dma_start3A_544 = tpu.memref_squeeze %dma_start3A_543 : memref<1x4x4096xf32, #tpu.memory_space<vmem>> -> memref<4x4096xf32, #tpu.memory_space<vmem>>
        %dma_start3A_545 = arith.constant 0 : i32
        %dma_start3A_546 = arith.constant 3072 : i32
        %dma_start3A_547 = tpu.memref_slice %dma_start3A_544[%dma_start3A_545, %dma_start3A_546] : memref<4x4096xf32, #tpu.memory_space<vmem>> -> memref<4x1024xf32, #tpu.memory_space<vmem>>
        %dma_start3A_548 = tpu.memref_slice %arg4[%mul3A_474, %add3A_478] : memref<200x131072xf32, #tpu.memory_space<hbm>> -> memref<4x1024xf32, #tpu.memory_space<hbm>>
        %dma_start3A_549 = tpu.memref_slice %arg9[%dma_start3A_540] : memref<3x!tpu.dma_semaphore, #tpu.memory_space<semaphore_mem>> -> memref<1x!tpu.dma_semaphore, #tpu.memory_space<semaphore_mem>>
        %dma_start3A_550 = tpu.memref_squeeze %dma_start3A_549 : memref<1x!tpu.dma_semaphore, #tpu.memory_space<semaphore_mem>> -> memref<!tpu.dma_semaphore, #tpu.memory_space<semaphore_mem>>
        %dma_start3A_551 = tpu.memref_slice %arg4[%mul3A_474, %add3A_478] : memref<200x131072xf32, #tpu.memory_space<hbm>> -> memref<4x1024xf32, #tpu.memory_space<hbm>>
        %dma_start3A_552 = arith.constant 0 : i32
        %dma_start3A_553 = arith.constant 0 : i32
        %dma_start3A_554 = tpu.memref_slice %arg7[%dma_start3A_539, %dma_start3A_552, %dma_start3A_553] : memref<3x4x4096xf32, #tpu.memory_space<vmem>> -> memref<1x4x4096xf32, #tpu.memory_space<vmem>>
        %dma_start3A_555 = tpu.memref_squeeze %dma_start3A_554 : memref<1x4x4096xf32, #tpu.memory_space<vmem>> -> memref<4x4096xf32, #tpu.memory_space<vmem>>
        %dma_start3A_556 = arith.constant 0 : i32
        %dma_start3A_557 = arith.constant 3072 : i32
        %dma_start3A_558 = tpu.memref_slice %dma_start3A_555[%dma_start3A_556, %dma_start3A_557] : memref<4x4096xf32, #tpu.memory_space<vmem>> -> memref<4x1024xf32, #tpu.memory_space<vmem>>
        tpu.enqueue_dma source(%dma_start3A_558 : memref<4x1024xf32, #tpu.memory_space<vmem>>) target(%dma_start3A_551 : memref<4x1024xf32, #tpu.memory_space<hbm>>) target_semaphore(%dma_start3A_550 : memref<!tpu.dma_semaphore, #tpu.memory_space<semaphore_mem>>)
      } else {
      }
      %scan3A_331 = arith.constant 0 : i32
      scf.yield %scan3A_331 : i32
    }
    %scan3A_201 = arith.constant 17 : i32
    %mul3A_202 = arith.constant 1024 : i32
    %mul3A_203 = arith.muli %add3A, %mul3A_202 : i32
    %add3A_204 = arith.constant 0 : i32
    %add3A_205 = arith.addi %add3A_204, %mul3A_203 : i32
    %mul3A_206 = arith.constant 1024 : i32
    %mul3A_207 = arith.muli %add3A, %mul3A_206 : i32
    %add3A_208 = arith.constant 32768 : i32
    %add3A_209 = arith.addi %add3A_208, %mul3A_207 : i32
    %mul3A_210 = arith.constant 1024 : i32
    %mul3A_211 = arith.muli %add3A, %mul3A_210 : i32
    %add3A_212 = arith.constant 65536 : i32
    %add3A_213 = arith.addi %add3A_212, %mul3A_211 : i32
    %mul3A_214 = arith.constant 1024 : i32
    %mul3A_215 = arith.muli %add3A, %mul3A_214 : i32
    %add3A_216 = arith.constant 98304 : i32
    %add3A_217 = arith.addi %add3A_216, %mul3A_215 : i32
    %dma_wait3A = arith.constant 1 : i32
    %dma_wait3A_218 = arith.constant 1 : i32
    %dma_wait3A_219 = arith.constant 0 : i32
    %dma_wait3A_220 = arith.constant 0 : i32
    %dma_wait3A_221 = tpu.memref_slice %arg7[%dma_wait3A, %dma_wait3A_219, %dma_wait3A_220] : memref<3x4x4096xf32, #tpu.memory_space<vmem>> -> memref<1x4x4096xf32, #tpu.memory_space<vmem>>
    %dma_wait3A_222 = tpu.memref_squeeze %dma_wait3A_221 : memref<1x4x4096xf32, #tpu.memory_space<vmem>> -> memref<4x4096xf32, #tpu.memory_space<vmem>>
    %dma_wait3A_223 = arith.constant 0 : i32
    %dma_wait3A_224 = arith.constant 0 : i32
    %dma_wait3A_225 = tpu.memref_slice %dma_wait3A_222[%dma_wait3A_223, %dma_wait3A_224] : memref<4x4096xf32, #tpu.memory_space<vmem>> -> memref<4x1024xf32, #tpu.memory_space<vmem>>
    %dma_wait3A_226 = arith.constant 196 : i32
    %dma_wait3A_227 = tpu.memref_slice %arg4[%dma_wait3A_226, %add3A_205] : memref<200x131072xf32, #tpu.memory_space<hbm>> -> memref<4x1024xf32, #tpu.memory_space<hbm>>
    %dma_wait3A_228 = tpu.memref_slice %arg9[%dma_wait3A_218] : memref<3x!tpu.dma_semaphore, #tpu.memory_space<semaphore_mem>> -> memref<1x!tpu.dma_semaphore, #tpu.memory_space<semaphore_mem>>
    %dma_wait3A_229 = tpu.memref_squeeze %dma_wait3A_228 : memref<1x!tpu.dma_semaphore, #tpu.memory_space<semaphore_mem>> -> memref<!tpu.dma_semaphore, #tpu.memory_space<semaphore_mem>>
    %dma_wait3A_230 = arith.constant 196 : i32
    %dma_wait3A_231 = tpu.memref_slice %arg4[%dma_wait3A_230, %add3A_205] : memref<200x131072xf32, #tpu.memory_space<hbm>> -> memref<4x1024xf32, #tpu.memory_space<hbm>>
    %dma_wait3A_232 = arith.constant 0 : i32
    %dma_wait3A_233 = arith.constant 0 : i32
    %dma_wait3A_234 = tpu.memref_slice %arg7[%dma_wait3A, %dma_wait3A_232, %dma_wait3A_233] : memref<3x4x4096xf32, #tpu.memory_space<vmem>> -> memref<1x4x4096xf32, #tpu.memory_space<vmem>>
    %dma_wait3A_235 = tpu.memref_squeeze %dma_wait3A_234 : memref<1x4x4096xf32, #tpu.memory_space<vmem>> -> memref<4x4096xf32, #tpu.memory_space<vmem>>
    %dma_wait3A_236 = arith.constant 0 : i32
    %dma_wait3A_237 = arith.constant 0 : i32
    %dma_wait3A_238 = tpu.memref_slice %dma_wait3A_235[%dma_wait3A_236, %dma_wait3A_237] : memref<4x4096xf32, #tpu.memory_space<vmem>> -> memref<4x1024xf32, #tpu.memory_space<vmem>>
    tpu.wait_dma2 semaphore(%dma_wait3A_229 : memref<!tpu.dma_semaphore, #tpu.memory_space<semaphore_mem>>) src(%dma_wait3A_238 : memref<4x1024xf32, #tpu.memory_space<vmem>>) dst(%dma_wait3A_231 : memref<4x1024xf32, #tpu.memory_space<hbm>>)
    %dma_wait3A_239 = arith.constant 1 : i32
    %dma_wait3A_240 = arith.constant 1 : i32
    %dma_wait3A_241 = arith.constant 0 : i32
    %dma_wait3A_242 = arith.constant 0 : i32
    %dma_wait3A_243 = tpu.memref_slice %arg7[%dma_wait3A_239, %dma_wait3A_241, %dma_wait3A_242] : memref<3x4x4096xf32, #tpu.memory_space<vmem>> -> memref<1x4x4096xf32, #tpu.memory_space<vmem>>
    %dma_wait3A_244 = tpu.memref_squeeze %dma_wait3A_243 : memref<1x4x4096xf32, #tpu.memory_space<vmem>> -> memref<4x4096xf32, #tpu.memory_space<vmem>>
    %dma_wait3A_245 = arith.constant 0 : i32
    %dma_wait3A_246 = arith.constant 1024 : i32
    %dma_wait3A_247 = tpu.memref_slice %dma_wait3A_244[%dma_wait3A_245, %dma_wait3A_246] : memref<4x4096xf32, #tpu.memory_space<vmem>> -> memref<4x1024xf32, #tpu.memory_space<vmem>>
    %dma_wait3A_248 = arith.constant 196 : i32
    %dma_wait3A_249 = tpu.memref_slice %arg4[%dma_wait3A_248, %add3A_209] : memref<200x131072xf32, #tpu.memory_space<hbm>> -> memref<4x1024xf32, #tpu.memory_space<hbm>>
    %dma_wait3A_250 = tpu.memref_slice %arg9[%dma_wait3A_240] : memref<3x!tpu.dma_semaphore, #tpu.memory_space<semaphore_mem>> -> memref<1x!tpu.dma_semaphore, #tpu.memory_space<semaphore_mem>>
    %dma_wait3A_251 = tpu.memref_squeeze %dma_wait3A_250 : memref<1x!tpu.dma_semaphore, #tpu.memory_space<semaphore_mem>> -> memref<!tpu.dma_semaphore, #tpu.memory_space<semaphore_mem>>
    %dma_wait3A_252 = arith.constant 196 : i32
    %dma_wait3A_253 = tpu.memref_slice %arg4[%dma_wait3A_252, %add3A_209] : memref<200x131072xf32, #tpu.memory_space<hbm>> -> memref<4x1024xf32, #tpu.memory_space<hbm>>
    %dma_wait3A_254 = arith.constant 0 : i32
    %dma_wait3A_255 = arith.constant 0 : i32
    %dma_wait3A_256 = tpu.memref_slice %arg7[%dma_wait3A_239, %dma_wait3A_254, %dma_wait3A_255] : memref<3x4x4096xf32, #tpu.memory_space<vmem>> -> memref<1x4x4096xf32, #tpu.memory_space<vmem>>
    %dma_wait3A_257 = tpu.memref_squeeze %dma_wait3A_256 : memref<1x4x4096xf32, #tpu.memory_space<vmem>> -> memref<4x4096xf32, #tpu.memory_space<vmem>>
    %dma_wait3A_258 = arith.constant 0 : i32
    %dma_wait3A_259 = arith.constant 1024 : i32
    %dma_wait3A_260 = tpu.memref_slice %dma_wait3A_257[%dma_wait3A_258, %dma_wait3A_259] : memref<4x4096xf32, #tpu.memory_space<vmem>> -> memref<4x1024xf32, #tpu.memory_space<vmem>>
    tpu.wait_dma2 semaphore(%dma_wait3A_251 : memref<!tpu.dma_semaphore, #tpu.memory_space<semaphore_mem>>) src(%dma_wait3A_260 : memref<4x1024xf32, #tpu.memory_space<vmem>>) dst(%dma_wait3A_253 : memref<4x1024xf32, #tpu.memory_space<hbm>>)
    %dma_wait3A_261 = arith.constant 1 : i32
    %dma_wait3A_262 = arith.constant 1 : i32
    %dma_wait3A_263 = arith.constant 0 : i32
    %dma_wait3A_264 = arith.constant 0 : i32
    %dma_wait3A_265 = tpu.memref_slice %arg7[%dma_wait3A_261, %dma_wait3A_263, %dma_wait3A_264] : memref<3x4x4096xf32, #tpu.memory_space<vmem>> -> memref<1x4x4096xf32, #tpu.memory_space<vmem>>
    %dma_wait3A_266 = tpu.memref_squeeze %dma_wait3A_265 : memref<1x4x4096xf32, #tpu.memory_space<vmem>> -> memref<4x4096xf32, #tpu.memory_space<vmem>>
    %dma_wait3A_267 = arith.constant 0 : i32
    %dma_wait3A_268 = arith.constant 2048 : i32
    %dma_wait3A_269 = tpu.memref_slice %dma_wait3A_266[%dma_wait3A_267, %dma_wait3A_268] : memref<4x4096xf32, #tpu.memory_space<vmem>> -> memref<4x1024xf32, #tpu.memory_space<vmem>>
    %dma_wait3A_270 = arith.constant 196 : i32
    %dma_wait3A_271 = tpu.memref_slice %arg4[%dma_wait3A_270, %add3A_213] : memref<200x131072xf32, #tpu.memory_space<hbm>> -> memref<4x1024xf32, #tpu.memory_space<hbm>>
    %dma_wait3A_272 = tpu.memref_slice %arg9[%dma_wait3A_262] : memref<3x!tpu.dma_semaphore, #tpu.memory_space<semaphore_mem>> -> memref<1x!tpu.dma_semaphore, #tpu.memory_space<semaphore_mem>>
    %dma_wait3A_273 = tpu.memref_squeeze %dma_wait3A_272 : memref<1x!tpu.dma_semaphore, #tpu.memory_space<semaphore_mem>> -> memref<!tpu.dma_semaphore, #tpu.memory_space<semaphore_mem>>
    %dma_wait3A_274 = arith.constant 196 : i32
    %dma_wait3A_275 = tpu.memref_slice %arg4[%dma_wait3A_274, %add3A_213] : memref<200x131072xf32, #tpu.memory_space<hbm>> -> memref<4x1024xf32, #tpu.memory_space<hbm>>
    %dma_wait3A_276 = arith.constant 0 : i32
    %dma_wait3A_277 = arith.constant 0 : i32
    %dma_wait3A_278 = tpu.memref_slice %arg7[%dma_wait3A_261, %dma_wait3A_276, %dma_wait3A_277] : memref<3x4x4096xf32, #tpu.memory_space<vmem>> -> memref<1x4x4096xf32, #tpu.memory_space<vmem>>
    %dma_wait3A_279 = tpu.memref_squeeze %dma_wait3A_278 : memref<1x4x4096xf32, #tpu.memory_space<vmem>> -> memref<4x4096xf32, #tpu.memory_space<vmem>>
    %dma_wait3A_280 = arith.constant 0 : i32
    %dma_wait3A_281 = arith.constant 2048 : i32
    %dma_wait3A_282 = tpu.memref_slice %dma_wait3A_279[%dma_wait3A_280, %dma_wait3A_281] : memref<4x4096xf32, #tpu.memory_space<vmem>> -> memref<4x1024xf32, #tpu.memory_space<vmem>>
    tpu.wait_dma2 semaphore(%dma_wait3A_273 : memref<!tpu.dma_semaphore, #tpu.memory_space<semaphore_mem>>) src(%dma_wait3A_282 : memref<4x1024xf32, #tpu.memory_space<vmem>>) dst(%dma_wait3A_275 : memref<4x1024xf32, #tpu.memory_space<hbm>>)
    %dma_wait3A_283 = arith.constant 1 : i32
    %dma_wait3A_284 = arith.constant 1 : i32
    %dma_wait3A_285 = arith.constant 0 : i32
    %dma_wait3A_286 = arith.constant 0 : i32
    %dma_wait3A_287 = tpu.memref_slice %arg7[%dma_wait3A_283, %dma_wait3A_285, %dma_wait3A_286] : memref<3x4x4096xf32, #tpu.memory_space<vmem>> -> memref<1x4x4096xf32, #tpu.memory_space<vmem>>
    %dma_wait3A_288 = tpu.memref_squeeze %dma_wait3A_287 : memref<1x4x4096xf32, #tpu.memory_space<vmem>> -> memref<4x4096xf32, #tpu.memory_space<vmem>>
    %dma_wait3A_289 = arith.constant 0 : i32
    %dma_wait3A_290 = arith.constant 3072 : i32
    %dma_wait3A_291 = tpu.memref_slice %dma_wait3A_288[%dma_wait3A_289, %dma_wait3A_290] : memref<4x4096xf32, #tpu.memory_space<vmem>> -> memref<4x1024xf32, #tpu.memory_space<vmem>>
    %dma_wait3A_292 = arith.constant 196 : i32
    %dma_wait3A_293 = tpu.memref_slice %arg4[%dma_wait3A_292, %add3A_217] : memref<200x131072xf32, #tpu.memory_space<hbm>> -> memref<4x1024xf32, #tpu.memory_space<hbm>>
    %dma_wait3A_294 = tpu.memref_slice %arg9[%dma_wait3A_284] : memref<3x!tpu.dma_semaphore, #tpu.memory_space<semaphore_mem>> -> memref<1x!tpu.dma_semaphore, #tpu.memory_space<semaphore_mem>>
    %dma_wait3A_295 = tpu.memref_squeeze %dma_wait3A_294 : memref<1x!tpu.dma_semaphore, #tpu.memory_space<semaphore_mem>> -> memref<!tpu.dma_semaphore, #tpu.memory_space<semaphore_mem>>
    %dma_wait3A_296 = arith.constant 196 : i32
    %dma_wait3A_297 = tpu.memref_slice %arg4[%dma_wait3A_296, %add3A_217] : memref<200x131072xf32, #tpu.memory_space<hbm>> -> memref<4x1024xf32, #tpu.memory_space<hbm>>
    %dma_wait3A_298 = arith.constant 0 : i32
    %dma_wait3A_299 = arith.constant 0 : i32
    %dma_wait3A_300 = tpu.memref_slice %arg7[%dma_wait3A_283, %dma_wait3A_298, %dma_wait3A_299] : memref<3x4x4096xf32, #tpu.memory_space<vmem>> -> memref<1x4x4096xf32, #tpu.memory_space<vmem>>
    %dma_wait3A_301 = tpu.memref_squeeze %dma_wait3A_300 : memref<1x4x4096xf32, #tpu.memory_space<vmem>> -> memref<4x4096xf32, #tpu.memory_space<vmem>>
    %dma_wait3A_302 = arith.constant 0 : i32
    %dma_wait3A_303 = arith.constant 3072 : i32
    %dma_wait3A_304 = tpu.memref_slice %dma_wait3A_301[%dma_wait3A_302, %dma_wait3A_303] : memref<4x4096xf32, #tpu.memory_space<vmem>> -> memref<4x1024xf32, #tpu.memory_space<vmem>>
    tpu.wait_dma2 semaphore(%dma_wait3A_295 : memref<!tpu.dma_semaphore, #tpu.memory_space<semaphore_mem>>) src(%dma_wait3A_304 : memref<4x1024xf32, #tpu.memory_space<vmem>>) dst(%dma_wait3A_297 : memref<4x1024xf32, #tpu.memory_space<hbm>>)
    return
  }
}

</mosaic_0001>

<sc_bundles>
// kernel: kernel.3.cloned.1.call-start
scs
__scs_entry_jumppad:
0x0: {  	(pc) =	sbr.rel $0x88, $3  }
0x1: {  	(tag) =	ssettag $0x0;
	lr =	simm.s32 $0x1  }
0x2: {  	[smem:$0x3F9F] =	sst lr;
	_ =	strace $0xD0000000  }
0x3: {  	_ = 	snop  }
0x4: {  	_ = 	snop  }
0x5: {  	_ = 	snop  }
0x6: {  	_ = 	snop  }
0x7: {  	_ = 	snop  }
__scs_overlays_trampoline_lowered:
0x8: {  	[smem:$0x3FAE] =	sst s0  }
0x9: {  	[smem:$0x3FAF] =	sst s1  }
0xa: {  	[smem:$0x3FB0] =	sst s2  }
0xb: {  	[smem:$0x3FB1] =	sst s3  }
0xc: {  	[smem:$0x3FB2] =	sst s4  }
0xd: {  	[smem:$0x3FB3] =	sst s5  }
0xe: {  	[smem:$0x3FB4] =	sst s6  }
0xf: {  	[smem:$0x3FB5] =	sst s7  }
0x10: {  	[smem:$0x3FB6] =	sst s8  }
0x11: {  	[smem:$0x3FB7] =	sst s9;
	s0 =	simm.s32 @!p0 $0x0  }
0x12: {  	s1 =	sld [smem:$0x3F9D];
	s0 =	simm.s32 @p0 $0x1  }
0x13: {  	[smem:$0x3FB8] =	sst s0;
	s0 =	simm.s32 @!p1 $0x0  }
0x14: {  	s2 =	sld [smem:$0x3F9C];
	s0 =	simm.s32 @p1 $0x1  }
0x15: {  	[smem:$0x3FB9] =	sst s0;
	s0 =	simm.s32 @!p2 $0x0  }
0x16: {  	s3 =	sld [smem:$0x3FDB];
	s0 =	simm.s32 @p2 $0x1  }
0x17: {  	s4 =	simm.s32 $0x1BF5;
	[smem:$0x3FBB] =	sst s0  }
0x18: {  	s0 =	sld [smem:$0x3F9E];
	_ =	swait.ge [sflag:s4], $0x0  }
0x19: {  	s7 =	sld [smem:$0x3F9F]  }
0x1a: {  	s8 =	sadd.s32 $0xFFFFE003, lr  }
0x1b: {  	s9 =	sadd.s32 $0xFFFFFEF7, lr;
	s5 =	simm.s32 $0xFFFFFFFF;
	p2 =	slt.u32 s8, $0xFFFFF086  }
0x1c: {  	p1 =	slt.u32 s9, $0xF7A;
	s5 =	simm.s32 @!p2 $0x0  }
0x1d: {  	s5 =	simm.s32 @p1 $0x1;
	p0 =	seq.s32 s7, s2  }
0x1e: {  	s7 =	smul.u32 @!p0 $0xF7A, s2;
	p2 =	seq.s32 @!p0 s5, $0x0  }
0x1f: {  	s9 =	smul.u32 $0xF7A, s1;
	s8 =	simm.s32 @!p0 $0x1BF5;
	p2 =	por !p2, p0  }
0x20: {  	[sflag:s8] =	ssyncset.s32 @!p0 $0xFFFFF086;
	s6 =	sadd.s32 @!p0 s3, s7;
	s7 =	simm.s32 @!p0 $0x108  }
0x21: {  	s3 =	sadd.s32 s3, s9;
	s6 =	sadd.s32 @!p0 $0x88, s6;
	s7 =	simm.s32 @p2 $0x1082  }
0x22: {  	[simem:s7], [sflag:s8] =	dma.local @!p0 [hbm:s6], $0xF7A  }
0x23: {  	s9 =	sor.u32 $0xD0000000, s2;
	s6 =	simm.s32 $0x108;
	_ =	swait.ge @!p0 [sflag:s8], $0x0  }
0x24: {  	s3 =	sadd.s32 $0x88, s3;
	s6 =	simm.s32 @!p1 $0x1082;
	[sflag:s4] =	ssyncset.s32 $0xFFFFF086  }
0x25: {  	[simem:s6], [sflag:s4] =	dma.local [hbm:s3], $0xF7A  }
0x26: {  	[smem:$0x3F9F] =	sst s1;
	(tag) =	ssettag s2;
	_ =	strace s9  }
0x27: {  	s1 =	sld [smem:$0x3FAF]  }
0x28: {  	s2 =	sld [smem:$0x3FB0]  }
0x29: {  	s4 =	sld [smem:$0x3FB2]  }
0x2a: {  	p0 =	seq.s32 s5, $0x0;
	s5 =	sld [smem:$0x3FB3]  }
0x2b: {  	s6 =	sld [smem:$0x3FB4]  }
0x2c: {  	s7 =	sld [smem:$0x3FB5]  }
0x2d: {  	s3 =	simm.s32 $0x108;
	s8 =	sld [smem:$0x3FB6]  }
0x2e: {  	s3 =	simm.s32 @!p0 $0x1082;
	s9 =	sld [smem:$0x3FB7]  }
0x2f: {  	lr =	sadd.s32 s0, s3;
	s0 =	sld [smem:$0x3FAE]  }
0x30: {  	s3 =	sld [smem:$0x3FB1]  }
0x31: {  	[smem:$0x3FBA] =	sst s10  }
0x32: {  	s10 =	sld [smem:$0x3FB8];
	_ =	sdelay $0x3  }
0x33: {  	p0 =	seq.s32 s10, $0x1;
	s10 =	sld [smem:$0x3FBA];
	_ =	sdelay $0x3  }
0x34: {  	[smem:$0x3FBA] =	sst s10  }
0x35: {  	s10 =	sld [smem:$0x3FB9];
	_ =	sdelay $0x3  }
0x36: {  	p1 =	seq.s32 s10, $0x1;
	s10 =	sld [smem:$0x3FBA];
	_ =	sdelay $0x3  }
0x37: {  	[smem:$0x3FBA] =	sst s10  }
0x38: {  	s10 =	sld [smem:$0x3FBB]  }
0x39: {  	_ = 	snop;
	(pc) =	sbr.ind lr, $3  }
0x3a: {  	_ = 	snop  }
0x3b: {  	_ = 	snop  }
0x3c: {  	p2 =	seq.s32 s10, $0x1;
	s10 =	sld [smem:$0x3FBA]  }
0x3d: {  	_ =	shalt  }
0x3e: {  	_ =	shalt  }
0x3f: {  	_ =	shalt  }
0x40: {  	_ =	shalt  }
0x41: {  	_ =	shalt  }
0x42: {  	_ =	shalt  }
0x43: {  	_ =	shalt  }
0x44: {  	_ =	shalt  }
0x45: {  	_ =	shalt  }
0x46: {  	_ =	shalt  }
0x47: {  	_ =	shalt  }
0x48: {  	_ =	shalt  }
0x49: {  	_ =	shalt  }
0x4a: {  	_ =	shalt  }
0x4b: {  	_ =	shalt  }
0x4c: {  	_ =	shalt  }
0x4d: {  	_ =	shalt  }
0x4e: {  	_ =	shalt  }
0x4f: {  	_ =	shalt  }
0x50: {  	_ =	shalt  }
0x51: {  	_ =	shalt  }
0x52: {  	_ =	shalt  }
0x53: {  	_ =	shalt  }
0x54: {  	_ =	shalt  }
0x55: {  	_ =	shalt  }
0x56: {  	_ =	shalt  }
0x57: {  	_ =	shalt  }
0x58: {  	_ =	shalt  }
0x59: {  	_ =	shalt  }
0x5a: {  	_ =	shalt  }
0x5b: {  	_ =	shalt  }
0x5c: {  	_ =	shalt  }
0x5d: {  	_ =	shalt  }
0x5e: {  	_ =	shalt  }
0x5f: {  	_ =	shalt  }
0x60: {  	_ =	shalt  }
0x61: {  	_ =	shalt  }
0x62: {  	_ =	shalt  }
0x63: {  	_ =	shalt  }
0x64: {  	_ =	shalt  }
0x65: {  	_ =	shalt  }
0x66: {  	_ =	shalt  }
0x67: {  	_ =	shalt  }
0x68: {  	_ =	shalt  }
0x69: {  	_ =	shalt  }
0x6a: {  	_ =	shalt  }
0x6b: {  	_ =	shalt  }
0x6c: {  	_ =	shalt  }
0x6d: {  	_ =	shalt  }
0x6e: {  	_ =	shalt  }
0x6f: {  	_ =	shalt  }
0x70: {  	_ =	shalt  }
0x71: {  	_ =	shalt  }
0x72: {  	_ =	shalt  }
0x73: {  	_ =	shalt  }
0x74: {  	_ =	shalt  }
0x75: {  	_ =	shalt  }
0x76: {  	_ =	shalt  }
0x77: {  	_ =	shalt  }
0x78: {  	_ =	shalt  }
0x79: {  	_ =	shalt  }
0x7a: {  	_ =	shalt  }
0x7b: {  	_ =	shalt  }
0x7c: {  	_ =	shalt  }
0x7d: {  	_ =	shalt  }
0x7e: {  	_ =	shalt  }
0x7f: {  	_ =	shalt  }
0x80: {  	_ =	shalt  }
0x81: {  	_ =	shalt  }
0x82: {  	_ =	shalt  }
0x83: {  	_ =	shalt  }
0x84: {  	_ =	shalt  }
0x85: {  	_ =	shalt  }
0x86: {  	_ =	shalt  }
0x87: {  	_ =	shalt  }
.Lfunc_end0:
.L_simem_size_0:
called_computation_lowered:
.L_overlay_start_0:
0x88: {  	s2 =	sld [smem:$0x3FD9]  }
0x89: {  	s3 =	sld [smem:$0x3FFE];
	_ =	sdelay $0x1  }
0x8a: {  	s1 =	srdreg.scid  }
0x8b: {  	s0 =	sand.u32 $0x1, s1  }
0x8c: {  	s17 =	sshll.u32 s0, $0xA;
	s2 =	sadd.s32 s3, s2  }
0x8d: {  	s2 =	sadd.s32 s2, s17  }
0x8e: {  	[smem:$0x3FC6] =	sst s2  }
0x8f: {  	_ = 	snop  }
0x90: {  	s2 =	sld [smem:$0x3FD0];
	(tm) =	ssettm $0x1  }
0x91: {  	s18 =	sld [smem:$0x3FFB];
	_ =	sdelay $0x3  }
0x92: {  	_ =	strace s18  }
0x93: {  	s3 =	sld [smem:$0x3FFC];
	_ =	sdelay $0x3  }
0x94: {  	_ =	strace s3  }
0x95: {  	s3 =	sld [smem:$0x3FFD];
	_ =	sdelay $0x3  }
0x96: {  	_ =	strace s3  }
0x97: {  	_ =	strace $0x8FFFFFFF  }
0x98: {  	s19 =	sld [smem:$0x3FDB];
	_ =	sdelay $0x1  }
0x99: {  	s4 =	simm.s32 $_scs_section_size  }
0x9a: {  	s5 =	simm.s32 $_size__tile_overlayer_lowered;
	s6 =	simm.s32 $_tile_overlayer_lowered  }
0x9b: {  	s22 =	simm.s32 $0x1BFF;
	s21 =	sshll.u32 s6, $0x1;
	s3 =	sadd.s32 s4, s19  }
0x9c: {  	s7 =	simm.s32 $0x0;
	s20 =	sshll.u32 s5, $0x1;
	s5 =	sadd.s32 s21, s3  }
0x9d: {  	[timem:s7], [sflag:s22] =	dma.local [hbm:s5], s20  }
0x9e: {  	_ =	swait.ge [sflag:s22], s20  }
0x9f: {  	s4 =	ssub.s32 $0x0, s20;
	[sflag:s22] =	ssyncset.done $0x0  }
0xa0: {  	[sflag:s22] =	ssyncadd.s32 s4;
	_ =	sdelay $0x1  }
0xa1: {  	s23 =	simm.s32 $0x1B8B  }
0xa2: {  	_ =	swait.ge [sflag:s23], $0x1  }
0xa3: {  	[sflag:s23] =	ssyncset.done $0x0  }
0xa4: {  	s25 =	simm.s32 $0x1B8E;
	s24 =	sld [smem:$0x3FFE];
	[sflag:s23] =	ssyncadd.s32 $0xFFFFFFFF  }
0xa5: {  	s26 =	simm.s32 $execute0_lowered;
	[smem:$0x3FD2] =	sst s25  }
0xa6: {  	s5 =	sshll.u32 s26, $0x1;
	_ =	strace $0x80000046;
	[dreg:$0x1] =	wrdreg $0xFFFFFFFF  }
0xa7: {  	s28 =	simm.s32 $_size_execute0_lowered;
	s3 =	sadd.s32 s3, s5;
	[dreg:$0x0] =	wrdreg $0x0  }
0xa8: {  	s5 =	sshll.u32 s28, $0x1;
	[dreg:$0x2] =	wrdreg s3  }
0xa9: {  	[dreg:$0x3] =	wrdreg s5  }
0xaa: {  	[dreg:$0x4] =	wrdreg $0xC0  }
0xab: {  	_ =	task [dreg:s7], $0x5FFFF  }
0xac: {  	[dreg:$0x1] =	wrdreg $0xFFFFFFFF  }
0xad: {  	[dreg:$0x0] =	wrdreg $0x60  }
0xae: {  	[dreg:$0x2] =	wrdreg s24  }
0xaf: {  	[dreg:$0x3] =	wrdreg s2  }
0xb0: {  	[dreg:$0x4] =	wrdreg $0x9  }
0xb1: {  	_ =	task.clear_ibuf [dreg:s7], $0x5FFFF;
	_ =	strace $0x90000046  }
0xb2: {  	s29 =	simm.s32 $0x9;
	_ =	strace $0x80000048  }
0xb3: {  	_ =	swait.ge [sflag:s29], $0x1  }
0xb4: {  	[sflag:s29] =	ssyncadd.s32 $0xFFFFFFFF  }
0xb5: {  	_ =	strace $0x90000048  }
0xb6: {  	_ =	sfence  }
0xb7: {  	s30 =	sld [smem:$0x0];
	_ =	sdelay $0x2  }
0xb8: {  	s31 =	sshll.u32 s1, $0xD;
	s1 =	sshrl.u32 s1, $0x2  }
0xb9: {  	s3 =	sand.u32 $0x4000, s31;
	s1 =	sadd.s32 s1, s30  }
0xba: {  	s0 =	sor.u32 s3, s0;
	s1 =	sshll.u32 s1, $0x11  }
0xbb: {  	s0 =	sor.u32 s1, s0  }
0xbc: {  	s0 =	sadd.s32 $0x8F2B, s0  }
0xbd: {  	[sflag:s0] =	ssyncadd.remote.s32 $0x1  }
0xbe: {  	_ =	sfence.sel $0xFFFF  }
0xbf: {  	[dreg:$0x0] =	wrdreg $0xFFFFFFFF;
	(pc) =	sbr.abs _section_cstart, $3  }
0xc0: {  	[dreg:$0x1] =	wrdreg $0xFFFFFFFF  }
0xc1: {  	_ =	task.clear_ibuf [dreg:s7], $0x2FFFF;
	_ =	strace $0x9FFFFFFF  }
0xc2: {  	(tm) =	ssettm $0x7FFFFFFF  }
0xc3: {  	_ =	shalt  }
tec
execute0_lowered:
.L_overlay_start_1:
0x0: {  	(tag) =	ssettag $0x1  }
0x1: {  	s0 =	rddreg [dreg:$0x0];
	s3 =	simm.s32 $0x0;
	s1 =	srdreg.scid  }
0x2: {  	s2 =	stileid.u32;
	s20 =	simm.s32 $0xC600;
	s21 =	simm.s32 $0xD600  }
0x3: {  	s15 =	simm.s32 $0x10600;
	s8 =	simm.s32 $0x12600;
	s30 =	simm.s32 $0x14600  }
0x4: {  	s31 =	simm.s32 $0x15600;
	[smem:$0x7FF] =	sst s3;
	s1 =	sand.u32 $0x1, s1  }
0x5: {  	s2 =	sshll.u32 s2, $0x1;
	s6 =	sadd.s32 $0x600, s0;
	s5 =	sadd.s32 $0xF42A00, s0  }
0x6: {  	_ =	strace $0x80000047;
	s2 =	sor.u32 s1, s2;
	[dreg:$0x3] =	wrdreg s6  }
0x7: {  	s4 =	sshll.u32 s2, $0x4;
	s23 =	sshll.u32 s2, $0x7;
	s2 =	sshll.u32 s2, $0xA  }
0x8: {  	s1 =	ssub.s32 $0x2, s1;
	s4 =	sadd.s32 s6, s4;
	[dreg:$0x8] =	wrdreg s2  }
0x9: {  	s22 =	sshrl.u32 s1, $0x1;
	s24 =	sor.u32 $0x8000, s23;
	[dreg:$0x4] =	wrdreg s4  }
0xa: {  	s0 =	ssub.s32 s1, s22;
	s25 =	sor.u32 $0xC000, s23;
	[dreg:$0x6] =	wrdreg s24  }
0xb: {  	s1 =	sor.u32 $0x10000, s23;
	s26 =	sor.u32 $0x8000, s2;
	[dreg:$0x7] =	wrdreg s25  }
0xc: {  	s28 =	sor.u32 $0x10000, s2;
	s29 =	sor.u32 $0x18000, s2;
	[dreg:$0x9] =	wrdreg s1  }
.Ltmp0:
0xd: {  	s22 =	simm.s32 $0xE600;
	[dreg:$0xa] =	wrdreg s26;
	(pc) =	sbr.rel .LBB2_1-.Ltmp0, $4  }
0xe: {  	v0 =	vlaneseq.u32;
	s23 =	simm.s32 $0xF600;
	s6 =	simm.s32 $0x11600;
	[dreg:$0xb] =	wrdreg s28  }
0xf: {  	v0 =	vmul.u32 $0x80, v0;
	s4 =	sadd.s32 $0x800, s4;
	[dreg:$0xc] =	wrdreg s29;
	s0 =	smax.u32 s0, $0x1  }
0x10: {  	s26 =	simm.s32 $0x13600;
	s1 =	simm.s32 $0x17600;
	[dreg:$0x5] =	wrdreg s4  }
0x11: {  	v1 =	vor.u32 $0x800, v0;
	[dreg:$0xd] =	wrdreg s0;
	s0 =	simm.s32 $0x16600;
	s4 =	simm.s32 $0x0  }
.LBB2_49:
0x12: {  	s4 =	rddreg [dreg:$0xe]  }
0x13: {  	s2 =	rddreg [dreg:$0xd];
	s4 =	sadd.s32 $0x1, s4  }
0x14: {  	p0 =	sne.s32 s4, s2  }
.Ltmp1:
0x15: {  	_ = 	snop;
	(pc) =	sbr.rel @!p0 .LBB2_50-.Ltmp1, $1  }
0x16: {  	_ =	sdelay $0x3  }
.LBB2_1:
0x17: {  	[dreg:$0xe] =	wrdreg s4  }
0x18: {  	s2 =	rddreg [dreg:$0x4]  }
0x19: {  	s4 =	simm.s32 $0x80;
	s7 =	simm.s32 $0x1000;
	s9 =	simm.s32 $0x7  }
0x1a: {  	[tilespmem:s3], [sflag:$0x7] =	stream.strided.gather [hbm4b:s2+s4], $0x200, s7, s4, $0x38;
	[tilespmem:$0x18600] =	vst v63  }
0x1b: {  	_ =	swait.ge [sflag:s9], $0x200  }
0x1c: {  	[sflag:s9] =	ssyncset.done $0x0  }
0x1d: {  	s29 =	simm.s32 $0x600;
	[sflag:s9] =	ssyncadd.s32 $0xFFFFFE00  }
0x1e: {  	[tilespmem:s29], [sflag:$0x1] =	stream.indirect.gather [hbm4b:s5+s4], $0x20, s3, s4, $0xb8;
	[tilespmem:$0x18600] =	vst v63  }
0x1f: {  	s10 =	simm.s32 $0x1600  }
0x20: {  	[tilespmem:s10], [sflag:$0x1] =	stream.indirect.gather [hbm4b:s5+s4], $0x20, s4, s4, $0xb8;
	[tilespmem:$0x18600] =	vst v63  }
0x21: {  	s11 =	simm.s32 $0x100;
	s10 =	simm.s32 $0x2600  }
0x22: {  	[tilespmem:s10], [sflag:$0x1] =	stream.indirect.gather [hbm4b:s5+s4], $0x20, s11, s4, $0xb8;
	[tilespmem:$0x18600] =	vst v63  }
0x23: {  	s12 =	simm.s32 $0x180;
	s13 =	simm.s32 $0x3600  }
0x24: {  	[tilespmem:s13], [sflag:$0x1] =	stream.indirect.gather [hbm4b:s5+s4], $0x20, s12, s4, $0xb8;
	[tilespmem:$0x18600] =	vst v63  }
0x25: {  	s16 =	simm.s32 $0x200;
	s14 =	rddreg [dreg:$0x5]  }
0x26: {  	[tilespmem:s16], [sflag:$0x7] =	stream.strided.gather [hbm4b:s14+s4], $0x200, s7, s4, $0x38;
	[tilespmem:$0x18600] =	vst v63  }
0x27: {  	_ =	swait.ge [sflag:s9], $0x200  }
0x28: {  	[sflag:s9] =	ssyncset.done $0x0  }
0x29: {  	s17 =	simm.s32 $0x4600;
	[sflag:s9] =	ssyncadd.s32 $0xFFFFFE00  }
0x2a: {  	[tilespmem:s17], [sflag:$0x2] =	stream.indirect.gather [hbm4b:s5+s4], $0x20, s16, s4, $0xb8;
	[tilespmem:$0x18600] =	vst v63  }
0x2b: {  	s18 =	simm.s32 $0x280;
	s19 =	simm.s32 $0x5600  }
0x2c: {  	[tilespmem:s19], [sflag:$0x2] =	stream.indirect.gather [hbm4b:s5+s4], $0x20, s18, s4, $0xb8;
	[tilespmem:$0x18600] =	vst v63  }
0x2d: {  	s24 =	simm.s32 $0x300;
	s25 =	simm.s32 $0x6600  }
0x2e: {  	[tilespmem:s25], [sflag:$0x2] =	stream.indirect.gather [hbm4b:s5+s4], $0x20, s24, s4, $0xb8;
	[tilespmem:$0x18600] =	vst v63  }
0x2f: {  	s28 =	simm.s32 $0x380;
	s29 =	simm.s32 $0x7600;
	s17 =	simm.s32 $0x0  }
0x30: {  	[tilespmem:s29], [sflag:$0x2] =	stream.indirect.gather [hbm4b:s5+s4], $0x20, s28, s4, $0xb8;
	[tilespmem:$0x18600] =	vst v63  }
.LBB2_2:
0x31: {  	p0 =	seq.s32 s17, $0x0  }
0x32: {  	s2 =	simm.s32 @!p0 $0x6  }
0x33: {  	_ =	swait.ge @!p0 [sflag:s2], $0x1000  }
0x34: {  	[sflag:s2] =	ssyncset.done @!p0 $0x0  }
0x35: {  	[sflag:s2] =	ssyncadd.s32 @!p0 $0xFFFFF000  }
0x36: {  	_ =	swait.ge @!p0 [sflag:s2], $0x1000  }
0x37: {  	[sflag:s2] =	ssyncset.done @!p0 $0x0  }
0x38: {  	[sflag:s2] =	ssyncadd.s32 @!p0 $0xFFFFF000  }
0x39: {  	_ =	swait.ge @!p0 [sflag:s2], $0x1000  }
0x3a: {  	[sflag:s2] =	ssyncset.done @!p0 $0x0  }
0x3b: {  	[sflag:s2] =	ssyncadd.s32 @!p0 $0xFFFFF000  }
0x3c: {  	p1 =	seq.s32 @!p0 s17, $0x10;
	_ =	swait.ge @!p0 [sflag:s2], $0x1000  }
0x3d: {  	p1 =	por p0, !p1;
	[sflag:s2] =	ssyncset.done @!p0 $0x0  }
0x3e: {  	[sflag:s2] =	ssyncadd.s32 @!p0 $0xFFFFF000;
	s2 =	smul.u32 @p1 $0xC000, s17  }
0x3f: {  	s4 =	rddreg @p1 [dreg:$0x6]  }
0x40: {  	s2 =	sadd.s32 @p1 s4, s2  }
0x41: {  	s7 =	simm.s32 @p1 $0x1000;
	s4 =	rddreg @p1 [dreg:$0x3];
	s2 =	sshrl.u32 @p1 s2, $0x3  }
0x42: {  	s9 =	simm.s32 @p1 $0x400;
	s2 =	sadd.s32 @p1 s4, s2;
	s4 =	simm.s32 @p1 $0x80  }
0x43: {  	[tilespmem:s9], [sflag:$0x7] =	stream.strided.gather @p1 [hbm4b:s2+s4], $0x200, s7, s4, $0x38;
	[tilespmem:$0x18600] =	vst v63  }
0x44: {  	s2 =	simm.s32 @p1 $0x7  }
0x45: {  	_ =	swait.ge @p1 [sflag:s2], $0x200  }
0x46: {  	[sflag:s2] =	ssyncset.done @p1 $0x0  }
0x47: {  	[sflag:s2] =	ssyncadd.s32 @p1 $0xFFFFFE00;
	s2 =	simm.s32 @p1 $0x8600  }
0x48: {  	[tilespmem:s2], [sflag:$0x3] =	stream.indirect.gather @p1 [hbm4b:s5+s4], $0x20, s9, s4, $0xb8;
	[tilespmem:$0x18600] =	vst v63  }
0x49: {  	s7 =	simm.s32 @p1 $0x9600;
	s2 =	simm.s32 @p1 $0x480  }
0x4a: {  	[tilespmem:s7], [sflag:$0x3] =	stream.indirect.gather @p1 [hbm4b:s5+s4], $0x20, s2, s4, $0xb8;
	[tilespmem:$0x18600] =	vst v63  }
0x4b: {  	s2 =	simm.s32 @p1 $0x500;
	s7 =	simm.s32 @p1 $0xA600  }
0x4c: {  	[tilespmem:s7], [sflag:$0x3] =	stream.indirect.gather @p1 [hbm4b:s5+s4], $0x20, s2, s4, $0xb8;
	[tilespmem:$0x18600] =	vst v63  }
0x4d: {  	s25 =	simm.s32 $0x1;
	s2 =	simm.s32 @p1 $0x580;
	s7 =	simm.s32 @p1 $0xB600  }
0x4e: {  	[tilespmem:s7], [sflag:$0x3] =	stream.indirect.gather @p1 [hbm4b:s5+s4], $0x20, s2, s4, $0xb8;
	[tilespmem:$0x18600] =	vst v63  }
0x4f: {  	_ =	swait.ge [sflag:s25], $0x1000  }
0x50: {  	[sflag:s25] =	ssyncset.done $0x0  }
0x51: {  	[sflag:s25] =	ssyncadd.s32 $0xFFFFF000  }
0x52: {  	_ =	swait.ge [sflag:s25], $0x1000  }
0x53: {  	[sflag:s25] =	ssyncset.done $0x0  }
0x54: {  	[sflag:s25] =	ssyncadd.s32 $0xFFFFF000  }
0x55: {  	_ =	swait.ge [sflag:s25], $0x1000  }
0x56: {  	[sflag:s25] =	ssyncset.done $0x0  }
0x57: {  	[sflag:s25] =	ssyncadd.s32 $0xFFFFF000  }
0x58: {  	_ =	swait.ge [sflag:s25], $0x1000  }
0x59: {  	[sflag:s25] =	ssyncset.done $0x0  }
0x5a: {  	s28 =	simm.s32 $0x680;
	[sflag:s25] =	ssyncadd.s32 $0xFFFFF000  }
0x5b: {  	v4 =	vld [tilespmem:s28+$0x60]  }
0x5c: {  	s29 =	simm.s32 $0x7;
	v5 =	vld [tilespmem:s28+$0xFFFFFF80]  }
0x5d: {  	s10 =	simm.s32 $0x0;
	v6 =	vor.u32 s29, v0;
	v8 =	vld [tilespmem:s28+$0xFFFFFFA0]  }
0x5e: {  	v7 =	vor.u32 s10, v0;
	s25 =	simm.s32 $0x1;
	v9 =	vld [tilespmem:s28+$0xFFFFFFC0]  }
0x5f: {  	s11 =	simm.s32 $0x2;
	v3 =	vor.u32 s25, v0;
	v10 =	vld [tilespmem:s28+$0xFFFFFFE0]  }
0x60: {  	v2 =	vor.u32 s11, v0;
	s4 =	simm.s32 $0x3;
	v11 =	vld [tilespmem:s28+$0x0];
	v12 =	vmul.f32 $5.656854150e+00, v4  }
0x61: {  	s12 =	simm.s32 $0x4;
	v13 =	vld [tilespmem:s28+$0x20];
	v5 =	vmul.f32 $5.656854150e+00, v5;
	v4 =	vor.u32 s4, v0  }
0x62: {  	s18 =	simm.s32 $0x5;
	v16 =	vld [tilespmem:s28+$0x40];
	v14 =	vmul.f32 $5.656854150e+00, v8;
	v8 =	vor.u32 s12, v0;
	[tilespmem:v6+s20+$0x0] =	vst.idx.msk $0xffff, v12  }
0x63: {  	s16 =	simm.s32 $0x6;
	[tilespmem:v7+s20+$0x0] =	vst.idx.msk $0xffff, v5;
	v5 =	vmul.f32 $5.656854150e+00, v9;
	v9 =	vor.u32 s18, v0;
	v12 =	vld [tilespmem:s28+$0x70]  }
0x64: {  	v18 =	vor.u32 s16, v0;
	[tilespmem:v3+s20+$0x0] =	vst.idx.msk $0xffff, v14;
	v14 =	vmul.f32 $5.656854150e+00, v10;
	v17 =	vld [tilespmem:s28+$0xFFFFFF90]  }
0x65: {  	v11 =	vmul.f32 $5.656854150e+00, v11;
	v10 =	vor.u32 s29, v1;
	v21 =	vld [tilespmem:s28+$0xFFFFFFB0];
	[tilespmem:v2+s20+$0x0] =	vst.idx.msk $0xffff, v5  }
0x66: {  	v5 =	vor.u32 s10, v1;
	v22 =	vld [tilespmem:s28+$0xFFFFFFD0];
	[tilespmem:v4+s20+$0x0] =	vst.idx.msk $0xffff, v14;
	v14 =	vmul.f32 $5.656854150e+00, v13  }
0x67: {  	v20 =	vor.u32 s25, v1;
	[tilespmem:v8+s20+$0x0] =	vst.idx.msk $0xffff, v11;
	v11 =	vmul.f32 $5.656854150e+00, v16;
	v15 =	vld [tilespmem:s28+$0xFFFFFFF0]  }
0x68: {  	v19 =	vor.u32 s11, v1;
	v13 =	vld [tilespmem:s28+$0x10];
	[tilespmem:v9+s20+$0x0] =	vst.idx.msk $0xffff, v14;
	v12 =	vmul.f32 $5.656854150e+00, v12  }
0x69: {  	v16 =	vor.u32 s4, v1;
	[tilespmem:v18+s20+$0x0] =	vst.idx.msk $0xffff, v11;
	v23 =	vmul.f32 $5.656854150e+00, v17;
	v14 =	vld [tilespmem:s28+$0x30]  }
0x6a: {  	s13 =	simm.s32 $0x780;
	v21 =	vmul.f32 $5.656854150e+00, v21;
	v11 =	vld [tilespmem:s28+$0x50];
	v17 =	vor.u32 s12, v1;
	[tilespmem:v10+s20+$0x0] =	vst.idx.msk $0xffff, v12  }
0x6b: {  	s14 =	simm.s32 $0x10;
	s9 =	simm.s32 $0x8;
	s10 =	simm.s32 $0x8;
	v18 =	vor.u32 s18, v1;
	v12 =	vld [tilespmem:s13+$0x60];
	[tilespmem:v5+s20+$0x0] =	vst.idx.msk $0xffff, v23;
	v22 =	vmul.f32 $5.656854150e+00, v22  }
.LBB2_3:
0x6c: {  	p0 =	slt.u32 s14, $0x78;
	v23 =	vld [tilespmem:s13+$0xFFFFFF80];
	s2 =	sadd.s32 $0x7, s10;
	[tilespmem:v20+s20+$0x0] =	vst.idx.msk $0xffff, v21;
	v15 =	vmul.f32 $5.656854150e+00, v15;
	v20 =	vor.u32 s16, v1  }
0x6d: {  	v21 =	vld [tilespmem:s13+$0xFFFFFFA0];
	v24 =	vor.u32 s2, v0;
	[tilespmem:v19+s20+$0x0] =	vst.idx.msk $0xffff, v22;
	v13 =	vmul.f32 $5.656854150e+00, v13  }
0x6e: {  	s29 =	sadd.s32 $0x1, s10;
	v19 =	vor.u32 s10, v0;
	v22 =	vld [tilespmem:s13+$0xFFFFFFC0];
	[tilespmem:v16+s20+$0x0] =	vst.idx.msk $0xffff, v15;
	v14 =	vmul.f32 $5.656854150e+00, v14  }
0x6f: {  	s19 =	sadd.s32 $0x2, s10;
	v15 =	vor.u32 s29, v0;
	v16 =	vld [tilespmem:s13+$0xFFFFFFE0];
	[tilespmem:v17+s20+$0x0] =	vst.idx.msk $0xffff, v13;
	v11 =	vmul.f32 $5.656854150e+00, v11  }
0x70: {  	s24 =	sadd.s32 $0x3, s10;
	v13 =	vor.u32 s19, v0;
	v17 =	vld [tilespmem:s13+$0x0];
	v12 =	vmul.f32 $5.656854150e+00, v12;
	[tilespmem:v18+s20+$0x0] =	vst.idx.msk $0xffff, v14  }
0x71: {  	s7 =	sadd.s32 $0x4, s10;
	v18 =	vor.u32 s24, v0;
	v14 =	vmul.f32 $5.656854150e+00, v23;
	v23 =	vld [tilespmem:s13+$0x20];
	[tilespmem:v20+s20+$0x0] =	vst.idx.msk $0xffff, v11  }
0x72: {  	s28 =	sadd.s32 $0x5, s10;
	v11 =	vmul.f32 $5.656854150e+00, v21;
	v21 =	vor.u32 s7, v0;
	v25 =	vld [tilespmem:s13+$0x40];
	[tilespmem:v24+s20+$0x0] =	vst.idx.msk $0xffff, v12  }
0x73: {  	s16 =	sadd.s32 $0x6, s10;
	[tilespmem:v19+s20+$0x0] =	vst.idx.msk $0xffff, v14;
	v12 =	vmul.f32 $5.656854150e+00, v22;
	v14 =	vor.u32 s28, v0;
	v22 =	vld [tilespmem:s13+$0x70]  }
0x74: {  	v26 =	vor.u32 s16, v0;
	v24 =	vld [tilespmem:s13+$0xFFFFFF90];
	[tilespmem:v15+s20+$0x0] =	vst.idx.msk $0xffff, v11;
	v11 =	vmul.f32 $5.656854150e+00, v16  }
0x75: {  	v28 =	vor.u32 s2, v1;
	v27 =	vld [tilespmem:s13+$0xFFFFFFB0];
	[tilespmem:v13+s20+$0x0] =	vst.idx.msk $0xffff, v12;
	v12 =	vmul.f32 $5.656854150e+00, v17  }
0x76: {  	v29 =	vor.u32 s10, v1;
	s10 =	smov.u32 s14;
	v30 =	vld [tilespmem:s13+$0xFFFFFFD0];
	[tilespmem:v18+s20+$0x0] =	vst.idx.msk $0xffff, v11;
	v11 =	vmul.f32 $5.656854150e+00, v23  }
.Ltmp2:
0x77: {  	v20 =	vor.u32 s29, v1;
	v15 =	vld [tilespmem:s13+$0xFFFFFFF0];
	[tilespmem:v21+s20+$0x0] =	vst.idx.msk $0xffff, v12;
	v12 =	vmul.f32 $5.656854150e+00, v25;
	(pc) =	sbr.rel @p0 .LBB2_3-.Ltmp2, $4  }
0x78: {  	v19 =	vor.u32 s19, v1;
	v13 =	vld [tilespmem:s13+$0x10];
	[tilespmem:v14+s20+$0x0] =	vst.idx.msk $0xffff, v11;
	v18 =	vmul.f32 $5.656854150e+00, v22  }
0x79: {  	v16 =	vor.u32 s24, v1;
	v22 =	vmul.f32 $5.656854150e+00, v24;
	v14 =	vld [tilespmem:s13+$0x30];
	[tilespmem:v26+s20+$0x0] =	vst.idx.msk $0xffff, v12  }
0x7a: {  	v17 =	vor.u32 s7, v1;
	v21 =	vmul.f32 $5.656854150e+00, v27;
	v11 =	vld [tilespmem:s13+$0x50];
	[tilespmem:v28+s20+$0x0] =	vst.idx.msk $0xffff, v18;
	s13 =	sadd.s32 $0x100, s13  }
0x7b: {  	s14 =	sadd.s32 $0x8, s14;
	v18 =	vor.u32 s28, v1;
	v12 =	vld [tilespmem:s13+$0x60];
	[tilespmem:v29+s20+$0x0] =	vst.idx.msk $0xffff, v22;
	v22 =	vmul.f32 $5.656854150e+00, v30  }
0x7c: {  	_ =	sdelay $0x3  }
0x7d: {  	v23 =	vld [tilespmem:s13+$0xFFFFFF80];
	s2 =	sadd.s32 $0x7, s10;
	[tilespmem:v20+s20+$0x0] =	vst.idx.msk $0xffff, v21;
	v15 =	vmul.f32 $5.656854150e+00, v15;
	v40 =	vor.u32 s16, v1  }
0x7e: {  	v41 =	vld [tilespmem:s13+$0xFFFFFFA0];
	v24 =	vor.u32 s2, v0;
	[tilespmem:v19+s20+$0x0] =	vst.idx.msk $0xffff, v22;
	v13 =	vmul.f32 $5.656854150e+00, v13  }
0x7f: {  	v42 =	vor.u32 s10, v0;
	s7 =	sadd.s32 $0x1, s10;
	v43 =	vld [tilespmem:s13+$0xFFFFFFC0];
	[tilespmem:v16+s20+$0x0] =	vst.idx.msk $0xffff, v15;
	v14 =	vmul.f32 $5.656854150e+00, v14  }
0x80: {  	s14 =	sadd.s32 $0x2, s10;
	v44 =	vld [tilespmem:s13+$0xFFFFFFE0];
	v15 =	vor.u32 s7, v0;
	[tilespmem:v17+s20+$0x0] =	vst.idx.msk $0xffff, v13;
	v11 =	vmul.f32 $5.656854150e+00, v11  }
0x81: {  	s29 =	sadd.s32 $0x3, s10;
	v45 =	vld [tilespmem:s13+$0x0];
	v13 =	vor.u32 s14, v0;
	v12 =	vmul.f32 $5.656854150e+00, v12;
	[tilespmem:v18+s20+$0x0] =	vst.idx.msk $0xffff, v14  }
0x82: {  	s19 =	sadd.s32 $0x4, s10;
	v47 =	vld [tilespmem:s13+$0x20];
	v46 =	vor.u32 s29, v0;
	v14 =	vmul.f32 $5.656854150e+00, v23;
	[tilespmem:v40+s20+$0x0] =	vst.idx.msk $0xffff, v11  }
0x83: {  	s24 =	sadd.s32 $0x5, s10;
	v49 =	vld [tilespmem:s13+$0x40];
	v48 =	vor.u32 s19, v0;
	v11 =	vmul.f32 $5.656854150e+00, v41;
	[tilespmem:v24+s20+$0x0] =	vst.idx.msk $0xffff, v12  }
0x84: {  	s28 =	sadd.s32 $0x6, s10;
	v12 =	vmul.f32 $5.656854150e+00, v43;
	[tilespmem:v42+s20+$0x0] =	vst.idx.msk $0xffff, v14;
	v14 =	vor.u32 s24, v0;
	v50 =	vld [tilespmem:s13+$0x70]  }
0x85: {  	[tilespmem:v15+s20+$0x0] =	vst.idx.msk $0xffff, v11;
	v11 =	vmul.f32 $5.656854150e+00, v44;
	v15 =	vor.u32 s28, v0;
	v51 =	vld [tilespmem:s13+$0xFFFFFF90]  }
0x86: {  	v52 =	vld [tilespmem:s13+$0xFFFFFFB0];
	[tilespmem:v13+s20+$0x0] =	vst.idx.msk $0xffff, v12;
	v12 =	vmul.f32 $5.656854150e+00, v45;
	v13 =	vor.u32 s2, v1  }
0x87: {  	v53 =	vor.u32 s10, v1;
	v54 =	vld [tilespmem:s13+$0xFFFFFFD0];
	[tilespmem:v46+s20+$0x0] =	vst.idx.msk $0xffff, v11;
	v11 =	vmul.f32 $5.656854150e+00, v47  }
0x88: {  	v55 =	vor.u32 s7, v1;
	v56 =	vld [tilespmem:s13+$0xFFFFFFF0];
	[tilespmem:v48+s20+$0x0] =	vst.idx.msk $0xffff, v12;
	v12 =	vmul.f32 $5.656854150e+00, v49  }
0x89: {  	v57 =	vor.u32 s14, v1;
	v58 =	vld [tilespmem:s13+$0x10];
	[tilespmem:v14+s20+$0x0] =	vst.idx.msk $0xffff, v11;
	v11 =	vmul.f32 $5.656854150e+00, v50  }
0x8a: {  	v59 =	vor.u32 s29, v1;
	[tilespmem:v15+s20+$0x0] =	vst.idx.msk $0xffff, v12;
	v14 =	vmul.f32 $5.656854150e+00, v51;
	v60 =	vld [tilespmem:s13+$0x30]  }
0x8b: {  	v15 =	vor.u32 s19, v1;
	v12 =	vmul.f32 $5.656854150e+00, v52;
	v61 =	vld [tilespmem:s13+$0x50];
	[tilespmem:v13+s20+$0x0] =	vst.idx.msk $0xffff, v11  }
0x8c: {  	v11 =	vmul.f32 $5.656854150e+00, v54;
	v13 =	vor.u32 s24, v1;
	[tilespmem:v53+s20+$0x0] =	vst.idx.msk $0xffff, v14  }
0x8d: {  	[tilespmem:v55+s20+$0x0] =	vst.idx.msk $0xffff, v12;
	v12 =	vmul.f32 $5.656854150e+00, v56;
	v14 =	vor.u32 s28, v1  }
0x8e: {  	[tilespmem:v57+s20+$0x0] =	vst.idx.msk $0xffff, v11;
	v11 =	vmul.f32 $5.656854150e+00, v58  }
0x8f: {  	[tilespmem:v59+s20+$0x0] =	vst.idx.msk $0xffff, v12;
	v12 =	vmul.f32 $5.656854150e+00, v60  }
0x90: {  	[tilespmem:v15+s20+$0x0] =	vst.idx.msk $0xffff, v11;
	v11 =	vmul.f32 $5.656854150e+00, v61  }
0x91: {  	[tilespmem:v13+s20+$0x0] =	vst.idx.msk $0xffff, v12  }
0x92: {  	s29 =	simm.s32 $0x16F0;
	[tilespmem:v14+s20+$0x0] =	vst.idx.msk $0xffff, v11  }
0x93: {  	v11 =	vld [tilespmem:s29+$0xFFFFFFF0]  }
0x94: {  	v12 =	vld [tilespmem:s29+$0xFFFFFF10]  }
0x95: {  	v13 =	vld [tilespmem:s29+$0xFFFFFF30]  }
0x96: {  	v14 =	vld [tilespmem:s29+$0xFFFFFF50]  }
0x97: {  	v15 =	vld [tilespmem:s29+$0xFFFFFF70]  }
0x98: {  	v62 =	vld [tilespmem:s29+$0xFFFFFF90];
	v11 =	vmul.f32 $5.656854150e+00, v11  }
0x99: {  	v17 =	vld [tilespmem:s29+$0xFFFFFFB0];
	v12 =	vmul.f32 $5.656854150e+00, v12  }
0x9a: {  	v18 =	vld [tilespmem:s29+$0xFFFFFFD0];
	v13 =	vmul.f32 $5.656854150e+00, v13;
	[tilespmem:v6+s21+$0x0] =	vst.idx.msk $0xffff, v11  }
0x9b: {  	s2 =	simm.s32 $0x6;
	[tilespmem:v7+s21+$0x0] =	vst.idx.msk $0xffff, v12;
	v6 =	vmul.f32 $5.656854150e+00, v14;
	v11 =	vld [tilespmem:s29+$0x0]  }
0x9c: {  	[tilespmem:v3+s21+$0x0] =	vst.idx.msk $0xffff, v13;
	v3 =	vmul.f32 $5.656854150e+00, v15;
	v13 =	vor.u32 s2, v0;
	v14 =	vld [tilespmem:s29+$0xFFFFFF20]  }
0x9d: {  	v15 =	vld [tilespmem:s29+$0xFFFFFF40];
	[tilespmem:v2+s21+$0x0] =	vst.idx.msk $0xffff, v6;
	v2 =	vmul.f32 $5.656854150e+00, v62  }
0x9e: {  	[tilespmem:v4+s21+$0x0] =	vst.idx.msk $0xffff, v3;
	v3 =	vmul.f32 $5.656854150e+00, v17;
	v63 =	vld [tilespmem:s29+$0xFFFFFF60]  }
0x9f: {  	v12 =	vor.u32 s25, v1;
	v7 =	vld [tilespmem:s29+$0xFFFFFF80];
	[tilespmem:v8+s21+$0x0] =	vst.idx.msk $0xffff, v2;
	v2 =	vmul.f32 $5.656854150e+00, v18  }
0xa0: {  	[tilespmem:v9+s21+$0x0] =	vst.idx.msk $0xffff, v3;
	v4 =	vld [tilespmem:s29+$0xFFFFFFA0];
	v8 =	vmul.f32 $5.656854150e+00, v11;
	v11 =	vor.u32 s11, v1  }
0xa1: {  	v9 =	vor.u32 s4, v1;
	v6 =	vld [tilespmem:s29+$0xFFFFFFC0];
	v14 =	vmul.f32 $5.656854150e+00, v14;
	[tilespmem:v13+s21+$0x0] =	vst.idx.msk $0xffff, v2  }
0xa2: {  	s4 =	simm.s32 $0x17F0;
	v13 =	vmul.f32 $5.656854150e+00, v15;
	v3 =	vld [tilespmem:s29+$0xFFFFFFE0];
	[tilespmem:v10+s21+$0x0] =	vst.idx.msk $0xffff, v8;
	v8 =	vor.u32 s12, v1  }
0xa3: {  	s10 =	simm.s32 $0x10;
	v2 =	vld [tilespmem:s4+$0xFFFFFFF0];
	[tilespmem:v5+s21+$0x0] =	vst.idx.msk $0xffff, v14;
	v10 =	vmul.f32 $5.656854150e+00, v63;
	v5 =	vor.u32 s18, v1  }
.LBB2_5:
0xa4: {  	p0 =	slt.u32 s10, $0x78;
	v14 =	vld [tilespmem:s4+$0xFFFFFF10];
	s7 =	sadd.s32 $0x7, s9;
	[tilespmem:v12+s21+$0x0] =	vst.idx.msk $0xffff, v13;
	v7 =	vmul.f32 $5.656854150e+00, v7;
	v12 =	vor.u32 s2, v1  }
0xa5: {  	v13 =	vld [tilespmem:s4+$0xFFFFFF30];
	v15 =	vor.u32 s7, v0;
	[tilespmem:v11+s21+$0x0] =	vst.idx.msk $0xffff, v10;
	v4 =	vmul.f32 $5.656854150e+00, v4  }
0xa6: {  	s11 =	sadd.s32 $0x1, s9;
	v10 =	vor.u32 s9, v0;
	v11 =	vld [tilespmem:s4+$0xFFFFFF50];
	[tilespmem:v9+s21+$0x0] =	vst.idx.msk $0xffff, v7;
	v6 =	vmul.f32 $5.656854150e+00, v6  }
0xa7: {  	s12 =	sadd.s32 $0x2, s9;
	v7 =	vor.u32 s11, v0;
	v9 =	vld [tilespmem:s4+$0xFFFFFF70];
	[tilespmem:v8+s21+$0x0] =	vst.idx.msk $0xffff, v4;
	v3 =	vmul.f32 $5.656854150e+00, v3  }
0xa8: {  	s13 =	sadd.s32 $0x3, s9;
	v4 =	vor.u32 s12, v0;
	v8 =	vld [tilespmem:s4+$0xFFFFFF90];
	v2 =	vmul.f32 $5.656854150e+00, v2;
	[tilespmem:v5+s21+$0x0] =	vst.idx.msk $0xffff, v6  }
0xa9: {  	s14 =	sadd.s32 $0x4, s9;
	v6 =	vor.u32 s13, v0;
	v5 =	vmul.f32 $5.656854150e+00, v14;
	v14 =	vld [tilespmem:s4+$0xFFFFFFB0];
	[tilespmem:v12+s21+$0x0] =	vst.idx.msk $0xffff, v3  }
0xaa: {  	s16 =	sadd.s32 $0x5, s9;
	v3 =	vmul.f32 $5.656854150e+00, v13;
	v13 =	vor.u32 s14, v0;
	v16 =	vld [tilespmem:s4+$0xFFFFFFD0];
	[tilespmem:v15+s21+$0x0] =	vst.idx.msk $0xffff, v2  }
0xab: {  	s2 =	sadd.s32 $0x6, s9;
	[tilespmem:v10+s21+$0x0] =	vst.idx.msk $0xffff, v5;
	v2 =	vmul.f32 $5.656854150e+00, v11;
	v5 =	vor.u32 s16, v0;
	v10 =	vld [tilespmem:s4+$0x0]  }
0xac: {  	v17 =	vor.u32 s2, v0;
	v15 =	vld [tilespmem:s4+$0xFFFFFF20];
	[tilespmem:v7+s21+$0x0] =	vst.idx.msk $0xffff, v3;
	v3 =	vmul.f32 $5.656854150e+00, v9  }
0xad: {  	v19 =	vor.u32 s7, v1;
	v18 =	vld [tilespmem:s4+$0xFFFFFF40];
	[tilespmem:v4+s21+$0x0] =	vst.idx.msk $0xffff, v2;
	v2 =	vmul.f32 $5.656854150e+00, v8  }
0xae: {  	v20 =	vor.u32 s9, v1;
	s9 =	smov.u32 s10;
	v21 =	vld [tilespmem:s4+$0xFFFFFF60];
	[tilespmem:v6+s21+$0x0] =	vst.idx.msk $0xffff, v3;
	v3 =	vmul.f32 $5.656854150e+00, v14  }
.Ltmp3:
0xaf: {  	v12 =	vor.u32 s11, v1;
	v7 =	vld [tilespmem:s4+$0xFFFFFF80];
	[tilespmem:v13+s21+$0x0] =	vst.idx.msk $0xffff, v2;
	v2 =	vmul.f32 $5.656854150e+00, v16;
	(pc) =	sbr.rel @p0 .LBB2_5-.Ltmp3, $4  }
0xb0: {  	v11 =	vor.u32 s12, v1;
	v4 =	vld [tilespmem:s4+$0xFFFFFFA0];
	[tilespmem:v5+s21+$0x0] =	vst.idx.msk $0xffff, v3;
	v5 =	vmul.f32 $5.656854150e+00, v10  }
0xb1: {  	v9 =	vor.u32 s13, v1;
	v10 =	vmul.f32 $5.656854150e+00, v15;
	v6 =	vld [tilespmem:s4+$0xFFFFFFC0];
	[tilespmem:v17+s21+$0x0] =	vst.idx.msk $0xffff, v2  }
0xb2: {  	v8 =	vor.u32 s14, v1;
	v13 =	vmul.f32 $5.656854150e+00, v18;
	v3 =	vld [tilespmem:s4+$0xFFFFFFE0];
	[tilespmem:v19+s21+$0x0] =	vst.idx.msk $0xffff, v5;
	s4 =	sadd.s32 $0x100, s4  }
0xb3: {  	s10 =	sadd.s32 $0x8, s10;
	v5 =	vor.u32 s16, v1;
	v2 =	vld [tilespmem:s4+$0xFFFFFFF0];
	[tilespmem:v20+s21+$0x0] =	vst.idx.msk $0xffff, v10;
	v10 =	vmul.f32 $5.656854150e+00, v21  }
0xb4: {  	_ =	sdelay $0x3  }
0xb5: {  	v14 =	vld [tilespmem:s4+$0xFFFFFF10];
	s7 =	sadd.s32 $0x7, s9;
	[tilespmem:v12+s21+$0x0] =	vst.idx.msk $0xffff, v13;
	v7 =	vmul.f32 $5.656854150e+00, v7;
	v32 =	vor.u32 s2, v1  }
0xb6: {  	v33 =	vld [tilespmem:s4+$0xFFFFFF30];
	v15 =	vor.u32 s7, v0;
	[tilespmem:v11+s21+$0x0] =	vst.idx.msk $0xffff, v10;
	v4 =	vmul.f32 $5.656854150e+00, v4  }
0xb7: {  	v34 =	vor.u32 s9, v0;
	s29 =	sadd.s32 $0x1, s9;
	v35 =	vld [tilespmem:s4+$0xFFFFFF50];
	[tilespmem:v9+s21+$0x0] =	vst.idx.msk $0xffff, v7;
	v6 =	vmul.f32 $5.656854150e+00, v6  }
0xb8: {  	s10 =	sadd.s32 $0x2, s9;
	v37 =	vld [tilespmem:s4+$0xFFFFFF70];
	v36 =	vor.u32 s29, v0;
	[tilespmem:v8+s21+$0x0] =	vst.idx.msk $0xffff, v4;
	v3 =	vmul.f32 $5.656854150e+00, v3  }
0xb9: {  	s11 =	sadd.s32 $0x3, s9;
	v39 =	vld [tilespmem:s4+$0xFFFFFF90];
	v38 =	vor.u32 s10, v0;
	v2 =	vmul.f32 $5.656854150e+00, v2;
	[tilespmem:v5+s21+$0x0] =	vst.idx.msk $0xffff, v6  }
0xba: {  	s12 =	sadd.s32 $0x4, s9;
	v42 =	vld [tilespmem:s4+$0xFFFFFFB0];
	v41 =	vor.u32 s11, v0;
	v40 =	vmul.f32 $5.656854150e+00, v14;
	[tilespmem:v32+s21+$0x0] =	vst.idx.msk $0xffff, v3  }
0xbb: {  	s13 =	sadd.s32 $0x5, s9;
	v44 =	vld [tilespmem:s4+$0xFFFFFFD0];
	v43 =	vor.u32 s12, v0;
	v3 =	vmul.f32 $5.656854150e+00, v33;
	[tilespmem:v15+s21+$0x0] =	vst.idx.msk $0xffff, v2  }
0xbc: {  	s14 =	sadd.s32 $0x6, s9;
	v45 =	vor.u32 s13, v0;
	v2 =	vmul.f32 $5.656854150e+00, v35;
	[tilespmem:v34+s21+$0x0] =	vst.idx.msk $0xffff, v40;
	v46 =	vld [tilespmem:s4+$0x0]  }
0xbd: {  	v48 =	vor.u32 s14, v0;
	[tilespmem:v36+s21+$0x0] =	vst.idx.msk $0xffff, v3;
	v3 =	vmul.f32 $5.656854150e+00, v37;
	v47 =	vld [tilespmem:s4+$0xFFFFFF20]  }
0xbe: {  	v50 =	vor.u32 s7, v1;
	v49 =	vld [tilespmem:s4+$0xFFFFFF40];
	[tilespmem:v38+s21+$0x0] =	vst.idx.msk $0xffff, v2;
	v2 =	vmul.f32 $5.656854150e+00, v39  }
0xbf: {  	v51 =	vor.u32 s9, v1;
	v52 =	vld [tilespmem:s4+$0xFFFFFF60];
	[tilespmem:v41+s21+$0x0] =	vst.idx.msk $0xffff, v3;
	v3 =	vmul.f32 $5.656854150e+00, v42  }
0xc0: {  	v53 =	vor.u32 s29, v1;
	v54 =	vld [tilespmem:s4+$0xFFFFFF80];
	[tilespmem:v43+s21+$0x0] =	vst.idx.msk $0xffff, v2;
	v2 =	vmul.f32 $5.656854150e+00, v44  }
0xc1: {  	v55 =	vor.u32 s10, v1;
	v56 =	vld [tilespmem:s4+$0xFFFFFFA0];
	[tilespmem:v45+s21+$0x0] =	vst.idx.msk $0xffff, v3;
	v3 =	vmul.f32 $5.656854150e+00, v46  }
0xc2: {  	v58 =	vor.u32 s11, v1;
	v59 =	vld [tilespmem:s4+$0xFFFFFFC0];
	[tilespmem:v48+s21+$0x0] =	vst.idx.msk $0xffff, v2;
	v57 =	vmul.f32 $5.656854150e+00, v47  }
0xc3: {  	v60 =	vor.u32 s12, v1;
	v2 =	vmul.f32 $5.656854150e+00, v49;
	v61 =	vld [tilespmem:s4+$0xFFFFFFE0];
	[tilespmem:v50+s21+$0x0] =	vst.idx.msk $0xffff, v3  }
0xc4: {  	v62 =	vor.u32 s13, v1;
	v3 =	vmul.f32 $5.656854150e+00, v52;
	[tilespmem:v51+s21+$0x0] =	vst.idx.msk $0xffff, v57  }
0xc5: {  	v63 =	vor.u32 s14, v1;
	[tilespmem:v53+s21+$0x0] =	vst.idx.msk $0xffff, v2;
	v2 =	vmul.f32 $5.656854150e+00, v54  }
0xc6: {  	p1 =	por $0x1, $0x1;
	[tilespmem:v55+s21+$0x0] =	vst.idx.msk $0xffff, v3;
	v3 =	vmul.f32 $5.656854150e+00, v56  }
.Ltmp4:
0xc7: {  	[tilespmem:v58+s21+$0x0] =	vst.idx.msk $0xffff, v2;
	v2 =	vmul.f32 $5.656854150e+00, v59;
	(pc) =	sbr.rel @!p1 .LBB2_7-.Ltmp4, $4  }
0xc8: {  	[tilespmem:v60+s21+$0x0] =	vst.idx.msk $0xffff, v3;
	v3 =	vmul.f32 $5.656854150e+00, v61  }
0xc9: {  	[tilespmem:v62+s21+$0x0] =	vst.idx.msk $0xffff, v2  }
0xca: {  	s4 =	simm.s32 $0x26F0;
	[tilespmem:v63+s21+$0x0] =	vst.idx.msk $0xffff, v3  }
0xcb: {  	s9 =	simm.s32 $0x0;
	p0 =	por $0x0, $0x0;
	s11 =	simm.s32 $0x8;
	v2 =	vld [tilespmem:s4+$0xFFFFFFF0]  }
0xcc: {  	v3 =	vld [tilespmem:s4+$0xFFFFFF10];
	s2 =	simm.s32 $0x7  }
0xcd: {  	v7 =	vld [tilespmem:s4+$0xFFFFFF50];
	v5 =	vor.u32 s2, v0  }
0xce: {  	v4 =	vld [tilespmem:s4+$0xFFFFFF30];
	v6 =	vor.u32 s9, v0;
	s10 =	simm.s32 $0x2  }
0xcf: {  	s7 =	simm.s32 $0x1;
	v11 =	vld [tilespmem:s4+$0xFFFFFF90];
	v10 =	vor.u32 s10, v0  }
0xd0: {  	v9 =	vld [tilespmem:s4+$0xFFFFFF70];
	s14 =	simm.s32 $0x4;
	v8 =	vor.u32 s7, v0;
	v2 =	vmul.f32 $5.656854150e+00, v2  }
0xd1: {  	s13 =	simm.s32 $0x3;
	v15 =	vld [tilespmem:s4+$0xFFFFFFD0];
	v14 =	vor.u32 s14, v0;
	v3 =	vmul.f32 $5.656854150e+00, v3  }
0xd2: {  	v13 =	vld [tilespmem:s4+$0xFFFFFFB0];
	s12 =	simm.s32 $0x6;
	v12 =	vor.u32 s13, v0;
	[tilespmem:v5+s22+$0x0] =	vst.idx.msk $0xffff, v2;
	v2 =	vmul.f32 $5.656854150e+00, v7  }
0xd3: {  	s16 =	simm.s32 $0x5;
	v4 =	vmul.f32 $5.656854150e+00, v4;
	v7 =	vor.u32 s12, v0;
	[tilespmem:v6+s22+$0x0] =	vst.idx.msk $0xffff, v3  }
0xd4: {  	v5 =	vor.u32 s16, v0;
	v6 =	vld [tilespmem:s4+$0x0];
	[tilespmem:v10+s22+$0x0] =	vst.idx.msk $0xffff, v2;
	v2 =	vmul.f32 $5.656854150e+00, v11  }
0xd5: {  	[tilespmem:v8+s22+$0x0] =	vst.idx.msk $0xffff, v4;
	v3 =	vmul.f32 $5.656854150e+00, v9;
	v16 =	vld [tilespmem:s4+$0xFFFFFF20]  }
0xd6: {  	v9 =	vld [tilespmem:s4+$0xFFFFFF40];
	v11 =	vor.u32 s2, v1;
	[tilespmem:v14+s22+$0x0] =	vst.idx.msk $0xffff, v2;
	v2 =	vmul.f32 $5.656854150e+00, v15  }
0xd7: {  	p3 =	por $0x1, $0x1;
	v8 =	vmul.f32 $5.656854150e+00, v13;
	v13 =	vor.u32 s9, v1;
	v17 =	vld [tilespmem:s4+$0xFFFFFF60];
	[tilespmem:v12+s22+$0x0] =	vst.idx.msk $0xffff, v3  }
.Ltmp5:
0xd8: {  	v3 =	vld [tilespmem:s4+$0xFFFFFF80];
	[tilespmem:v7+s22+$0x0] =	vst.idx.msk $0xffff, v2;
	v7 =	vor.u32 s7, v1;
	(pc) =	sbr.rel @!p3 .LBB2_9-.Ltmp5, $4  }
0xd9: {  	v10 =	vor.u32 s10, v1;
	v4 =	vld [tilespmem:s4+$0xFFFFFFA0];
	[tilespmem:v5+s22+$0x0] =	vst.idx.msk $0xffff, v8;
	v14 =	vmul.f32 $5.656854150e+00, v6  }
0xda: {  	v8 =	vor.u32 s13, v1;
	v5 =	vld [tilespmem:s4+$0xFFFFFFC0];
	v15 =	vmul.f32 $5.656854150e+00, v16  }
0xdb: {  	v6 =	vld [tilespmem:s4+$0xFFFFFFE0];
	v12 =	vmul.f32 $5.656854150e+00, v9;
	s4 =	simm.s32 $0x27F0;
	v9 =	vor.u32 s14, v1;
	[tilespmem:v11+s22+$0x0] =	vst.idx.msk $0xffff, v14  }
0xdc: {  	p2 =	por $0x1, $0x1;
	s10 =	simm.s32 $0x8;
	s13 =	simm.s32 $0x10;
	v2 =	vld [tilespmem:s4+$0xFFFFFFF0];
	v11 =	vor.u32 s16, v1;
	[tilespmem:v13+s22+$0x0] =	vst.idx.msk $0xffff, v15;
	v13 =	vmul.f32 $5.656854150e+00, v17  }
.LBB2_10:
0xdd: {  	p3 =	slt.u32 s13, $0x78;
	v14 =	vld [tilespmem:s4+$0xFFFFFF10];
	s2 =	sadd.s32 $0x7, s10;
	[tilespmem:v7+s22+$0x0] =	vst.idx.msk $0xffff, v12;
	v3 =	vmul.f32 $5.656854150e+00, v3;
	v7 =	vor.u32 s12, v1  }
0xde: {  	v12 =	vld [tilespmem:s4+$0xFFFFFF30];
	v15 =	vor.u32 s2, v0;
	[tilespmem:v10+s22+$0x0] =	vst.idx.msk $0xffff, v13;
	v4 =	vmul.f32 $5.656854150e+00, v4  }
0xdf: {  	s7 =	sadd.s32 $0x1, s10;
	v10 =	vor.u32 s10, v0;
	v13 =	vld [tilespmem:s4+$0xFFFFFF50];
	[tilespmem:v8+s22+$0x0] =	vst.idx.msk $0xffff, v3;
	v3 =	vmul.f32 $5.656854150e+00, v5  }
0xe0: {  	s14 =	sadd.s32 $0x2, s10;
	v5 =	vor.u32 s7, v0;
	v8 =	vld [tilespmem:s4+$0xFFFFFF70];
	[tilespmem:v9+s22+$0x0] =	vst.idx.msk $0xffff, v4;
	v4 =	vmul.f32 $5.656854150e+00, v6  }
0xe1: {  	s16 =	sadd.s32 $0x3, s10;
	v6 =	vor.u32 s14, v0;
	v9 =	vld [tilespmem:s4+$0xFFFFFF90];
	v2 =	vmul.f32 $5.656854150e+00, v2;
	[tilespmem:v11+s22+$0x0] =	vst.idx.msk $0xffff, v3  }
0xe2: {  	s18 =	sadd.s32 $0x4, s10;
	v11 =	vor.u32 s16, v0;
	v3 =	vmul.f32 $5.656854150e+00, v14;
	v14 =	vld [tilespmem:s4+$0xFFFFFFB0];
	[tilespmem:v7+s22+$0x0] =	vst.idx.msk $0xffff, v4  }
0xe3: {  	s19 =	sadd.s32 $0x5, s10;
	v4 =	vmul.f32 $5.656854150e+00, v12;
	v12 =	vor.u32 s18, v0;
	v16 =	vld [tilespmem:s4+$0xFFFFFFD0];
	[tilespmem:v15+s22+$0x0] =	vst.idx.msk $0xffff, v2  }
0xe4: {  	s12 =	sadd.s32 $0x6, s10;
	[tilespmem:v10+s22+$0x0] =	vst.idx.msk $0xffff, v3;
	v2 =	vmul.f32 $5.656854150e+00, v13;
	v13 =	vor.u32 s19, v0;
	v15 =	vld [tilespmem:s4+$0x0]  }
0xe5: {  	v18 =	vor.u32 s12, v0;
	v17 =	vld [tilespmem:s4+$0xFFFFFF20];
	[tilespmem:v5+s22+$0x0] =	vst.idx.msk $0xffff, v4;
	v3 =	vmul.f32 $5.656854150e+00, v8  }
0xe6: {  	v20 =	vor.u32 s2, v1;
	v19 =	vld [tilespmem:s4+$0xFFFFFF40];
	[tilespmem:v6+s22+$0x0] =	vst.idx.msk $0xffff, v2;
	v2 =	vmul.f32 $5.656854150e+00, v9  }
0xe7: {  	v21 =	vor.u32 s10, v1;
	s10 =	smov.u32 s13;
	v22 =	vld [tilespmem:s4+$0xFFFFFF60];
	[tilespmem:v11+s22+$0x0] =	vst.idx.msk $0xffff, v3;
	v5 =	vmul.f32 $5.656854150e+00, v14  }
.Ltmp6:
0xe8: {  	v7 =	vor.u32 s7, v1;
	v3 =	vld [tilespmem:s4+$0xFFFFFF80];
	[tilespmem:v12+s22+$0x0] =	vst.idx.msk $0xffff, v2;
	v2 =	vmul.f32 $5.656854150e+00, v16;
	(pc) =	sbr.rel @p3 .LBB2_10-.Ltmp6, $4  }
0xe9: {  	v10 =	vor.u32 s14, v1;
	v4 =	vld [tilespmem:s4+$0xFFFFFFA0];
	[tilespmem:v13+s22+$0x0] =	vst.idx.msk $0xffff, v5;
	v11 =	vmul.f32 $5.656854150e+00, v15  }
0xea: {  	v8 =	vor.u32 s16, v1;
	v13 =	vmul.f32 $5.656854150e+00, v17;
	v5 =	vld [tilespmem:s4+$0xFFFFFFC0];
	[tilespmem:v18+s22+$0x0] =	vst.idx.msk $0xffff, v2  }
0xeb: {  	v9 =	vor.u32 s18, v1;
	v12 =	vmul.f32 $5.656854150e+00, v19;
	v6 =	vld [tilespmem:s4+$0xFFFFFFE0];
	[tilespmem:v20+s22+$0x0] =	vst.idx.msk $0xffff, v11;
	s4 =	sadd.s32 $0x100, s4  }
0xec: {  	s13 =	sadd.s32 $0x8, s13;
	v11 =	vor.u32 s19, v1;
	v2 =	vld [tilespmem:s4+$0xFFFFFFF0];
	[tilespmem:v21+s22+$0x0] =	vst.idx.msk $0xffff, v13;
	v13 =	vmul.f32 $5.656854150e+00, v22  }
.LBB2_11:
0xed: {  	_ =	sdelay $0x3  }
0xee: {  	v14 =	vld [tilespmem:s4+$0xFFFFFF10];
	s2 =	sadd.s32 $0x7, s10;
	[tilespmem:v7+s22+$0x0] =	vst.idx.msk @p2 $0xffff, v12;
	v3 =	vmul.f32 @p2 $5.656854150e+00, v3;
	v7 =	vor.u32 @p2 s12, v1  }
0xef: {  	v32 =	vld [tilespmem:s4+$0xFFFFFF30];
	v15 =	vor.u32 s2, v0;
	[tilespmem:v10+s22+$0x0] =	vst.idx.msk @p2 $0xffff, v13;
	v4 =	vmul.f32 @p2 $5.656854150e+00, v4  }
0xf0: {  	v33 =	vor.u32 s10, v0;
	s7 =	sadd.s32 $0x1, s10;
	v34 =	vld [tilespmem:s4+$0xFFFFFF50];
	[tilespmem:v8+s22+$0x0] =	vst.idx.msk @p2 $0xffff, v3;
	v3 =	vmul.f32 @p2 $5.656854150e+00, v5  }
0xf1: {  	s29 =	sadd.s32 $0x2, s10;
	v36 =	vld [tilespmem:s4+$0xFFFFFF70];
	v35 =	vor.u32 s7, v0;
	[tilespmem:v9+s22+$0x0] =	vst.idx.msk @p2 $0xffff, v4;
	v4 =	vmul.f32 @p2 $5.656854150e+00, v6  }
0xf2: {  	s13 =	sadd.s32 $0x3, s10;
	v38 =	vld [tilespmem:s4+$0xFFFFFF90];
	v37 =	vor.u32 s29, v0;
	v2 =	vmul.f32 $5.656854150e+00, v2;
	[tilespmem:v11+s22+$0x0] =	vst.idx.msk @p2 $0xffff, v3  }
0xf3: {  	s14 =	sadd.s32 $0x4, s10;
	v40 =	vld [tilespmem:s4+$0xFFFFFFB0];
	v39 =	vor.u32 s13, v0;
	v3 =	vmul.f32 $5.656854150e+00, v14;
	[tilespmem:v7+s22+$0x0] =	vst.idx.msk @p2 $0xffff, v4  }
0xf4: {  	s16 =	sadd.s32 $0x5, s10;
	v43 =	vld [tilespmem:s4+$0xFFFFFFD0];
	v42 =	vor.u32 s14, v0;
	v41 =	vmul.f32 $5.656854150e+00, v32;
	[tilespmem:v15+s22+$0x0] =	vst.idx.msk $0xffff, v2  }
0xf5: {  	s18 =	sadd.s32 $0x6, s10;
	v2 =	vmul.f32 $5.656854150e+00, v34;
	[tilespmem:v33+s22+$0x0] =	vst.idx.msk $0xffff, v3;
	v3 =	vor.u32 s16, v0;
	v44 =	vld [tilespmem:s4+$0x0]  }
0xf6: {  	v47 =	vor.u32 s18, v0;
	v46 =	vmul.f32 $5.656854150e+00, v36;
	[tilespmem:v35+s22+$0x0] =	vst.idx.msk $0xffff, v41;
	v45 =	vld [tilespmem:s4+$0xFFFFFF20]  }
0xf7: {  	v49 =	vor.u32 s2, v1;
	v48 =	vld [tilespmem:s4+$0xFFFFFF40];
	[tilespmem:v37+s22+$0x0] =	vst.idx.msk $0xffff, v2;
	v2 =	vmul.f32 $5.656854150e+00, v38  }
0xf8: {  	v50 =	vor.u32 s10, v1;
	v52 =	vmul.f32 $5.656854150e+00, v40;
	[tilespmem:v39+s22+$0x0] =	vst.idx.msk $0xffff, v46;
	v51 =	vld [tilespmem:s4+$0xFFFFFF60]  }
0xf9: {  	v53 =	vor.u32 s7, v1;
	v54 =	vld [tilespmem:s4+$0xFFFFFF80];
	[tilespmem:v42+s22+$0x0] =	vst.idx.msk $0xffff, v2;
	v2 =	vmul.f32 $5.656854150e+00, v43  }
0xfa: {  	v55 =	vor.u32 s29, v1;
	v56 =	vld [tilespmem:s4+$0xFFFFFFA0];
	[tilespmem:v3+s22+$0x0] =	vst.idx.msk $0xffff, v52;
	v3 =	vmul.f32 $5.656854150e+00, v44  }
0xfb: {  	v58 =	vor.u32 s13, v1;
	[tilespmem:v47+s22+$0x0] =	vst.idx.msk $0xffff, v2;
	v57 =	vmul.f32 $5.656854150e+00, v45;
	v59 =	vld [tilespmem:s4+$0xFFFFFFC0]  }
0xfc: {  	v60 =	vor.u32 s14, v1;
	v2 =	vmul.f32 $5.656854150e+00, v48;
	v61 =	vld [tilespmem:s4+$0xFFFFFFE0];
	[tilespmem:v49+s22+$0x0] =	vst.idx.msk $0xffff, v3  }
0xfd: {  	v62 =	vor.u32 s16, v1;
	v3 =	vmul.f32 $5.656854150e+00, v51;
	[tilespmem:v50+s22+$0x0] =	vst.idx.msk $0xffff, v57  }
0xfe: {  	v63 =	vor.u32 s18, v1;
	[tilespmem:v53+s22+$0x0] =	vst.idx.msk $0xffff, v2;
	v2 =	vmul.f32 $5.656854150e+00, v54  }
0xff: {  	[tilespmem:v55+s22+$0x0] =	vst.idx.msk $0xffff, v3;
	v3 =	vmul.f32 $5.656854150e+00, v56  }
.Ltmp7:
0x100: {  	[tilespmem:v58+s22+$0x0] =	vst.idx.msk $0xffff, v2;
	v2 =	vmul.f32 $5.656854150e+00, v59;
	(pc) =	sbr.rel @!p1 .LBB2_12-.Ltmp7, $4  }
0x101: {  	[tilespmem:v60+s22+$0x0] =	vst.idx.msk $0xffff, v3;
	v3 =	vmul.f32 $5.656854150e+00, v61  }
0x102: {  	[tilespmem:v62+s22+$0x0] =	vst.idx.msk $0xffff, v2  }
0x103: {  	s4 =	simm.s32 $0x36F0;
	[tilespmem:v63+s22+$0x0] =	vst.idx.msk $0xffff, v3  }
0x104: {  	v2 =	vld [tilespmem:s4+$0xFFFFFFF0]  }
0x105: {  	v3 =	vld [tilespmem:s4+$0xFFFFFF10];
	s2 =	simm.s32 $0x7  }
0x106: {  	v7 =	vld [tilespmem:s4+$0xFFFFFF50];
	v5 =	vor.u32 s2, v0  }
0x107: {  	v4 =	vld [tilespmem:s4+$0xFFFFFF30];
	v6 =	vor.u32 s9, v0;
	s12 =	simm.s32 $0x2  }
0x108: {  	s7 =	simm.s32 $0x1;
	v11 =	vld [tilespmem:s4+$0xFFFFFF90];
	v10 =	vor.u32 s12, v0  }
0x109: {  	v9 =	vld [tilespmem:s4+$0xFFFFFF70];
	s14 =	simm.s32 $0x4;
	v8 =	vor.u32 s7, v0;
	v2 =	vmul.f32 $5.656854150e+00, v2  }
0x10a: {  	s13 =	simm.s32 $0x3;
	v15 =	vld [tilespmem:s4+$0xFFFFFFD0];
	v14 =	vor.u32 s14, v0;
	v3 =	vmul.f32 $5.656854150e+00, v3  }
0x10b: {  	v13 =	vld [tilespmem:s4+$0xFFFFFFB0];
	s10 =	simm.s32 $0x6;
	v12 =	vor.u32 s13, v0;
	[tilespmem:v5+s23+$0x0] =	vst.idx.msk $0xffff, v2;
	v2 =	vmul.f32 $5.656854150e+00, v7  }
0x10c: {  	s16 =	simm.s32 $0x5;
	v4 =	vmul.f32 $5.656854150e+00, v4;
	v7 =	vor.u32 s10, v0;
	[tilespmem:v6+s23+$0x0] =	vst.idx.msk $0xffff, v3  }
0x10d: {  	v5 =	vor.u32 s16, v0;
	v6 =	vld [tilespmem:s4+$0x0];
	[tilespmem:v10+s23+$0x0] =	vst.idx.msk $0xffff, v2;
	v2 =	vmul.f32 $5.656854150e+00, v11  }
0x10e: {  	[tilespmem:v8+s23+$0x0] =	vst.idx.msk $0xffff, v4;
	v3 =	vmul.f32 $5.656854150e+00, v9;
	v16 =	vld [tilespmem:s4+$0xFFFFFF20]  }
0x10f: {  	v9 =	vld [tilespmem:s4+$0xFFFFFF40];
	v11 =	vor.u32 s2, v1;
	[tilespmem:v14+s23+$0x0] =	vst.idx.msk $0xffff, v2;
	v2 =	vmul.f32 $5.656854150e+00, v15  }
0x110: {  	p1 =	por $0x1, $0x1;
	v8 =	vmul.f32 $5.656854150e+00, v13;
	v13 =	vor.u32 s9, v1;
	v17 =	vld [tilespmem:s4+$0xFFFFFF60];
	[tilespmem:v12+s23+$0x0] =	vst.idx.msk $0xffff, v3  }
.Ltmp8:
0x111: {  	v3 =	vld [tilespmem:s4+$0xFFFFFF80];
	[tilespmem:v7+s23+$0x0] =	vst.idx.msk $0xffff, v2;
	v7 =	vor.u32 s7, v1;
	(pc) =	sbr.rel @!p1 .LBB2_14-.Ltmp8, $4  }
0x112: {  	v10 =	vor.u32 s12, v1;
	v4 =	vld [tilespmem:s4+$0xFFFFFFA0];
	[tilespmem:v5+s23+$0x0] =	vst.idx.msk $0xffff, v8;
	v14 =	vmul.f32 $5.656854150e+00, v6  }
0x113: {  	v8 =	vor.u32 s13, v1;
	v5 =	vld [tilespmem:s4+$0xFFFFFFC0];
	v15 =	vmul.f32 $5.656854150e+00, v16  }
0x114: {  	v6 =	vld [tilespmem:s4+$0xFFFFFFE0];
	v12 =	vmul.f32 $5.656854150e+00, v9;
	s4 =	simm.s32 $0x37F0;
	v9 =	vor.u32 s14, v1;
	[tilespmem:v11+s23+$0x0] =	vst.idx.msk $0xffff, v14  }
0x115: {  	p0 =	por $0x1, $0x1;
	s9 =	simm.s32 $0x10;
	v2 =	vld [tilespmem:s4+$0xFFFFFFF0];
	v11 =	vor.u32 s16, v1;
	[tilespmem:v13+s23+$0x0] =	vst.idx.msk $0xffff, v15;
	v13 =	vmul.f32 $5.656854150e+00, v17  }
.LBB2_15:
0x116: {  	p1 =	slt.u32 s9, $0x78;
	v14 =	vld [tilespmem:s4+$0xFFFFFF10];
	s2 =	sadd.s32 $0x7, s11;
	[tilespmem:v7+s23+$0x0] =	vst.idx.msk $0xffff, v12;
	v3 =	vmul.f32 $5.656854150e+00, v3;
	v7 =	vor.u32 s10, v1  }
0x117: {  	v12 =	vld [tilespmem:s4+$0xFFFFFF30];
	v15 =	vor.u32 s2, v0;
	[tilespmem:v10+s23+$0x0] =	vst.idx.msk $0xffff, v13;
	v4 =	vmul.f32 $5.656854150e+00, v4  }
0x118: {  	s7 =	sadd.s32 $0x1, s11;
	v10 =	vor.u32 s11, v0;
	v13 =	vld [tilespmem:s4+$0xFFFFFF50];
	[tilespmem:v8+s23+$0x0] =	vst.idx.msk $0xffff, v3;
	v3 =	vmul.f32 $5.656854150e+00, v5  }
0x119: {  	s12 =	sadd.s32 $0x2, s11;
	v5 =	vor.u32 s7, v0;
	v8 =	vld [tilespmem:s4+$0xFFFFFF70];
	[tilespmem:v9+s23+$0x0] =	vst.idx.msk $0xffff, v4;
	v4 =	vmul.f32 $5.656854150e+00, v6  }
0x11a: {  	s13 =	sadd.s32 $0x3, s11;
	v6 =	vor.u32 s12, v0;
	v9 =	vld [tilespmem:s4+$0xFFFFFF90];
	v2 =	vmul.f32 $5.656854150e+00, v2;
	[tilespmem:v11+s23+$0x0] =	vst.idx.msk $0xffff, v3  }
0x11b: {  	s14 =	sadd.s32 $0x4, s11;
	v11 =	vor.u32 s13, v0;
	v3 =	vmul.f32 $5.656854150e+00, v14;
	v14 =	vld [tilespmem:s4+$0xFFFFFFB0];
	[tilespmem:v7+s23+$0x0] =	vst.idx.msk $0xffff, v4  }
0x11c: {  	s16 =	sadd.s32 $0x5, s11;
	v4 =	vmul.f32 $5.656854150e+00, v12;
	v12 =	vor.u32 s14, v0;
	v16 =	vld [tilespmem:s4+$0xFFFFFFD0];
	[tilespmem:v15+s23+$0x0] =	vst.idx.msk $0xffff, v2  }
0x11d: {  	s10 =	sadd.s32 $0x6, s11;
	[tilespmem:v10+s23+$0x0] =	vst.idx.msk $0xffff, v3;
	v2 =	vmul.f32 $5.656854150e+00, v13;
	v13 =	vor.u32 s16, v0;
	v15 =	vld [tilespmem:s4+$0x0]  }
0x11e: {  	v18 =	vor.u32 s10, v0;
	v17 =	vld [tilespmem:s4+$0xFFFFFF20];
	[tilespmem:v5+s23+$0x0] =	vst.idx.msk $0xffff, v4;
	v3 =	vmul.f32 $5.656854150e+00, v8  }
0x11f: {  	v20 =	vor.u32 s2, v1;
	v19 =	vld [tilespmem:s4+$0xFFFFFF40];
	[tilespmem:v6+s23+$0x0] =	vst.idx.msk $0xffff, v2;
	v2 =	vmul.f32 $5.656854150e+00, v9  }
0x120: {  	v21 =	vor.u32 s11, v1;
	s11 =	smov.u32 s9;
	v22 =	vld [tilespmem:s4+$0xFFFFFF60];
	[tilespmem:v11+s23+$0x0] =	vst.idx.msk $0xffff, v3;
	v5 =	vmul.f32 $5.656854150e+00, v14  }
.Ltmp9:
0x121: {  	v7 =	vor.u32 s7, v1;
	v3 =	vld [tilespmem:s4+$0xFFFFFF80];
	[tilespmem:v12+s23+$0x0] =	vst.idx.msk $0xffff, v2;
	v2 =	vmul.f32 $5.656854150e+00, v16;
	(pc) =	sbr.rel @p1 .LBB2_15-.Ltmp9, $4  }
0x122: {  	v10 =	vor.u32 s12, v1;
	v4 =	vld [tilespmem:s4+$0xFFFFFFA0];
	[tilespmem:v13+s23+$0x0] =	vst.idx.msk $0xffff, v5;
	v11 =	vmul.f32 $5.656854150e+00, v15  }
0x123: {  	v8 =	vor.u32 s13, v1;
	v13 =	vmul.f32 $5.656854150e+00, v17;
	v5 =	vld [tilespmem:s4+$0xFFFFFFC0];
	[tilespmem:v18+s23+$0x0] =	vst.idx.msk $0xffff, v2  }
0x124: {  	v9 =	vor.u32 s14, v1;
	v12 =	vmul.f32 $5.656854150e+00, v19;
	v6 =	vld [tilespmem:s4+$0xFFFFFFE0];
	[tilespmem:v20+s23+$0x0] =	vst.idx.msk $0xffff, v11;
	s4 =	sadd.s32 $0x100, s4  }
0x125: {  	s9 =	sadd.s32 $0x8, s9;
	v11 =	vor.u32 s16, v1;
	v2 =	vld [tilespmem:s4+$0xFFFFFFF0];
	[tilespmem:v21+s23+$0x0] =	vst.idx.msk $0xffff, v13;
	v13 =	vmul.f32 $5.656854150e+00, v22  }
0x126: {  	s9 =	smov.u32 s11  }
.LBB2_17:
0x127: {  	_ =	sdelay $0x3  }
0x128: {  	v14 =	vld [tilespmem:s4+$0xFFFFFF10];
	s2 =	sadd.s32 $0x7, s9;
	[tilespmem:v7+s23+$0x0] =	vst.idx.msk @p0 $0xffff, v12;
	v3 =	vmul.f32 @p0 $5.656854150e+00, v3;
	v7 =	vor.u32 @p0 s10, v1  }
0x129: {  	v12 =	vld [tilespmem:s4+$0xFFFFFF30];
	[tilespmem:v10+s23+$0x0] =	vst.idx.msk @p0 $0xffff, v13;
	v4 =	vmul.f32 @p0 $5.656854150e+00, v4;
	v15 =	vor.u32 s2, v0  }
0x12a: {  	v10 =	vor.u32 s9, v0;
	s7 =	sadd.s32 $0x1, s9;
	v13 =	vld [tilespmem:s4+$0xFFFFFF50];
	[tilespmem:v8+s23+$0x0] =	vst.idx.msk @p0 $0xffff, v3;
	v3 =	vmul.f32 @p0 $5.656854150e+00, v5  }
0x12b: {  	s18 =	sadd.s32 $0x2, s9;
	v5 =	vor.u32 s7, v0;
	v8 =	vld [tilespmem:s4+$0xFFFFFF70];
	[tilespmem:v9+s23+$0x0] =	vst.idx.msk @p0 $0xffff, v4;
	v4 =	vmul.f32 @p0 $5.656854150e+00, v6  }
0x12c: {  	s11 =	sadd.s32 $0x3, s9;
	v6 =	vor.u32 s18, v0;
	v9 =	vld [tilespmem:s4+$0xFFFFFF90];
	v2 =	vmul.f32 $5.656854150e+00, v2;
	[tilespmem:v11+s23+$0x0] =	vst.idx.msk @p0 $0xffff, v3  }
0x12d: {  	s12 =	sadd.s32 $0x4, s9;
	v11 =	vor.u32 s11, v0;
	v3 =	vmul.f32 $5.656854150e+00, v14;
	v14 =	vld [tilespmem:s4+$0xFFFFFFB0];
	[tilespmem:v7+s23+$0x0] =	vst.idx.msk @p0 $0xffff, v4  }
0x12e: {  	s13 =	sadd.s32 $0x5, s9;
	v4 =	vmul.f32 $5.656854150e+00, v12;
	v7 =	vor.u32 s12, v0;
	v12 =	vld [tilespmem:s4+$0xFFFFFFD0];
	[tilespmem:v15+s23+$0x0] =	vst.idx.msk $0xffff, v2  }
0x12f: {  	s14 =	sadd.s32 $0x6, s9;
	v2 =	vmul.f32 $5.656854150e+00, v13;
	[tilespmem:v10+s23+$0x0] =	vst.idx.msk $0xffff, v3;
	v3 =	vor.u32 s13, v0;
	v10 =	vld [tilespmem:s4+$0x0]  }
0x130: {  	[tilespmem:v5+s23+$0x0] =	vst.idx.msk $0xffff, v4;
	v4 =	vmul.f32 $5.656854150e+00, v8;
	v5 =	vor.u32 s14, v0;
	v13 =	vld [tilespmem:s4+$0xFFFFFF20]  }
0x131: {  	v8 =	vld [tilespmem:s4+$0xFFFFFF40];
	[tilespmem:v6+s23+$0x0] =	vst.idx.msk $0xffff, v2;
	v2 =	vmul.f32 $5.656854150e+00, v9;
	v6 =	vor.u32 s2, v1  }
0x132: {  	v9 =	vor.u32 s9, v1;
	v15 =	vld [tilespmem:s4+$0xFFFFFF60];
	[tilespmem:v11+s23+$0x0] =	vst.idx.msk $0xffff, v4;
	v4 =	vmul.f32 $5.656854150e+00, v14  }
0x133: {  	v11 =	vor.u32 s7, v1;
	v14 =	vld [tilespmem:s4+$0xFFFFFF80];
	[tilespmem:v7+s23+$0x0] =	vst.idx.msk $0xffff, v2;
	v2 =	vmul.f32 $5.656854150e+00, v12  }
0x134: {  	v7 =	vor.u32 s18, v1;
	v12 =	vld [tilespmem:s4+$0xFFFFFFA0];
	[tilespmem:v3+s23+$0x0] =	vst.idx.msk $0xffff, v4;
	v3 =	vmul.f32 $5.656854150e+00, v10  }
0x135: {  	v10 =	vor.u32 s11, v1;
	[tilespmem:v5+s23+$0x0] =	vst.idx.msk $0xffff, v2;
	v4 =	vmul.f32 $5.656854150e+00, v13  }
0x136: {  	v5 =	vor.u32 s12, v1;
	v2 =	vmul.f32 $5.656854150e+00, v8;
	[tilespmem:v6+s23+$0x0] =	vst.idx.msk $0xffff, v3  }
0x137: {  	v13 =	vld [tilespmem:s4+$0xFFFFFFC0];
	v3 =	vmul.f32 $5.656854150e+00, v15;
	[tilespmem:v9+s23+$0x0] =	vst.idx.msk $0xffff, v4  }
0x138: {  	v8 =	vld [tilespmem:s4+$0xFFFFFFE0];
	[tilespmem:v11+s23+$0x0] =	vst.idx.msk $0xffff, v2;
	v2 =	vmul.f32 $5.656854150e+00, v14  }
0x139: {  	v4 =	vor.u32 s13, v1;
	[tilespmem:v7+s23+$0x0] =	vst.idx.msk $0xffff, v3;
	v3 =	vmul.f32 $5.656854150e+00, v12  }
0x13a: {  	v6 =	vor.u32 s14, v1;
	[tilespmem:v10+s23+$0x0] =	vst.idx.msk $0xffff, v2  }
0x13b: {  	s11 =	smul.u32 $0x180000, s17;
	[tilespmem:v5+s23+$0x0] =	vst.idx.msk $0xffff, v3  }
0x13c: {  	v2 =	vmul.f32 $5.656854150e+00, v13;
	s19 =	rddreg [dreg:$0x8]  }
0x13d: {  	v3 =	vmul.f32 $5.656854150e+00, v8;
	s2 =	sor.u32 s19, s11  }
0x13e: {  	s7 =	rddreg [dreg:$0x1];
	[tilespmem:v4+s23+$0x0] =	vst.idx.msk $0xffff, v2;
	s2 =	sshrl.u32 s2, $0x3  }
0x13f: {  	[tilespmem:v6+s23+$0x0] =	vst.idx.msk $0xffff, v3;
	s2 =	sadd.s32 s7, s2  }
0x140: {  	[hbm4b:s2+s3] =	stream.linear.scatter [tilespmem:s20], [sflag:$0x4], $0x400, $0x38;
	[tilespmem:$0x18600] =	vst v63  }
0x141: {  	s24 =	sadd.s32 $0x4000, s2  }
0x142: {  	[hbm4b:s24+s3] =	stream.linear.scatter [tilespmem:s21], [sflag:$0x4], $0x400, $0x38;
	[tilespmem:$0x18600] =	vst v63  }
0x143: {  	s25 =	sadd.s32 $0x8000, s2  }
0x144: {  	[hbm4b:s25+s3] =	stream.linear.scatter [tilespmem:s22], [sflag:$0x4], $0x400, $0x38;
	[tilespmem:$0x18600] =	vst v63  }
0x145: {  	s28 =	rddreg [dreg:$0xa];
	s2 =	sadd.s32 $0xC000, s2  }
0x146: {  	[hbm4b:s2+s3] =	stream.linear.scatter [tilespmem:s23], [sflag:$0x4], $0x400, $0x38;
	[tilespmem:$0x18600] =	vst v63  }
0x147: {  	s2 =	sor.u32 s28, s11  }
0x148: {  	s2 =	sshrl.u32 s2, $0x3  }
0x149: {  	s29 =	simm.s32 $0xCA00;
	s2 =	sadd.s32 s7, s2  }
0x14a: {  	[hbm4b:s2+s3] =	stream.linear.scatter [tilespmem:s29], [sflag:$0x4], $0x400, $0x38;
	[tilespmem:$0x18600] =	vst v63  }
0x14b: {  	s10 =	simm.s32 $0xDA00;
	s9 =	sadd.s32 $0x4000, s2  }
0x14c: {  	[hbm4b:s9+s3] =	stream.linear.scatter [tilespmem:s10], [sflag:$0x4], $0x400, $0x38;
	[tilespmem:$0x18600] =	vst v63  }
0x14d: {  	s13 =	simm.s32 $0xEA00;
	s12 =	sadd.s32 $0x8000, s2  }
0x14e: {  	[hbm4b:s12+s3] =	stream.linear.scatter [tilespmem:s13], [sflag:$0x4], $0x400, $0x38;
	[tilespmem:$0x18600] =	vst v63  }
0x14f: {  	s14 =	simm.s32 $0xFA00;
	s16 =	rddreg [dreg:$0xb];
	s2 =	sadd.s32 $0xC000, s2  }
0x150: {  	[hbm4b:s2+s3] =	stream.linear.scatter [tilespmem:s14], [sflag:$0x4], $0x400, $0x38;
	[tilespmem:$0x18600] =	vst v63  }
0x151: {  	s2 =	sor.u32 s16, s11  }
0x152: {  	s2 =	sshrl.u32 s2, $0x3  }
0x153: {  	s18 =	simm.s32 $0xCE00;
	s2 =	sadd.s32 s7, s2  }
0x154: {  	[hbm4b:s2+s3] =	stream.linear.scatter [tilespmem:s18], [sflag:$0x4], $0x400, $0x38;
	[tilespmem:$0x18600] =	vst v63  }
0x155: {  	s24 =	simm.s32 $0xDE00;
	s19 =	sadd.s32 $0x4000, s2  }
0x156: {  	[hbm4b:s19+s3] =	stream.linear.scatter [tilespmem:s24], [sflag:$0x4], $0x400, $0x38;
	[tilespmem:$0x18600] =	vst v63  }
0x157: {  	s28 =	simm.s32 $0xEE00;
	s25 =	sadd.s32 $0x8000, s2  }
0x158: {  	[hbm4b:s25+s3] =	stream.linear.scatter [tilespmem:s28], [sflag:$0x4], $0x400, $0x38;
	[tilespmem:$0x18600] =	vst v63  }
0x159: {  	s4 =	rddreg [dreg:$0xc];
	s29 =	simm.s32 $0xFE00;
	s2 =	sadd.s32 $0xC000, s2  }
0x15a: {  	[hbm4b:s2+s3] =	stream.linear.scatter [tilespmem:s29], [sflag:$0x4], $0x400, $0x38;
	[tilespmem:$0x18600] =	vst v63  }
0x15b: {  	s2 =	sor.u32 s4, s11  }
0x15c: {  	s2 =	sshrl.u32 s2, $0x3  }
0x15d: {  	s9 =	simm.s32 $0xD200;
	s2 =	sadd.s32 s7, s2  }
0x15e: {  	[hbm4b:s2+s3] =	stream.linear.scatter [tilespmem:s9], [sflag:$0x4], $0x400, $0x38;
	[tilespmem:$0x18600] =	vst v63  }
0x15f: {  	s12 =	simm.s32 $0xE200;
	s10 =	sadd.s32 $0x4000, s2  }
0x160: {  	[hbm4b:s10+s3] =	stream.linear.scatter [tilespmem:s12], [sflag:$0x4], $0x400, $0x38;
	[tilespmem:$0x18600] =	vst v63  }
0x161: {  	s14 =	simm.s32 $0xF200;
	s13 =	sadd.s32 $0x8000, s2  }
0x162: {  	[hbm4b:s13+s3] =	stream.linear.scatter [tilespmem:s14], [sflag:$0x4], $0x400, $0x38;
	[tilespmem:$0x18600] =	vst v63  }
0x163: {  	s16 =	simm.s32 $0x10200;
	s18 =	simm.s32 $0x4;
	s2 =	sadd.s32 $0xC000, s2  }
0x164: {  	[hbm4b:s2+s3] =	stream.linear.scatter [tilespmem:s16], [sflag:$0x4], $0x400, $0x38;
	[tilespmem:$0x18600] =	vst v63  }
0x165: {  	_ =	swait.ge [sflag:s18], $0x1000  }
0x166: {  	[sflag:s18] =	ssyncset.done $0x0  }
0x167: {  	[sflag:s18] =	ssyncadd.s32 $0xFFFFF000  }
0x168: {  	_ =	swait.ge [sflag:s18], $0x1000  }
0x169: {  	[sflag:s18] =	ssyncset.done $0x0  }
0x16a: {  	[sflag:s18] =	ssyncadd.s32 $0xFFFFF000  }
0x16b: {  	_ =	swait.ge [sflag:s18], $0x1000  }
0x16c: {  	[sflag:s18] =	ssyncset.done $0x0  }
0x16d: {  	p0 =	seq.s32 s17, $0x10;
	[dreg:$0xf] =	wrdreg s17;
	[sflag:s18] =	ssyncadd.s32 $0xFFFFF000  }
0x16e: {  	s2 =	smul.u32 @!p0 $0xC000, s17;
	_ =	swait.ge [sflag:s18], $0x1000  }
0x16f: {  	s4 =	rddreg [dreg:$0x7]  }
0x170: {  	s7 =	simm.s32 @!p0 $0x1000;
	s9 =	simm.s32 @!p0 $0x0;
	s2 =	sadd.s32 @!p0 s4, s2  }
0x171: {  	[sflag:s18] =	ssyncset.done $0x0;
	s4 =	rddreg [dreg:$0x3];
	s2 =	sshrl.u32 @!p0 s2, $0x3  }
0x172: {  	[sflag:s18] =	ssyncadd.s32 $0xFFFFF000;
	s2 =	sadd.s32 @!p0 s4, s2;
	s4 =	simm.s32 @!p0 $0x80  }
0x173: {  	[tilespmem:s9], [sflag:$0x7] =	stream.strided.gather @!p0 [hbm4b:s2+s4], $0x200, s7, s4, $0x38;
	[tilespmem:$0x18600] =	vst v63  }
0x174: {  	s2 =	simm.s32 @!p0 $0x7  }
0x175: {  	_ =	swait.ge @!p0 [sflag:s2], $0x200  }
0x176: {  	[sflag:s2] =	ssyncset.done @!p0 $0x0  }
0x177: {  	[sflag:s2] =	ssyncadd.s32 @!p0 $0xFFFFFE00;
	s2 =	simm.s32 @!p0 $0x600  }
0x178: {  	[tilespmem:s2], [sflag:$0x1] =	stream.indirect.gather @!p0 [hbm4b:s5+s4], $0x20, s9, s4, $0xb8;
	[tilespmem:$0x18600] =	vst v63  }
0x179: {  	s2 =	simm.s32 @!p0 $0x1600  }
0x17a: {  	[tilespmem:s2], [sflag:$0x1] =	stream.indirect.gather @!p0 [hbm4b:s5+s4], $0x20, s4, s4, $0xb8;
	[tilespmem:$0x18600] =	vst v63  }
0x17b: {  	s7 =	simm.s32 @!p0 $0x2600;
	s2 =	simm.s32 @!p0 $0x100  }
0x17c: {  	[tilespmem:s7], [sflag:$0x1] =	stream.indirect.gather @!p0 [hbm4b:s5+s4], $0x20, s2, s4, $0xb8;
	[tilespmem:$0x18600] =	vst v63  }
0x17d: {  	s19 =	simm.s32 $0x2;
	s2 =	simm.s32 @!p0 $0x180;
	s7 =	simm.s32 @!p0 $0x3600  }
0x17e: {  	[tilespmem:s7], [sflag:$0x1] =	stream.indirect.gather @!p0 [hbm4b:s5+s4], $0x20, s2, s4, $0xb8;
	[tilespmem:$0x18600] =	vst v63  }
0x17f: {  	_ =	swait.ge [sflag:s19], $0x1000  }
0x180: {  	[sflag:s19] =	ssyncset.done $0x0  }
0x181: {  	[sflag:s19] =	ssyncadd.s32 $0xFFFFF000  }
0x182: {  	_ =	swait.ge [sflag:s19], $0x1000  }
0x183: {  	[sflag:s19] =	ssyncset.done $0x0  }
0x184: {  	[sflag:s19] =	ssyncadd.s32 $0xFFFFF000  }
0x185: {  	_ =	swait.ge [sflag:s19], $0x1000  }
0x186: {  	[sflag:s19] =	ssyncset.done $0x0  }
0x187: {  	[sflag:s19] =	ssyncadd.s32 $0xFFFFF000  }
0x188: {  	_ =	swait.ge [sflag:s19], $0x1000  }
0x189: {  	[sflag:s19] =	ssyncset.done $0x0  }
0x18a: {  	s24 =	simm.s32 $0x46F0;
	[sflag:s19] =	ssyncadd.s32 $0xFFFFF000  }
0x18b: {  	v4 =	vld [tilespmem:s24+$0xFFFFFFF0]  }
0x18c: {  	s28 =	simm.s32 $0x7;
	v5 =	vld [tilespmem:s24+$0xFFFFFF10]  }
0x18d: {  	v6 =	vor.u32 s28, v0;
	s29 =	simm.s32 $0x0;
	v8 =	vld [tilespmem:s24+$0xFFFFFF30]  }
0x18e: {  	v7 =	vor.u32 s29, v0;
	s18 =	simm.s32 $0x1;
	v9 =	vld [tilespmem:s24+$0xFFFFFF50]  }
0x18f: {  	s25 =	simm.s32 $0x2;
	v3 =	vor.u32 s18, v0;
	v10 =	vld [tilespmem:s24+$0xFFFFFF70]  }
0x190: {  	v2 =	vor.u32 s25, v0;
	s12 =	simm.s32 $0x3;
	v11 =	vld [tilespmem:s24+$0xFFFFFF90];
	v12 =	vmul.f32 $5.656854150e+00, v4  }
0x191: {  	s13 =	simm.s32 $0x4;
	v13 =	vld [tilespmem:s24+$0xFFFFFFB0];
	v5 =	vmul.f32 $5.656854150e+00, v5;
	v4 =	vor.u32 s12, v0  }
0x192: {  	s4 =	simm.s32 $0x5;
	v16 =	vld [tilespmem:s24+$0xFFFFFFD0];
	v14 =	vmul.f32 $5.656854150e+00, v8;
	v8 =	vor.u32 s13, v0;
	[tilespmem:v6+s15+$0x0] =	vst.idx.msk $0xffff, v12  }
0x193: {  	s2 =	simm.s32 $0x6;
	[tilespmem:v7+s15+$0x0] =	vst.idx.msk $0xffff, v5;
	v5 =	vmul.f32 $5.656854150e+00, v9;
	v9 =	vor.u32 s4, v0;
	v12 =	vld [tilespmem:s24+$0x0]  }
0x194: {  	v18 =	vor.u32 s2, v0;
	[tilespmem:v3+s15+$0x0] =	vst.idx.msk $0xffff, v14;
	v14 =	vmul.f32 $5.656854150e+00, v10;
	v17 =	vld [tilespmem:s24+$0xFFFFFF20]  }
0x195: {  	v11 =	vmul.f32 $5.656854150e+00, v11;
	v10 =	vor.u32 s28, v1;
	v21 =	vld [tilespmem:s24+$0xFFFFFF40];
	[tilespmem:v2+s15+$0x0] =	vst.idx.msk $0xffff, v5  }
0x196: {  	v5 =	vor.u32 s29, v1;
	v22 =	vld [tilespmem:s24+$0xFFFFFF60];
	[tilespmem:v4+s15+$0x0] =	vst.idx.msk $0xffff, v14;
	v14 =	vmul.f32 $5.656854150e+00, v13  }
0x197: {  	v20 =	vor.u32 s18, v1;
	[tilespmem:v8+s15+$0x0] =	vst.idx.msk $0xffff, v11;
	v11 =	vmul.f32 $5.656854150e+00, v16;
	v15 =	vld [tilespmem:s24+$0xFFFFFF80]  }
0x198: {  	v19 =	vor.u32 s25, v1;
	v13 =	vld [tilespmem:s24+$0xFFFFFFA0];
	[tilespmem:v9+s15+$0x0] =	vst.idx.msk $0xffff, v14;
	v12 =	vmul.f32 $5.656854150e+00, v12  }
0x199: {  	v16 =	vor.u32 s12, v1;
	[tilespmem:v18+s15+$0x0] =	vst.idx.msk $0xffff, v11;
	v23 =	vmul.f32 $5.656854150e+00, v17;
	v14 =	vld [tilespmem:s24+$0xFFFFFFC0]  }
0x19a: {  	s10 =	simm.s32 $0x47F0;
	v21 =	vmul.f32 $5.656854150e+00, v21;
	v11 =	vld [tilespmem:s24+$0xFFFFFFE0];
	v17 =	vor.u32 s13, v1;
	[tilespmem:v10+s15+$0x0] =	vst.idx.msk $0xffff, v12  }
0x19b: {  	s14 =	simm.s32 $0x8;
	s16 =	simm.s32 $0x10;
	s9 =	simm.s32 $0x8;
	v18 =	vor.u32 s4, v1;
	v12 =	vld [tilespmem:s10+$0xFFFFFFF0];
	[tilespmem:v5+s15+$0x0] =	vst.idx.msk $0xffff, v23;
	v22 =	vmul.f32 $5.656854150e+00, v22  }
.LBB2_18:
0x19c: {  	p1 =	slt.u32 s16, $0x78;
	v23 =	vld [tilespmem:s10+$0xFFFFFF10];
	s7 =	sadd.s32 $0x7, s14;
	[tilespmem:v20+s15+$0x0] =	vst.idx.msk $0xffff, v21;
	v15 =	vmul.f32 $5.656854150e+00, v15;
	v20 =	vor.u32 s2, v1  }
0x19d: {  	v21 =	vld [tilespmem:s10+$0xFFFFFF30];
	v24 =	vor.u32 s7, v0;
	[tilespmem:v19+s15+$0x0] =	vst.idx.msk $0xffff, v22;
	v13 =	vmul.f32 $5.656854150e+00, v13  }
0x19e: {  	s19 =	sadd.s32 $0x1, s14;
	v19 =	vor.u32 s14, v0;
	v22 =	vld [tilespmem:s10+$0xFFFFFF50];
	[tilespmem:v16+s15+$0x0] =	vst.idx.msk $0xffff, v15;
	v14 =	vmul.f32 $5.656854150e+00, v14  }
0x19f: {  	s24 =	sadd.s32 $0x2, s14;
	v15 =	vor.u32 s19, v0;
	v16 =	vld [tilespmem:s10+$0xFFFFFF70];
	[tilespmem:v17+s15+$0x0] =	vst.idx.msk $0xffff, v13;
	v11 =	vmul.f32 $5.656854150e+00, v11  }
0x1a0: {  	s28 =	sadd.s32 $0x3, s14;
	v13 =	vor.u32 s24, v0;
	v17 =	vld [tilespmem:s10+$0xFFFFFF90];
	v12 =	vmul.f32 $5.656854150e+00, v12;
	[tilespmem:v18+s15+$0x0] =	vst.idx.msk $0xffff, v14  }
0x1a1: {  	s29 =	sadd.s32 $0x4, s14;
	v18 =	vor.u32 s28, v0;
	v14 =	vmul.f32 $5.656854150e+00, v23;
	v23 =	vld [tilespmem:s10+$0xFFFFFFB0];
	[tilespmem:v20+s15+$0x0] =	vst.idx.msk $0xffff, v11  }
0x1a2: {  	s17 =	sadd.s32 $0x5, s14;
	v11 =	vmul.f32 $5.656854150e+00, v21;
	v21 =	vor.u32 s29, v0;
	v25 =	vld [tilespmem:s10+$0xFFFFFFD0];
	[tilespmem:v24+s15+$0x0] =	vst.idx.msk $0xffff, v12  }
0x1a3: {  	s2 =	sadd.s32 $0x6, s14;
	[tilespmem:v19+s15+$0x0] =	vst.idx.msk $0xffff, v14;
	v12 =	vmul.f32 $5.656854150e+00, v22;
	v14 =	vor.u32 s17, v0;
	v22 =	vld [tilespmem:s10+$0x0]  }
0x1a4: {  	v26 =	vor.u32 s2, v0;
	v24 =	vld [tilespmem:s10+$0xFFFFFF20];
	[tilespmem:v15+s15+$0x0] =	vst.idx.msk $0xffff, v11;
	v11 =	vmul.f32 $5.656854150e+00, v16  }
0x1a5: {  	v28 =	vor.u32 s7, v1;
	v27 =	vld [tilespmem:s10+$0xFFFFFF40];
	[tilespmem:v13+s15+$0x0] =	vst.idx.msk $0xffff, v12;
	v12 =	vmul.f32 $5.656854150e+00, v17  }
0x1a6: {  	v29 =	vor.u32 s14, v1;
	s14 =	smov.u32 s16;
	v30 =	vld [tilespmem:s10+$0xFFFFFF60];
	[tilespmem:v18+s15+$0x0] =	vst.idx.msk $0xffff, v11;
	v11 =	vmul.f32 $5.656854150e+00, v23  }
.Ltmp10:
0x1a7: {  	v20 =	vor.u32 s19, v1;
	v15 =	vld [tilespmem:s10+$0xFFFFFF80];
	[tilespmem:v21+s15+$0x0] =	vst.idx.msk $0xffff, v12;
	v12 =	vmul.f32 $5.656854150e+00, v25;
	(pc) =	sbr.rel @p1 .LBB2_18-.Ltmp10, $4  }
0x1a8: {  	v19 =	vor.u32 s24, v1;
	v13 =	vld [tilespmem:s10+$0xFFFFFFA0];
	[tilespmem:v14+s15+$0x0] =	vst.idx.msk $0xffff, v11;
	v18 =	vmul.f32 $5.656854150e+00, v22  }
0x1a9: {  	v16 =	vor.u32 s28, v1;
	v22 =	vmul.f32 $5.656854150e+00, v24;
	v14 =	vld [tilespmem:s10+$0xFFFFFFC0];
	[tilespmem:v26+s15+$0x0] =	vst.idx.msk $0xffff, v12  }
0x1aa: {  	v17 =	vor.u32 s29, v1;
	v21 =	vmul.f32 $5.656854150e+00, v27;
	v11 =	vld [tilespmem:s10+$0xFFFFFFE0];
	[tilespmem:v28+s15+$0x0] =	vst.idx.msk $0xffff, v18;
	s10 =	sadd.s32 $0x100, s10  }
0x1ab: {  	s16 =	sadd.s32 $0x8, s16;
	v18 =	vor.u32 s17, v1;
	v12 =	vld [tilespmem:s10+$0xFFFFFFF0];
	[tilespmem:v29+s15+$0x0] =	vst.idx.msk $0xffff, v22;
	v22 =	vmul.f32 $5.656854150e+00, v30  }
0x1ac: {  	_ =	sdelay $0x3  }
0x1ad: {  	v23 =	vld [tilespmem:s10+$0xFFFFFF10];
	s7 =	sadd.s32 $0x7, s14;
	[tilespmem:v20+s15+$0x0] =	vst.idx.msk $0xffff, v21;
	v15 =	vmul.f32 $5.656854150e+00, v15;
	v40 =	vor.u32 s2, v1  }
0x1ae: {  	v41 =	vld [tilespmem:s10+$0xFFFFFF30];
	v24 =	vor.u32 s7, v0;
	[tilespmem:v19+s15+$0x0] =	vst.idx.msk $0xffff, v22;
	v13 =	vmul.f32 $5.656854150e+00, v13  }
0x1af: {  	v42 =	vor.u32 s14, v0;
	s29 =	sadd.s32 $0x1, s14;
	v43 =	vld [tilespmem:s10+$0xFFFFFF50];
	[tilespmem:v16+s15+$0x0] =	vst.idx.msk $0xffff, v15;
	v14 =	vmul.f32 $5.656854150e+00, v14  }
0x1b0: {  	s16 =	sadd.s32 $0x2, s14;
	v44 =	vld [tilespmem:s10+$0xFFFFFF70];
	v15 =	vor.u32 s29, v0;
	[tilespmem:v17+s15+$0x0] =	vst.idx.msk $0xffff, v13;
	v11 =	vmul.f32 $5.656854150e+00, v11  }
0x1b1: {  	s17 =	sadd.s32 $0x3, s14;
	v45 =	vld [tilespmem:s10+$0xFFFFFF90];
	v13 =	vor.u32 s16, v0;
	v12 =	vmul.f32 $5.656854150e+00, v12;
	[tilespmem:v18+s15+$0x0] =	vst.idx.msk $0xffff, v14  }
0x1b2: {  	s19 =	sadd.s32 $0x4, s14;
	v47 =	vld [tilespmem:s10+$0xFFFFFFB0];
	v46 =	vor.u32 s17, v0;
	v14 =	vmul.f32 $5.656854150e+00, v23;
	[tilespmem:v40+s15+$0x0] =	vst.idx.msk $0xffff, v11  }
0x1b3: {  	s24 =	sadd.s32 $0x5, s14;
	v49 =	vld [tilespmem:s10+$0xFFFFFFD0];
	v48 =	vor.u32 s19, v0;
	v11 =	vmul.f32 $5.656854150e+00, v41;
	[tilespmem:v24+s15+$0x0] =	vst.idx.msk $0xffff, v12  }
0x1b4: {  	s28 =	sadd.s32 $0x6, s14;
	v12 =	vmul.f32 $5.656854150e+00, v43;
	[tilespmem:v42+s15+$0x0] =	vst.idx.msk $0xffff, v14;
	v14 =	vor.u32 s24, v0;
	v50 =	vld [tilespmem:s10+$0x0]  }
0x1b5: {  	[tilespmem:v15+s15+$0x0] =	vst.idx.msk $0xffff, v11;
	v11 =	vmul.f32 $5.656854150e+00, v44;
	v15 =	vor.u32 s28, v0;
	v51 =	vld [tilespmem:s10+$0xFFFFFF20]  }
0x1b6: {  	v52 =	vld [tilespmem:s10+$0xFFFFFF40];
	[tilespmem:v13+s15+$0x0] =	vst.idx.msk $0xffff, v12;
	v12 =	vmul.f32 $5.656854150e+00, v45;
	v13 =	vor.u32 s7, v1  }
0x1b7: {  	v53 =	vor.u32 s14, v1;
	v54 =	vld [tilespmem:s10+$0xFFFFFF60];
	[tilespmem:v46+s15+$0x0] =	vst.idx.msk $0xffff, v11;
	v11 =	vmul.f32 $5.656854150e+00, v47  }
0x1b8: {  	v55 =	vor.u32 s29, v1;
	v56 =	vld [tilespmem:s10+$0xFFFFFF80];
	[tilespmem:v48+s15+$0x0] =	vst.idx.msk $0xffff, v12;
	v12 =	vmul.f32 $5.656854150e+00, v49  }
0x1b9: {  	v57 =	vor.u32 s16, v1;
	v58 =	vld [tilespmem:s10+$0xFFFFFFA0];
	[tilespmem:v14+s15+$0x0] =	vst.idx.msk $0xffff, v11;
	v11 =	vmul.f32 $5.656854150e+00, v50  }
0x1ba: {  	v59 =	vor.u32 s17, v1;
	[tilespmem:v15+s15+$0x0] =	vst.idx.msk $0xffff, v12;
	v14 =	vmul.f32 $5.656854150e+00, v51;
	v60 =	vld [tilespmem:s10+$0xFFFFFFC0]  }
0x1bb: {  	v15 =	vor.u32 s19, v1;
	v12 =	vmul.f32 $5.656854150e+00, v52;
	v61 =	vld [tilespmem:s10+$0xFFFFFFE0];
	[tilespmem:v13+s15+$0x0] =	vst.idx.msk $0xffff, v11  }
0x1bc: {  	v11 =	vmul.f32 $5.656854150e+00, v54;
	v13 =	vor.u32 s24, v1;
	[tilespmem:v53+s15+$0x0] =	vst.idx.msk $0xffff, v14  }
0x1bd: {  	[tilespmem:v55+s15+$0x0] =	vst.idx.msk $0xffff, v12;
	v12 =	vmul.f32 $5.656854150e+00, v56;
	v14 =	vor.u32 s28, v1  }
0x1be: {  	[tilespmem:v57+s15+$0x0] =	vst.idx.msk $0xffff, v11;
	v11 =	vmul.f32 $5.656854150e+00, v58  }
0x1bf: {  	[tilespmem:v59+s15+$0x0] =	vst.idx.msk $0xffff, v12;
	v12 =	vmul.f32 $5.656854150e+00, v60  }
0x1c0: {  	[tilespmem:v15+s15+$0x0] =	vst.idx.msk $0xffff, v11;
	v11 =	vmul.f32 $5.656854150e+00, v61  }
0x1c1: {  	[tilespmem:v13+s15+$0x0] =	vst.idx.msk $0xffff, v12  }
0x1c2: {  	s29 =	simm.s32 $0x5600;
	[tilespmem:v14+s15+$0x0] =	vst.idx.msk $0xffff, v11  }
0x1c3: {  	v11 =	vld [tilespmem:s29+$0xE0]  }
0x1c4: {  	v12 =	vld [tilespmem:s29+$0x0]  }
0x1c5: {  	v13 =	vld [tilespmem:s29+$0x20]  }
0x1c6: {  	v14 =	vld [tilespmem:s29+$0x40]  }
0x1c7: {  	v15 =	vld [tilespmem:s29+$0x60]  }
0x1c8: {  	v62 =	vld [tilespmem:s29+$0x80];
	v11 =	vmul.f32 $5.656854150e+00, v11  }
0x1c9: {  	v17 =	vld [tilespmem:s29+$0xA0];
	v12 =	vmul.f32 $5.656854150e+00, v12  }
0x1ca: {  	v18 =	vld [tilespmem:s29+$0xC0];
	v13 =	vmul.f32 $5.656854150e+00, v13;
	[tilespmem:v6+s6+$0x0] =	vst.idx.msk $0xffff, v11  }
0x1cb: {  	s2 =	simm.s32 $0x6;
	[tilespmem:v7+s6+$0x0] =	vst.idx.msk $0xffff, v12;
	v6 =	vmul.f32 $5.656854150e+00, v14;
	v11 =	vld [tilespmem:s29+$0xF0]  }
0x1cc: {  	[tilespmem:v3+s6+$0x0] =	vst.idx.msk $0xffff, v13;
	v3 =	vmul.f32 $5.656854150e+00, v15;
	v13 =	vor.u32 s2, v0;
	v14 =	vld [tilespmem:s29+$0x10]  }
0x1cd: {  	v15 =	vld [tilespmem:s29+$0x30];
	[tilespmem:v2+s6+$0x0] =	vst.idx.msk $0xffff, v6;
	v2 =	vmul.f32 $5.656854150e+00, v62  }
0x1ce: {  	[tilespmem:v4+s6+$0x0] =	vst.idx.msk $0xffff, v3;
	v3 =	vmul.f32 $5.656854150e+00, v17;
	v63 =	vld [tilespmem:s29+$0x50]  }
0x1cf: {  	v12 =	vor.u32 s18, v1;
	v7 =	vld [tilespmem:s29+$0x70];
	[tilespmem:v8+s6+$0x0] =	vst.idx.msk $0xffff, v2;
	v2 =	vmul.f32 $5.656854150e+00, v18  }
0x1d0: {  	[tilespmem:v9+s6+$0x0] =	vst.idx.msk $0xffff, v3;
	v4 =	vld [tilespmem:s29+$0x90];
	v8 =	vmul.f32 $5.656854150e+00, v11;
	v11 =	vor.u32 s25, v1  }
0x1d1: {  	v9 =	vor.u32 s12, v1;
	v6 =	vld [tilespmem:s29+$0xB0];
	v14 =	vmul.f32 $5.656854150e+00, v14;
	[tilespmem:v13+s6+$0x0] =	vst.idx.msk $0xffff, v2  }
0x1d2: {  	s10 =	simm.s32 $0x5700;
	v13 =	vmul.f32 $5.656854150e+00, v15;
	v3 =	vld [tilespmem:s29+$0xD0];
	[tilespmem:v10+s6+$0x0] =	vst.idx.msk $0xffff, v8;
	v8 =	vor.u32 s13, v1  }
0x1d3: {  	s12 =	simm.s32 $0x10;
	v2 =	vld [tilespmem:s10+$0xE0];
	[tilespmem:v5+s6+$0x0] =	vst.idx.msk $0xffff, v14;
	v10 =	vmul.f32 $5.656854150e+00, v63;
	v5 =	vor.u32 s4, v1  }
.LBB2_20:
0x1d4: {  	p1 =	slt.u32 s12, $0x78;
	v14 =	vld [tilespmem:s10+$0x0];
	s4 =	sadd.s32 $0x7, s9;
	[tilespmem:v12+s6+$0x0] =	vst.idx.msk $0xffff, v13;
	v7 =	vmul.f32 $5.656854150e+00, v7;
	v12 =	vor.u32 s2, v1  }
0x1d5: {  	v13 =	vld [tilespmem:s10+$0x20];
	v15 =	vor.u32 s4, v0;
	[tilespmem:v11+s6+$0x0] =	vst.idx.msk $0xffff, v10;
	v4 =	vmul.f32 $5.656854150e+00, v4  }
0x1d6: {  	s7 =	sadd.s32 $0x1, s9;
	v10 =	vor.u32 s9, v0;
	v11 =	vld [tilespmem:s10+$0x40];
	[tilespmem:v9+s6+$0x0] =	vst.idx.msk $0xffff, v7;
	v6 =	vmul.f32 $5.656854150e+00, v6  }
0x1d7: {  	s13 =	sadd.s32 $0x2, s9;
	v7 =	vor.u32 s7, v0;
	v9 =	vld [tilespmem:s10+$0x60];
	[tilespmem:v8+s6+$0x0] =	vst.idx.msk $0xffff, v4;
	v3 =	vmul.f32 $5.656854150e+00, v3  }
0x1d8: {  	s14 =	sadd.s32 $0x3, s9;
	v4 =	vor.u32 s13, v0;
	v8 =	vld [tilespmem:s10+$0x80];
	v2 =	vmul.f32 $5.656854150e+00, v2;
	[tilespmem:v5+s6+$0x0] =	vst.idx.msk $0xffff, v6  }
0x1d9: {  	s16 =	sadd.s32 $0x4, s9;
	v6 =	vor.u32 s14, v0;
	v5 =	vmul.f32 $5.656854150e+00, v14;
	v14 =	vld [tilespmem:s10+$0xA0];
	[tilespmem:v12+s6+$0x0] =	vst.idx.msk $0xffff, v3  }
0x1da: {  	s17 =	sadd.s32 $0x5, s9;
	v3 =	vmul.f32 $5.656854150e+00, v13;
	v13 =	vor.u32 s16, v0;
	v16 =	vld [tilespmem:s10+$0xC0];
	[tilespmem:v15+s6+$0x0] =	vst.idx.msk $0xffff, v2  }
0x1db: {  	s2 =	sadd.s32 $0x6, s9;
	[tilespmem:v10+s6+$0x0] =	vst.idx.msk $0xffff, v5;
	v2 =	vmul.f32 $5.656854150e+00, v11;
	v5 =	vor.u32 s17, v0;
	v10 =	vld [tilespmem:s10+$0xF0]  }
0x1dc: {  	v17 =	vor.u32 s2, v0;
	v15 =	vld [tilespmem:s10+$0x10];
	[tilespmem:v7+s6+$0x0] =	vst.idx.msk $0xffff, v3;
	v3 =	vmul.f32 $5.656854150e+00, v9  }
0x1dd: {  	v19 =	vor.u32 s4, v1;
	v18 =	vld [tilespmem:s10+$0x30];
	[tilespmem:v4+s6+$0x0] =	vst.idx.msk $0xffff, v2;
	v2 =	vmul.f32 $5.656854150e+00, v8  }
0x1de: {  	v20 =	vor.u32 s9, v1;
	s9 =	smov.u32 s12;
	v21 =	vld [tilespmem:s10+$0x50];
	[tilespmem:v6+s6+$0x0] =	vst.idx.msk $0xffff, v3;
	v3 =	vmul.f32 $5.656854150e+00, v14  }
.Ltmp11:
0x1df: {  	v12 =	vor.u32 s7, v1;
	v7 =	vld [tilespmem:s10+$0x70];
	[tilespmem:v13+s6+$0x0] =	vst.idx.msk $0xffff, v2;
	v2 =	vmul.f32 $5.656854150e+00, v16;
	(pc) =	sbr.rel @p1 .LBB2_20-.Ltmp11, $4  }
0x1e0: {  	v11 =	vor.u32 s13, v1;
	v4 =	vld [tilespmem:s10+$0x90];
	[tilespmem:v5+s6+$0x0] =	vst.idx.msk $0xffff, v3;
	v5 =	vmul.f32 $5.656854150e+00, v10  }
0x1e1: {  	v9 =	vor.u32 s14, v1;
	v10 =	vmul.f32 $5.656854150e+00, v15;
	v6 =	vld [tilespmem:s10+$0xB0];
	[tilespmem:v17+s6+$0x0] =	vst.idx.msk $0xffff, v2  }
0x1e2: {  	v8 =	vor.u32 s16, v1;
	v13 =	vmul.f32 $5.656854150e+00, v18;
	v3 =	vld [tilespmem:s10+$0xD0];
	[tilespmem:v19+s6+$0x0] =	vst.idx.msk $0xffff, v5;
	s10 =	sadd.s32 $0x100, s10  }
0x1e3: {  	s12 =	sadd.s32 $0x8, s12;
	v5 =	vor.u32 s17, v1;
	v2 =	vld [tilespmem:s10+$0xE0];
	[tilespmem:v20+s6+$0x0] =	vst.idx.msk $0xffff, v10;
	v10 =	vmul.f32 $5.656854150e+00, v21  }
0x1e4: {  	_ =	sdelay $0x3  }
0x1e5: {  	v14 =	vld [tilespmem:s10+$0x0];
	s4 =	sadd.s32 $0x7, s9;
	[tilespmem:v12+s6+$0x0] =	vst.idx.msk $0xffff, v13;
	v7 =	vmul.f32 $5.656854150e+00, v7;
	v32 =	vor.u32 s2, v1  }
0x1e6: {  	v33 =	vld [tilespmem:s10+$0x20];
	v15 =	vor.u32 s4, v0;
	[tilespmem:v11+s6+$0x0] =	vst.idx.msk $0xffff, v10;
	v4 =	vmul.f32 $5.656854150e+00, v4  }
0x1e7: {  	v34 =	vor.u32 s9, v0;
	s29 =	sadd.s32 $0x1, s9;
	v35 =	vld [tilespmem:s10+$0x40];
	[tilespmem:v9+s6+$0x0] =	vst.idx.msk $0xffff, v7;
	v6 =	vmul.f32 $5.656854150e+00, v6  }
0x1e8: {  	s7 =	sadd.s32 $0x2, s9;
	v37 =	vld [tilespmem:s10+$0x60];
	v36 =	vor.u32 s29, v0;
	[tilespmem:v8+s6+$0x0] =	vst.idx.msk $0xffff, v4;
	v3 =	vmul.f32 $5.656854150e+00, v3  }
0x1e9: {  	s12 =	sadd.s32 $0x3, s9;
	v39 =	vld [tilespmem:s10+$0x80];
	v38 =	vor.u32 s7, v0;
	v2 =	vmul.f32 $5.656854150e+00, v2;
	[tilespmem:v5+s6+$0x0] =	vst.idx.msk $0xffff, v6  }
0x1ea: {  	s13 =	sadd.s32 $0x4, s9;
	v42 =	vld [tilespmem:s10+$0xA0];
	v41 =	vor.u32 s12, v0;
	v40 =	vmul.f32 $5.656854150e+00, v14;
	[tilespmem:v32+s6+$0x0] =	vst.idx.msk $0xffff, v3  }
0x1eb: {  	s14 =	sadd.s32 $0x5, s9;
	v44 =	vld [tilespmem:s10+$0xC0];
	v43 =	vor.u32 s13, v0;
	v3 =	vmul.f32 $5.656854150e+00, v33;
	[tilespmem:v15+s6+$0x0] =	vst.idx.msk $0xffff, v2  }
0x1ec: {  	s16 =	sadd.s32 $0x6, s9;
	v45 =	vor.u32 s14, v0;
	v2 =	vmul.f32 $5.656854150e+00, v35;
	[tilespmem:v34+s6+$0x0] =	vst.idx.msk $0xffff, v40;
	v46 =	vld [tilespmem:s10+$0xF0]  }
0x1ed: {  	v48 =	vor.u32 s16, v0;
	[tilespmem:v36+s6+$0x0] =	vst.idx.msk $0xffff, v3;
	v3 =	vmul.f32 $5.656854150e+00, v37;
	v47 =	vld [tilespmem:s10+$0x10]  }
0x1ee: {  	v50 =	vor.u32 s4, v1;
	v49 =	vld [tilespmem:s10+$0x30];
	[tilespmem:v38+s6+$0x0] =	vst.idx.msk $0xffff, v2;
	v2 =	vmul.f32 $5.656854150e+00, v39  }
0x1ef: {  	v51 =	vor.u32 s9, v1;
	v52 =	vld [tilespmem:s10+$0x50];
	[tilespmem:v41+s6+$0x0] =	vst.idx.msk $0xffff, v3;
	v3 =	vmul.f32 $5.656854150e+00, v42  }
0x1f0: {  	v53 =	vor.u32 s29, v1;
	v54 =	vld [tilespmem:s10+$0x70];
	[tilespmem:v43+s6+$0x0] =	vst.idx.msk $0xffff, v2;
	v2 =	vmul.f32 $5.656854150e+00, v44  }
0x1f1: {  	v55 =	vor.u32 s7, v1;
	v56 =	vld [tilespmem:s10+$0x90];
	[tilespmem:v45+s6+$0x0] =	vst.idx.msk $0xffff, v3;
	v3 =	vmul.f32 $5.656854150e+00, v46  }
0x1f2: {  	v58 =	vor.u32 s12, v1;
	v59 =	vld [tilespmem:s10+$0xB0];
	[tilespmem:v48+s6+$0x0] =	vst.idx.msk $0xffff, v2;
	v57 =	vmul.f32 $5.656854150e+00, v47  }
0x1f3: {  	v60 =	vor.u32 s13, v1;
	v2 =	vmul.f32 $5.656854150e+00, v49;
	v61 =	vld [tilespmem:s10+$0xD0];
	[tilespmem:v50+s6+$0x0] =	vst.idx.msk $0xffff, v3  }
0x1f4: {  	v62 =	vor.u32 s14, v1;
	v3 =	vmul.f32 $5.656854150e+00, v52;
	[tilespmem:v51+s6+$0x0] =	vst.idx.msk $0xffff, v57  }
0x1f5: {  	v63 =	vor.u32 s16, v1;
	[tilespmem:v53+s6+$0x0] =	vst.idx.msk $0xffff, v2;
	v2 =	vmul.f32 $5.656854150e+00, v54  }
0x1f6: {  	p2 =	por $0x1, $0x1;
	[tilespmem:v55+s6+$0x0] =	vst.idx.msk $0xffff, v3;
	v3 =	vmul.f32 $5.656854150e+00, v56  }
.Ltmp12:
0x1f7: {  	[tilespmem:v58+s6+$0x0] =	vst.idx.msk $0xffff, v2;
	v2 =	vmul.f32 $5.656854150e+00, v59;
	(pc) =	sbr.rel @!p2 .LBB2_22-.Ltmp12, $4  }
0x1f8: {  	[tilespmem:v60+s6+$0x0] =	vst.idx.msk $0xffff, v3;
	v3 =	vmul.f32 $5.656854150e+00, v61  }
0x1f9: {  	[tilespmem:v62+s6+$0x0] =	vst.idx.msk $0xffff, v2  }
0x1fa: {  	s4 =	simm.s32 $0x6600;
	[tilespmem:v63+s6+$0x0] =	vst.idx.msk $0xffff, v3  }
0x1fb: {  	s25 =	simm.s32 $0x0;
	s9 =	simm.s32 $0x8;
	p1 =	por $0x0, $0x0;
	v2 =	vld [tilespmem:s4+$0xE0]  }
0x1fc: {  	v3 =	vld [tilespmem:s4+$0x0];
	s2 =	simm.s32 $0x7  }
0x1fd: {  	v7 =	vld [tilespmem:s4+$0x40];
	v5 =	vor.u32 s2, v0  }
0x1fe: {  	v4 =	vld [tilespmem:s4+$0x20];
	v6 =	vor.u32 s25, v0;
	s10 =	simm.s32 $0x2  }
0x1ff: {  	s7 =	simm.s32 $0x1;
	v11 =	vld [tilespmem:s4+$0x80];
	v10 =	vor.u32 s10, v0  }
0x200: {  	v9 =	vld [tilespmem:s4+$0x60];
	s14 =	simm.s32 $0x4;
	v8 =	vor.u32 s7, v0;
	v2 =	vmul.f32 $5.656854150e+00, v2  }
0x201: {  	s13 =	simm.s32 $0x3;
	v15 =	vld [tilespmem:s4+$0xC0];
	v14 =	vor.u32 s14, v0;
	v3 =	vmul.f32 $5.656854150e+00, v3  }
0x202: {  	v13 =	vld [tilespmem:s4+$0xA0];
	s12 =	simm.s32 $0x6;
	v12 =	vor.u32 s13, v0;
	[tilespmem:v5+s8+$0x0] =	vst.idx.msk $0xffff, v2;
	v2 =	vmul.f32 $5.656854150e+00, v7  }
0x203: {  	s16 =	simm.s32 $0x5;
	v4 =	vmul.f32 $5.656854150e+00, v4;
	v7 =	vor.u32 s12, v0;
	[tilespmem:v6+s8+$0x0] =	vst.idx.msk $0xffff, v3  }
0x204: {  	v5 =	vor.u32 s16, v0;
	v6 =	vld [tilespmem:s4+$0xF0];
	[tilespmem:v10+s8+$0x0] =	vst.idx.msk $0xffff, v2;
	v2 =	vmul.f32 $5.656854150e+00, v11  }
0x205: {  	[tilespmem:v8+s8+$0x0] =	vst.idx.msk $0xffff, v4;
	v3 =	vmul.f32 $5.656854150e+00, v9;
	v16 =	vld [tilespmem:s4+$0x10]  }
0x206: {  	v9 =	vld [tilespmem:s4+$0x30];
	v11 =	vor.u32 s2, v1;
	[tilespmem:v14+s8+$0x0] =	vst.idx.msk $0xffff, v2;
	v2 =	vmul.f32 $5.656854150e+00, v15  }
0x207: {  	p4 =	por $0x1, $0x1;
	v8 =	vmul.f32 $5.656854150e+00, v13;
	v13 =	vor.u32 s25, v1;
	v17 =	vld [tilespmem:s4+$0x50];
	[tilespmem:v12+s8+$0x0] =	vst.idx.msk $0xffff, v3  }
.Ltmp13:
0x208: {  	v3 =	vld [tilespmem:s4+$0x70];
	[tilespmem:v7+s8+$0x0] =	vst.idx.msk $0xffff, v2;
	v7 =	vor.u32 s7, v1;
	(pc) =	sbr.rel @!p4 .LBB2_24-.Ltmp13, $4  }
0x209: {  	v10 =	vor.u32 s10, v1;
	v4 =	vld [tilespmem:s4+$0x90];
	[tilespmem:v5+s8+$0x0] =	vst.idx.msk $0xffff, v8;
	v14 =	vmul.f32 $5.656854150e+00, v6  }
0x20a: {  	v8 =	vor.u32 s13, v1;
	v5 =	vld [tilespmem:s4+$0xB0];
	v15 =	vmul.f32 $5.656854150e+00, v16  }
0x20b: {  	v6 =	vld [tilespmem:s4+$0xD0];
	v12 =	vmul.f32 $5.656854150e+00, v9;
	s4 =	simm.s32 $0x6700;
	v9 =	vor.u32 s14, v1;
	[tilespmem:v11+s8+$0x0] =	vst.idx.msk $0xffff, v14  }
0x20c: {  	p3 =	por $0x1, $0x1;
	s10 =	simm.s32 $0x8;
	s13 =	simm.s32 $0x10;
	v2 =	vld [tilespmem:s4+$0xE0];
	v11 =	vor.u32 s16, v1;
	[tilespmem:v13+s8+$0x0] =	vst.idx.msk $0xffff, v15;
	v13 =	vmul.f32 $5.656854150e+00, v17  }
.LBB2_25:
0x20d: {  	p4 =	slt.u32 s13, $0x78;
	v14 =	vld [tilespmem:s4+$0x0];
	s2 =	sadd.s32 $0x7, s10;
	[tilespmem:v7+s8+$0x0] =	vst.idx.msk $0xffff, v12;
	v3 =	vmul.f32 $5.656854150e+00, v3;
	v7 =	vor.u32 s12, v1  }
0x20e: {  	v12 =	vld [tilespmem:s4+$0x20];
	v15 =	vor.u32 s2, v0;
	[tilespmem:v10+s8+$0x0] =	vst.idx.msk $0xffff, v13;
	v4 =	vmul.f32 $5.656854150e+00, v4  }
0x20f: {  	s7 =	sadd.s32 $0x1, s10;
	v10 =	vor.u32 s10, v0;
	v13 =	vld [tilespmem:s4+$0x40];
	[tilespmem:v8+s8+$0x0] =	vst.idx.msk $0xffff, v3;
	v3 =	vmul.f32 $5.656854150e+00, v5  }
0x210: {  	s14 =	sadd.s32 $0x2, s10;
	v5 =	vor.u32 s7, v0;
	v8 =	vld [tilespmem:s4+$0x60];
	[tilespmem:v9+s8+$0x0] =	vst.idx.msk $0xffff, v4;
	v4 =	vmul.f32 $5.656854150e+00, v6  }
0x211: {  	s16 =	sadd.s32 $0x3, s10;
	v6 =	vor.u32 s14, v0;
	v9 =	vld [tilespmem:s4+$0x80];
	v2 =	vmul.f32 $5.656854150e+00, v2;
	[tilespmem:v11+s8+$0x0] =	vst.idx.msk $0xffff, v3  }
0x212: {  	s17 =	sadd.s32 $0x4, s10;
	v11 =	vor.u32 s16, v0;
	v3 =	vmul.f32 $5.656854150e+00, v14;
	v14 =	vld [tilespmem:s4+$0xA0];
	[tilespmem:v7+s8+$0x0] =	vst.idx.msk $0xffff, v4  }
0x213: {  	s18 =	sadd.s32 $0x5, s10;
	v4 =	vmul.f32 $5.656854150e+00, v12;
	v12 =	vor.u32 s17, v0;
	v16 =	vld [tilespmem:s4+$0xC0];
	[tilespmem:v15+s8+$0x0] =	vst.idx.msk $0xffff, v2  }
0x214: {  	s12 =	sadd.s32 $0x6, s10;
	[tilespmem:v10+s8+$0x0] =	vst.idx.msk $0xffff, v3;
	v2 =	vmul.f32 $5.656854150e+00, v13;
	v13 =	vor.u32 s18, v0;
	v15 =	vld [tilespmem:s4+$0xF0]  }
0x215: {  	v18 =	vor.u32 s12, v0;
	v17 =	vld [tilespmem:s4+$0x10];
	[tilespmem:v5+s8+$0x0] =	vst.idx.msk $0xffff, v4;
	v3 =	vmul.f32 $5.656854150e+00, v8  }
0x216: {  	v20 =	vor.u32 s2, v1;
	v19 =	vld [tilespmem:s4+$0x30];
	[tilespmem:v6+s8+$0x0] =	vst.idx.msk $0xffff, v2;
	v2 =	vmul.f32 $5.656854150e+00, v9  }
0x217: {  	v21 =	vor.u32 s10, v1;
	s10 =	smov.u32 s13;
	v22 =	vld [tilespmem:s4+$0x50];
	[tilespmem:v11+s8+$0x0] =	vst.idx.msk $0xffff, v3;
	v5 =	vmul.f32 $5.656854150e+00, v14  }
.Ltmp14:
0x218: {  	v7 =	vor.u32 s7, v1;
	v3 =	vld [tilespmem:s4+$0x70];
	[tilespmem:v12+s8+$0x0] =	vst.idx.msk $0xffff, v2;
	v2 =	vmul.f32 $5.656854150e+00, v16;
	(pc) =	sbr.rel @p4 .LBB2_25-.Ltmp14, $4  }
0x219: {  	v10 =	vor.u32 s14, v1;
	v4 =	vld [tilespmem:s4+$0x90];
	[tilespmem:v13+s8+$0x0] =	vst.idx.msk $0xffff, v5;
	v11 =	vmul.f32 $5.656854150e+00, v15  }
0x21a: {  	v8 =	vor.u32 s16, v1;
	v13 =	vmul.f32 $5.656854150e+00, v17;
	v5 =	vld [tilespmem:s4+$0xB0];
	[tilespmem:v18+s8+$0x0] =	vst.idx.msk $0xffff, v2  }
0x21b: {  	v9 =	vor.u32 s17, v1;
	v12 =	vmul.f32 $5.656854150e+00, v19;
	v6 =	vld [tilespmem:s4+$0xD0];
	[tilespmem:v20+s8+$0x0] =	vst.idx.msk $0xffff, v11;
	s4 =	sadd.s32 $0x100, s4  }
0x21c: {  	s13 =	sadd.s32 $0x8, s13;
	v11 =	vor.u32 s18, v1;
	v2 =	vld [tilespmem:s4+$0xE0];
	[tilespmem:v21+s8+$0x0] =	vst.idx.msk $0xffff, v13;
	v13 =	vmul.f32 $5.656854150e+00, v22  }
.LBB2_26:
0x21d: {  	_ =	sdelay $0x3  }
0x21e: {  	v14 =	vld [tilespmem:s4+$0x0];
	s2 =	sadd.s32 $0x7, s10;
	[tilespmem:v7+s8+$0x0] =	vst.idx.msk @p3 $0xffff, v12;
	v3 =	vmul.f32 @p3 $5.656854150e+00, v3;
	v7 =	vor.u32 @p3 s12, v1  }
0x21f: {  	v32 =	vld [tilespmem:s4+$0x20];
	v15 =	vor.u32 s2, v0;
	[tilespmem:v10+s8+$0x0] =	vst.idx.msk @p3 $0xffff, v13;
	v4 =	vmul.f32 @p3 $5.656854150e+00, v4  }
0x220: {  	v33 =	vor.u32 s10, v0;
	s7 =	sadd.s32 $0x1, s10;
	v34 =	vld [tilespmem:s4+$0x40];
	[tilespmem:v8+s8+$0x0] =	vst.idx.msk @p3 $0xffff, v3;
	v3 =	vmul.f32 @p3 $5.656854150e+00, v5  }
0x221: {  	s29 =	sadd.s32 $0x2, s10;
	v36 =	vld [tilespmem:s4+$0x60];
	v35 =	vor.u32 s7, v0;
	[tilespmem:v9+s8+$0x0] =	vst.idx.msk @p3 $0xffff, v4;
	v4 =	vmul.f32 @p3 $5.656854150e+00, v6  }
0x222: {  	s13 =	sadd.s32 $0x3, s10;
	v38 =	vld [tilespmem:s4+$0x80];
	v37 =	vor.u32 s29, v0;
	v2 =	vmul.f32 $5.656854150e+00, v2;
	[tilespmem:v11+s8+$0x0] =	vst.idx.msk @p3 $0xffff, v3  }
0x223: {  	s14 =	sadd.s32 $0x4, s10;
	v40 =	vld [tilespmem:s4+$0xA0];
	v39 =	vor.u32 s13, v0;
	v3 =	vmul.f32 $5.656854150e+00, v14;
	[tilespmem:v7+s8+$0x0] =	vst.idx.msk @p3 $0xffff, v4  }
0x224: {  	s16 =	sadd.s32 $0x5, s10;
	v43 =	vld [tilespmem:s4+$0xC0];
	v42 =	vor.u32 s14, v0;
	v41 =	vmul.f32 $5.656854150e+00, v32;
	[tilespmem:v15+s8+$0x0] =	vst.idx.msk $0xffff, v2  }
0x225: {  	s17 =	sadd.s32 $0x6, s10;
	v2 =	vmul.f32 $5.656854150e+00, v34;
	[tilespmem:v33+s8+$0x0] =	vst.idx.msk $0xffff, v3;
	v3 =	vor.u32 s16, v0;
	v44 =	vld [tilespmem:s4+$0xF0]  }
0x226: {  	v47 =	vor.u32 s17, v0;
	v46 =	vmul.f32 $5.656854150e+00, v36;
	[tilespmem:v35+s8+$0x0] =	vst.idx.msk $0xffff, v41;
	v45 =	vld [tilespmem:s4+$0x10]  }
0x227: {  	v49 =	vor.u32 s2, v1;
	v48 =	vld [tilespmem:s4+$0x30];
	[tilespmem:v37+s8+$0x0] =	vst.idx.msk $0xffff, v2;
	v2 =	vmul.f32 $5.656854150e+00, v38  }
0x228: {  	v50 =	vor.u32 s10, v1;
	v52 =	vmul.f32 $5.656854150e+00, v40;
	[tilespmem:v39+s8+$0x0] =	vst.idx.msk $0xffff, v46;
	v51 =	vld [tilespmem:s4+$0x50]  }
0x229: {  	v53 =	vor.u32 s7, v1;
	v54 =	vld [tilespmem:s4+$0x70];
	[tilespmem:v42+s8+$0x0] =	vst.idx.msk $0xffff, v2;
	v2 =	vmul.f32 $5.656854150e+00, v43  }
0x22a: {  	v55 =	vor.u32 s29, v1;
	v56 =	vld [tilespmem:s4+$0x90];
	[tilespmem:v3+s8+$0x0] =	vst.idx.msk $0xffff, v52;
	v3 =	vmul.f32 $5.656854150e+00, v44  }
0x22b: {  	v58 =	vor.u32 s13, v1;
	[tilespmem:v47+s8+$0x0] =	vst.idx.msk $0xffff, v2;
	v57 =	vmul.f32 $5.656854150e+00, v45;
	v59 =	vld [tilespmem:s4+$0xB0]  }
0x22c: {  	v60 =	vor.u32 s14, v1;
	v2 =	vmul.f32 $5.656854150e+00, v48;
	v61 =	vld [tilespmem:s4+$0xD0];
	[tilespmem:v49+s8+$0x0] =	vst.idx.msk $0xffff, v3  }
0x22d: {  	v62 =	vor.u32 s16, v1;
	v3 =	vmul.f32 $5.656854150e+00, v51;
	[tilespmem:v50+s8+$0x0] =	vst.idx.msk $0xffff, v57  }
0x22e: {  	v63 =	vor.u32 s17, v1;
	[tilespmem:v53+s8+$0x0] =	vst.idx.msk $0xffff, v2;
	v2 =	vmul.f32 $5.656854150e+00, v54  }
0x22f: {  	[tilespmem:v55+s8+$0x0] =	vst.idx.msk $0xffff, v3;
	v3 =	vmul.f32 $5.656854150e+00, v56  }
.Ltmp15:
0x230: {  	[tilespmem:v58+s8+$0x0] =	vst.idx.msk $0xffff, v2;
	v2 =	vmul.f32 $5.656854150e+00, v59;
	(pc) =	sbr.rel @!p2 .LBB2_27-.Ltmp15, $4  }
0x231: {  	[tilespmem:v60+s8+$0x0] =	vst.idx.msk $0xffff, v3;
	v3 =	vmul.f32 $5.656854150e+00, v61  }
0x232: {  	[tilespmem:v62+s8+$0x0] =	vst.idx.msk $0xffff, v2  }
0x233: {  	s4 =	simm.s32 $0x7600;
	[tilespmem:v63+s8+$0x0] =	vst.idx.msk $0xffff, v3  }
0x234: {  	v2 =	vld [tilespmem:s4+$0xE0]  }
0x235: {  	v3 =	vld [tilespmem:s4+$0x0];
	s2 =	simm.s32 $0x7  }
0x236: {  	v7 =	vld [tilespmem:s4+$0x40];
	v5 =	vor.u32 s2, v0  }
0x237: {  	v4 =	vld [tilespmem:s4+$0x20];
	v6 =	vor.u32 s25, v0;
	s12 =	simm.s32 $0x2  }
0x238: {  	s7 =	simm.s32 $0x1;
	v11 =	vld [tilespmem:s4+$0x80];
	v10 =	vor.u32 s12, v0  }
0x239: {  	v9 =	vld [tilespmem:s4+$0x60];
	s14 =	simm.s32 $0x4;
	v8 =	vor.u32 s7, v0;
	v2 =	vmul.f32 $5.656854150e+00, v2  }
0x23a: {  	s13 =	simm.s32 $0x3;
	v15 =	vld [tilespmem:s4+$0xC0];
	v14 =	vor.u32 s14, v0;
	v3 =	vmul.f32 $5.656854150e+00, v3  }
0x23b: {  	v13 =	vld [tilespmem:s4+$0xA0];
	s10 =	simm.s32 $0x6;
	v12 =	vor.u32 s13, v0;
	[tilespmem:v5+s26+$0x0] =	vst.idx.msk $0xffff, v2;
	v2 =	vmul.f32 $5.656854150e+00, v7  }
0x23c: {  	s16 =	simm.s32 $0x5;
	v4 =	vmul.f32 $5.656854150e+00, v4;
	v7 =	vor.u32 s10, v0;
	[tilespmem:v6+s26+$0x0] =	vst.idx.msk $0xffff, v3  }
0x23d: {  	v5 =	vor.u32 s16, v0;
	v6 =	vld [tilespmem:s4+$0xF0];
	[tilespmem:v10+s26+$0x0] =	vst.idx.msk $0xffff, v2;
	v2 =	vmul.f32 $5.656854150e+00, v11  }
0x23e: {  	[tilespmem:v8+s26+$0x0] =	vst.idx.msk $0xffff, v4;
	v3 =	vmul.f32 $5.656854150e+00, v9;
	v16 =	vld [tilespmem:s4+$0x10]  }
0x23f: {  	v9 =	vld [tilespmem:s4+$0x30];
	v11 =	vor.u32 s2, v1;
	[tilespmem:v14+s26+$0x0] =	vst.idx.msk $0xffff, v2;
	v2 =	vmul.f32 $5.656854150e+00, v15  }
0x240: {  	p2 =	por $0x1, $0x1;
	v8 =	vmul.f32 $5.656854150e+00, v13;
	v13 =	vor.u32 s25, v1;
	v17 =	vld [tilespmem:s4+$0x50];
	[tilespmem:v12+s26+$0x0] =	vst.idx.msk $0xffff, v3  }
.Ltmp16:
0x241: {  	v3 =	vld [tilespmem:s4+$0x70];
	[tilespmem:v7+s26+$0x0] =	vst.idx.msk $0xffff, v2;
	v7 =	vor.u32 s7, v1;
	(pc) =	sbr.rel @!p2 .LBB2_29-.Ltmp16, $4  }
0x242: {  	v10 =	vor.u32 s12, v1;
	v4 =	vld [tilespmem:s4+$0x90];
	[tilespmem:v5+s26+$0x0] =	vst.idx.msk $0xffff, v8;
	v14 =	vmul.f32 $5.656854150e+00, v6  }
0x243: {  	v8 =	vor.u32 s13, v1;
	v5 =	vld [tilespmem:s4+$0xB0];
	v15 =	vmul.f32 $5.656854150e+00, v16  }
0x244: {  	v6 =	vld [tilespmem:s4+$0xD0];
	v12 =	vmul.f32 $5.656854150e+00, v9;
	s4 =	simm.s32 $0x7700;
	v9 =	vor.u32 s14, v1;
	[tilespmem:v11+s26+$0x0] =	vst.idx.msk $0xffff, v14  }
0x245: {  	p1 =	por $0x1, $0x1;
	s12 =	simm.s32 $0x10;
	v2 =	vld [tilespmem:s4+$0xE0];
	v11 =	vor.u32 s16, v1;
	[tilespmem:v13+s26+$0x0] =	vst.idx.msk $0xffff, v15;
	v13 =	vmul.f32 $5.656854150e+00, v17  }
.LBB2_30:
0x246: {  	p2 =	slt.u32 s12, $0x78;
	v14 =	vld [tilespmem:s4+$0x0];
	s2 =	sadd.s32 $0x7, s9;
	[tilespmem:v7+s26+$0x0] =	vst.idx.msk $0xffff, v12;
	v3 =	vmul.f32 $5.656854150e+00, v3;
	v7 =	vor.u32 s10, v1  }
0x247: {  	v12 =	vld [tilespmem:s4+$0x20];
	v15 =	vor.u32 s2, v0;
	[tilespmem:v10+s26+$0x0] =	vst.idx.msk $0xffff, v13;
	v4 =	vmul.f32 $5.656854150e+00, v4  }
0x248: {  	s7 =	sadd.s32 $0x1, s9;
	v10 =	vor.u32 s9, v0;
	v13 =	vld [tilespmem:s4+$0x40];
	[tilespmem:v8+s26+$0x0] =	vst.idx.msk $0xffff, v3;
	v3 =	vmul.f32 $5.656854150e+00, v5  }
0x249: {  	s13 =	sadd.s32 $0x2, s9;
	v5 =	vor.u32 s7, v0;
	v8 =	vld [tilespmem:s4+$0x60];
	[tilespmem:v9+s26+$0x0] =	vst.idx.msk $0xffff, v4;
	v4 =	vmul.f32 $5.656854150e+00, v6  }
0x24a: {  	s14 =	sadd.s32 $0x3, s9;
	v6 =	vor.u32 s13, v0;
	v9 =	vld [tilespmem:s4+$0x80];
	v2 =	vmul.f32 $5.656854150e+00, v2;
	[tilespmem:v11+s26+$0x0] =	vst.idx.msk $0xffff, v3  }
0x24b: {  	s16 =	sadd.s32 $0x4, s9;
	v11 =	vor.u32 s14, v0;
	v3 =	vmul.f32 $5.656854150e+00, v14;
	v14 =	vld [tilespmem:s4+$0xA0];
	[tilespmem:v7+s26+$0x0] =	vst.idx.msk $0xffff, v4  }
0x24c: {  	s17 =	sadd.s32 $0x5, s9;
	v4 =	vmul.f32 $5.656854150e+00, v12;
	v12 =	vor.u32 s16, v0;
	v16 =	vld [tilespmem:s4+$0xC0];
	[tilespmem:v15+s26+$0x0] =	vst.idx.msk $0xffff, v2  }
0x24d: {  	s10 =	sadd.s32 $0x6, s9;
	[tilespmem:v10+s26+$0x0] =	vst.idx.msk $0xffff, v3;
	v2 =	vmul.f32 $5.656854150e+00, v13;
	v13 =	vor.u32 s17, v0;
	v15 =	vld [tilespmem:s4+$0xF0]  }
0x24e: {  	v18 =	vor.u32 s10, v0;
	v17 =	vld [tilespmem:s4+$0x10];
	[tilespmem:v5+s26+$0x0] =	vst.idx.msk $0xffff, v4;
	v3 =	vmul.f32 $5.656854150e+00, v8  }
0x24f: {  	v20 =	vor.u32 s2, v1;
	v19 =	vld [tilespmem:s4+$0x30];
	[tilespmem:v6+s26+$0x0] =	vst.idx.msk $0xffff, v2;
	v2 =	vmul.f32 $5.656854150e+00, v9  }
0x250: {  	v21 =	vor.u32 s9, v1;
	s9 =	smov.u32 s12;
	v22 =	vld [tilespmem:s4+$0x50];
	[tilespmem:v11+s26+$0x0] =	vst.idx.msk $0xffff, v3;
	v5 =	vmul.f32 $5.656854150e+00, v14  }
.Ltmp17:
0x251: {  	v7 =	vor.u32 s7, v1;
	v3 =	vld [tilespmem:s4+$0x70];
	[tilespmem:v12+s26+$0x0] =	vst.idx.msk $0xffff, v2;
	v2 =	vmul.f32 $5.656854150e+00, v16;
	(pc) =	sbr.rel @p2 .LBB2_30-.Ltmp17, $4  }
0x252: {  	v10 =	vor.u32 s13, v1;
	v4 =	vld [tilespmem:s4+$0x90];
	[tilespmem:v13+s26+$0x0] =	vst.idx.msk $0xffff, v5;
	v11 =	vmul.f32 $5.656854150e+00, v15  }
0x253: {  	v8 =	vor.u32 s14, v1;
	v13 =	vmul.f32 $5.656854150e+00, v17;
	v5 =	vld [tilespmem:s4+$0xB0];
	[tilespmem:v18+s26+$0x0] =	vst.idx.msk $0xffff, v2  }
0x254: {  	v9 =	vor.u32 s16, v1;
	v12 =	vmul.f32 $5.656854150e+00, v19;
	v6 =	vld [tilespmem:s4+$0xD0];
	[tilespmem:v20+s26+$0x0] =	vst.idx.msk $0xffff, v11;
	s4 =	sadd.s32 $0x100, s4  }
0x255: {  	s12 =	sadd.s32 $0x8, s12;
	v11 =	vor.u32 s17, v1;
	v2 =	vld [tilespmem:s4+$0xE0];
	[tilespmem:v21+s26+$0x0] =	vst.idx.msk $0xffff, v13;
	v13 =	vmul.f32 $5.656854150e+00, v22  }
0x256: {  	s25 =	smov.u32 s9  }
.LBB2_32:
0x257: {  	_ =	sdelay $0x3  }
0x258: {  	v14 =	vld [tilespmem:s4+$0x0];
	s2 =	sadd.s32 $0x7, s25;
	[tilespmem:v7+s26+$0x0] =	vst.idx.msk @p1 $0xffff, v12;
	v3 =	vmul.f32 @p1 $5.656854150e+00, v3;
	v7 =	vor.u32 @p1 s10, v1  }
0x259: {  	v30 =	vld [tilespmem:s4+$0x20];
	[tilespmem:v10+s26+$0x0] =	vst.idx.msk @p1 $0xffff, v13;
	v4 =	vmul.f32 @p1 $5.656854150e+00, v4;
	v15 =	vor.u32 s2, v0  }
0x25a: {  	v31 =	vor.u32 s25, v0;
	s7 =	sadd.s32 $0x1, s25;
	v32 =	vld [tilespmem:s4+$0x40];
	[tilespmem:v8+s26+$0x0] =	vst.idx.msk @p1 $0xffff, v3;
	v3 =	vmul.f32 @p1 $5.656854150e+00, v5  }
0x25b: {  	s9 =	sadd.s32 $0x2, s25;
	v34 =	vld [tilespmem:s4+$0x60];
	v33 =	vor.u32 s7, v0;
	[tilespmem:v9+s26+$0x0] =	vst.idx.msk @p1 $0xffff, v4;
	v4 =	vmul.f32 @p1 $5.656854150e+00, v6  }
0x25c: {  	s24 =	sadd.s32 $0x3, s25;
	v36 =	vld [tilespmem:s4+$0x80];
	v35 =	vor.u32 s9, v0;
	v2 =	vmul.f32 $5.656854150e+00, v2;
	[tilespmem:v11+s26+$0x0] =	vst.idx.msk @p1 $0xffff, v3  }
0x25d: {  	s12 =	sadd.s32 $0x4, s25;
	v38 =	vld [tilespmem:s4+$0xA0];
	v37 =	vor.u32 s24, v0;
	v3 =	vmul.f32 $5.656854150e+00, v14;
	[tilespmem:v7+s26+$0x0] =	vst.idx.msk @p1 $0xffff, v4  }
0x25e: {  	s13 =	sadd.s32 $0x5, s25;
	v41 =	vld [tilespmem:s4+$0xC0];
	v40 =	vor.u32 s12, v0;
	v39 =	vmul.f32 $5.656854150e+00, v30;
	[tilespmem:v15+s26+$0x0] =	vst.idx.msk $0xffff, v2  }
0x25f: {  	s14 =	sadd.s32 $0x6, s25;
	v2 =	vmul.f32 $5.656854150e+00, v32;
	[tilespmem:v31+s26+$0x0] =	vst.idx.msk $0xffff, v3;
	v3 =	vor.u32 s13, v0;
	v42 =	vld [tilespmem:s4+$0xF0]  }
0x260: {  	v45 =	vor.u32 s14, v0;
	v44 =	vmul.f32 $5.656854150e+00, v34;
	[tilespmem:v33+s26+$0x0] =	vst.idx.msk $0xffff, v39;
	v43 =	vld [tilespmem:s4+$0x10]  }
0x261: {  	v46 =	vor.u32 s2, v1;
	v47 =	vld [tilespmem:s4+$0x30];
	[tilespmem:v35+s26+$0x0] =	vst.idx.msk $0xffff, v2;
	v2 =	vmul.f32 $5.656854150e+00, v36  }
0x262: {  	v48 =	vor.u32 s25, v1;
	v50 =	vmul.f32 $5.656854150e+00, v38;
	[tilespmem:v37+s26+$0x0] =	vst.idx.msk $0xffff, v44;
	v49 =	vld [tilespmem:s4+$0x50]  }
0x263: {  	v51 =	vor.u32 s7, v1;
	v52 =	vld [tilespmem:s4+$0x70];
	[tilespmem:v40+s26+$0x0] =	vst.idx.msk $0xffff, v2;
	v2 =	vmul.f32 $5.656854150e+00, v41  }
0x264: {  	v53 =	vor.u32 s9, v1;
	v54 =	vld [tilespmem:s4+$0x90];
	[tilespmem:v3+s26+$0x0] =	vst.idx.msk $0xffff, v50;
	v3 =	vmul.f32 $5.656854150e+00, v42  }
0x265: {  	v55 =	vor.u32 s24, v1;
	[tilespmem:v45+s26+$0x0] =	vst.idx.msk $0xffff, v2;
	v56 =	vmul.f32 $5.656854150e+00, v43  }
0x266: {  	v2 =	vor.u32 s12, v1;
	v58 =	vmul.f32 $5.656854150e+00, v47;
	[tilespmem:v46+s26+$0x0] =	vst.idx.msk $0xffff, v3  }
0x267: {  	v57 =	vld [tilespmem:s4+$0xB0];
	v3 =	vmul.f32 $5.656854150e+00, v49;
	[tilespmem:v48+s26+$0x0] =	vst.idx.msk $0xffff, v56  }
0x268: {  	v59 =	vld [tilespmem:s4+$0xD0];
	v61 =	vmul.f32 $5.656854150e+00, v52;
	[tilespmem:v51+s26+$0x0] =	vst.idx.msk $0xffff, v58  }
0x269: {  	v60 =	vor.u32 s13, v1;
	[tilespmem:v53+s26+$0x0] =	vst.idx.msk $0xffff, v3;
	v3 =	vmul.f32 $5.656854150e+00, v54  }
0x26a: {  	v62 =	vor.u32 s14, v1;
	[tilespmem:v55+s26+$0x0] =	vst.idx.msk $0xffff, v61  }
0x26b: {  	[tilespmem:v2+s26+$0x0] =	vst.idx.msk $0xffff, v3  }
0x26c: {  	s2 =	sadd.s32 $0x80000, s11;
	v63 =	vmul.f32 $5.656854150e+00, v57;
	s28 =	rddreg [dreg:$0x8]  }
0x26d: {  	v2 =	vmul.f32 $5.656854150e+00, v59;
	s4 =	sor.u32 s28, s2  }
0x26e: {  	s9 =	rddreg [dreg:$0x1];
	[tilespmem:v60+s26+$0x0] =	vst.idx.msk $0xffff, v63;
	s4 =	sshrl.u32 s4, $0x3  }
0x26f: {  	[tilespmem:v62+s26+$0x0] =	vst.idx.msk $0xffff, v2;
	s4 =	sadd.s32 s9, s4  }
0x270: {  	[hbm4b:s4+s3] =	stream.linear.scatter [tilespmem:s15], [sflag:$0x5], $0x400, $0x38;
	[tilespmem:$0x18600] =	vst v63  }
0x271: {  	s29 =	sadd.s32 $0x4000, s4  }
0x272: {  	[hbm4b:s29+s3] =	stream.linear.scatter [tilespmem:s6], [sflag:$0x5], $0x400, $0x38;
	[tilespmem:$0x18600] =	vst v63  }
0x273: {  	s10 =	sadd.s32 $0x8000, s4  }
0x274: {  	[hbm4b:s10+s3] =	stream.linear.scatter [tilespmem:s8], [sflag:$0x5], $0x400, $0x38;
	[tilespmem:$0x18600] =	vst v63  }
0x275: {  	s12 =	rddreg [dreg:$0xa];
	s4 =	sadd.s32 $0xC000, s4  }
0x276: {  	[hbm4b:s4+s3] =	stream.linear.scatter [tilespmem:s26], [sflag:$0x5], $0x400, $0x38;
	[tilespmem:$0x18600] =	vst v63  }
0x277: {  	s4 =	sor.u32 s12, s2  }
0x278: {  	s4 =	sshrl.u32 s4, $0x3  }
0x279: {  	s13 =	simm.s32 $0x10A00;
	s4 =	sadd.s32 s9, s4  }
0x27a: {  	[hbm4b:s4+s3] =	stream.linear.scatter [tilespmem:s13], [sflag:$0x5], $0x400, $0x38;
	[tilespmem:$0x18600] =	vst v63  }
0x27b: {  	s16 =	simm.s32 $0x11A00;
	s14 =	sadd.s32 $0x4000, s4  }
0x27c: {  	[hbm4b:s14+s3] =	stream.linear.scatter [tilespmem:s16], [sflag:$0x5], $0x400, $0x38;
	[tilespmem:$0x18600] =	vst v63  }
0x27d: {  	s18 =	simm.s32 $0x12A00;
	s17 =	sadd.s32 $0x8000, s4  }
0x27e: {  	[hbm4b:s17+s3] =	stream.linear.scatter [tilespmem:s18], [sflag:$0x5], $0x400, $0x38;
	[tilespmem:$0x18600] =	vst v63  }
0x27f: {  	s19 =	simm.s32 $0x13A00;
	s24 =	rddreg [dreg:$0xb];
	s4 =	sadd.s32 $0xC000, s4  }
0x280: {  	[hbm4b:s4+s3] =	stream.linear.scatter [tilespmem:s19], [sflag:$0x5], $0x400, $0x38;
	[tilespmem:$0x18600] =	vst v63  }
0x281: {  	s4 =	sor.u32 s24, s2  }
0x282: {  	s4 =	sshrl.u32 s4, $0x3  }
0x283: {  	s25 =	simm.s32 $0x10E00;
	s4 =	sadd.s32 s9, s4  }
0x284: {  	[hbm4b:s4+s3] =	stream.linear.scatter [tilespmem:s25], [sflag:$0x5], $0x400, $0x38;
	[tilespmem:$0x18600] =	vst v63  }
0x285: {  	s29 =	simm.s32 $0x11E00;
	s16 =	rddreg [dreg:$0xc];
	s28 =	sadd.s32 $0x4000, s4  }
0x286: {  	[hbm4b:s28+s3] =	stream.linear.scatter [tilespmem:s29], [sflag:$0x5], $0x400, $0x38;
	[tilespmem:$0x18600] =	vst v63  }
0x287: {  	s13 =	simm.s32 $0x12E00;
	s2 =	sor.u32 s16, s2;
	s12 =	sadd.s32 $0x8000, s4  }
0x288: {  	[hbm4b:s12+s3] =	stream.linear.scatter [tilespmem:s13], [sflag:$0x5], $0x400, $0x38;
	[tilespmem:$0x18600] =	vst v63  }
0x289: {  	s14 =	simm.s32 $0x13E00;
	s2 =	sshrl.u32 s2, $0x3;
	s4 =	sadd.s32 $0xC000, s4  }
0x28a: {  	[hbm4b:s4+s3] =	stream.linear.scatter [tilespmem:s14], [sflag:$0x5], $0x400, $0x38;
	[tilespmem:$0x18600] =	vst v63  }
0x28b: {  	s17 =	simm.s32 $0x11200;
	s2 =	sadd.s32 s9, s2  }
0x28c: {  	[hbm4b:s2+s3] =	stream.linear.scatter [tilespmem:s17], [sflag:$0x5], $0x400, $0x38;
	[tilespmem:$0x18600] =	vst v63  }
0x28d: {  	s19 =	simm.s32 $0x12200;
	s18 =	sadd.s32 $0x4000, s2  }
0x28e: {  	[hbm4b:s18+s3] =	stream.linear.scatter [tilespmem:s19], [sflag:$0x5], $0x400, $0x38;
	[tilespmem:$0x18600] =	vst v63  }
0x28f: {  	s24 =	sadd.s32 $0x8000, s2;
	s25 =	simm.s32 $0x13200  }
0x290: {  	[hbm4b:s24+s3] =	stream.linear.scatter [tilespmem:s25], [sflag:$0x5], $0x400, $0x38;
	[tilespmem:$0x18600] =	vst v63  }
0x291: {  	s28 =	simm.s32 $0x14200;
	s29 =	simm.s32 $0x5;
	s2 =	sadd.s32 $0xC000, s2  }
0x292: {  	[hbm4b:s2+s3] =	stream.linear.scatter [tilespmem:s28], [sflag:$0x5], $0x400, $0x38;
	[tilespmem:$0x18600] =	vst v63  }
0x293: {  	_ =	swait.ge [sflag:s29], $0x1000  }
0x294: {  	[sflag:s29] =	ssyncset.done $0x0  }
0x295: {  	[sflag:s29] =	ssyncadd.s32 $0xFFFFF000  }
0x296: {  	_ =	swait.ge [sflag:s29], $0x1000  }
0x297: {  	[sflag:s29] =	ssyncset.done $0x0  }
0x298: {  	[sflag:s29] =	ssyncadd.s32 $0xFFFFF000  }
0x299: {  	_ =	swait.ge [sflag:s29], $0x1000  }
.Ltmp18:
0x29a: {  	[sflag:s29] =	ssyncset.done $0x0;
	(pc) =	sbr.rel @p0 .LBB2_49-.Ltmp18, $4  }
0x29b: {  	[sflag:s29] =	ssyncadd.s32 $0xFFFFF000  }
0x29c: {  	_ =	swait.ge [sflag:s29], $0x1000  }
0x29d: {  	[sflag:s29] =	ssyncset.done $0x0  }
0x29e: {  	s2 =	rddreg [dreg:$0xf];
	[sflag:s29] =	ssyncadd.s32 $0xFFFFF000  }
0x29f: {  	s2 =	smul.u32 $0xC000, s2  }
0x2a0: {  	s4 =	rddreg [dreg:$0x9]  }
0x2a1: {  	s9 =	rddreg [dreg:$0x3];
	s2 =	sadd.s32 s4, s2  }
0x2a2: {  	s10 =	simm.s32 $0x80;
	s7 =	simm.s32 $0x1000;
	s2 =	sshrl.u32 s2, $0x3  }
0x2a3: {  	s12 =	simm.s32 $0x7;
	s2 =	sadd.s32 s9, s2;
	s9 =	simm.s32 $0x200  }
0x2a4: {  	[tilespmem:s9], [sflag:$0x7] =	stream.strided.gather [hbm4b:s2+s10], $0x200, s7, s10, $0x38;
	[tilespmem:$0x18600] =	vst v63  }
0x2a5: {  	_ =	swait.ge [sflag:s12], $0x200  }
0x2a6: {  	[sflag:s12] =	ssyncset.done $0x0  }
0x2a7: {  	s13 =	simm.s32 $0x4600;
	[sflag:s12] =	ssyncadd.s32 $0xFFFFFE00  }
0x2a8: {  	[tilespmem:s13], [sflag:$0x2] =	stream.indirect.gather [hbm4b:s5+s10], $0x20, s9, s10, $0xb8;
	[tilespmem:$0x18600] =	vst v63  }
0x2a9: {  	s14 =	simm.s32 $0x280;
	s16 =	simm.s32 $0x5600  }
0x2aa: {  	[tilespmem:s16], [sflag:$0x2] =	stream.indirect.gather [hbm4b:s5+s10], $0x20, s14, s10, $0xb8;
	[tilespmem:$0x18600] =	vst v63  }
0x2ab: {  	s17 =	simm.s32 $0x300;
	s18 =	simm.s32 $0x6600  }
0x2ac: {  	[tilespmem:s18], [sflag:$0x2] =	stream.indirect.gather [hbm4b:s5+s10], $0x20, s17, s10, $0xb8;
	[tilespmem:$0x18600] =	vst v63  }
0x2ad: {  	s19 =	simm.s32 $0x380;
	s24 =	simm.s32 $0x7600;
	s25 =	simm.s32 $0x3  }
0x2ae: {  	[tilespmem:s24], [sflag:$0x2] =	stream.indirect.gather [hbm4b:s5+s10], $0x20, s19, s10, $0xb8;
	[tilespmem:$0x18600] =	vst v63  }
0x2af: {  	_ =	swait.ge [sflag:s25], $0x1000  }
0x2b0: {  	[sflag:s25] =	ssyncset.done $0x0  }
0x2b1: {  	[sflag:s25] =	ssyncadd.s32 $0xFFFFF000  }
0x2b2: {  	_ =	swait.ge [sflag:s25], $0x1000  }
0x2b3: {  	[sflag:s25] =	ssyncset.done $0x0  }
0x2b4: {  	[sflag:s25] =	ssyncadd.s32 $0xFFFFF000  }
0x2b5: {  	_ =	swait.ge [sflag:s25], $0x1000  }
0x2b6: {  	[sflag:s25] =	ssyncset.done $0x0  }
0x2b7: {  	[sflag:s25] =	ssyncadd.s32 $0xFFFFF000  }
0x2b8: {  	_ =	swait.ge [sflag:s25], $0x1000  }
0x2b9: {  	[sflag:s25] =	ssyncset.done $0x0  }
0x2ba: {  	s28 =	simm.s32 $0x86F0;
	[sflag:s25] =	ssyncadd.s32 $0xFFFFF000  }
0x2bb: {  	v4 =	vld [tilespmem:s28+$0xFFFFFFF0]  }
0x2bc: {  	s29 =	simm.s32 $0x7;
	v5 =	vld [tilespmem:s28+$0xFFFFFF10]  }
0x2bd: {  	v6 =	vor.u32 s29, v0;
	s10 =	simm.s32 $0x0;
	v8 =	vld [tilespmem:s28+$0xFFFFFF30]  }
0x2be: {  	s4 =	simm.s32 $0x1;
	v7 =	vor.u32 s10, v0;
	v9 =	vld [tilespmem:s28+$0xFFFFFF50]  }
0x2bf: {  	v3 =	vor.u32 s4, v0;
	s25 =	simm.s32 $0x2;
	v10 =	vld [tilespmem:s28+$0xFFFFFF70]  }
0x2c0: {  	s12 =	simm.s32 $0x3;
	v2 =	vor.u32 s25, v0;
	v11 =	vld [tilespmem:s28+$0xFFFFFF90];
	v12 =	vmul.f32 $5.656854150e+00, v4  }
0x2c1: {  	s13 =	simm.s32 $0x4;
	v13 =	vld [tilespmem:s28+$0xFFFFFFB0];
	v5 =	vmul.f32 $5.656854150e+00, v5;
	v4 =	vor.u32 s12, v0  }
0x2c2: {  	s18 =	simm.s32 $0x5;
	v16 =	vld [tilespmem:s28+$0xFFFFFFD0];
	v14 =	vmul.f32 $5.656854150e+00, v8;
	v8 =	vor.u32 s13, v0;
	[tilespmem:v6+s30+$0x0] =	vst.idx.msk $0xffff, v12  }
0x2c3: {  	s2 =	simm.s32 $0x6;
	[tilespmem:v7+s30+$0x0] =	vst.idx.msk $0xffff, v5;
	v5 =	vmul.f32 $5.656854150e+00, v9;
	v9 =	vor.u32 s18, v0;
	v12 =	vld [tilespmem:s28+$0x0]  }
0x2c4: {  	v18 =	vor.u32 s2, v0;
	[tilespmem:v3+s30+$0x0] =	vst.idx.msk $0xffff, v14;
	v14 =	vmul.f32 $5.656854150e+00, v10;
	v17 =	vld [tilespmem:s28+$0xFFFFFF20]  }
0x2c5: {  	v11 =	vmul.f32 $5.656854150e+00, v11;
	v10 =	vor.u32 s29, v1;
	v21 =	vld [tilespmem:s28+$0xFFFFFF40];
	[tilespmem:v2+s30+$0x0] =	vst.idx.msk $0xffff, v5  }
0x2c6: {  	v5 =	vor.u32 s10, v1;
	v22 =	vld [tilespmem:s28+$0xFFFFFF60];
	[tilespmem:v4+s30+$0x0] =	vst.idx.msk $0xffff, v14;
	v14 =	vmul.f32 $5.656854150e+00, v13  }
0x2c7: {  	v20 =	vor.u32 s4, v1;
	[tilespmem:v8+s30+$0x0] =	vst.idx.msk $0xffff, v11;
	v11 =	vmul.f32 $5.656854150e+00, v16;
	v15 =	vld [tilespmem:s28+$0xFFFFFF80]  }
0x2c8: {  	v19 =	vor.u32 s25, v1;
	v13 =	vld [tilespmem:s28+$0xFFFFFFA0];
	[tilespmem:v9+s30+$0x0] =	vst.idx.msk $0xffff, v14;
	v12 =	vmul.f32 $5.656854150e+00, v12  }
0x2c9: {  	v16 =	vor.u32 s12, v1;
	[tilespmem:v18+s30+$0x0] =	vst.idx.msk $0xffff, v11;
	v23 =	vmul.f32 $5.656854150e+00, v17;
	v14 =	vld [tilespmem:s28+$0xFFFFFFC0]  }
0x2ca: {  	s10 =	simm.s32 $0x87F0;
	v21 =	vmul.f32 $5.656854150e+00, v21;
	v11 =	vld [tilespmem:s28+$0xFFFFFFE0];
	v17 =	vor.u32 s13, v1;
	[tilespmem:v10+s30+$0x0] =	vst.idx.msk $0xffff, v12  }
0x2cb: {  	s9 =	simm.s32 $0x8;
	s16 =	simm.s32 $0x10;
	s14 =	simm.s32 $0x8;
	v18 =	vor.u32 s18, v1;
	v12 =	vld [tilespmem:s10+$0xFFFFFFF0];
	[tilespmem:v5+s30+$0x0] =	vst.idx.msk $0xffff, v23;
	v22 =	vmul.f32 $5.656854150e+00, v22  }
.LBB2_34:
0x2cc: {  	p0 =	slt.u32 s16, $0x78;
	v23 =	vld [tilespmem:s10+$0xFFFFFF10];
	s7 =	sadd.s32 $0x7, s14;
	[tilespmem:v20+s30+$0x0] =	vst.idx.msk $0xffff, v21;
	v15 =	vmul.f32 $5.656854150e+00, v15;
	v20 =	vor.u32 s2, v1  }
0x2cd: {  	v21 =	vld [tilespmem:s10+$0xFFFFFF30];
	v24 =	vor.u32 s7, v0;
	[tilespmem:v19+s30+$0x0] =	vst.idx.msk $0xffff, v22;
	v13 =	vmul.f32 $5.656854150e+00, v13  }
0x2ce: {  	s17 =	sadd.s32 $0x1, s14;
	v19 =	vor.u32 s14, v0;
	v22 =	vld [tilespmem:s10+$0xFFFFFF50];
	[tilespmem:v16+s30+$0x0] =	vst.idx.msk $0xffff, v15;
	v14 =	vmul.f32 $5.656854150e+00, v14  }
0x2cf: {  	s19 =	sadd.s32 $0x2, s14;
	v15 =	vor.u32 s17, v0;
	v16 =	vld [tilespmem:s10+$0xFFFFFF70];
	[tilespmem:v17+s30+$0x0] =	vst.idx.msk $0xffff, v13;
	v11 =	vmul.f32 $5.656854150e+00, v11  }
0x2d0: {  	s24 =	sadd.s32 $0x3, s14;
	v13 =	vor.u32 s19, v0;
	v17 =	vld [tilespmem:s10+$0xFFFFFF90];
	v12 =	vmul.f32 $5.656854150e+00, v12;
	[tilespmem:v18+s30+$0x0] =	vst.idx.msk $0xffff, v14  }
0x2d1: {  	s28 =	sadd.s32 $0x4, s14;
	v18 =	vor.u32 s24, v0;
	v14 =	vmul.f32 $5.656854150e+00, v23;
	v23 =	vld [tilespmem:s10+$0xFFFFFFB0];
	[tilespmem:v20+s30+$0x0] =	vst.idx.msk $0xffff, v11  }
0x2d2: {  	s29 =	sadd.s32 $0x5, s14;
	v11 =	vmul.f32 $5.656854150e+00, v21;
	v21 =	vor.u32 s28, v0;
	v25 =	vld [tilespmem:s10+$0xFFFFFFD0];
	[tilespmem:v24+s30+$0x0] =	vst.idx.msk $0xffff, v12  }
0x2d3: {  	s2 =	sadd.s32 $0x6, s14;
	[tilespmem:v19+s30+$0x0] =	vst.idx.msk $0xffff, v14;
	v12 =	vmul.f32 $5.656854150e+00, v22;
	v14 =	vor.u32 s29, v0;
	v22 =	vld [tilespmem:s10+$0x0]  }
0x2d4: {  	v26 =	vor.u32 s2, v0;
	v24 =	vld [tilespmem:s10+$0xFFFFFF20];
	[tilespmem:v15+s30+$0x0] =	vst.idx.msk $0xffff, v11;
	v11 =	vmul.f32 $5.656854150e+00, v16  }
0x2d5: {  	v28 =	vor.u32 s7, v1;
	v27 =	vld [tilespmem:s10+$0xFFFFFF40];
	[tilespmem:v13+s30+$0x0] =	vst.idx.msk $0xffff, v12;
	v12 =	vmul.f32 $5.656854150e+00, v17  }
0x2d6: {  	v29 =	vor.u32 s14, v1;
	s14 =	smov.u32 s16;
	v30 =	vld [tilespmem:s10+$0xFFFFFF60];
	[tilespmem:v18+s30+$0x0] =	vst.idx.msk $0xffff, v11;
	v11 =	vmul.f32 $5.656854150e+00, v23  }
.Ltmp19:
0x2d7: {  	v20 =	vor.u32 s17, v1;
	v15 =	vld [tilespmem:s10+$0xFFFFFF80];
	[tilespmem:v21+s30+$0x0] =	vst.idx.msk $0xffff, v12;
	v12 =	vmul.f32 $5.656854150e+00, v25;
	(pc) =	sbr.rel @p0 .LBB2_34-.Ltmp19, $4  }
0x2d8: {  	v19 =	vor.u32 s19, v1;
	v13 =	vld [tilespmem:s10+$0xFFFFFFA0];
	[tilespmem:v14+s30+$0x0] =	vst.idx.msk $0xffff, v11;
	v18 =	vmul.f32 $5.656854150e+00, v22  }
0x2d9: {  	v16 =	vor.u32 s24, v1;
	v22 =	vmul.f32 $5.656854150e+00, v24;
	v14 =	vld [tilespmem:s10+$0xFFFFFFC0];
	[tilespmem:v26+s30+$0x0] =	vst.idx.msk $0xffff, v12  }
0x2da: {  	v17 =	vor.u32 s28, v1;
	v21 =	vmul.f32 $5.656854150e+00, v27;
	v11 =	vld [tilespmem:s10+$0xFFFFFFE0];
	[tilespmem:v28+s30+$0x0] =	vst.idx.msk $0xffff, v18;
	s10 =	sadd.s32 $0x100, s10  }
0x2db: {  	s16 =	sadd.s32 $0x8, s16;
	v18 =	vor.u32 s29, v1;
	v12 =	vld [tilespmem:s10+$0xFFFFFFF0];
	[tilespmem:v29+s30+$0x0] =	vst.idx.msk $0xffff, v22;
	v22 =	vmul.f32 $5.656854150e+00, v30  }
0x2dc: {  	_ =	sdelay $0x3  }
0x2dd: {  	v23 =	vld [tilespmem:s10+$0xFFFFFF10];
	s7 =	sadd.s32 $0x7, s14;
	[tilespmem:v20+s30+$0x0] =	vst.idx.msk $0xffff, v21;
	v15 =	vmul.f32 $5.656854150e+00, v15;
	v40 =	vor.u32 s2, v1  }
0x2de: {  	v41 =	vld [tilespmem:s10+$0xFFFFFF30];
	v24 =	vor.u32 s7, v0;
	[tilespmem:v19+s30+$0x0] =	vst.idx.msk $0xffff, v22;
	v13 =	vmul.f32 $5.656854150e+00, v13  }
0x2df: {  	v42 =	vor.u32 s14, v0;
	s29 =	sadd.s32 $0x1, s14;
	v43 =	vld [tilespmem:s10+$0xFFFFFF50];
	[tilespmem:v16+s30+$0x0] =	vst.idx.msk $0xffff, v15;
	v14 =	vmul.f32 $5.656854150e+00, v14  }
0x2e0: {  	s16 =	sadd.s32 $0x2, s14;
	v44 =	vld [tilespmem:s10+$0xFFFFFF70];
	v15 =	vor.u32 s29, v0;
	[tilespmem:v17+s30+$0x0] =	vst.idx.msk $0xffff, v13;
	v11 =	vmul.f32 $5.656854150e+00, v11  }
0x2e1: {  	s17 =	sadd.s32 $0x3, s14;
	v45 =	vld [tilespmem:s10+$0xFFFFFF90];
	v13 =	vor.u32 s16, v0;
	v12 =	vmul.f32 $5.656854150e+00, v12;
	[tilespmem:v18+s30+$0x0] =	vst.idx.msk $0xffff, v14  }
0x2e2: {  	s19 =	sadd.s32 $0x4, s14;
	v47 =	vld [tilespmem:s10+$0xFFFFFFB0];
	v46 =	vor.u32 s17, v0;
	v14 =	vmul.f32 $5.656854150e+00, v23;
	[tilespmem:v40+s30+$0x0] =	vst.idx.msk $0xffff, v11  }
0x2e3: {  	s24 =	sadd.s32 $0x5, s14;
	v49 =	vld [tilespmem:s10+$0xFFFFFFD0];
	v48 =	vor.u32 s19, v0;
	v11 =	vmul.f32 $5.656854150e+00, v41;
	[tilespmem:v24+s30+$0x0] =	vst.idx.msk $0xffff, v12  }
0x2e4: {  	s28 =	sadd.s32 $0x6, s14;
	v12 =	vmul.f32 $5.656854150e+00, v43;
	[tilespmem:v42+s30+$0x0] =	vst.idx.msk $0xffff, v14;
	v14 =	vor.u32 s24, v0;
	v50 =	vld [tilespmem:s10+$0x0]  }
0x2e5: {  	[tilespmem:v15+s30+$0x0] =	vst.idx.msk $0xffff, v11;
	v11 =	vmul.f32 $5.656854150e+00, v44;
	v15 =	vor.u32 s28, v0;
	v51 =	vld [tilespmem:s10+$0xFFFFFF20]  }
0x2e6: {  	v52 =	vld [tilespmem:s10+$0xFFFFFF40];
	[tilespmem:v13+s30+$0x0] =	vst.idx.msk $0xffff, v12;
	v12 =	vmul.f32 $5.656854150e+00, v45;
	v13 =	vor.u32 s7, v1  }
0x2e7: {  	v53 =	vor.u32 s14, v1;
	v54 =	vld [tilespmem:s10+$0xFFFFFF60];
	[tilespmem:v46+s30+$0x0] =	vst.idx.msk $0xffff, v11;
	v11 =	vmul.f32 $5.656854150e+00, v47  }
0x2e8: {  	v55 =	vor.u32 s29, v1;
	v56 =	vld [tilespmem:s10+$0xFFFFFF80];
	[tilespmem:v48+s30+$0x0] =	vst.idx.msk $0xffff, v12;
	v12 =	vmul.f32 $5.656854150e+00, v49  }
0x2e9: {  	v57 =	vor.u32 s16, v1;
	v58 =	vld [tilespmem:s10+$0xFFFFFFA0];
	[tilespmem:v14+s30+$0x0] =	vst.idx.msk $0xffff, v11;
	v11 =	vmul.f32 $5.656854150e+00, v50  }
0x2ea: {  	v59 =	vor.u32 s17, v1;
	[tilespmem:v15+s30+$0x0] =	vst.idx.msk $0xffff, v12;
	v14 =	vmul.f32 $5.656854150e+00, v51;
	v60 =	vld [tilespmem:s10+$0xFFFFFFC0]  }
0x2eb: {  	v15 =	vor.u32 s19, v1;
	v12 =	vmul.f32 $5.656854150e+00, v52;
	v61 =	vld [tilespmem:s10+$0xFFFFFFE0];
	[tilespmem:v13+s30+$0x0] =	vst.idx.msk $0xffff, v11  }
0x2ec: {  	v11 =	vmul.f32 $5.656854150e+00, v54;
	v13 =	vor.u32 s24, v1;
	[tilespmem:v53+s30+$0x0] =	vst.idx.msk $0xffff, v14  }
0x2ed: {  	[tilespmem:v55+s30+$0x0] =	vst.idx.msk $0xffff, v12;
	v12 =	vmul.f32 $5.656854150e+00, v56;
	v14 =	vor.u32 s28, v1  }
0x2ee: {  	[tilespmem:v57+s30+$0x0] =	vst.idx.msk $0xffff, v11;
	v11 =	vmul.f32 $5.656854150e+00, v58  }
0x2ef: {  	[tilespmem:v59+s30+$0x0] =	vst.idx.msk $0xffff, v12;
	v12 =	vmul.f32 $5.656854150e+00, v60  }
0x2f0: {  	[tilespmem:v15+s30+$0x0] =	vst.idx.msk $0xffff, v11;
	v11 =	vmul.f32 $5.656854150e+00, v61  }
0x2f1: {  	[tilespmem:v13+s30+$0x0] =	vst.idx.msk $0xffff, v12  }
0x2f2: {  	s29 =	simm.s32 $0x9600;
	[tilespmem:v14+s30+$0x0] =	vst.idx.msk $0xffff, v11  }
0x2f3: {  	v11 =	vld [tilespmem:s29+$0xE0]  }
0x2f4: {  	v12 =	vld [tilespmem:s29+$0x0]  }
0x2f5: {  	v13 =	vld [tilespmem:s29+$0x20]  }
0x2f6: {  	v14 =	vld [tilespmem:s29+$0x40]  }
0x2f7: {  	v15 =	vld [tilespmem:s29+$0x60]  }
0x2f8: {  	v62 =	vld [tilespmem:s29+$0x80];
	v11 =	vmul.f32 $5.656854150e+00, v11  }
0x2f9: {  	v17 =	vld [tilespmem:s29+$0xA0];
	v12 =	vmul.f32 $5.656854150e+00, v12  }
0x2fa: {  	v18 =	vld [tilespmem:s29+$0xC0];
	v13 =	vmul.f32 $5.656854150e+00, v13;
	[tilespmem:v6+s31+$0x0] =	vst.idx.msk $0xffff, v11  }
0x2fb: {  	s2 =	simm.s32 $0x6;
	[tilespmem:v7+s31+$0x0] =	vst.idx.msk $0xffff, v12;
	v6 =	vmul.f32 $5.656854150e+00, v14;
	v11 =	vld [tilespmem:s29+$0xF0]  }
0x2fc: {  	[tilespmem:v3+s31+$0x0] =	vst.idx.msk $0xffff, v13;
	v3 =	vmul.f32 $5.656854150e+00, v15;
	v13 =	vor.u32 s2, v0;
	v14 =	vld [tilespmem:s29+$0x10]  }
0x2fd: {  	v15 =	vld [tilespmem:s29+$0x30];
	[tilespmem:v2+s31+$0x0] =	vst.idx.msk $0xffff, v6;
	v2 =	vmul.f32 $5.656854150e+00, v62  }
0x2fe: {  	[tilespmem:v4+s31+$0x0] =	vst.idx.msk $0xffff, v3;
	v3 =	vmul.f32 $5.656854150e+00, v17;
	v63 =	vld [tilespmem:s29+$0x50]  }
0x2ff: {  	v12 =	vor.u32 s4, v1;
	v7 =	vld [tilespmem:s29+$0x70];
	[tilespmem:v8+s31+$0x0] =	vst.idx.msk $0xffff, v2;
	v2 =	vmul.f32 $5.656854150e+00, v18  }
0x300: {  	[tilespmem:v9+s31+$0x0] =	vst.idx.msk $0xffff, v3;
	v4 =	vld [tilespmem:s29+$0x90];
	v8 =	vmul.f32 $5.656854150e+00, v11;
	v11 =	vor.u32 s25, v1  }
0x301: {  	v9 =	vor.u32 s12, v1;
	v6 =	vld [tilespmem:s29+$0xB0];
	v14 =	vmul.f32 $5.656854150e+00, v14;
	[tilespmem:v13+s31+$0x0] =	vst.idx.msk $0xffff, v2  }
0x302: {  	s4 =	simm.s32 $0x9700;
	v13 =	vmul.f32 $5.656854150e+00, v15;
	v3 =	vld [tilespmem:s29+$0xD0];
	[tilespmem:v10+s31+$0x0] =	vst.idx.msk $0xffff, v8;
	v8 =	vor.u32 s13, v1  }
0x303: {  	s10 =	simm.s32 $0x10;
	v2 =	vld [tilespmem:s4+$0xE0];
	[tilespmem:v5+s31+$0x0] =	vst.idx.msk $0xffff, v14;
	v10 =	vmul.f32 $5.656854150e+00, v63;
	v5 =	vor.u32 s18, v1  }
.LBB2_36:
0x304: {  	p0 =	slt.u32 s10, $0x78;
	v14 =	vld [tilespmem:s4+$0x0];
	s7 =	sadd.s32 $0x7, s9;
	[tilespmem:v12+s31+$0x0] =	vst.idx.msk $0xffff, v13;
	v7 =	vmul.f32 $5.656854150e+00, v7;
	v12 =	vor.u32 s2, v1  }
0x305: {  	v13 =	vld [tilespmem:s4+$0x20];
	v15 =	vor.u32 s7, v0;
	[tilespmem:v11+s31+$0x0] =	vst.idx.msk $0xffff, v10;
	v4 =	vmul.f32 $5.656854150e+00, v4  }
0x306: {  	s12 =	sadd.s32 $0x1, s9;
	v10 =	vor.u32 s9, v0;
	v11 =	vld [tilespmem:s4+$0x40];
	[tilespmem:v9+s31+$0x0] =	vst.idx.msk $0xffff, v7;
	v6 =	vmul.f32 $5.656854150e+00, v6  }
0x307: {  	s13 =	sadd.s32 $0x2, s9;
	v7 =	vor.u32 s12, v0;
	v9 =	vld [tilespmem:s4+$0x60];
	[tilespmem:v8+s31+$0x0] =	vst.idx.msk $0xffff, v4;
	v3 =	vmul.f32 $5.656854150e+00, v3  }
0x308: {  	s14 =	sadd.s32 $0x3, s9;
	v4 =	vor.u32 s13, v0;
	v8 =	vld [tilespmem:s4+$0x80];
	v2 =	vmul.f32 $5.656854150e+00, v2;
	[tilespmem:v5+s31+$0x0] =	vst.idx.msk $0xffff, v6  }
0x309: {  	s16 =	sadd.s32 $0x4, s9;
	v6 =	vor.u32 s14, v0;
	v5 =	vmul.f32 $5.656854150e+00, v14;
	v14 =	vld [tilespmem:s4+$0xA0];
	[tilespmem:v12+s31+$0x0] =	vst.idx.msk $0xffff, v3  }
0x30a: {  	s17 =	sadd.s32 $0x5, s9;
	v3 =	vmul.f32 $5.656854150e+00, v13;
	v13 =	vor.u32 s16, v0;
	v16 =	vld [tilespmem:s4+$0xC0];
	[tilespmem:v15+s31+$0x0] =	vst.idx.msk $0xffff, v2  }
0x30b: {  	s2 =	sadd.s32 $0x6, s9;
	[tilespmem:v10+s31+$0x0] =	vst.idx.msk $0xffff, v5;
	v2 =	vmul.f32 $5.656854150e+00, v11;
	v5 =	vor.u32 s17, v0;
	v10 =	vld [tilespmem:s4+$0xF0]  }
0x30c: {  	v17 =	vor.u32 s2, v0;
	v15 =	vld [tilespmem:s4+$0x10];
	[tilespmem:v7+s31+$0x0] =	vst.idx.msk $0xffff, v3;
	v3 =	vmul.f32 $5.656854150e+00, v9  }
0x30d: {  	v19 =	vor.u32 s7, v1;
	v18 =	vld [tilespmem:s4+$0x30];
	[tilespmem:v4+s31+$0x0] =	vst.idx.msk $0xffff, v2;
	v2 =	vmul.f32 $5.656854150e+00, v8  }
0x30e: {  	v20 =	vor.u32 s9, v1;
	s9 =	smov.u32 s10;
	v21 =	vld [tilespmem:s4+$0x50];
	[tilespmem:v6+s31+$0x0] =	vst.idx.msk $0xffff, v3;
	v3 =	vmul.f32 $5.656854150e+00, v14  }
.Ltmp20:
0x30f: {  	v12 =	vor.u32 s12, v1;
	v7 =	vld [tilespmem:s4+$0x70];
	[tilespmem:v13+s31+$0x0] =	vst.idx.msk $0xffff, v2;
	v2 =	vmul.f32 $5.656854150e+00, v16;
	(pc) =	sbr.rel @p0 .LBB2_36-.Ltmp20, $4  }
0x310: {  	v11 =	vor.u32 s13, v1;
	v4 =	vld [tilespmem:s4+$0x90];
	[tilespmem:v5+s31+$0x0] =	vst.idx.msk $0xffff, v3;
	v5 =	vmul.f32 $5.656854150e+00, v10  }
0x311: {  	v9 =	vor.u32 s14, v1;
	v10 =	vmul.f32 $5.656854150e+00, v15;
	v6 =	vld [tilespmem:s4+$0xB0];
	[tilespmem:v17+s31+$0x0] =	vst.idx.msk $0xffff, v2  }
0x312: {  	v8 =	vor.u32 s16, v1;
	v13 =	vmul.f32 $5.656854150e+00, v18;
	v3 =	vld [tilespmem:s4+$0xD0];
	[tilespmem:v19+s31+$0x0] =	vst.idx.msk $0xffff, v5;
	s4 =	sadd.s32 $0x100, s4  }
0x313: {  	s10 =	sadd.s32 $0x8, s10;
	v5 =	vor.u32 s17, v1;
	v2 =	vld [tilespmem:s4+$0xE0];
	[tilespmem:v20+s31+$0x0] =	vst.idx.msk $0xffff, v10;
	v10 =	vmul.f32 $5.656854150e+00, v21  }
0x314: {  	_ =	sdelay $0x3  }
0x315: {  	v14 =	vld [tilespmem:s4+$0x0];
	s7 =	sadd.s32 $0x7, s9;
	[tilespmem:v12+s31+$0x0] =	vst.idx.msk $0xffff, v13;
	v7 =	vmul.f32 $5.656854150e+00, v7;
	v32 =	vor.u32 s2, v1  }
0x316: {  	v33 =	vld [tilespmem:s4+$0x20];
	v15 =	vor.u32 s7, v0;
	[tilespmem:v11+s31+$0x0] =	vst.idx.msk $0xffff, v10;
	v4 =	vmul.f32 $5.656854150e+00, v4  }
0x317: {  	v34 =	vor.u32 s9, v0;
	s29 =	sadd.s32 $0x1, s9;
	v35 =	vld [tilespmem:s4+$0x40];
	[tilespmem:v9+s31+$0x0] =	vst.idx.msk $0xffff, v7;
	v6 =	vmul.f32 $5.656854150e+00, v6  }
0x318: {  	s10 =	sadd.s32 $0x2, s9;
	v37 =	vld [tilespmem:s4+$0x60];
	v36 =	vor.u32 s29, v0;
	[tilespmem:v8+s31+$0x0] =	vst.idx.msk $0xffff, v4;
	v3 =	vmul.f32 $5.656854150e+00, v3  }
0x319: {  	s12 =	sadd.s32 $0x3, s9;
	v39 =	vld [tilespmem:s4+$0x80];
	v38 =	vor.u32 s10, v0;
	v2 =	vmul.f32 $5.656854150e+00, v2;
	[tilespmem:v5+s31+$0x0] =	vst.idx.msk $0xffff, v6  }
0x31a: {  	s13 =	sadd.s32 $0x4, s9;
	v42 =	vld [tilespmem:s4+$0xA0];
	v41 =	vor.u32 s12, v0;
	v40 =	vmul.f32 $5.656854150e+00, v14;
	[tilespmem:v32+s31+$0x0] =	vst.idx.msk $0xffff, v3  }
0x31b: {  	s14 =	sadd.s32 $0x5, s9;
	v44 =	vld [tilespmem:s4+$0xC0];
	v43 =	vor.u32 s13, v0;
	v3 =	vmul.f32 $5.656854150e+00, v33;
	[tilespmem:v15+s31+$0x0] =	vst.idx.msk $0xffff, v2  }
0x31c: {  	s16 =	sadd.s32 $0x6, s9;
	v45 =	vor.u32 s14, v0;
	v2 =	vmul.f32 $5.656854150e+00, v35;
	[tilespmem:v34+s31+$0x0] =	vst.idx.msk $0xffff, v40;
	v46 =	vld [tilespmem:s4+$0xF0]  }
0x31d: {  	v48 =	vor.u32 s16, v0;
	[tilespmem:v36+s31+$0x0] =	vst.idx.msk $0xffff, v3;
	v3 =	vmul.f32 $5.656854150e+00, v37;
	v47 =	vld [tilespmem:s4+$0x10]  }
0x31e: {  	v50 =	vor.u32 s7, v1;
	v49 =	vld [tilespmem:s4+$0x30];
	[tilespmem:v38+s31+$0x0] =	vst.idx.msk $0xffff, v2;
	v2 =	vmul.f32 $5.656854150e+00, v39  }
0x31f: {  	v51 =	vor.u32 s9, v1;
	v52 =	vld [tilespmem:s4+$0x50];
	[tilespmem:v41+s31+$0x0] =	vst.idx.msk $0xffff, v3;
	v3 =	vmul.f32 $5.656854150e+00, v42  }
0x320: {  	v53 =	vor.u32 s29, v1;
	v54 =	vld [tilespmem:s4+$0x70];
	[tilespmem:v43+s31+$0x0] =	vst.idx.msk $0xffff, v2;
	v2 =	vmul.f32 $5.656854150e+00, v44  }
0x321: {  	v55 =	vor.u32 s10, v1;
	v56 =	vld [tilespmem:s4+$0x90];
	[tilespmem:v45+s31+$0x0] =	vst.idx.msk $0xffff, v3;
	v3 =	vmul.f32 $5.656854150e+00, v46  }
0x322: {  	v58 =	vor.u32 s12, v1;
	v59 =	vld [tilespmem:s4+$0xB0];
	[tilespmem:v48+s31+$0x0] =	vst.idx.msk $0xffff, v2;
	v57 =	vmul.f32 $5.656854150e+00, v47  }
0x323: {  	v60 =	vor.u32 s13, v1;
	v2 =	vmul.f32 $5.656854150e+00, v49;
	v61 =	vld [tilespmem:s4+$0xD0];
	[tilespmem:v50+s31+$0x0] =	vst.idx.msk $0xffff, v3  }
0x324: {  	v62 =	vor.u32 s14, v1;
	v3 =	vmul.f32 $5.656854150e+00, v52;
	[tilespmem:v51+s31+$0x0] =	vst.idx.msk $0xffff, v57  }
0x325: {  	v63 =	vor.u32 s16, v1;
	[tilespmem:v53+s31+$0x0] =	vst.idx.msk $0xffff, v2;
	v2 =	vmul.f32 $5.656854150e+00, v54  }
0x326: {  	p1 =	por $0x1, $0x1;
	[tilespmem:v55+s31+$0x0] =	vst.idx.msk $0xffff, v3;
	v3 =	vmul.f32 $5.656854150e+00, v56  }
.Ltmp21:
0x327: {  	[tilespmem:v58+s31+$0x0] =	vst.idx.msk $0xffff, v2;
	v2 =	vmul.f32 $5.656854150e+00, v59;
	(pc) =	sbr.rel @!p1 .LBB2_38-.Ltmp21, $4  }
0x328: {  	[tilespmem:v60+s31+$0x0] =	vst.idx.msk $0xffff, v3;
	v3 =	vmul.f32 $5.656854150e+00, v61  }
0x329: {  	[tilespmem:v62+s31+$0x0] =	vst.idx.msk $0xffff, v2  }
0x32a: {  	s4 =	simm.s32 $0xA600;
	[tilespmem:v63+s31+$0x0] =	vst.idx.msk $0xffff, v3  }
0x32b: {  	s25 =	simm.s32 $0x0;
	s9 =	simm.s32 $0x8;
	p0 =	por $0x0, $0x0;
	v2 =	vld [tilespmem:s4+$0xE0]  }
0x32c: {  	v3 =	vld [tilespmem:s4+$0x0];
	s2 =	simm.s32 $0x7  }
0x32d: {  	v7 =	vld [tilespmem:s4+$0x40];
	v5 =	vor.u32 s2, v0  }
0x32e: {  	v4 =	vld [tilespmem:s4+$0x20];
	v6 =	vor.u32 s25, v0;
	s10 =	simm.s32 $0x2  }
0x32f: {  	s7 =	simm.s32 $0x1;
	v11 =	vld [tilespmem:s4+$0x80];
	v10 =	vor.u32 s10, v0  }
0x330: {  	v9 =	vld [tilespmem:s4+$0x60];
	s14 =	simm.s32 $0x4;
	v8 =	vor.u32 s7, v0;
	v2 =	vmul.f32 $5.656854150e+00, v2  }
0x331: {  	s13 =	simm.s32 $0x3;
	v15 =	vld [tilespmem:s4+$0xC0];
	v14 =	vor.u32 s14, v0;
	v3 =	vmul.f32 $5.656854150e+00, v3  }
0x332: {  	v13 =	vld [tilespmem:s4+$0xA0];
	s12 =	simm.s32 $0x6;
	v12 =	vor.u32 s13, v0;
	[tilespmem:v5+s0+$0x0] =	vst.idx.msk $0xffff, v2;
	v2 =	vmul.f32 $5.656854150e+00, v7  }
0x333: {  	s16 =	simm.s32 $0x5;
	v4 =	vmul.f32 $5.656854150e+00, v4;
	v7 =	vor.u32 s12, v0;
	[tilespmem:v6+s0+$0x0] =	vst.idx.msk $0xffff, v3  }
0x334: {  	v5 =	vor.u32 s16, v0;
	v6 =	vld [tilespmem:s4+$0xF0];
	[tilespmem:v10+s0+$0x0] =	vst.idx.msk $0xffff, v2;
	v2 =	vmul.f32 $5.656854150e+00, v11  }
0x335: {  	[tilespmem:v8+s0+$0x0] =	vst.idx.msk $0xffff, v4;
	v3 =	vmul.f32 $5.656854150e+00, v9;
	v16 =	vld [tilespmem:s4+$0x10]  }
0x336: {  	v9 =	vld [tilespmem:s4+$0x30];
	v11 =	vor.u32 s2, v1;
	[tilespmem:v14+s0+$0x0] =	vst.idx.msk $0xffff, v2;
	v2 =	vmul.f32 $5.656854150e+00, v15  }
0x337: {  	p3 =	por $0x1, $0x1;
	v8 =	vmul.f32 $5.656854150e+00, v13;
	v13 =	vor.u32 s25, v1;
	v17 =	vld [tilespmem:s4+$0x50];
	[tilespmem:v12+s0+$0x0] =	vst.idx.msk $0xffff, v3  }
.Ltmp22:
0x338: {  	v3 =	vld [tilespmem:s4+$0x70];
	[tilespmem:v7+s0+$0x0] =	vst.idx.msk $0xffff, v2;
	v7 =	vor.u32 s7, v1;
	(pc) =	sbr.rel @!p3 .LBB2_40-.Ltmp22, $4  }
0x339: {  	v10 =	vor.u32 s10, v1;
	v4 =	vld [tilespmem:s4+$0x90];
	[tilespmem:v5+s0+$0x0] =	vst.idx.msk $0xffff, v8;
	v14 =	vmul.f32 $5.656854150e+00, v6  }
0x33a: {  	v8 =	vor.u32 s13, v1;
	v5 =	vld [tilespmem:s4+$0xB0];
	v15 =	vmul.f32 $5.656854150e+00, v16  }
0x33b: {  	v6 =	vld [tilespmem:s4+$0xD0];
	v12 =	vmul.f32 $5.656854150e+00, v9;
	s4 =	simm.s32 $0xA700;
	v9 =	vor.u32 s14, v1;
	[tilespmem:v11+s0+$0x0] =	vst.idx.msk $0xffff, v14  }
0x33c: {  	p2 =	por $0x1, $0x1;
	s10 =	simm.s32 $0x8;
	s13 =	simm.s32 $0x10;
	v2 =	vld [tilespmem:s4+$0xE0];
	v11 =	vor.u32 s16, v1;
	[tilespmem:v13+s0+$0x0] =	vst.idx.msk $0xffff, v15;
	v13 =	vmul.f32 $5.656854150e+00, v17  }
.LBB2_41:
0x33d: {  	p3 =	slt.u32 s13, $0x78;
	v14 =	vld [tilespmem:s4+$0x0];
	s2 =	sadd.s32 $0x7, s10;
	[tilespmem:v7+s0+$0x0] =	vst.idx.msk $0xffff, v12;
	v3 =	vmul.f32 $5.656854150e+00, v3;
	v7 =	vor.u32 s12, v1  }
0x33e: {  	v12 =	vld [tilespmem:s4+$0x20];
	v15 =	vor.u32 s2, v0;
	[tilespmem:v10+s0+$0x0] =	vst.idx.msk $0xffff, v13;
	v4 =	vmul.f32 $5.656854150e+00, v4  }
0x33f: {  	s7 =	sadd.s32 $0x1, s10;
	v10 =	vor.u32 s10, v0;
	v13 =	vld [tilespmem:s4+$0x40];
	[tilespmem:v8+s0+$0x0] =	vst.idx.msk $0xffff, v3;
	v3 =	vmul.f32 $5.656854150e+00, v5  }
0x340: {  	s14 =	sadd.s32 $0x2, s10;
	v5 =	vor.u32 s7, v0;
	v8 =	vld [tilespmem:s4+$0x60];
	[tilespmem:v9+s0+$0x0] =	vst.idx.msk $0xffff, v4;
	v4 =	vmul.f32 $5.656854150e+00, v6  }
0x341: {  	s16 =	sadd.s32 $0x3, s10;
	v6 =	vor.u32 s14, v0;
	v9 =	vld [tilespmem:s4+$0x80];
	v2 =	vmul.f32 $5.656854150e+00, v2;
	[tilespmem:v11+s0+$0x0] =	vst.idx.msk $0xffff, v3  }
0x342: {  	s17 =	sadd.s32 $0x4, s10;
	v11 =	vor.u32 s16, v0;
	v3 =	vmul.f32 $5.656854150e+00, v14;
	v14 =	vld [tilespmem:s4+$0xA0];
	[tilespmem:v7+s0+$0x0] =	vst.idx.msk $0xffff, v4  }
0x343: {  	s18 =	sadd.s32 $0x5, s10;
	v4 =	vmul.f32 $5.656854150e+00, v12;
	v12 =	vor.u32 s17, v0;
	v16 =	vld [tilespmem:s4+$0xC0];
	[tilespmem:v15+s0+$0x0] =	vst.idx.msk $0xffff, v2  }
0x344: {  	s12 =	sadd.s32 $0x6, s10;
	[tilespmem:v10+s0+$0x0] =	vst.idx.msk $0xffff, v3;
	v2 =	vmul.f32 $5.656854150e+00, v13;
	v13 =	vor.u32 s18, v0;
	v15 =	vld [tilespmem:s4+$0xF0]  }
0x345: {  	v18 =	vor.u32 s12, v0;
	v17 =	vld [tilespmem:s4+$0x10];
	[tilespmem:v5+s0+$0x0] =	vst.idx.msk $0xffff, v4;
	v3 =	vmul.f32 $5.656854150e+00, v8  }
0x346: {  	v20 =	vor.u32 s2, v1;
	v19 =	vld [tilespmem:s4+$0x30];
	[tilespmem:v6+s0+$0x0] =	vst.idx.msk $0xffff, v2;
	v2 =	vmul.f32 $5.656854150e+00, v9  }
0x347: {  	v21 =	vor.u32 s10, v1;
	s10 =	smov.u32 s13;
	v22 =	vld [tilespmem:s4+$0x50];
	[tilespmem:v11+s0+$0x0] =	vst.idx.msk $0xffff, v3;
	v5 =	vmul.f32 $5.656854150e+00, v14  }
.Ltmp23:
0x348: {  	v7 =	vor.u32 s7, v1;
	v3 =	vld [tilespmem:s4+$0x70];
	[tilespmem:v12+s0+$0x0] =	vst.idx.msk $0xffff, v2;
	v2 =	vmul.f32 $5.656854150e+00, v16;
	(pc) =	sbr.rel @p3 .LBB2_41-.Ltmp23, $4  }
0x349: {  	v10 =	vor.u32 s14, v1;
	v4 =	vld [tilespmem:s4+$0x90];
	[tilespmem:v13+s0+$0x0] =	vst.idx.msk $0xffff, v5;
	v11 =	vmul.f32 $5.656854150e+00, v15  }
0x34a: {  	v8 =	vor.u32 s16, v1;
	v13 =	vmul.f32 $5.656854150e+00, v17;
	v5 =	vld [tilespmem:s4+$0xB0];
	[tilespmem:v18+s0+$0x0] =	vst.idx.msk $0xffff, v2  }
0x34b: {  	v9 =	vor.u32 s17, v1;
	v12 =	vmul.f32 $5.656854150e+00, v19;
	v6 =	vld [tilespmem:s4+$0xD0];
	[tilespmem:v20+s0+$0x0] =	vst.idx.msk $0xffff, v11;
	s4 =	sadd.s32 $0x100, s4  }
0x34c: {  	s13 =	sadd.s32 $0x8, s13;
	v11 =	vor.u32 s18, v1;
	v2 =	vld [tilespmem:s4+$0xE0];
	[tilespmem:v21+s0+$0x0] =	vst.idx.msk $0xffff, v13;
	v13 =	vmul.f32 $5.656854150e+00, v22  }
.LBB2_42:
0x34d: {  	_ =	sdelay $0x3  }
0x34e: {  	v14 =	vld [tilespmem:s4+$0x0];
	s2 =	sadd.s32 $0x7, s10;
	[tilespmem:v7+s0+$0x0] =	vst.idx.msk @p2 $0xffff, v12;
	v3 =	vmul.f32 @p2 $5.656854150e+00, v3;
	v7 =	vor.u32 @p2 s12, v1  }
0x34f: {  	v32 =	vld [tilespmem:s4+$0x20];
	v15 =	vor.u32 s2, v0;
	[tilespmem:v10+s0+$0x0] =	vst.idx.msk @p2 $0xffff, v13;
	v4 =	vmul.f32 @p2 $5.656854150e+00, v4  }
0x350: {  	v33 =	vor.u32 s10, v0;
	s7 =	sadd.s32 $0x1, s10;
	v34 =	vld [tilespmem:s4+$0x40];
	[tilespmem:v8+s0+$0x0] =	vst.idx.msk @p2 $0xffff, v3;
	v3 =	vmul.f32 @p2 $5.656854150e+00, v5  }
0x351: {  	s29 =	sadd.s32 $0x2, s10;
	v36 =	vld [tilespmem:s4+$0x60];
	v35 =	vor.u32 s7, v0;
	[tilespmem:v9+s0+$0x0] =	vst.idx.msk @p2 $0xffff, v4;
	v4 =	vmul.f32 @p2 $5.656854150e+00, v6  }
0x352: {  	s13 =	sadd.s32 $0x3, s10;
	v38 =	vld [tilespmem:s4+$0x80];
	v37 =	vor.u32 s29, v0;
	v2 =	vmul.f32 $5.656854150e+00, v2;
	[tilespmem:v11+s0+$0x0] =	vst.idx.msk @p2 $0xffff, v3  }
0x353: {  	s14 =	sadd.s32 $0x4, s10;
	v40 =	vld [tilespmem:s4+$0xA0];
	v39 =	vor.u32 s13, v0;
	v3 =	vmul.f32 $5.656854150e+00, v14;
	[tilespmem:v7+s0+$0x0] =	vst.idx.msk @p2 $0xffff, v4  }
0x354: {  	s16 =	sadd.s32 $0x5, s10;
	v43 =	vld [tilespmem:s4+$0xC0];
	v42 =	vor.u32 s14, v0;
	v41 =	vmul.f32 $5.656854150e+00, v32;
	[tilespmem:v15+s0+$0x0] =	vst.idx.msk $0xffff, v2  }
0x355: {  	s17 =	sadd.s32 $0x6, s10;
	v2 =	vmul.f32 $5.656854150e+00, v34;
	[tilespmem:v33+s0+$0x0] =	vst.idx.msk $0xffff, v3;
	v3 =	vor.u32 s16, v0;
	v44 =	vld [tilespmem:s4+$0xF0]  }
0x356: {  	v47 =	vor.u32 s17, v0;
	v46 =	vmul.f32 $5.656854150e+00, v36;
	[tilespmem:v35+s0+$0x0] =	vst.idx.msk $0xffff, v41;
	v45 =	vld [tilespmem:s4+$0x10]  }
0x357: {  	v49 =	vor.u32 s2, v1;
	v48 =	vld [tilespmem:s4+$0x30];
	[tilespmem:v37+s0+$0x0] =	vst.idx.msk $0xffff, v2;
	v2 =	vmul.f32 $5.656854150e+00, v38  }
0x358: {  	v50 =	vor.u32 s10, v1;
	v52 =	vmul.f32 $5.656854150e+00, v40;
	[tilespmem:v39+s0+$0x0] =	vst.idx.msk $0xffff, v46;
	v51 =	vld [tilespmem:s4+$0x50]  }
0x359: {  	v53 =	vor.u32 s7, v1;
	v54 =	vld [tilespmem:s4+$0x70];
	[tilespmem:v42+s0+$0x0] =	vst.idx.msk $0xffff, v2;
	v2 =	vmul.f32 $5.656854150e+00, v43  }
0x35a: {  	v55 =	vor.u32 s29, v1;
	v56 =	vld [tilespmem:s4+$0x90];
	[tilespmem:v3+s0+$0x0] =	vst.idx.msk $0xffff, v52;
	v3 =	vmul.f32 $5.656854150e+00, v44  }
0x35b: {  	v58 =	vor.u32 s13, v1;
	[tilespmem:v47+s0+$0x0] =	vst.idx.msk $0xffff, v2;
	v57 =	vmul.f32 $5.656854150e+00, v45;
	v59 =	vld [tilespmem:s4+$0xB0]  }
0x35c: {  	v60 =	vor.u32 s14, v1;
	v2 =	vmul.f32 $5.656854150e+00, v48;
	v61 =	vld [tilespmem:s4+$0xD0];
	[tilespmem:v49+s0+$0x0] =	vst.idx.msk $0xffff, v3  }
0x35d: {  	v62 =	vor.u32 s16, v1;
	v3 =	vmul.f32 $5.656854150e+00, v51;
	[tilespmem:v50+s0+$0x0] =	vst.idx.msk $0xffff, v57  }
0x35e: {  	v63 =	vor.u32 s17, v1;
	[tilespmem:v53+s0+$0x0] =	vst.idx.msk $0xffff, v2;
	v2 =	vmul.f32 $5.656854150e+00, v54  }
0x35f: {  	[tilespmem:v55+s0+$0x0] =	vst.idx.msk $0xffff, v3;
	v3 =	vmul.f32 $5.656854150e+00, v56  }
.Ltmp24:
0x360: {  	[tilespmem:v58+s0+$0x0] =	vst.idx.msk $0xffff, v2;
	v2 =	vmul.f32 $5.656854150e+00, v59;
	(pc) =	sbr.rel @!p1 .LBB2_43-.Ltmp24, $4  }
0x361: {  	[tilespmem:v60+s0+$0x0] =	vst.idx.msk $0xffff, v3;
	v3 =	vmul.f32 $5.656854150e+00, v61  }
0x362: {  	[tilespmem:v62+s0+$0x0] =	vst.idx.msk $0xffff, v2  }
0x363: {  	s4 =	simm.s32 $0xB600;
	[tilespmem:v63+s0+$0x0] =	vst.idx.msk $0xffff, v3  }
0x364: {  	v2 =	vld [tilespmem:s4+$0xE0]  }
0x365: {  	v3 =	vld [tilespmem:s4+$0x0];
	s2 =	simm.s32 $0x7  }
0x366: {  	v7 =	vld [tilespmem:s4+$0x40];
	v5 =	vor.u32 s2, v0  }
0x367: {  	v4 =	vld [tilespmem:s4+$0x20];
	v6 =	vor.u32 s25, v0;
	s12 =	simm.s32 $0x2  }
0x368: {  	s7 =	simm.s32 $0x1;
	v11 =	vld [tilespmem:s4+$0x80];
	v10 =	vor.u32 s12, v0  }
0x369: {  	v9 =	vld [tilespmem:s4+$0x60];
	s14 =	simm.s32 $0x4;
	v8 =	vor.u32 s7, v0;
	v2 =	vmul.f32 $5.656854150e+00, v2  }
0x36a: {  	s13 =	simm.s32 $0x3;
	v15 =	vld [tilespmem:s4+$0xC0];
	v14 =	vor.u32 s14, v0;
	v3 =	vmul.f32 $5.656854150e+00, v3  }
0x36b: {  	v13 =	vld [tilespmem:s4+$0xA0];
	s10 =	simm.s32 $0x6;
	v12 =	vor.u32 s13, v0;
	[tilespmem:v5+s1+$0x0] =	vst.idx.msk $0xffff, v2;
	v2 =	vmul.f32 $5.656854150e+00, v7  }
0x36c: {  	s16 =	simm.s32 $0x5;
	v4 =	vmul.f32 $5.656854150e+00, v4;
	v7 =	vor.u32 s10, v0;
	[tilespmem:v6+s1+$0x0] =	vst.idx.msk $0xffff, v3  }
0x36d: {  	v5 =	vor.u32 s16, v0;
	v6 =	vld [tilespmem:s4+$0xF0];
	[tilespmem:v10+s1+$0x0] =	vst.idx.msk $0xffff, v2;
	v2 =	vmul.f32 $5.656854150e+00, v11  }
0x36e: {  	[tilespmem:v8+s1+$0x0] =	vst.idx.msk $0xffff, v4;
	v3 =	vmul.f32 $5.656854150e+00, v9;
	v16 =	vld [tilespmem:s4+$0x10]  }
0x36f: {  	v9 =	vld [tilespmem:s4+$0x30];
	v11 =	vor.u32 s2, v1;
	[tilespmem:v14+s1+$0x0] =	vst.idx.msk $0xffff, v2;
	v2 =	vmul.f32 $5.656854150e+00, v15  }
0x370: {  	p1 =	por $0x1, $0x1;
	v8 =	vmul.f32 $5.656854150e+00, v13;
	v13 =	vor.u32 s25, v1;
	v17 =	vld [tilespmem:s4+$0x50];
	[tilespmem:v12+s1+$0x0] =	vst.idx.msk $0xffff, v3  }
.Ltmp25:
0x371: {  	v3 =	vld [tilespmem:s4+$0x70];
	[tilespmem:v7+s1+$0x0] =	vst.idx.msk $0xffff, v2;
	v7 =	vor.u32 s7, v1;
	(pc) =	sbr.rel @!p1 .LBB2_45-.Ltmp25, $4  }
0x372: {  	v10 =	vor.u32 s12, v1;
	v4 =	vld [tilespmem:s4+$0x90];
	[tilespmem:v5+s1+$0x0] =	vst.idx.msk $0xffff, v8;
	v14 =	vmul.f32 $5.656854150e+00, v6  }
0x373: {  	v8 =	vor.u32 s13, v1;
	v5 =	vld [tilespmem:s4+$0xB0];
	v15 =	vmul.f32 $5.656854150e+00, v16  }
0x374: {  	v6 =	vld [tilespmem:s4+$0xD0];
	v12 =	vmul.f32 $5.656854150e+00, v9;
	s4 =	simm.s32 $0xB700;
	v9 =	vor.u32 s14, v1;
	[tilespmem:v11+s1+$0x0] =	vst.idx.msk $0xffff, v14  }
0x375: {  	p0 =	por $0x1, $0x1;
	s12 =	simm.s32 $0x10;
	v2 =	vld [tilespmem:s4+$0xE0];
	v11 =	vor.u32 s16, v1;
	[tilespmem:v13+s1+$0x0] =	vst.idx.msk $0xffff, v15;
	v13 =	vmul.f32 $5.656854150e+00, v17  }
.LBB2_46:
0x376: {  	p1 =	slt.u32 s12, $0x78;
	v14 =	vld [tilespmem:s4+$0x0];
	s2 =	sadd.s32 $0x7, s9;
	[tilespmem:v7+s1+$0x0] =	vst.idx.msk $0xffff, v12;
	v3 =	vmul.f32 $5.656854150e+00, v3;
	v7 =	vor.u32 s10, v1  }
0x377: {  	v12 =	vld [tilespmem:s4+$0x20];
	v15 =	vor.u32 s2, v0;
	[tilespmem:v10+s1+$0x0] =	vst.idx.msk $0xffff, v13;
	v4 =	vmul.f32 $5.656854150e+00, v4  }
0x378: {  	s7 =	sadd.s32 $0x1, s9;
	v10 =	vor.u32 s9, v0;
	v13 =	vld [tilespmem:s4+$0x40];
	[tilespmem:v8+s1+$0x0] =	vst.idx.msk $0xffff, v3;
	v3 =	vmul.f32 $5.656854150e+00, v5  }
0x379: {  	s13 =	sadd.s32 $0x2, s9;
	v5 =	vor.u32 s7, v0;
	v8 =	vld [tilespmem:s4+$0x60];
	[tilespmem:v9+s1+$0x0] =	vst.idx.msk $0xffff, v4;
	v4 =	vmul.f32 $5.656854150e+00, v6  }
0x37a: {  	s14 =	sadd.s32 $0x3, s9;
	v6 =	vor.u32 s13, v0;
	v9 =	vld [tilespmem:s4+$0x80];
	v2 =	vmul.f32 $5.656854150e+00, v2;
	[tilespmem:v11+s1+$0x0] =	vst.idx.msk $0xffff, v3  }
0x37b: {  	s16 =	sadd.s32 $0x4, s9;
	v11 =	vor.u32 s14, v0;
	v3 =	vmul.f32 $5.656854150e+00, v14;
	v14 =	vld [tilespmem:s4+$0xA0];
	[tilespmem:v7+s1+$0x0] =	vst.idx.msk $0xffff, v4  }
0x37c: {  	s17 =	sadd.s32 $0x5, s9;
	v4 =	vmul.f32 $5.656854150e+00, v12;
	v12 =	vor.u32 s16, v0;
	v16 =	vld [tilespmem:s4+$0xC0];
	[tilespmem:v15+s1+$0x0] =	vst.idx.msk $0xffff, v2  }
0x37d: {  	s10 =	sadd.s32 $0x6, s9;
	[tilespmem:v10+s1+$0x0] =	vst.idx.msk $0xffff, v3;
	v2 =	vmul.f32 $5.656854150e+00, v13;
	v13 =	vor.u32 s17, v0;
	v15 =	vld [tilespmem:s4+$0xF0]  }
0x37e: {  	v18 =	vor.u32 s10, v0;
	v17 =	vld [tilespmem:s4+$0x10];
	[tilespmem:v5+s1+$0x0] =	vst.idx.msk $0xffff, v4;
	v3 =	vmul.f32 $5.656854150e+00, v8  }
0x37f: {  	v20 =	vor.u32 s2, v1;
	v19 =	vld [tilespmem:s4+$0x30];
	[tilespmem:v6+s1+$0x0] =	vst.idx.msk $0xffff, v2;
	v2 =	vmul.f32 $5.656854150e+00, v9  }
0x380: {  	v21 =	vor.u32 s9, v1;
	s9 =	smov.u32 s12;
	v22 =	vld [tilespmem:s4+$0x50];
	[tilespmem:v11+s1+$0x0] =	vst.idx.msk $0xffff, v3;
	v5 =	vmul.f32 $5.656854150e+00, v14  }
.Ltmp26:
0x381: {  	v7 =	vor.u32 s7, v1;
	v3 =	vld [tilespmem:s4+$0x70];
	[tilespmem:v12+s1+$0x0] =	vst.idx.msk $0xffff, v2;
	v2 =	vmul.f32 $5.656854150e+00, v16;
	(pc) =	sbr.rel @p1 .LBB2_46-.Ltmp26, $4  }
0x382: {  	v10 =	vor.u32 s13, v1;
	v4 =	vld [tilespmem:s4+$0x90];
	[tilespmem:v13+s1+$0x0] =	vst.idx.msk $0xffff, v5;
	v11 =	vmul.f32 $5.656854150e+00, v15  }
0x383: {  	v8 =	vor.u32 s14, v1;
	v13 =	vmul.f32 $5.656854150e+00, v17;
	v5 =	vld [tilespmem:s4+$0xB0];
	[tilespmem:v18+s1+$0x0] =	vst.idx.msk $0xffff, v2  }
0x384: {  	v9 =	vor.u32 s16, v1;
	v12 =	vmul.f32 $5.656854150e+00, v19;
	v6 =	vld [tilespmem:s4+$0xD0];
	[tilespmem:v20+s1+$0x0] =	vst.idx.msk $0xffff, v11;
	s4 =	sadd.s32 $0x100, s4  }
0x385: {  	s12 =	sadd.s32 $0x8, s12;
	v11 =	vor.u32 s17, v1;
	v2 =	vld [tilespmem:s4+$0xE0];
	[tilespmem:v21+s1+$0x0] =	vst.idx.msk $0xffff, v13;
	v13 =	vmul.f32 $5.656854150e+00, v22  }
0x386: {  	s25 =	smov.u32 s9  }
.LBB2_48:
0x387: {  	_ =	sdelay $0x3  }
0x388: {  	v14 =	vld [tilespmem:s4+$0x0];
	s2 =	sadd.s32 $0x7, s25;
	[tilespmem:v7+s1+$0x0] =	vst.idx.msk @p0 $0xffff, v12;
	v3 =	vmul.f32 @p0 $5.656854150e+00, v3;
	v7 =	vor.u32 @p0 s10, v1  }
0x389: {  	v32 =	vld [tilespmem:s4+$0x20];
	[tilespmem:v10+s1+$0x0] =	vst.idx.msk @p0 $0xffff, v13;
	v4 =	vmul.f32 @p0 $5.656854150e+00, v4;
	v15 =	vor.u32 s2, v0  }
0x38a: {  	v33 =	vor.u32 s25, v0;
	s7 =	sadd.s32 $0x1, s25;
	v34 =	vld [tilespmem:s4+$0x40];
	[tilespmem:v8+s1+$0x0] =	vst.idx.msk @p0 $0xffff, v3;
	v3 =	vmul.f32 @p0 $5.656854150e+00, v5  }
0x38b: {  	s9 =	sadd.s32 $0x2, s25;
	v36 =	vld [tilespmem:s4+$0x60];
	v35 =	vor.u32 s7, v0;
	[tilespmem:v9+s1+$0x0] =	vst.idx.msk @p0 $0xffff, v4;
	v4 =	vmul.f32 @p0 $5.656854150e+00, v6  }
0x38c: {  	s29 =	sadd.s32 $0x3, s25;
	v38 =	vld [tilespmem:s4+$0x80];
	v37 =	vor.u32 s9, v0;
	v2 =	vmul.f32 $5.656854150e+00, v2;
	[tilespmem:v11+s1+$0x0] =	vst.idx.msk @p0 $0xffff, v3  }
0x38d: {  	s12 =	sadd.s32 $0x4, s25;
	v40 =	vld [tilespmem:s4+$0xA0];
	v39 =	vor.u32 s29, v0;
	v3 =	vmul.f32 $5.656854150e+00, v14;
	[tilespmem:v7+s1+$0x0] =	vst.idx.msk @p0 $0xffff, v4  }
0x38e: {  	s13 =	sadd.s32 $0x5, s25;
	v43 =	vld [tilespmem:s4+$0xC0];
	v42 =	vor.u32 s12, v0;
	v41 =	vmul.f32 $5.656854150e+00, v32;
	[tilespmem:v15+s1+$0x0] =	vst.idx.msk $0xffff, v2  }
0x38f: {  	s14 =	sadd.s32 $0x6, s25;
	v2 =	vmul.f32 $5.656854150e+00, v34;
	[tilespmem:v33+s1+$0x0] =	vst.idx.msk $0xffff, v3;
	v3 =	vor.u32 s13, v0;
	v44 =	vld [tilespmem:s4+$0xF0]  }
0x390: {  	v47 =	vor.u32 s14, v0;
	v46 =	vmul.f32 $5.656854150e+00, v36;
	[tilespmem:v35+s1+$0x0] =	vst.idx.msk $0xffff, v41;
	v45 =	vld [tilespmem:s4+$0x10]  }
0x391: {  	v48 =	vor.u32 s2, v1;
	v49 =	vld [tilespmem:s4+$0x30];
	[tilespmem:v37+s1+$0x0] =	vst.idx.msk $0xffff, v2;
	v2 =	vmul.f32 $5.656854150e+00, v38  }
0x392: {  	v50 =	vor.u32 s25, v1;
	v52 =	vmul.f32 $5.656854150e+00, v40;
	[tilespmem:v39+s1+$0x0] =	vst.idx.msk $0xffff, v46;
	v51 =	vld [tilespmem:s4+$0x50]  }
0x393: {  	v53 =	vor.u32 s7, v1;
	v54 =	vld [tilespmem:s4+$0x70];
	[tilespmem:v42+s1+$0x0] =	vst.idx.msk $0xffff, v2;
	v2 =	vmul.f32 $5.656854150e+00, v43  }
0x394: {  	v55 =	vor.u32 s9, v1;
	v56 =	vld [tilespmem:s4+$0x90];
	[tilespmem:v3+s1+$0x0] =	vst.idx.msk $0xffff, v52;
	v3 =	vmul.f32 $5.656854150e+00, v44  }
0x395: {  	v57 =	vor.u32 s29, v1;
	[tilespmem:v47+s1+$0x0] =	vst.idx.msk $0xffff, v2;
	v58 =	vmul.f32 $5.656854150e+00, v45  }
0x396: {  	v2 =	vor.u32 s12, v1;
	v15 =	vmul.f32 $5.656854150e+00, v49;
	[tilespmem:v48+s1+$0x0] =	vst.idx.msk $0xffff, v3  }
0x397: {  	v59 =	vld [tilespmem:s4+$0xB0];
	v3 =	vmul.f32 $5.656854150e+00, v51;
	[tilespmem:v50+s1+$0x0] =	vst.idx.msk $0xffff, v58  }
0x398: {  	v5 =	vld [tilespmem:s4+$0xD0];
	v61 =	vmul.f32 $5.656854150e+00, v54;
	[tilespmem:v53+s1+$0x0] =	vst.idx.msk $0xffff, v15  }
0x399: {  	v60 =	vor.u32 s13, v1;
	[tilespmem:v55+s1+$0x0] =	vst.idx.msk $0xffff, v3;
	v3 =	vmul.f32 $5.656854150e+00, v56  }
0x39a: {  	v62 =	vor.u32 s14, v1;
	[tilespmem:v57+s1+$0x0] =	vst.idx.msk $0xffff, v61  }
0x39b: {  	[tilespmem:v2+s1+$0x0] =	vst.idx.msk $0xffff, v3  }
0x39c: {  	s2 =	sadd.s32 $0x100000, s11;
	v63 =	vmul.f32 $5.656854150e+00, v59;
	s13 =	rddreg [dreg:$0x8]  }
0x39d: {  	v2 =	vmul.f32 $5.656854150e+00, v5;
	s4 =	sor.u32 s13, s2  }
0x39e: {  	s9 =	rddreg [dreg:$0x1];
	[tilespmem:v60+s1+$0x0] =	vst.idx.msk $0xffff, v63;
	s4 =	sshrl.u32 s4, $0x3  }
0x39f: {  	[tilespmem:v62+s1+$0x0] =	vst.idx.msk $0xffff, v2;
	s4 =	sadd.s32 s9, s4  }
0x3a0: {  	[hbm4b:s4+s3] =	stream.linear.scatter [tilespmem:s30], [sflag:$0x6], $0x400, $0x38;
	[tilespmem:$0x18600] =	vst v63  }
0x3a1: {  	s14 =	sadd.s32 $0x4000, s4  }
0x3a2: {  	[hbm4b:s14+s3] =	stream.linear.scatter [tilespmem:s31], [sflag:$0x6], $0x400, $0x38;
	[tilespmem:$0x18600] =	vst v63  }
0x3a3: {  	s16 =	sadd.s32 $0x8000, s4  }
0x3a4: {  	[hbm4b:s16+s3] =	stream.linear.scatter [tilespmem:s0], [sflag:$0x6], $0x400, $0x38;
	[tilespmem:$0x18600] =	vst v63  }
0x3a5: {  	s17 =	rddreg [dreg:$0xa];
	s4 =	sadd.s32 $0xC000, s4  }
0x3a6: {  	[hbm4b:s4+s3] =	stream.linear.scatter [tilespmem:s1], [sflag:$0x6], $0x400, $0x38;
	[tilespmem:$0x18600] =	vst v63  }
0x3a7: {  	s4 =	sor.u32 s17, s2  }
0x3a8: {  	s4 =	sshrl.u32 s4, $0x3  }
0x3a9: {  	s18 =	simm.s32 $0x14A00;
	s4 =	sadd.s32 s9, s4  }
0x3aa: {  	[hbm4b:s4+s3] =	stream.linear.scatter [tilespmem:s18], [sflag:$0x6], $0x400, $0x38;
	[tilespmem:$0x18600] =	vst v63  }
0x3ab: {  	s24 =	simm.s32 $0x15A00;
	s19 =	sadd.s32 $0x4000, s4  }
0x3ac: {  	[hbm4b:s19+s3] =	stream.linear.scatter [tilespmem:s24], [sflag:$0x6], $0x400, $0x38;
	[tilespmem:$0x18600] =	vst v63  }
0x3ad: {  	s28 =	simm.s32 $0x16A00;
	s25 =	sadd.s32 $0x8000, s4  }
0x3ae: {  	[hbm4b:s25+s3] =	stream.linear.scatter [tilespmem:s28], [sflag:$0x6], $0x400, $0x38;
	[tilespmem:$0x18600] =	vst v63  }
0x3af: {  	s29 =	simm.s32 $0x17A00;
	s7 =	rddreg [dreg:$0xb];
	s4 =	sadd.s32 $0xC000, s4  }
0x3b0: {  	[hbm4b:s4+s3] =	stream.linear.scatter [tilespmem:s29], [sflag:$0x6], $0x400, $0x38;
	[tilespmem:$0x18600] =	vst v63  }
0x3b1: {  	s4 =	sor.u32 s7, s2  }
0x3b2: {  	s4 =	sshrl.u32 s4, $0x3  }
0x3b3: {  	s10 =	simm.s32 $0x14E00;
	s4 =	sadd.s32 s9, s4  }
0x3b4: {  	[hbm4b:s4+s3] =	stream.linear.scatter [tilespmem:s10], [sflag:$0x6], $0x400, $0x38;
	[tilespmem:$0x18600] =	vst v63  }
0x3b5: {  	s12 =	simm.s32 $0x15E00;
	s17 =	rddreg [dreg:$0xc];
	s11 =	sadd.s32 $0x4000, s4  }
0x3b6: {  	[hbm4b:s11+s3] =	stream.linear.scatter [tilespmem:s12], [sflag:$0x6], $0x400, $0x38;
	[tilespmem:$0x18600] =	vst v63  }
0x3b7: {  	s14 =	simm.s32 $0x16E00;
	s2 =	sor.u32 s17, s2;
	s13 =	sadd.s32 $0x8000, s4  }
0x3b8: {  	[hbm4b:s13+s3] =	stream.linear.scatter [tilespmem:s14], [sflag:$0x6], $0x400, $0x38;
	[tilespmem:$0x18600] =	vst v63  }
0x3b9: {  	s16 =	simm.s32 $0x17E00;
	s2 =	sshrl.u32 s2, $0x3;
	s4 =	sadd.s32 $0xC000, s4  }
0x3ba: {  	[hbm4b:s4+s3] =	stream.linear.scatter [tilespmem:s16], [sflag:$0x6], $0x400, $0x38;
	[tilespmem:$0x18600] =	vst v63  }
0x3bb: {  	s18 =	simm.s32 $0x15200;
	s2 =	sadd.s32 s9, s2  }
0x3bc: {  	[hbm4b:s2+s3] =	stream.linear.scatter [tilespmem:s18], [sflag:$0x6], $0x400, $0x38;
	[tilespmem:$0x18600] =	vst v63  }
0x3bd: {  	s24 =	simm.s32 $0x16200;
	s19 =	sadd.s32 $0x4000, s2  }
0x3be: {  	[hbm4b:s19+s3] =	stream.linear.scatter [tilespmem:s24], [sflag:$0x6], $0x400, $0x38;
	[tilespmem:$0x18600] =	vst v63  }
.Ltmp27:
0x3bf: {  	_ = 	snop;
	(pc) =	sbr.rel .LBB2_2-.Ltmp27, $4  }
0x3c0: {  	s28 =	simm.s32 $0x17200;
	s17 =	rddreg [dreg:$0xf];
	s25 =	sadd.s32 $0x8000, s2  }
0x3c1: {  	[hbm4b:s25+s3] =	stream.linear.scatter [tilespmem:s28], [sflag:$0x6], $0x400, $0x38;
	[tilespmem:$0x18600] =	vst v63  }
0x3c2: {  	s29 =	simm.s32 $0x18200;
	s17 =	sadd.s32 $0x1, s17;
	s2 =	sadd.s32 $0xC000, s2  }
0x3c3: {  	[hbm4b:s2+s3] =	stream.linear.scatter [tilespmem:s29], [sflag:$0x6], $0x400, $0x38;
	[tilespmem:$0x18600] =	vst v63  }
.LBB2_7:
.Ltmp28:
0x3c4: {  	(pc) =	sbr.rel .LBB2_11-.Ltmp28, $2  }
0x3c5: {  	_ =	sdelay $0x2  }
0x3c6: {  	s10 =	simm.s32 $0x0;
	p2 =	por $0x0, $0x0  }
.LBB2_12:
.Ltmp29:
0x3c7: {  	(pc) =	sbr.rel .LBB2_17-.Ltmp29, $2  }
0x3c8: {  	_ =	sdelay $0x2  }
0x3c9: {  	_ = 	snop  }
.LBB2_22:
.Ltmp30:
0x3ca: {  	(pc) =	sbr.rel .LBB2_26-.Ltmp30, $2  }
0x3cb: {  	_ =	sdelay $0x2  }
0x3cc: {  	s10 =	simm.s32 $0x0;
	p3 =	por $0x0, $0x0  }
.LBB2_27:
.Ltmp31:
0x3cd: {  	(pc) =	sbr.rel .LBB2_32-.Ltmp31, $2  }
0x3ce: {  	_ =	sdelay $0x2  }
0x3cf: {  	_ = 	snop  }
.LBB2_9:
.Ltmp32:
0x3d0: {  	(pc) =	sbr.rel .LBB2_11-.Ltmp32, $2  }
0x3d1: {  	_ =	sdelay $0x2  }
0x3d2: {  	s10 =	simm.s32 $0x8  }
.LBB2_14:
.Ltmp33:
0x3d3: {  	(pc) =	sbr.rel .LBB2_17-.Ltmp33, $2  }
0x3d4: {  	_ =	sdelay $0x2  }
0x3d5: {  	s9 =	simm.s32 $0x8  }
.LBB2_24:
.Ltmp34:
0x3d6: {  	(pc) =	sbr.rel .LBB2_26-.Ltmp34, $2  }
0x3d7: {  	_ =	sdelay $0x2  }
0x3d8: {  	s10 =	simm.s32 $0x8  }
.LBB2_29:
.Ltmp35:
0x3d9: {  	(pc) =	sbr.rel .LBB2_32-.Ltmp35, $2  }
0x3da: {  	_ =	sdelay $0x2  }
0x3db: {  	s25 =	simm.s32 $0x8  }
.LBB2_38:
.Ltmp36:
0x3dc: {  	(pc) =	sbr.rel .LBB2_42-.Ltmp36, $2  }
0x3dd: {  	_ =	sdelay $0x2  }
0x3de: {  	s10 =	simm.s32 $0x0;
	p2 =	por $0x0, $0x0  }
.LBB2_43:
.Ltmp37:
0x3df: {  	(pc) =	sbr.rel .LBB2_48-.Ltmp37, $2  }
0x3e0: {  	_ =	sdelay $0x2  }
0x3e1: {  	_ = 	snop  }
.LBB2_40:
.Ltmp38:
0x3e2: {  	(pc) =	sbr.rel .LBB2_42-.Ltmp38, $2  }
0x3e3: {  	_ =	sdelay $0x2  }
0x3e4: {  	s10 =	simm.s32 $0x8  }
.LBB2_45:
.Ltmp39:
0x3e5: {  	(pc) =	sbr.rel .LBB2_48-.Ltmp39, $2  }
0x3e6: {  	_ =	sdelay $0x2  }
0x3e7: {  	s25 =	simm.s32 $0x8  }
.LBB2_50:
0x3e8: {  	_ =	sfence.sel $0x180000  }
0x3e9: {  	[bflag:$0x0] =	sbarrier.arrive $0xFFFF  }
0x3ea: {  	_ =	strace $0x90000047  }
0x3eb: {  	s0 =	stileid.u32;
	[bflag:$0x2] =	sbarrier.arrive $0xFFFF  }
0x3ec: {  	p0 =	sne.s32 s0, $0x0;
	s0 =	rddreg [dreg:$0x2]  }
0x3ed: {  	s0 =	sadd.s32 @!p0 $0x100000, s0  }
0x3ee: {  	[sflag:s0] =	ssyncadd.tile.s32 @!p0 $0x1;
	_ =	shalt  }
.Lfunc_end2:
_tile_overlayer_lowered:
.L_overlay_start_2:
0x3ef: {  	(tag) =	ssettag $0x2  }
0x3f0: {  	s0 =	rddreg [dreg:$0x0];
	s2 =	stileid.u32  }
0x3f1: {  	s1 =	rddreg [dreg:$0x1];
	p0 =	sne.s32 s2, $0x0  }
0x3f2: {  	s3 =	rddreg [dreg:$0x2];
	[bflag:$0x3] =	sbarrier.arrive $0xFFFF;
	s2 =	simm.s32 @!p0 $0x1C07  }
0x3f3: {  	[timem:s3], [sflag:s2] =	dma.local @!p0 [hbm:s0], s1  }
0x3f4: {  	s0 =	simm.s32 @!p0 $0x7  }
0x3f5: {  	_ =	swait.ge @!p0 [sflag:s0], s1  }
0x3f6: {  	s1 =	ssub.s32 @!p0 $0x0, s1;
	[sflag:s0] =	ssyncset.done @!p0 $0x0  }
0x3f7: {  	[sflag:s0] =	ssyncadd.s32 @!p0 s1  }
0x3f8: {  	[bflag:$0x3] =	sbarrier.arrive $0xFFFF  }
0x3f9: {  	_ =	shalt  }

</sc_bundles>
